<compile_context>
chip_gen: v7x
topology: tpu7x:2x2x1
jax: 0.10.2.dev20260603
libtpu: 0.0.44.dev20260713+nightly
codegen_flags: <defaults>
</compile_context>

<pallas_src>
import functools

import jax
import jax.numpy as jnp
from jax import lax
from jax.experimental import pallas as pl
from jax.experimental.pallas import tpu as pltpu
from jax.experimental.pallas import tpu_sc as plsc

HIDDEN = 768
NUM_PROPS = 32
NUM_EXPERTS = 8
BATCH = 2048
OUT_DIM = NUM_PROPS * 2

_NW = 32
_TPW = BATCH // _NW
_CHUNK = 16


def _dot(a, b):
    return jax.lax.dot_general(
        a.astype(jnp.bfloat16), b.astype(jnp.bfloat16), (((1,), (0,)), ((), ())),
        preferred_element_type=jnp.float32)


def _router_body(mm_ref, qf_ref, rW1_ref, rb1_ref, rW2_ref, rb2_ref, logits_ref):
    h = _dot(mm_ref[...], rW1_ref[:HIDDEN]) + _dot(qf_ref[...], rW1_ref[HIDDEN:])
    h = jnp.maximum(h + rb1_ref[...], 0.0)
    logits_ref[...] = _dot(h, rW2_ref[...]) + rb2_ref[...]


_GDN = lax.GatherDimensionNumbers(
    offset_dims=(), collapsed_slice_dims=(0,), start_index_map=(0,))


def _shuf(v, idx):
    return lax.gather(v, idx[:, None], _GDN, slice_sizes=(1,),
                      mode=lax.GatherScatterMode.PROMISE_IN_BOUNDS)


def _topk_sc_body(logits_hbm, comb_hbm, lvm, ovm):
    wid = lax.axis_index("s") * 2 + lax.axis_index("c")
    base = wid * _TPW * NUM_EXPERTS
    pltpu.sync_copy(logits_hbm.at[pl.ds(base, _TPW * NUM_EXPERTS)], lvm)
    lanes = lax.iota(jnp.int32, _CHUNK)
    xor_idx = [jnp.bitwise_xor(lanes, d) for d in (1, 2, 4)]
    li = jnp.bitwise_and(lanes, NUM_EXPERTS - 1)

    def gmax(v):
        for idx in xor_idx:
            v = jnp.maximum(v, _shuf(v, idx))
        return v

    def gmin(v):
        for idx in xor_idx:
            v = jnp.minimum(v, _shuf(v, idx))
        return v

    def gsum(v):
        for idx in xor_idx:
            v = v + _shuf(v, idx)
        return v

    for chunk in range(_TPW * NUM_EXPERTS // _CHUNK):
        l = lvm[pl.ds(chunk * _CHUNK, _CHUNK)]
        m = gmax(l)
        ex = jnp.exp(l - m)
        p = ex / gsum(ex)
        w1 = gmax(p)
        c1 = gmin(jnp.where(p >= w1, li, NUM_EXPERTS))
        oh1 = li == c1
        pm = jnp.where(oh1, -1.0, p)
        w2 = gmax(pm)
        c2 = gmin(jnp.where(pm >= w2, li, NUM_EXPERTS))
        oh2 = li == c2
        denom = w1 + w2 + 1e-6
        comb = (jnp.where(oh1, w1, 0.0) + jnp.where(oh2, w2, 0.0)) / denom
        ovm[pl.ds(chunk * _CHUNK, _CHUNK)] = comb
    pltpu.sync_copy(ovm, comb_hbm.at[pl.ds(base, _TPW * NUM_EXPERTS)])


def _expert_body(mm_ref, eW1_ref, eb1_ref, eW2_ref, eb2_ref, eo_ref, xbf_ref):
    e = pl.program_id(0)

    @pl.when(e == 0)
    def _prep():
        xbf_ref[...] = mm_ref[...].astype(jnp.bfloat16)

    he = jnp.maximum(
        _dot(xbf_ref[...], eW1_ref[0]).astype(jnp.bfloat16)
        + eb1_ref[0].astype(jnp.bfloat16), 0.0)
    eo_ref[0] = _dot(he, eW2_ref[0]) + eb2_ref[0]


def _combine_body(comb_ref, eo_ref, out_ref):
    col = jax.lax.broadcasted_iota(jnp.int32, (BATCH, NUM_EXPERTS), 1)
    acc = jnp.zeros((BATCH, OUT_DIM), jnp.float32)
    for e in range(NUM_EXPERTS):
        w_col = jnp.sum(jnp.where(col == e, comb_ref[...], 0.0),
                        axis=-1, keepdims=True)
        acc = acc + w_col * eo_ref[e]
    out_ref[...] = jax.nn.sigmoid(acc)


@jax.jit
def kernel(multimodal_feat, query_feat, rW1, rb1, rW2, rb2, eW1, eb1, eW2, eb2):
    logits = pl.pallas_call(
        _router_body,
        in_specs=[
            pl.BlockSpec((BATCH, HIDDEN), lambda: (0, 0)),
            pl.BlockSpec((BATCH, HIDDEN), lambda: (0, 0)),
            pl.BlockSpec((2 * HIDDEN, HIDDEN), lambda: (0, 0)),
            pl.BlockSpec((1, HIDDEN), lambda: (0, 0)),
            pl.BlockSpec((HIDDEN, NUM_EXPERTS), lambda: (0, 0)),
            pl.BlockSpec((1, NUM_EXPERTS), lambda: (0, 0)),
        ],
        out_specs=pl.BlockSpec((BATCH, NUM_EXPERTS), lambda: (0, 0)),
        out_shape=jax.ShapeDtypeStruct((BATCH, NUM_EXPERTS), jnp.float32),
    )(multimodal_feat, query_feat, rW1, rb1.reshape(1, HIDDEN), rW2,
      rb2.reshape(1, NUM_EXPERTS))

    topk_sc = functools.partial(
        pl.kernel,
        out_type=jax.ShapeDtypeStruct((BATCH * NUM_EXPERTS,), jnp.float32),
        mesh=plsc.VectorSubcoreMesh(core_axis_name="c", subcore_axis_name="s"),
        scratch_types=[
            pltpu.VMEM((_TPW * NUM_EXPERTS,), jnp.float32),
            pltpu.VMEM((_TPW * NUM_EXPERTS,), jnp.float32),
        ],
    )(_topk_sc_body)
    comb = topk_sc(logits.reshape(BATCH * NUM_EXPERTS)).reshape(BATCH, NUM_EXPERTS)

    eo = pl.pallas_call(
        _expert_body,
        grid=(NUM_EXPERTS,),
        in_specs=[
            pl.BlockSpec((BATCH, HIDDEN), lambda e: (0, 0)),
            pl.BlockSpec((1, HIDDEN, HIDDEN), lambda e: (e, 0, 0)),
            pl.BlockSpec((1, 1, HIDDEN), lambda e: (e, 0, 0)),
            pl.BlockSpec((1, HIDDEN, OUT_DIM), lambda e: (e, 0, 0)),
            pl.BlockSpec((1, 1, OUT_DIM), lambda e: (e, 0, 0)),
        ],
        out_specs=pl.BlockSpec((1, BATCH, OUT_DIM), lambda e: (e, 0, 0)),
        out_shape=jax.ShapeDtypeStruct((NUM_EXPERTS, BATCH, OUT_DIM), jnp.float32),
        scratch_shapes=[
            pltpu.VMEM((BATCH, HIDDEN), jnp.bfloat16),
        ],
        compiler_params=pltpu.CompilerParams(
            dimension_semantics=("arbitrary",),
        ),
    )(multimodal_feat, eW1,
      eb1.reshape(NUM_EXPERTS, 1, HIDDEN), eW2,
      eb2.reshape(NUM_EXPERTS, 1, OUT_DIM))

    out = pl.pallas_call(
        _combine_body,
        in_specs=[
            pl.BlockSpec((BATCH, NUM_EXPERTS), lambda: (0, 0)),
            pl.BlockSpec((NUM_EXPERTS, BATCH, OUT_DIM), lambda: (0, 0, 0)),
        ],
        out_specs=pl.BlockSpec((BATCH, OUT_DIM), lambda: (0, 0)),
        out_shape=jax.ShapeDtypeStruct((BATCH, OUT_DIM), jnp.float32),
    )(comb, eo)
    n = BATCH * NUM_PROPS
    ev = out[:, 0::2].reshape(n, 1)
    od = out[:, 1::2].reshape(n, 1)
    return jnp.concatenate([ev, od], axis=1)

# --- scband reference (transcript-rebuilt; emitter-appended) ---
"""Pipeline reference for scband-query-guided-mo-esimple-40312563040759 (READ-ONLY COPY).

The authoritative reference and input builder live on the scoring server;
editing this copy changes nothing except your own understanding.
"""

import jax, jax.numpy as jnp
import numpy as np

HIDDEN = 768
NUM_PROPS = 32
NUM_EXPERTS = 8
TOP_K = 2
BATCH = 2048


def setup_inputs(seed: int = 0) -> dict:
    key = jax.random.key(seed)
    ks = jax.random.split(key, 12)
    inp = {}
    inp["multimodal_feat"] = jax.random.normal(ks[0], (BATCH, HIDDEN), dtype=jnp.float32)
    inp["query_feat"] = jax.random.normal(ks[1], (BATCH, HIDDEN), dtype=jnp.float32)
    # Router: Linear(2H -> H), ReLU, Linear(H -> E)
    inp["rW1"] = jax.random.normal(ks[2], (2 * HIDDEN, HIDDEN), dtype=jnp.float32) * 0.02
    inp["rb1"] = jnp.zeros((HIDDEN,), dtype=jnp.float32)
    inp["rW2"] = jax.random.normal(ks[3], (HIDDEN, NUM_EXPERTS), dtype=jnp.float32) * 0.02
    inp["rb2"] = jnp.zeros((NUM_EXPERTS,), dtype=jnp.float32)
    # Experts: E x [Linear(H->H), ReLU, Dropout(eval: identity), Linear(H -> 2*num_props)]
    inp["eW1"] = jax.random.normal(ks[4], (NUM_EXPERTS, HIDDEN, HIDDEN), dtype=jnp.float32) * 0.02
    inp["eb1"] = jnp.zeros((NUM_EXPERTS, HIDDEN), dtype=jnp.float32)
    inp["eW2"] = jax.random.normal(ks[5], (NUM_EXPERTS, HIDDEN, NUM_PROPS * 2), dtype=jnp.float32) * 0.02
    inp["eb2"] = jnp.zeros((NUM_EXPERTS, NUM_PROPS * 2), dtype=jnp.float32)
    return inp


def reference(multimodal_feat, query_feat, rW1, rb1, rW2, rb2, eW1, eb1, eW2, eb2):
    batch_size = multimodal_feat.shape[0]
    # Router
    router_input = jnp.concatenate([multimodal_feat, query_feat], axis=-1)
    h = jax.nn.relu(router_input @ rW1 + rb1)
    router_logits = h @ rW2 + rb2
    router_weights = jax.nn.softmax(router_logits, axis=-1)
    top_k_weights, top_k_indices = jax.lax.top_k(router_weights, TOP_K)
    top_k_weights = top_k_weights / (jnp.sum(top_k_weights, axis=-1, keepdims=True) + 1e-06)
    # Dense expert computation (mathematically equal to masked dispatch; dropout is eval-mode identity)
    he = jax.nn.relu(jnp.einsum("bh,ehf->ebf", multimodal_feat, eW1) + eb1[:, None, :])
    expert_out = jnp.einsum("ebf,efo->ebo", he, eW2) + eb2[:, None, :]  # [E, B, 2*num_props]
    # Combine weights per token per expert: comb[b, e] = sum_k tw[b, k] * (ti[b, k] == e)
    onehot = jax.nn.one_hot(top_k_indices, NUM_EXPERTS, dtype=multimodal_feat.dtype)  # [B, K, E]
    comb = jnp.einsum("bk,bke->be", top_k_weights, onehot)
    output = jnp.einsum("be,ebo->bo", comb, expert_out)
    gauss_params = jax.nn.sigmoid(output).reshape(batch_size * NUM_PROPS, 2)
    return gauss_params

if __name__ == "__main__":
    import jax
    _d = setup_inputs()
    print(jax.jit(kernel)(*tuple(_d.values())))

</pallas_src>

<mosaic_0001>
#map = affine_map<(d0, d1) -> (0)>
module attributes {stable_mosaic.version = 14 : i64} {
  func.func @_topk_sc_body(%arg0: i32, %arg1: i32, %arg2: memref<16384xf32, #tpu.memory_space<hbm>>, %arg3: memref<16384xf32, #tpu.memory_space<hbm>>, %arg4: memref<512xf32, #tpu.memory_space<vmem>>, %arg5: memref<512xf32, #tpu.memory_space<vmem>>) attributes {dimension_semantics = [#tpu.dimension_semantics<core_parallel>, #tpu.dimension_semantics<subcore_parallel>], iteration_bounds = array<i64: 2, 16>, scalar_prefetch = 0 : i64, scratch_operands = 2 : i64, tpu.core_type = #tpu.core_type<sc_vector_subcore>, window_params = [{transform_indices = #map}, {transform_indices = #map}]} {
    %mul3A = arith.constant 2 : i32
    %mul3A_0 = arith.muli %arg1, %mul3A : i32
    %add3A = arith.addi %mul3A_0, %arg0 : i32
    %mul3A_1 = arith.constant 64 : i32
    %mul3A_2 = arith.muli %add3A, %mul3A_1 : i32
    %mul3A_3 = arith.constant 8 : i32
    %mul3A_4 = arith.muli %mul3A_2, %mul3A_3 : i32
    "tpu.region"() ({
      %run_scoped3A = tpu.sem_alloc : memref<!tpu.dma_semaphore, #tpu.memory_space<semaphore_mem>>
      %dma_start3A = tpu.memref_slice %arg2[%mul3A_4] : memref<16384xf32, #tpu.memory_space<hbm>> -> memref<512xf32, #tpu.memory_space<hbm>>
      %dma_start3A_3426 = tpu.memref_slice %arg2[%mul3A_4] : memref<16384xf32, #tpu.memory_space<hbm>> -> memref<512xf32, #tpu.memory_space<hbm>>
      tpu.enqueue_dma source(%dma_start3A_3426 : memref<512xf32, #tpu.memory_space<hbm>>) target(%arg4 : memref<512xf32, #tpu.memory_space<vmem>>) target_semaphore(%run_scoped3A : memref<!tpu.dma_semaphore, #tpu.memory_space<semaphore_mem>>)
      %dma_wait3A = tpu.memref_slice %arg2[%mul3A_4] : memref<16384xf32, #tpu.memory_space<hbm>> -> memref<512xf32, #tpu.memory_space<hbm>>
      %dma_wait3A_3427 = tpu.memref_slice %arg2[%mul3A_4] : memref<16384xf32, #tpu.memory_space<hbm>> -> memref<512xf32, #tpu.memory_space<hbm>>
      tpu.wait_dma2 semaphore(%run_scoped3A : memref<!tpu.dma_semaphore, #tpu.memory_space<semaphore_mem>>) src(%dma_wait3A_3427 : memref<512xf32, #tpu.memory_space<hbm>>) dst(%arg4 : memref<512xf32, #tpu.memory_space<vmem>>)
      tpu.yield
    }) : () -> ()
    %iota3A = tpu.iota {dimensions = array<i32: 0>} : vector<16xi32>
    %xor3A = arith.constant 1 : i32
    %xor3A_5 = vector.broadcast %xor3A : i32 to vector<16xi32>
    %xor3A_6 = arith.xori %iota3A, %xor3A_5 : vector<16xi32>
    %xor3A_7 = arith.constant 2 : i32
    %xor3A_8 = vector.broadcast %xor3A_7 : i32 to vector<16xi32>
    %xor3A_9 = arith.xori %iota3A, %xor3A_8 : vector<16xi32>
    %xor3A_10 = arith.constant 4 : i32
    %xor3A_11 = vector.broadcast %xor3A_10 : i32 to vector<16xi32>
    %xor3A_12 = arith.xori %iota3A, %xor3A_11 : vector<16xi32>
    %and3A = arith.constant 7 : i32
    %and3A_13 = vector.broadcast %and3A : i32 to vector<16xi32>
    %and3A_14 = arith.andi %iota3A, %and3A_13 : vector<16xi32>
    %get3A = arith.constant 0 : index
    %get3A_15 = tpu.vector_load %arg4[%get3A] {strides = array<i32>} : memref<512xf32, #tpu.memory_space<vmem>>, vector<16xf32>,
    %get3A_16 = vector.shape_cast %get3A_15 : vector<16xf32> to vector<16xf32>
    %broadcast_in_dim3A = vector.shape_cast %xor3A_6 : vector<16xi32> to vector<16x1xi32>
    %gather3A = vector.shape_cast %broadcast_in_dim3A : vector<16x1xi32> to vector<16xi32>
    %gather3A_17 = tpu.dynamic_gather %get3A_16[%gather3A] in [0] : vector<16xf32>, vector<16xi32> -> vector<16xf32>
    %max3A = arith.maximumf %get3A_16, %gather3A_17 : vector<16xf32>
    %broadcast_in_dim3A_18 = vector.shape_cast %xor3A_9 : vector<16xi32> to vector<16x1xi32>
    %gather3A_19 = vector.shape_cast %broadcast_in_dim3A_18 : vector<16x1xi32> to vector<16xi32>
    %gather3A_20 = tpu.dynamic_gather %max3A[%gather3A_19] in [0] : vector<16xf32>, vector<16xi32> -> vector<16xf32>
    %max3A_21 = arith.maximumf %max3A, %gather3A_20 : vector<16xf32>
    %broadcast_in_dim3A_22 = vector.shape_cast %xor3A_12 : vector<16xi32> to vector<16x1xi32>
    %gather3A_23 = vector.shape_cast %broadcast_in_dim3A_22 : vector<16x1xi32> to vector<16xi32>
    %gather3A_24 = tpu.dynamic_gather %max3A_21[%gather3A_23] in [0] : vector<16xf32>, vector<16xi32> -> vector<16xf32>
    %max3A_25 = arith.maximumf %max3A_21, %gather3A_24 : vector<16xf32>
    %sub3A = arith.subf %get3A_16, %max3A_25 : vector<16xf32>
    %exp3A = math.exp %sub3A : vector<16xf32>
    %broadcast_in_dim3A_26 = vector.shape_cast %xor3A_6 : vector<16xi32> to vector<16x1xi32>
    %gather3A_27 = vector.shape_cast %broadcast_in_dim3A_26 : vector<16x1xi32> to vector<16xi32>
    %gather3A_28 = tpu.dynamic_gather %exp3A[%gather3A_27] in [0] : vector<16xf32>, vector<16xi32> -> vector<16xf32>
    %add3A_29 = arith.addf %exp3A, %gather3A_28 : vector<16xf32>
    %broadcast_in_dim3A_30 = vector.shape_cast %xor3A_9 : vector<16xi32> to vector<16x1xi32>
    %gather3A_31 = vector.shape_cast %broadcast_in_dim3A_30 : vector<16x1xi32> to vector<16xi32>
    %gather3A_32 = tpu.dynamic_gather %add3A_29[%gather3A_31] in [0] : vector<16xf32>, vector<16xi32> -> vector<16xf32>
    %add3A_33 = arith.addf %add3A_29, %gather3A_32 : vector<16xf32>
    %broadcast_in_dim3A_34 = vector.shape_cast %xor3A_12 : vector<16xi32> to vector<16x1xi32>
    %gather3A_35 = vector.shape_cast %broadcast_in_dim3A_34 : vector<16x1xi32> to vector<16xi32>
    %gather3A_36 = tpu.dynamic_gather %add3A_33[%gather3A_35] in [0] : vector<16xf32>, vector<16xi32> -> vector<16xf32>
    %add3A_37 = arith.addf %add3A_33, %gather3A_36 : vector<16xf32>
    %div3A = arith.divf %exp3A, %add3A_37 : vector<16xf32>
    %broadcast_in_dim3A_38 = vector.shape_cast %xor3A_6 : vector<16xi32> to vector<16x1xi32>
    %gather3A_39 = vector.shape_cast %broadcast_in_dim3A_38 : vector<16x1xi32> to vector<16xi32>
    %gather3A_40 = tpu.dynamic_gather %div3A[%gather3A_39] in [0] : vector<16xf32>, vector<16xi32> -> vector<16xf32>
    %max3A_41 = arith.maximumf %div3A, %gather3A_40 : vector<16xf32>
    %broadcast_in_dim3A_42 = vector.shape_cast %xor3A_9 : vector<16xi32> to vector<16x1xi32>
    %gather3A_43 = vector.shape_cast %broadcast_in_dim3A_42 : vector<16x1xi32> to vector<16xi32>
    %gather3A_44 = tpu.dynamic_gather %max3A_41[%gather3A_43] in [0] : vector<16xf32>, vector<16xi32> -> vector<16xf32>
    %max3A_45 = arith.maximumf %max3A_41, %gather3A_44 : vector<16xf32>
    %broadcast_in_dim3A_46 = vector.shape_cast %xor3A_12 : vector<16xi32> to vector<16x1xi32>
    %gather3A_47 = vector.shape_cast %broadcast_in_dim3A_46 : vector<16x1xi32> to vector<16xi32>
    %gather3A_48 = tpu.dynamic_gather %max3A_45[%gather3A_47] in [0] : vector<16xf32>, vector<16xi32> -> vector<16xf32>
    %max3A_49 = arith.maximumf %max3A_45, %gather3A_48 : vector<16xf32>
    %ge3A = arith.cmpf oge, %div3A, %max3A_49 : vector<16xf32>
    %jit3A = arith.constant 8 : i32
    %broadcast_in_dim3A_50 = vector.broadcast %jit3A : i32 to vector<16xi32>
    %select_n3A = arith.select %ge3A, %and3A_14, %broadcast_in_dim3A_50 : vector<16xi1>, vector<16xi32>
    %broadcast_in_dim3A_51 = vector.shape_cast %xor3A_6 : vector<16xi32> to vector<16x1xi32>
    %gather3A_52 = vector.shape_cast %broadcast_in_dim3A_51 : vector<16x1xi32> to vector<16xi32>
    %gather3A_53 = tpu.dynamic_gather %select_n3A[%gather3A_52] in [0] : vector<16xi32>, vector<16xi32> -> vector<16xi32>
    %min3A = arith.minsi %select_n3A, %gather3A_53 : vector<16xi32>
    %broadcast_in_dim3A_54 = vector.shape_cast %xor3A_9 : vector<16xi32> to vector<16x1xi32>
    %gather3A_55 = vector.shape_cast %broadcast_in_dim3A_54 : vector<16x1xi32> to vector<16xi32>
    %gather3A_56 = tpu.dynamic_gather %min3A[%gather3A_55] in [0] : vector<16xi32>, vector<16xi32> -> vector<16xi32>
    %min3A_57 = arith.minsi %min3A, %gather3A_56 : vector<16xi32>
    %broadcast_in_dim3A_58 = vector.shape_cast %xor3A_12 : vector<16xi32> to vector<16x1xi32>
    %gather3A_59 = vector.shape_cast %broadcast_in_dim3A_58 : vector<16x1xi32> to vector<16xi32>
    %gather3A_60 = tpu.dynamic_gather %min3A_57[%gather3A_59] in [0] : vector<16xi32>, vector<16xi32> -> vector<16xi32>
    %min3A_61 = arith.minsi %min3A_57, %gather3A_60 : vector<16xi32>
    %eq3A = arith.cmpi eq, %and3A_14, %min3A_61 : vector<16xi32>
    %jit3A_62 = arith.constant -1.000000e+00 : f32
    %broadcast_in_dim3A_63 = vector.broadcast %jit3A_62 : f32 to vector<16xf32>
    %select_n3A_64 = arith.select %eq3A, %broadcast_in_dim3A_63, %div3A : vector<16xi1>, vector<16xf32>
    %broadcast_in_dim3A_65 = vector.shape_cast %xor3A_6 : vector<16xi32> to vector<16x1xi32>
    %gather3A_66 = vector.shape_cast %broadcast_in_dim3A_65 : vector<16x1xi32> to vector<16xi32>
    %gather3A_67 = tpu.dynamic_gather %select_n3A_64[%gather3A_66] in [0] : vector<16xf32>, vector<16xi32> -> vector<16xf32>
    %max3A_68 = arith.maximumf %select_n3A_64, %gather3A_67 : vector<16xf32>
    %broadcast_in_dim3A_69 = vector.shape_cast %xor3A_9 : vector<16xi32> to vector<16x1xi32>
    %gather3A_70 = vector.shape_cast %broadcast_in_dim3A_69 : vector<16x1xi32> to vector<16xi32>
    %gather3A_71 = tpu.dynamic_gather %max3A_68[%gather3A_70] in [0] : vector<16xf32>, vector<16xi32> -> vector<16xf32>
    %max3A_72 = arith.maximumf %max3A_68, %gather3A_71 : vector<16xf32>
    %broadcast_in_dim3A_73 = vector.shape_cast %xor3A_12 : vector<16xi32> to vector<16x1xi32>
    %gather3A_74 = vector.shape_cast %broadcast_in_dim3A_73 : vector<16x1xi32> to vector<16xi32>
    %gather3A_75 = tpu.dynamic_gather %max3A_72[%gather3A_74] in [0] : vector<16xf32>, vector<16xi32> -> vector<16xf32>
    %max3A_76 = arith.maximumf %max3A_72, %gather3A_75 : vector<16xf32>
    %ge3A_77 = arith.cmpf oge, %select_n3A_64, %max3A_76 : vector<16xf32>
    %jit3A_78 = arith.constant 8 : i32
    %broadcast_in_dim3A_79 = vector.broadcast %jit3A_78 : i32 to vector<16xi32>
    %select_n3A_80 = arith.select %ge3A_77, %and3A_14, %broadcast_in_dim3A_79 : vector<16xi1>, vector<16xi32>
    %broadcast_in_dim3A_81 = vector.shape_cast %xor3A_6 : vector<16xi32> to vector<16x1xi32>
    %gather3A_82 = vector.shape_cast %broadcast_in_dim3A_81 : vector<16x1xi32> to vector<16xi32>
    %gather3A_83 = tpu.dynamic_gather %select_n3A_80[%gather3A_82] in [0] : vector<16xi32>, vector<16xi32> -> vector<16xi32>
    %min3A_84 = arith.minsi %select_n3A_80, %gather3A_83 : vector<16xi32>
    %broadcast_in_dim3A_85 = vector.shape_cast %xor3A_9 : vector<16xi32> to vector<16x1xi32>
    %gather3A_86 = vector.shape_cast %broadcast_in_dim3A_85 : vector<16x1xi32> to vector<16xi32>
    %gather3A_87 = tpu.dynamic_gather %min3A_84[%gather3A_86] in [0] : vector<16xi32>, vector<16xi32> -> vector<16xi32>
    %min3A_88 = arith.minsi %min3A_84, %gather3A_87 : vector<16xi32>
    %broadcast_in_dim3A_89 = vector.shape_cast %xor3A_12 : vector<16xi32> to vector<16x1xi32>
    %gather3A_90 = vector.shape_cast %broadcast_in_dim3A_89 : vector<16x1xi32> to vector<16xi32>
    %gather3A_91 = tpu.dynamic_gather %min3A_88[%gather3A_90] in [0] : vector<16xi32>, vector<16xi32> -> vector<16xi32>
    %min3A_92 = arith.minsi %min3A_88, %gather3A_91 : vector<16xi32>
    %eq3A_93 = arith.cmpi eq, %and3A_14, %min3A_92 : vector<16xi32>
    %add3A_94 = arith.addf %max3A_49, %max3A_76 : vector<16xf32>
    %add3A_95 = arith.constant 9.99999997E-7 : f32
    %add3A_96 = vector.broadcast %add3A_95 : f32 to vector<16xf32>
    %add3A_97 = arith.addf %add3A_94, %add3A_96 : vector<16xf32>
    %jit3A_98 = arith.constant 0.000000e+00 : f32
    %broadcast_in_dim3A_99 = vector.broadcast %jit3A_98 : f32 to vector<16xf32>
    %select_n3A_100 = arith.select %eq3A, %max3A_49, %broadcast_in_dim3A_99 : vector<16xi1>, vector<16xf32>
    %jit3A_101 = arith.constant 0.000000e+00 : f32
    %broadcast_in_dim3A_102 = vector.broadcast %jit3A_101 : f32 to vector<16xf32>
    %select_n3A_103 = arith.select %eq3A_93, %max3A_76, %broadcast_in_dim3A_102 : vector<16xi1>, vector<16xf32>
    %add3A_104 = arith.addf %select_n3A_100, %select_n3A_103 : vector<16xf32>
    %div3A_105 = arith.divf %add3A_104, %add3A_97 : vector<16xf32>
    %swap3A = arith.constant 0 : index
    %swap3A_106 = tpu.vector_load %arg5[%swap3A] {strides = array<i32>} : memref<512xf32, #tpu.memory_space<vmem>>, vector<16xf32>,
    %swap3A_107 = vector.shape_cast %swap3A_106 : vector<16xf32> to vector<16xf32>
    %swap3A_108 = vector.shape_cast %div3A_105 : vector<16xf32> to vector<16xf32>
    tpu.vector_store %arg5[%swap3A], %swap3A_108 {strides = array<i32>} : memref<512xf32, #tpu.memory_space<vmem>>, vector<16xf32>,
    %get3A_109 = arith.constant 16 : index
    %get3A_110 = tpu.vector_load %arg4[%get3A_109] {strides = array<i32>} : memref<512xf32, #tpu.memory_space<vmem>>, vector<16xf32>,
    %get3A_111 = vector.shape_cast %get3A_110 : vector<16xf32> to vector<16xf32>
    %broadcast_in_dim3A_112 = vector.shape_cast %xor3A_6 : vector<16xi32> to vector<16x1xi32>
    %gather3A_113 = vector.shape_cast %broadcast_in_dim3A_112 : vector<16x1xi32> to vector<16xi32>
    %gather3A_114 = tpu.dynamic_gather %get3A_111[%gather3A_113] in [0] : vector<16xf32>, vector<16xi32> -> vector<16xf32>
    %max3A_115 = arith.maximumf %get3A_111, %gather3A_114 : vector<16xf32>
    %broadcast_in_dim3A_116 = vector.shape_cast %xor3A_9 : vector<16xi32> to vector<16x1xi32>
    %gather3A_117 = vector.shape_cast %broadcast_in_dim3A_116 : vector<16x1xi32> to vector<16xi32>
    %gather3A_118 = tpu.dynamic_gather %max3A_115[%gather3A_117] in [0] : vector<16xf32>, vector<16xi32> -> vector<16xf32>
    %max3A_119 = arith.maximumf %max3A_115, %gather3A_118 : vector<16xf32>
    %broadcast_in_dim3A_120 = vector.shape_cast %xor3A_12 : vector<16xi32> to vector<16x1xi32>
    %gather3A_121 = vector.shape_cast %broadcast_in_dim3A_120 : vector<16x1xi32> to vector<16xi32>
    %gather3A_122 = tpu.dynamic_gather %max3A_119[%gather3A_121] in [0] : vector<16xf32>, vector<16xi32> -> vector<16xf32>
    %max3A_123 = arith.maximumf %max3A_119, %gather3A_122 : vector<16xf32>
    %sub3A_124 = arith.subf %get3A_111, %max3A_123 : vector<16xf32>
    %exp3A_125 = math.exp %sub3A_124 : vector<16xf32>
    %broadcast_in_dim3A_126 = vector.shape_cast %xor3A_6 : vector<16xi32> to vector<16x1xi32>
    %gather3A_127 = vector.shape_cast %broadcast_in_dim3A_126 : vector<16x1xi32> to vector<16xi32>
    %gather3A_128 = tpu.dynamic_gather %exp3A_125[%gather3A_127] in [0] : vector<16xf32>, vector<16xi32> -> vector<16xf32>
    %add3A_129 = arith.addf %exp3A_125, %gather3A_128 : vector<16xf32>
    %broadcast_in_dim3A_130 = vector.shape_cast %xor3A_9 : vector<16xi32> to vector<16x1xi32>
    %gather3A_131 = vector.shape_cast %broadcast_in_dim3A_130 : vector<16x1xi32> to vector<16xi32>
    %gather3A_132 = tpu.dynamic_gather %add3A_129[%gather3A_131] in [0] : vector<16xf32>, vector<16xi32> -> vector<16xf32>
    %add3A_133 = arith.addf %add3A_129, %gather3A_132 : vector<16xf32>
    %broadcast_in_dim3A_134 = vector.shape_cast %xor3A_12 : vector<16xi32> to vector<16x1xi32>
    %gather3A_135 = vector.shape_cast %broadcast_in_dim3A_134 : vector<16x1xi32> to vector<16xi32>
    %gather3A_136 = tpu.dynamic_gather %add3A_133[%gather3A_135] in [0] : vector<16xf32>, vector<16xi32> -> vector<16xf32>
    %add3A_137 = arith.addf %add3A_133, %gather3A_136 : vector<16xf32>
    %div3A_138 = arith.divf %exp3A_125, %add3A_137 : vector<16xf32>
    %broadcast_in_dim3A_139 = vector.shape_cast %xor3A_6 : vector<16xi32> to vector<16x1xi32>
    %gather3A_140 = vector.shape_cast %broadcast_in_dim3A_139 : vector<16x1xi32> to vector<16xi32>
    %gather3A_141 = tpu.dynamic_gather %div3A_138[%gather3A_140] in [0] : vector<16xf32>, vector<16xi32> -> vector<16xf32>
    %max3A_142 = arith.maximumf %div3A_138, %gather3A_141 : vector<16xf32>
    %broadcast_in_dim3A_143 = vector.shape_cast %xor3A_9 : vector<16xi32> to vector<16x1xi32>
    %gather3A_144 = vector.shape_cast %broadcast_in_dim3A_143 : vector<16x1xi32> to vector<16xi32>
    %gather3A_145 = tpu.dynamic_gather %max3A_142[%gather3A_144] in [0] : vector<16xf32>, vector<16xi32> -> vector<16xf32>
    %max3A_146 = arith.maximumf %max3A_142, %gather3A_145 : vector<16xf32>
    %broadcast_in_dim3A_147 = vector.shape_cast %xor3A_12 : vector<16xi32> to vector<16x1xi32>
    %gather3A_148 = vector.shape_cast %broadcast_in_dim3A_147 : vector<16x1xi32> to vector<16xi32>
    %gather3A_149 = tpu.dynamic_gather %max3A_146[%gather3A_148] in [0] : vector<16xf32>, vector<16xi32> -> vector<16xf32>
    %max3A_150 = arith.maximumf %max3A_146, %gather3A_149 : vector<16xf32>
    %ge3A_151 = arith.cmpf oge, %div3A_138, %max3A_150 : vector<16xf32>
    %jit3A_152 = arith.constant 8 : i32
    %broadcast_in_dim3A_153 = vector.broadcast %jit3A_152 : i32 to vector<16xi32>
    %select_n3A_154 = arith.select %ge3A_151, %and3A_14, %broadcast_in_dim3A_153 : vector<16xi1>, vector<16xi32>
    %broadcast_in_dim3A_155 = vector.shape_cast %xor3A_6 : vector<16xi32> to vector<16x1xi32>
    %gather3A_156 = vector.shape_cast %broadcast_in_dim3A_155 : vector<16x1xi32> to vector<16xi32>
    %gather3A_157 = tpu.dynamic_gather %select_n3A_154[%gather3A_156] in [0] : vector<16xi32>, vector<16xi32> -> vector<16xi32>
    %min3A_158 = arith.minsi %select_n3A_154, %gather3A_157 : vector<16xi32>
    %broadcast_in_dim3A_159 = vector.shape_cast %xor3A_9 : vector<16xi32> to vector<16x1xi32>
    %gather3A_160 = vector.shape_cast %broadcast_in_dim3A_159 : vector<16x1xi32> to vector<16xi32>
    %gather3A_161 = tpu.dynamic_gather %min3A_158[%gather3A_160] in [0] : vector<16xi32>, vector<16xi32> -> vector<16xi32>
    %min3A_162 = arith.minsi %min3A_158, %gather3A_161 : vector<16xi32>
    %broadcast_in_dim3A_163 = vector.shape_cast %xor3A_12 : vector<16xi32> to vector<16x1xi32>
    %gather3A_164 = vector.shape_cast %broadcast_in_dim3A_163 : vector<16x1xi32> to vector<16xi32>
    %gather3A_165 = tpu.dynamic_gather %min3A_162[%gather3A_164] in [0] : vector<16xi32>, vector<16xi32> -> vector<16xi32>
    %min3A_166 = arith.minsi %min3A_162, %gather3A_165 : vector<16xi32>
    %eq3A_167 = arith.cmpi eq, %and3A_14, %min3A_166 : vector<16xi32>
    %jit3A_168 = arith.constant -1.000000e+00 : f32
    %broadcast_in_dim3A_169 = vector.broadcast %jit3A_168 : f32 to vector<16xf32>
    %select_n3A_170 = arith.select %eq3A_167, %broadcast_in_dim3A_169, %div3A_138 : vector<16xi1>, vector<16xf32>
    %broadcast_in_dim3A_171 = vector.shape_cast %xor3A_6 : vector<16xi32> to vector<16x1xi32>
    %gather3A_172 = vector.shape_cast %broadcast_in_dim3A_171 : vector<16x1xi32> to vector<16xi32>
    %gather3A_173 = tpu.dynamic_gather %select_n3A_170[%gather3A_172] in [0] : vector<16xf32>, vector<16xi32> -> vector<16xf32>
    %max3A_174 = arith.maximumf %select_n3A_170, %gather3A_173 : vector<16xf32>
    %broadcast_in_dim3A_175 = vector.shape_cast %xor3A_9 : vector<16xi32> to vector<16x1xi32>
    %gather3A_176 = vector.shape_cast %broadcast_in_dim3A_175 : vector<16x1xi32> to vector<16xi32>
    %gather3A_177 = tpu.dynamic_gather %max3A_174[%gather3A_176] in [0] : vector<16xf32>, vector<16xi32> -> vector<16xf32>
    %max3A_178 = arith.maximumf %max3A_174, %gather3A_177 : vector<16xf32>
    %broadcast_in_dim3A_179 = vector.shape_cast %xor3A_12 : vector<16xi32> to vector<16x1xi32>
    %gather3A_180 = vector.shape_cast %broadcast_in_dim3A_179 : vector<16x1xi32> to vector<16xi32>
    %gather3A_181 = tpu.dynamic_gather %max3A_178[%gather3A_180] in [0] : vector<16xf32>, vector<16xi32> -> vector<16xf32>
    %max3A_182 = arith.maximumf %max3A_178, %gather3A_181 : vector<16xf32>
    %ge3A_183 = arith.cmpf oge, %select_n3A_170, %max3A_182 : vector<16xf32>
    %jit3A_184 = arith.constant 8 : i32
    %broadcast_in_dim3A_185 = vector.broadcast %jit3A_184 : i32 to vector<16xi32>
    %select_n3A_186 = arith.select %ge3A_183, %and3A_14, %broadcast_in_dim3A_185 : vector<16xi1>, vector<16xi32>
    %broadcast_in_dim3A_187 = vector.shape_cast %xor3A_6 : vector<16xi32> to vector<16x1xi32>
    %gather3A_188 = vector.shape_cast %broadcast_in_dim3A_187 : vector<16x1xi32> to vector<16xi32>
    %gather3A_189 = tpu.dynamic_gather %select_n3A_186[%gather3A_188] in [0] : vector<16xi32>, vector<16xi32> -> vector<16xi32>
    %min3A_190 = arith.minsi %select_n3A_186, %gather3A_189 : vector<16xi32>
    %broadcast_in_dim3A_191 = vector.shape_cast %xor3A_9 : vector<16xi32> to vector<16x1xi32>
    %gather3A_192 = vector.shape_cast %broadcast_in_dim3A_191 : vector<16x1xi32> to vector<16xi32>
    %gather3A_193 = tpu.dynamic_gather %min3A_190[%gather3A_192] in [0] : vector<16xi32>, vector<16xi32> -> vector<16xi32>
    %min3A_194 = arith.minsi %min3A_190, %gather3A_193 : vector<16xi32>
    %broadcast_in_dim3A_195 = vector.shape_cast %xor3A_12 : vector<16xi32> to vector<16x1xi32>
    %gather3A_196 = vector.shape_cast %broadcast_in_dim3A_195 : vector<16x1xi32> to vector<16xi32>
    %gather3A_197 = tpu.dynamic_gather %min3A_194[%gather3A_196] in [0] : vector<16xi32>, vector<16xi32> -> vector<16xi32>
    %min3A_198 = arith.minsi %min3A_194, %gather3A_197 : vector<16xi32>
    %eq3A_199 = arith.cmpi eq, %and3A_14, %min3A_198 : vector<16xi32>
    %add3A_200 = arith.addf %max3A_150, %max3A_182 : vector<16xf32>
    %add3A_201 = arith.constant 9.99999997E-7 : f32
    %add3A_202 = vector.broadcast %add3A_201 : f32 to vector<16xf32>
    %add3A_203 = arith.addf %add3A_200, %add3A_202 : vector<16xf32>
    %jit3A_204 = arith.constant 0.000000e+00 : f32
    %broadcast_in_dim3A_205 = vector.broadcast %jit3A_204 : f32 to vector<16xf32>
    %select_n3A_206 = arith.select %eq3A_167, %max3A_150, %broadcast_in_dim3A_205 : vector<16xi1>, vector<16xf32>
    %jit3A_207 = arith.constant 0.000000e+00 : f32
    %broadcast_in_dim3A_208 = vector.broadcast %jit3A_207 : f32 to vector<16xf32>
    %select_n3A_209 = arith.select %eq3A_199, %max3A_182, %broadcast_in_dim3A_208 : vector<16xi1>, vector<16xf32>
    %add3A_210 = arith.addf %select_n3A_206, %select_n3A_209 : vector<16xf32>
    %div3A_211 = arith.divf %add3A_210, %add3A_203 : vector<16xf32>
    %swap3A_212 = arith.constant 16 : index
    %swap3A_213 = tpu.vector_load %arg5[%swap3A_212] {strides = array<i32>} : memref<512xf32, #tpu.memory_space<vmem>>, vector<16xf32>,
    %swap3A_214 = vector.shape_cast %swap3A_213 : vector<16xf32> to vector<16xf32>
    %swap3A_215 = vector.shape_cast %div3A_211 : vector<16xf32> to vector<16xf32>
    tpu.vector_store %arg5[%swap3A_212], %swap3A_215 {strides = array<i32>} : memref<512xf32, #tpu.memory_space<vmem>>, vector<16xf32>,
    %get3A_216 = arith.constant 32 : index
    %get3A_217 = tpu.vector_load %arg4[%get3A_216] {strides = array<i32>} : memref<512xf32, #tpu.memory_space<vmem>>, vector<16xf32>,
    %get3A_218 = vector.shape_cast %get3A_217 : vector<16xf32> to vector<16xf32>
    %broadcast_in_dim3A_219 = vector.shape_cast %xor3A_6 : vector<16xi32> to vector<16x1xi32>
    %gather3A_220 = vector.shape_cast %broadcast_in_dim3A_219 : vector<16x1xi32> to vector<16xi32>
    %gather3A_221 = tpu.dynamic_gather %get3A_218[%gather3A_220] in [0] : vector<16xf32>, vector<16xi32> -> vector<16xf32>
    %max3A_222 = arith.maximumf %get3A_218, %gather3A_221 : vector<16xf32>
    %broadcast_in_dim3A_223 = vector.shape_cast %xor3A_9 : vector<16xi32> to vector<16x1xi32>
    %gather3A_224 = vector.shape_cast %broadcast_in_dim3A_223 : vector<16x1xi32> to vector<16xi32>
    %gather3A_225 = tpu.dynamic_gather %max3A_222[%gather3A_224] in [0] : vector<16xf32>, vector<16xi32> -> vector<16xf32>
    %max3A_226 = arith.maximumf %max3A_222, %gather3A_225 : vector<16xf32>
    %broadcast_in_dim3A_227 = vector.shape_cast %xor3A_12 : vector<16xi32> to vector<16x1xi32>
    %gather3A_228 = vector.shape_cast %broadcast_in_dim3A_227 : vector<16x1xi32> to vector<16xi32>
    %gather3A_229 = tpu.dynamic_gather %max3A_226[%gather3A_228] in [0] : vector<16xf32>, vector<16xi32> -> vector<16xf32>
    %max3A_230 = arith.maximumf %max3A_226, %gather3A_229 : vector<16xf32>
    %sub3A_231 = arith.subf %get3A_218, %max3A_230 : vector<16xf32>
    %exp3A_232 = math.exp %sub3A_231 : vector<16xf32>
    %broadcast_in_dim3A_233 = vector.shape_cast %xor3A_6 : vector<16xi32> to vector<16x1xi32>
    %gather3A_234 = vector.shape_cast %broadcast_in_dim3A_233 : vector<16x1xi32> to vector<16xi32>
    %gather3A_235 = tpu.dynamic_gather %exp3A_232[%gather3A_234] in [0] : vector<16xf32>, vector<16xi32> -> vector<16xf32>
    %add3A_236 = arith.addf %exp3A_232, %gather3A_235 : vector<16xf32>
    %broadcast_in_dim3A_237 = vector.shape_cast %xor3A_9 : vector<16xi32> to vector<16x1xi32>
    %gather3A_238 = vector.shape_cast %broadcast_in_dim3A_237 : vector<16x1xi32> to vector<16xi32>
    %gather3A_239 = tpu.dynamic_gather %add3A_236[%gather3A_238] in [0] : vector<16xf32>, vector<16xi32> -> vector<16xf32>
    %add3A_240 = arith.addf %add3A_236, %gather3A_239 : vector<16xf32>
    %broadcast_in_dim3A_241 = vector.shape_cast %xor3A_12 : vector<16xi32> to vector<16x1xi32>
    %gather3A_242 = vector.shape_cast %broadcast_in_dim3A_241 : vector<16x1xi32> to vector<16xi32>
    %gather3A_243 = tpu.dynamic_gather %add3A_240[%gather3A_242] in [0] : vector<16xf32>, vector<16xi32> -> vector<16xf32>
    %add3A_244 = arith.addf %add3A_240, %gather3A_243 : vector<16xf32>
    %div3A_245 = arith.divf %exp3A_232, %add3A_244 : vector<16xf32>
    %broadcast_in_dim3A_246 = vector.shape_cast %xor3A_6 : vector<16xi32> to vector<16x1xi32>
    %gather3A_247 = vector.shape_cast %broadcast_in_dim3A_246 : vector<16x1xi32> to vector<16xi32>
    %gather3A_248 = tpu.dynamic_gather %div3A_245[%gather3A_247] in [0] : vector<16xf32>, vector<16xi32> -> vector<16xf32>
    %max3A_249 = arith.maximumf %div3A_245, %gather3A_248 : vector<16xf32>
    %broadcast_in_dim3A_250 = vector.shape_cast %xor3A_9 : vector<16xi32> to vector<16x1xi32>
    %gather3A_251 = vector.shape_cast %broadcast_in_dim3A_250 : vector<16x1xi32> to vector<16xi32>
    %gather3A_252 = tpu.dynamic_gather %max3A_249[%gather3A_251] in [0] : vector<16xf32>, vector<16xi32> -> vector<16xf32>
    %max3A_253 = arith.maximumf %max3A_249, %gather3A_252 : vector<16xf32>
    %broadcast_in_dim3A_254 = vector.shape_cast %xor3A_12 : vector<16xi32> to vector<16x1xi32>
    %gather3A_255 = vector.shape_cast %broadcast_in_dim3A_254 : vector<16x1xi32> to vector<16xi32>
    %gather3A_256 = tpu.dynamic_gather %max3A_253[%gather3A_255] in [0] : vector<16xf32>, vector<16xi32> -> vector<16xf32>
    %max3A_257 = arith.maximumf %max3A_253, %gather3A_256 : vector<16xf32>
    %ge3A_258 = arith.cmpf oge, %div3A_245, %max3A_257 : vector<16xf32>
    %jit3A_259 = arith.constant 8 : i32
    %broadcast_in_dim3A_260 = vector.broadcast %jit3A_259 : i32 to vector<16xi32>
    %select_n3A_261 = arith.select %ge3A_258, %and3A_14, %broadcast_in_dim3A_260 : vector<16xi1>, vector<16xi32>
    %broadcast_in_dim3A_262 = vector.shape_cast %xor3A_6 : vector<16xi32> to vector<16x1xi32>
    %gather3A_263 = vector.shape_cast %broadcast_in_dim3A_262 : vector<16x1xi32> to vector<16xi32>
    %gather3A_264 = tpu.dynamic_gather %select_n3A_261[%gather3A_263] in [0] : vector<16xi32>, vector<16xi32> -> vector<16xi32>
    %min3A_265 = arith.minsi %select_n3A_261, %gather3A_264 : vector<16xi32>
    %broadcast_in_dim3A_266 = vector.shape_cast %xor3A_9 : vector<16xi32> to vector<16x1xi32>
    %gather3A_267 = vector.shape_cast %broadcast_in_dim3A_266 : vector<16x1xi32> to vector<16xi32>
    %gather3A_268 = tpu.dynamic_gather %min3A_265[%gather3A_267] in [0] : vector<16xi32>, vector<16xi32> -> vector<16xi32>
    %min3A_269 = arith.minsi %min3A_265, %gather3A_268 : vector<16xi32>
    %broadcast_in_dim3A_270 = vector.shape_cast %xor3A_12 : vector<16xi32> to vector<16x1xi32>
    %gather3A_271 = vector.shape_cast %broadcast_in_dim3A_270 : vector<16x1xi32> to vector<16xi32>
    %gather3A_272 = tpu.dynamic_gather %min3A_269[%gather3A_271] in [0] : vector<16xi32>, vector<16xi32> -> vector<16xi32>
    %min3A_273 = arith.minsi %min3A_269, %gather3A_272 : vector<16xi32>
    %eq3A_274 = arith.cmpi eq, %and3A_14, %min3A_273 : vector<16xi32>
    %jit3A_275 = arith.constant -1.000000e+00 : f32
    %broadcast_in_dim3A_276 = vector.broadcast %jit3A_275 : f32 to vector<16xf32>
    %select_n3A_277 = arith.select %eq3A_274, %broadcast_in_dim3A_276, %div3A_245 : vector<16xi1>, vector<16xf32>
    %broadcast_in_dim3A_278 = vector.shape_cast %xor3A_6 : vector<16xi32> to vector<16x1xi32>
    %gather3A_279 = vector.shape_cast %broadcast_in_dim3A_278 : vector<16x1xi32> to vector<16xi32>
    %gather3A_280 = tpu.dynamic_gather %select_n3A_277[%gather3A_279] in [0] : vector<16xf32>, vector<16xi32> -> vector<16xf32>
    %max3A_281 = arith.maximumf %select_n3A_277, %gather3A_280 : vector<16xf32>
    %broadcast_in_dim3A_282 = vector.shape_cast %xor3A_9 : vector<16xi32> to vector<16x1xi32>
    %gather3A_283 = vector.shape_cast %broadcast_in_dim3A_282 : vector<16x1xi32> to vector<16xi32>
    %gather3A_284 = tpu.dynamic_gather %max3A_281[%gather3A_283] in [0] : vector<16xf32>, vector<16xi32> -> vector<16xf32>
    %max3A_285 = arith.maximumf %max3A_281, %gather3A_284 : vector<16xf32>
    %broadcast_in_dim3A_286 = vector.shape_cast %xor3A_12 : vector<16xi32> to vector<16x1xi32>
    %gather3A_287 = vector.shape_cast %broadcast_in_dim3A_286 : vector<16x1xi32> to vector<16xi32>
    %gather3A_288 = tpu.dynamic_gather %max3A_285[%gather3A_287] in [0] : vector<16xf32>, vector<16xi32> -> vector<16xf32>
    %max3A_289 = arith.maximumf %max3A_285, %gather3A_288 : vector<16xf32>
    %ge3A_290 = arith.cmpf oge, %select_n3A_277, %max3A_289 : vector<16xf32>
    %jit3A_291 = arith.constant 8 : i32
    %broadcast_in_dim3A_292 = vector.broadcast %jit3A_291 : i32 to vector<16xi32>
    %select_n3A_293 = arith.select %ge3A_290, %and3A_14, %broadcast_in_dim3A_292 : vector<16xi1>, vector<16xi32>
    %broadcast_in_dim3A_294 = vector.shape_cast %xor3A_6 : vector<16xi32> to vector<16x1xi32>
    %gather3A_295 = vector.shape_cast %broadcast_in_dim3A_294 : vector<16x1xi32> to vector<16xi32>
    %gather3A_296 = tpu.dynamic_gather %select_n3A_293[%gather3A_295] in [0] : vector<16xi32>, vector<16xi32> -> vector<16xi32>
    %min3A_297 = arith.minsi %select_n3A_293, %gather3A_296 : vector<16xi32>
    %broadcast_in_dim3A_298 = vector.shape_cast %xor3A_9 : vector<16xi32> to vector<16x1xi32>
    %gather3A_299 = vector.shape_cast %broadcast_in_dim3A_298 : vector<16x1xi32> to vector<16xi32>
    %gather3A_300 = tpu.dynamic_gather %min3A_297[%gather3A_299] in [0] : vector<16xi32>, vector<16xi32> -> vector<16xi32>
    %min3A_301 = arith.minsi %min3A_297, %gather3A_300 : vector<16xi32>
    %broadcast_in_dim3A_302 = vector.shape_cast %xor3A_12 : vector<16xi32> to vector<16x1xi32>
    %gather3A_303 = vector.shape_cast %broadcast_in_dim3A_302 : vector<16x1xi32> to vector<16xi32>
    %gather3A_304 = tpu.dynamic_gather %min3A_301[%gather3A_303] in [0] : vector<16xi32>, vector<16xi32> -> vector<16xi32>
    %min3A_305 = arith.minsi %min3A_301, %gather3A_304 : vector<16xi32>
    %eq3A_306 = arith.cmpi eq, %and3A_14, %min3A_305 : vector<16xi32>
    %add3A_307 = arith.addf %max3A_257, %max3A_289 : vector<16xf32>
    %add3A_308 = arith.constant 9.99999997E-7 : f32
    %add3A_309 = vector.broadcast %add3A_308 : f32 to vector<16xf32>
    %add3A_310 = arith.addf %add3A_307, %add3A_309 : vector<16xf32>
    %jit3A_311 = arith.constant 0.000000e+00 : f32
    %broadcast_in_dim3A_312 = vector.broadcast %jit3A_311 : f32 to vector<16xf32>
    %select_n3A_313 = arith.select %eq3A_274, %max3A_257, %broadcast_in_dim3A_312 : vector<16xi1>, vector<16xf32>
    %jit3A_314 = arith.constant 0.000000e+00 : f32
    %broadcast_in_dim3A_315 = vector.broadcast %jit3A_314 : f32 to vector<16xf32>
    %select_n3A_316 = arith.select %eq3A_306, %max3A_289, %broadcast_in_dim3A_315 : vector<16xi1>, vector<16xf32>
    %add3A_317 = arith.addf %select_n3A_313, %select_n3A_316 : vector<16xf32>
    %div3A_318 = arith.divf %add3A_317, %add3A_310 : vector<16xf32>
    %swap3A_319 = arith.constant 32 : index
    %swap3A_320 = tpu.vector_load %arg5[%swap3A_319] {strides = array<i32>} : memref<512xf32, #tpu.memory_space<vmem>>, vector<16xf32>,
    %swap3A_321 = vector.shape_cast %swap3A_320 : vector<16xf32> to vector<16xf32>
    %swap3A_322 = vector.shape_cast %div3A_318 : vector<16xf32> to vector<16xf32>
    tpu.vector_store %arg5[%swap3A_319], %swap3A_322 {strides = array<i32>} : memref<512xf32, #tpu.memory_space<vmem>>, vector<16xf32>,
    %get3A_323 = arith.constant 48 : index
    %get3A_324 = tpu.vector_load %arg4[%get3A_323] {strides = array<i32>} : memref<512xf32, #tpu.memory_space<vmem>>, vector<16xf32>,
    %get3A_325 = vector.shape_cast %get3A_324 : vector<16xf32> to vector<16xf32>
    %broadcast_in_dim3A_326 = vector.shape_cast %xor3A_6 : vector<16xi32> to vector<16x1xi32>
    %gather3A_327 = vector.shape_cast %broadcast_in_dim3A_326 : vector<16x1xi32> to vector<16xi32>
    %gather3A_328 = tpu.dynamic_gather %get3A_325[%gather3A_327] in [0] : vector<16xf32>, vector<16xi32> -> vector<16xf32>
    %max3A_329 = arith.maximumf %get3A_325, %gather3A_328 : vector<16xf32>
    %broadcast_in_dim3A_330 = vector.shape_cast %xor3A_9 : vector<16xi32> to vector<16x1xi32>
    %gather3A_331 = vector.shape_cast %broadcast_in_dim3A_330 : vector<16x1xi32> to vector<16xi32>
    %gather3A_332 = tpu.dynamic_gather %max3A_329[%gather3A_331] in [0] : vector<16xf32>, vector<16xi32> -> vector<16xf32>
    %max3A_333 = arith.maximumf %max3A_329, %gather3A_332 : vector<16xf32>
    %broadcast_in_dim3A_334 = vector.shape_cast %xor3A_12 : vector<16xi32> to vector<16x1xi32>
    %gather3A_335 = vector.shape_cast %broadcast_in_dim3A_334 : vector<16x1xi32> to vector<16xi32>
    %gather3A_336 = tpu.dynamic_gather %max3A_333[%gather3A_335] in [0] : vector<16xf32>, vector<16xi32> -> vector<16xf32>
    %max3A_337 = arith.maximumf %max3A_333, %gather3A_336 : vector<16xf32>
    %sub3A_338 = arith.subf %get3A_325, %max3A_337 : vector<16xf32>
    %exp3A_339 = math.exp %sub3A_338 : vector<16xf32>
    %broadcast_in_dim3A_340 = vector.shape_cast %xor3A_6 : vector<16xi32> to vector<16x1xi32>
    %gather3A_341 = vector.shape_cast %broadcast_in_dim3A_340 : vector<16x1xi32> to vector<16xi32>
    %gather3A_342 = tpu.dynamic_gather %exp3A_339[%gather3A_341] in [0] : vector<16xf32>, vector<16xi32> -> vector<16xf32>
    %add3A_343 = arith.addf %exp3A_339, %gather3A_342 : vector<16xf32>
    %broadcast_in_dim3A_344 = vector.shape_cast %xor3A_9 : vector<16xi32> to vector<16x1xi32>
    %gather3A_345 = vector.shape_cast %broadcast_in_dim3A_344 : vector<16x1xi32> to vector<16xi32>
    %gather3A_346 = tpu.dynamic_gather %add3A_343[%gather3A_345] in [0] : vector<16xf32>, vector<16xi32> -> vector<16xf32>
    %add3A_347 = arith.addf %add3A_343, %gather3A_346 : vector<16xf32>
    %broadcast_in_dim3A_348 = vector.shape_cast %xor3A_12 : vector<16xi32> to vector<16x1xi32>
    %gather3A_349 = vector.shape_cast %broadcast_in_dim3A_348 : vector<16x1xi32> to vector<16xi32>
    %gather3A_350 = tpu.dynamic_gather %add3A_347[%gather3A_349] in [0] : vector<16xf32>, vector<16xi32> -> vector<16xf32>
    %add3A_351 = arith.addf %add3A_347, %gather3A_350 : vector<16xf32>
    %div3A_352 = arith.divf %exp3A_339, %add3A_351 : vector<16xf32>
    %broadcast_in_dim3A_353 = vector.shape_cast %xor3A_6 : vector<16xi32> to vector<16x1xi32>
    %gather3A_354 = vector.shape_cast %broadcast_in_dim3A_353 : vector<16x1xi32> to vector<16xi32>
    %gather3A_355 = tpu.dynamic_gather %div3A_352[%gather3A_354] in [0] : vector<16xf32>, vector<16xi32> -> vector<16xf32>
    %max3A_356 = arith.maximumf %div3A_352, %gather3A_355 : vector<16xf32>
    %broadcast_in_dim3A_357 = vector.shape_cast %xor3A_9 : vector<16xi32> to vector<16x1xi32>
    %gather3A_358 = vector.shape_cast %broadcast_in_dim3A_357 : vector<16x1xi32> to vector<16xi32>
    %gather3A_359 = tpu.dynamic_gather %max3A_356[%gather3A_358] in [0] : vector<16xf32>, vector<16xi32> -> vector<16xf32>
    %max3A_360 = arith.maximumf %max3A_356, %gather3A_359 : vector<16xf32>
    %broadcast_in_dim3A_361 = vector.shape_cast %xor3A_12 : vector<16xi32> to vector<16x1xi32>
    %gather3A_362 = vector.shape_cast %broadcast_in_dim3A_361 : vector<16x1xi32> to vector<16xi32>
    %gather3A_363 = tpu.dynamic_gather %max3A_360[%gather3A_362] in [0] : vector<16xf32>, vector<16xi32> -> vector<16xf32>
    %max3A_364 = arith.maximumf %max3A_360, %gather3A_363 : vector<16xf32>
    %ge3A_365 = arith.cmpf oge, %div3A_352, %max3A_364 : vector<16xf32>
    %jit3A_366 = arith.constant 8 : i32
    %broadcast_in_dim3A_367 = vector.broadcast %jit3A_366 : i32 to vector<16xi32>
    %select_n3A_368 = arith.select %ge3A_365, %and3A_14, %broadcast_in_dim3A_367 : vector<16xi1>, vector<16xi32>
    %broadcast_in_dim3A_369 = vector.shape_cast %xor3A_6 : vector<16xi32> to vector<16x1xi32>
    %gather3A_370 = vector.shape_cast %broadcast_in_dim3A_369 : vector<16x1xi32> to vector<16xi32>
    %gather3A_371 = tpu.dynamic_gather %select_n3A_368[%gather3A_370] in [0] : vector<16xi32>, vector<16xi32> -> vector<16xi32>
    %min3A_372 = arith.minsi %select_n3A_368, %gather3A_371 : vector<16xi32>
    %broadcast_in_dim3A_373 = vector.shape_cast %xor3A_9 : vector<16xi32> to vector<16x1xi32>
    %gather3A_374 = vector.shape_cast %broadcast_in_dim3A_373 : vector<16x1xi32> to vector<16xi32>
    %gather3A_375 = tpu.dynamic_gather %min3A_372[%gather3A_374] in [0] : vector<16xi32>, vector<16xi32> -> vector<16xi32>
    %min3A_376 = arith.minsi %min3A_372, %gather3A_375 : vector<16xi32>
    %broadcast_in_dim3A_377 = vector.shape_cast %xor3A_12 : vector<16xi32> to vector<16x1xi32>
    %gather3A_378 = vector.shape_cast %broadcast_in_dim3A_377 : vector<16x1xi32> to vector<16xi32>
    %gather3A_379 = tpu.dynamic_gather %min3A_376[%gather3A_378] in [0] : vector<16xi32>, vector<16xi32> -> vector<16xi32>
    %min3A_380 = arith.minsi %min3A_376, %gather3A_379 : vector<16xi32>
    %eq3A_381 = arith.cmpi eq, %and3A_14, %min3A_380 : vector<16xi32>
    %jit3A_382 = arith.constant -1.000000e+00 : f32
    %broadcast_in_dim3A_383 = vector.broadcast %jit3A_382 : f32 to vector<16xf32>
    %select_n3A_384 = arith.select %eq3A_381, %broadcast_in_dim3A_383, %div3A_352 : vector<16xi1>, vector<16xf32>
    %broadcast_in_dim3A_385 = vector.shape_cast %xor3A_6 : vector<16xi32> to vector<16x1xi32>
    %gather3A_386 = vector.shape_cast %broadcast_in_dim3A_385 : vector<16x1xi32> to vector<16xi32>
    %gather3A_387 = tpu.dynamic_gather %select_n3A_384[%gather3A_386] in [0] : vector<16xf32>, vector<16xi32> -> vector<16xf32>
    %max3A_388 = arith.maximumf %select_n3A_384, %gather3A_387 : vector<16xf32>
    %broadcast_in_dim3A_389 = vector.shape_cast %xor3A_9 : vector<16xi32> to vector<16x1xi32>
    %gather3A_390 = vector.shape_cast %broadcast_in_dim3A_389 : vector<16x1xi32> to vector<16xi32>
    %gather3A_391 = tpu.dynamic_gather %max3A_388[%gather3A_390] in [0] : vector<16xf32>, vector<16xi32> -> vector<16xf32>
    %max3A_392 = arith.maximumf %max3A_388, %gather3A_391 : vector<16xf32>
    %broadcast_in_dim3A_393 = vector.shape_cast %xor3A_12 : vector<16xi32> to vector<16x1xi32>
    %gather3A_394 = vector.shape_cast %broadcast_in_dim3A_393 : vector<16x1xi32> to vector<16xi32>
    %gather3A_395 = tpu.dynamic_gather %max3A_392[%gather3A_394] in [0] : vector<16xf32>, vector<16xi32> -> vector<16xf32>
    %max3A_396 = arith.maximumf %max3A_392, %gather3A_395 : vector<16xf32>
    %ge3A_397 = arith.cmpf oge, %select_n3A_384, %max3A_396 : vector<16xf32>
    %jit3A_398 = arith.constant 8 : i32
    %broadcast_in_dim3A_399 = vector.broadcast %jit3A_398 : i32 to vector<16xi32>
    %select_n3A_400 = arith.select %ge3A_397, %and3A_14, %broadcast_in_dim3A_399 : vector<16xi1>, vector<16xi32>
    %broadcast_in_dim3A_401 = vector.shape_cast %xor3A_6 : vector<16xi32> to vector<16x1xi32>
    %gather3A_402 = vector.shape_cast %broadcast_in_dim3A_401 : vector<16x1xi32> to vector<16xi32>
    %gather3A_403 = tpu.dynamic_gather %select_n3A_400[%gather3A_402] in [0] : vector<16xi32>, vector<16xi32> -> vector<16xi32>
    %min3A_404 = arith.minsi %select_n3A_400, %gather3A_403 : vector<16xi32>
    %broadcast_in_dim3A_405 = vector.shape_cast %xor3A_9 : vector<16xi32> to vector<16x1xi32>
    %gather3A_406 = vector.shape_cast %broadcast_in_dim3A_405 : vector<16x1xi32> to vector<16xi32>
    %gather3A_407 = tpu.dynamic_gather %min3A_404[%gather3A_406] in [0] : vector<16xi32>, vector<16xi32> -> vector<16xi32>
    %min3A_408 = arith.minsi %min3A_404, %gather3A_407 : vector<16xi32>
    %broadcast_in_dim3A_409 = vector.shape_cast %xor3A_12 : vector<16xi32> to vector<16x1xi32>
    %gather3A_410 = vector.shape_cast %broadcast_in_dim3A_409 : vector<16x1xi32> to vector<16xi32>
    %gather3A_411 = tpu.dynamic_gather %min3A_408[%gather3A_410] in [0] : vector<16xi32>, vector<16xi32> -> vector<16xi32>
    %min3A_412 = arith.minsi %min3A_408, %gather3A_411 : vector<16xi32>
    %eq3A_413 = arith.cmpi eq, %and3A_14, %min3A_412 : vector<16xi32>
    %add3A_414 = arith.addf %max3A_364, %max3A_396 : vector<16xf32>
    %add3A_415 = arith.constant 9.99999997E-7 : f32
    %add3A_416 = vector.broadcast %add3A_415 : f32 to vector<16xf32>
    %add3A_417 = arith.addf %add3A_414, %add3A_416 : vector<16xf32>
    %jit3A_418 = arith.constant 0.000000e+00 : f32
    %broadcast_in_dim3A_419 = vector.broadcast %jit3A_418 : f32 to vector<16xf32>
    %select_n3A_420 = arith.select %eq3A_381, %max3A_364, %broadcast_in_dim3A_419 : vector<16xi1>, vector<16xf32>
    %jit3A_421 = arith.constant 0.000000e+00 : f32
    %broadcast_in_dim3A_422 = vector.broadcast %jit3A_421 : f32 to vector<16xf32>
    %select_n3A_423 = arith.select %eq3A_413, %max3A_396, %broadcast_in_dim3A_422 : vector<16xi1>, vector<16xf32>
    %add3A_424 = arith.addf %select_n3A_420, %select_n3A_423 : vector<16xf32>
    %div3A_425 = arith.divf %add3A_424, %add3A_417 : vector<16xf32>
    %swap3A_426 = arith.constant 48 : index
    %swap3A_427 = tpu.vector_load %arg5[%swap3A_426] {strides = array<i32>} : memref<512xf32, #tpu.memory_space<vmem>>, vector<16xf32>,
    %swap3A_428 = vector.shape_cast %swap3A_427 : vector<16xf32> to vector<16xf32>
    %swap3A_429 = vector.shape_cast %div3A_425 : vector<16xf32> to vector<16xf32>
    tpu.vector_store %arg5[%swap3A_426], %swap3A_429 {strides = array<i32>} : memref<512xf32, #tpu.memory_space<vmem>>, vector<16xf32>,
    %get3A_430 = arith.constant 64 : index
    %get3A_431 = tpu.vector_load %arg4[%get3A_430] {strides = array<i32>} : memref<512xf32, #tpu.memory_space<vmem>>, vector<16xf32>,
    %get3A_432 = vector.shape_cast %get3A_431 : vector<16xf32> to vector<16xf32>
    %broadcast_in_dim3A_433 = vector.shape_cast %xor3A_6 : vector<16xi32> to vector<16x1xi32>
    %gather3A_434 = vector.shape_cast %broadcast_in_dim3A_433 : vector<16x1xi32> to vector<16xi32>
    %gather3A_435 = tpu.dynamic_gather %get3A_432[%gather3A_434] in [0] : vector<16xf32>, vector<16xi32> -> vector<16xf32>
    %max3A_436 = arith.maximumf %get3A_432, %gather3A_435 : vector<16xf32>
    %broadcast_in_dim3A_437 = vector.shape_cast %xor3A_9 : vector<16xi32> to vector<16x1xi32>
    %gather3A_438 = vector.shape_cast %broadcast_in_dim3A_437 : vector<16x1xi32> to vector<16xi32>
    %gather3A_439 = tpu.dynamic_gather %max3A_436[%gather3A_438] in [0] : vector<16xf32>, vector<16xi32> -> vector<16xf32>
    %max3A_440 = arith.maximumf %max3A_436, %gather3A_439 : vector<16xf32>
    %broadcast_in_dim3A_441 = vector.shape_cast %xor3A_12 : vector<16xi32> to vector<16x1xi32>
    %gather3A_442 = vector.shape_cast %broadcast_in_dim3A_441 : vector<16x1xi32> to vector<16xi32>
    %gather3A_443 = tpu.dynamic_gather %max3A_440[%gather3A_442] in [0] : vector<16xf32>, vector<16xi32> -> vector<16xf32>
    %max3A_444 = arith.maximumf %max3A_440, %gather3A_443 : vector<16xf32>
    %sub3A_445 = arith.subf %get3A_432, %max3A_444 : vector<16xf32>
    %exp3A_446 = math.exp %sub3A_445 : vector<16xf32>
    %broadcast_in_dim3A_447 = vector.shape_cast %xor3A_6 : vector<16xi32> to vector<16x1xi32>
    %gather3A_448 = vector.shape_cast %broadcast_in_dim3A_447 : vector<16x1xi32> to vector<16xi32>
    %gather3A_449 = tpu.dynamic_gather %exp3A_446[%gather3A_448] in [0] : vector<16xf32>, vector<16xi32> -> vector<16xf32>
    %add3A_450 = arith.addf %exp3A_446, %gather3A_449 : vector<16xf32>
    %broadcast_in_dim3A_451 = vector.shape_cast %xor3A_9 : vector<16xi32> to vector<16x1xi32>
    %gather3A_452 = vector.shape_cast %broadcast_in_dim3A_451 : vector<16x1xi32> to vector<16xi32>
    %gather3A_453 = tpu.dynamic_gather %add3A_450[%gather3A_452] in [0] : vector<16xf32>, vector<16xi32> -> vector<16xf32>
    %add3A_454 = arith.addf %add3A_450, %gather3A_453 : vector<16xf32>
    %broadcast_in_dim3A_455 = vector.shape_cast %xor3A_12 : vector<16xi32> to vector<16x1xi32>
    %gather3A_456 = vector.shape_cast %broadcast_in_dim3A_455 : vector<16x1xi32> to vector<16xi32>
    %gather3A_457 = tpu.dynamic_gather %add3A_454[%gather3A_456] in [0] : vector<16xf32>, vector<16xi32> -> vector<16xf32>
    %add3A_458 = arith.addf %add3A_454, %gather3A_457 : vector<16xf32>
    %div3A_459 = arith.divf %exp3A_446, %add3A_458 : vector<16xf32>
    %broadcast_in_dim3A_460 = vector.shape_cast %xor3A_6 : vector<16xi32> to vector<16x1xi32>
    %gather3A_461 = vector.shape_cast %broadcast_in_dim3A_460 : vector<16x1xi32> to vector<16xi32>
    %gather3A_462 = tpu.dynamic_gather %div3A_459[%gather3A_461] in [0] : vector<16xf32>, vector<16xi32> -> vector<16xf32>
    %max3A_463 = arith.maximumf %div3A_459, %gather3A_462 : vector<16xf32>
    %broadcast_in_dim3A_464 = vector.shape_cast %xor3A_9 : vector<16xi32> to vector<16x1xi32>
    %gather3A_465 = vector.shape_cast %broadcast_in_dim3A_464 : vector<16x1xi32> to vector<16xi32>
    %gather3A_466 = tpu.dynamic_gather %max3A_463[%gather3A_465] in [0] : vector<16xf32>, vector<16xi32> -> vector<16xf32>
    %max3A_467 = arith.maximumf %max3A_463, %gather3A_466 : vector<16xf32>
    %broadcast_in_dim3A_468 = vector.shape_cast %xor3A_12 : vector<16xi32> to vector<16x1xi32>
    %gather3A_469 = vector.shape_cast %broadcast_in_dim3A_468 : vector<16x1xi32> to vector<16xi32>
    %gather3A_470 = tpu.dynamic_gather %max3A_467[%gather3A_469] in [0] : vector<16xf32>, vector<16xi32> -> vector<16xf32>
    %max3A_471 = arith.maximumf %max3A_467, %gather3A_470 : vector<16xf32>
    %ge3A_472 = arith.cmpf oge, %div3A_459, %max3A_471 : vector<16xf32>
    %jit3A_473 = arith.constant 8 : i32
    %broadcast_in_dim3A_474 = vector.broadcast %jit3A_473 : i32 to vector<16xi32>
    %select_n3A_475 = arith.select %ge3A_472, %and3A_14, %broadcast_in_dim3A_474 : vector<16xi1>, vector<16xi32>
    %broadcast_in_dim3A_476 = vector.shape_cast %xor3A_6 : vector<16xi32> to vector<16x1xi32>
    %gather3A_477 = vector.shape_cast %broadcast_in_dim3A_476 : vector<16x1xi32> to vector<16xi32>
    %gather3A_478 = tpu.dynamic_gather %select_n3A_475[%gather3A_477] in [0] : vector<16xi32>, vector<16xi32> -> vector<16xi32>
    %min3A_479 = arith.minsi %select_n3A_475, %gather3A_478 : vector<16xi32>
    %broadcast_in_dim3A_480 = vector.shape_cast %xor3A_9 : vector<16xi32> to vector<16x1xi32>
    %gather3A_481 = vector.shape_cast %broadcast_in_dim3A_480 : vector<16x1xi32> to vector<16xi32>
    %gather3A_482 = tpu.dynamic_gather %min3A_479[%gather3A_481] in [0] : vector<16xi32>, vector<16xi32> -> vector<16xi32>
    %min3A_483 = arith.minsi %min3A_479, %gather3A_482 : vector<16xi32>
    %broadcast_in_dim3A_484 = vector.shape_cast %xor3A_12 : vector<16xi32> to vector<16x1xi32>
    %gather3A_485 = vector.shape_cast %broadcast_in_dim3A_484 : vector<16x1xi32> to vector<16xi32>
    %gather3A_486 = tpu.dynamic_gather %min3A_483[%gather3A_485] in [0] : vector<16xi32>, vector<16xi32> -> vector<16xi32>
    %min3A_487 = arith.minsi %min3A_483, %gather3A_486 : vector<16xi32>
    %eq3A_488 = arith.cmpi eq, %and3A_14, %min3A_487 : vector<16xi32>
    %jit3A_489 = arith.constant -1.000000e+00 : f32
    %broadcast_in_dim3A_490 = vector.broadcast %jit3A_489 : f32 to vector<16xf32>
    %select_n3A_491 = arith.select %eq3A_488, %broadcast_in_dim3A_490, %div3A_459 : vector<16xi1>, vector<16xf32>
    %broadcast_in_dim3A_492 = vector.shape_cast %xor3A_6 : vector<16xi32> to vector<16x1xi32>
    %gather3A_493 = vector.shape_cast %broadcast_in_dim3A_492 : vector<16x1xi32> to vector<16xi32>
    %gather3A_494 = tpu.dynamic_gather %select_n3A_491[%gather3A_493] in [0] : vector<16xf32>, vector<16xi32> -> vector<16xf32>
    %max3A_495 = arith.maximumf %select_n3A_491, %gather3A_494 : vector<16xf32>
    %broadcast_in_dim3A_496 = vector.shape_cast %xor3A_9 : vector<16xi32> to vector<16x1xi32>
    %gather3A_497 = vector.shape_cast %broadcast_in_dim3A_496 : vector<16x1xi32> to vector<16xi32>
    %gather3A_498 = tpu.dynamic_gather %max3A_495[%gather3A_497] in [0] : vector<16xf32>, vector<16xi32> -> vector<16xf32>
    %max3A_499 = arith.maximumf %max3A_495, %gather3A_498 : vector<16xf32>
    %broadcast_in_dim3A_500 = vector.shape_cast %xor3A_12 : vector<16xi32> to vector<16x1xi32>
    %gather3A_501 = vector.shape_cast %broadcast_in_dim3A_500 : vector<16x1xi32> to vector<16xi32>
    %gather3A_502 = tpu.dynamic_gather %max3A_499[%gather3A_501] in [0] : vector<16xf32>, vector<16xi32> -> vector<16xf32>
    %max3A_503 = arith.maximumf %max3A_499, %gather3A_502 : vector<16xf32>
    %ge3A_504 = arith.cmpf oge, %select_n3A_491, %max3A_503 : vector<16xf32>
    %jit3A_505 = arith.constant 8 : i32
    %broadcast_in_dim3A_506 = vector.broadcast %jit3A_505 : i32 to vector<16xi32>
    %select_n3A_507 = arith.select %ge3A_504, %and3A_14, %broadcast_in_dim3A_506 : vector<16xi1>, vector<16xi32>
    %broadcast_in_dim3A_508 = vector.shape_cast %xor3A_6 : vector<16xi32> to vector<16x1xi32>
    %gather3A_509 = vector.shape_cast %broadcast_in_dim3A_508 : vector<16x1xi32> to vector<16xi32>
    %gather3A_510 = tpu.dynamic_gather %select_n3A_507[%gather3A_509] in [0] : vector<16xi32>, vector<16xi32> -> vector<16xi32>
    %min3A_511 = arith.minsi %select_n3A_507, %gather3A_510 : vector<16xi32>
    %broadcast_in_dim3A_512 = vector.shape_cast %xor3A_9 : vector<16xi32> to vector<16x1xi32>
    %gather3A_513 = vector.shape_cast %broadcast_in_dim3A_512 : vector<16x1xi32> to vector<16xi32>
    %gather3A_514 = tpu.dynamic_gather %min3A_511[%gather3A_513] in [0] : vector<16xi32>, vector<16xi32> -> vector<16xi32>
    %min3A_515 = arith.minsi %min3A_511, %gather3A_514 : vector<16xi32>
    %broadcast_in_dim3A_516 = vector.shape_cast %xor3A_12 : vector<16xi32> to vector<16x1xi32>
    %gather3A_517 = vector.shape_cast %broadcast_in_dim3A_516 : vector<16x1xi32> to vector<16xi32>
    %gather3A_518 = tpu.dynamic_gather %min3A_515[%gather3A_517] in [0] : vector<16xi32>, vector<16xi32> -> vector<16xi32>
    %min3A_519 = arith.minsi %min3A_515, %gather3A_518 : vector<16xi32>
    %eq3A_520 = arith.cmpi eq, %and3A_14, %min3A_519 : vector<16xi32>
    %add3A_521 = arith.addf %max3A_471, %max3A_503 : vector<16xf32>
    %add3A_522 = arith.constant 9.99999997E-7 : f32
    %add3A_523 = vector.broadcast %add3A_522 : f32 to vector<16xf32>
    %add3A_524 = arith.addf %add3A_521, %add3A_523 : vector<16xf32>
    %jit3A_525 = arith.constant 0.000000e+00 : f32
    %broadcast_in_dim3A_526 = vector.broadcast %jit3A_525 : f32 to vector<16xf32>
    %select_n3A_527 = arith.select %eq3A_488, %max3A_471, %broadcast_in_dim3A_526 : vector<16xi1>, vector<16xf32>
    %jit3A_528 = arith.constant 0.000000e+00 : f32
    %broadcast_in_dim3A_529 = vector.broadcast %jit3A_528 : f32 to vector<16xf32>
    %select_n3A_530 = arith.select %eq3A_520, %max3A_503, %broadcast_in_dim3A_529 : vector<16xi1>, vector<16xf32>
    %add3A_531 = arith.addf %select_n3A_527, %select_n3A_530 : vector<16xf32>
    %div3A_532 = arith.divf %add3A_531, %add3A_524 : vector<16xf32>
    %swap3A_533 = arith.constant 64 : index
    %swap3A_534 = tpu.vector_load %arg5[%swap3A_533] {strides = array<i32>} : memref<512xf32, #tpu.memory_space<vmem>>, vector<16xf32>,
    %swap3A_535 = vector.shape_cast %swap3A_534 : vector<16xf32> to vector<16xf32>
    %swap3A_536 = vector.shape_cast %div3A_532 : vector<16xf32> to vector<16xf32>
    tpu.vector_store %arg5[%swap3A_533], %swap3A_536 {strides = array<i32>} : memref<512xf32, #tpu.memory_space<vmem>>, vector<16xf32>,
    %get3A_537 = arith.constant 80 : index
    %get3A_538 = tpu.vector_load %arg4[%get3A_537] {strides = array<i32>} : memref<512xf32, #tpu.memory_space<vmem>>, vector<16xf32>,
    %get3A_539 = vector.shape_cast %get3A_538 : vector<16xf32> to vector<16xf32>
    %broadcast_in_dim3A_540 = vector.shape_cast %xor3A_6 : vector<16xi32> to vector<16x1xi32>
    %gather3A_541 = vector.shape_cast %broadcast_in_dim3A_540 : vector<16x1xi32> to vector<16xi32>
    %gather3A_542 = tpu.dynamic_gather %get3A_539[%gather3A_541] in [0] : vector<16xf32>, vector<16xi32> -> vector<16xf32>
    %max3A_543 = arith.maximumf %get3A_539, %gather3A_542 : vector<16xf32>
    %broadcast_in_dim3A_544 = vector.shape_cast %xor3A_9 : vector<16xi32> to vector<16x1xi32>
    %gather3A_545 = vector.shape_cast %broadcast_in_dim3A_544 : vector<16x1xi32> to vector<16xi32>
    %gather3A_546 = tpu.dynamic_gather %max3A_543[%gather3A_545] in [0] : vector<16xf32>, vector<16xi32> -> vector<16xf32>
    %max3A_547 = arith.maximumf %max3A_543, %gather3A_546 : vector<16xf32>
    %broadcast_in_dim3A_548 = vector.shape_cast %xor3A_12 : vector<16xi32> to vector<16x1xi32>
    %gather3A_549 = vector.shape_cast %broadcast_in_dim3A_548 : vector<16x1xi32> to vector<16xi32>
    %gather3A_550 = tpu.dynamic_gather %max3A_547[%gather3A_549] in [0] : vector<16xf32>, vector<16xi32> -> vector<16xf32>
    %max3A_551 = arith.maximumf %max3A_547, %gather3A_550 : vector<16xf32>
    %sub3A_552 = arith.subf %get3A_539, %max3A_551 : vector<16xf32>
    %exp3A_553 = math.exp %sub3A_552 : vector<16xf32>
    %broadcast_in_dim3A_554 = vector.shape_cast %xor3A_6 : vector<16xi32> to vector<16x1xi32>
    %gather3A_555 = vector.shape_cast %broadcast_in_dim3A_554 : vector<16x1xi32> to vector<16xi32>
    %gather3A_556 = tpu.dynamic_gather %exp3A_553[%gather3A_555] in [0] : vector<16xf32>, vector<16xi32> -> vector<16xf32>
    %add3A_557 = arith.addf %exp3A_553, %gather3A_556 : vector<16xf32>
    %broadcast_in_dim3A_558 = vector.shape_cast %xor3A_9 : vector<16xi32> to vector<16x1xi32>
    %gather3A_559 = vector.shape_cast %broadcast_in_dim3A_558 : vector<16x1xi32> to vector<16xi32>
    %gather3A_560 = tpu.dynamic_gather %add3A_557[%gather3A_559] in [0] : vector<16xf32>, vector<16xi32> -> vector<16xf32>
    %add3A_561 = arith.addf %add3A_557, %gather3A_560 : vector<16xf32>
    %broadcast_in_dim3A_562 = vector.shape_cast %xor3A_12 : vector<16xi32> to vector<16x1xi32>
    %gather3A_563 = vector.shape_cast %broadcast_in_dim3A_562 : vector<16x1xi32> to vector<16xi32>
    %gather3A_564 = tpu.dynamic_gather %add3A_561[%gather3A_563] in [0] : vector<16xf32>, vector<16xi32> -> vector<16xf32>
    %add3A_565 = arith.addf %add3A_561, %gather3A_564 : vector<16xf32>
    %div3A_566 = arith.divf %exp3A_553, %add3A_565 : vector<16xf32>
    %broadcast_in_dim3A_567 = vector.shape_cast %xor3A_6 : vector<16xi32> to vector<16x1xi32>
    %gather3A_568 = vector.shape_cast %broadcast_in_dim3A_567 : vector<16x1xi32> to vector<16xi32>
    %gather3A_569 = tpu.dynamic_gather %div3A_566[%gather3A_568] in [0] : vector<16xf32>, vector<16xi32> -> vector<16xf32>
    %max3A_570 = arith.maximumf %div3A_566, %gather3A_569 : vector<16xf32>
    %broadcast_in_dim3A_571 = vector.shape_cast %xor3A_9 : vector<16xi32> to vector<16x1xi32>
    %gather3A_572 = vector.shape_cast %broadcast_in_dim3A_571 : vector<16x1xi32> to vector<16xi32>
    %gather3A_573 = tpu.dynamic_gather %max3A_570[%gather3A_572] in [0] : vector<16xf32>, vector<16xi32> -> vector<16xf32>
    %max3A_574 = arith.maximumf %max3A_570, %gather3A_573 : vector<16xf32>
    %broadcast_in_dim3A_575 = vector.shape_cast %xor3A_12 : vector<16xi32> to vector<16x1xi32>
    %gather3A_576 = vector.shape_cast %broadcast_in_dim3A_575 : vector<16x1xi32> to vector<16xi32>
    %gather3A_577 = tpu.dynamic_gather %max3A_574[%gather3A_576] in [0] : vector<16xf32>, vector<16xi32> -> vector<16xf32>
    %max3A_578 = arith.maximumf %max3A_574, %gather3A_577 : vector<16xf32>
    %ge3A_579 = arith.cmpf oge, %div3A_566, %max3A_578 : vector<16xf32>
    %jit3A_580 = arith.constant 8 : i32
    %broadcast_in_dim3A_581 = vector.broadcast %jit3A_580 : i32 to vector<16xi32>
    %select_n3A_582 = arith.select %ge3A_579, %and3A_14, %broadcast_in_dim3A_581 : vector<16xi1>, vector<16xi32>
    %broadcast_in_dim3A_583 = vector.shape_cast %xor3A_6 : vector<16xi32> to vector<16x1xi32>
    %gather3A_584 = vector.shape_cast %broadcast_in_dim3A_583 : vector<16x1xi32> to vector<16xi32>
    %gather3A_585 = tpu.dynamic_gather %select_n3A_582[%gather3A_584] in [0] : vector<16xi32>, vector<16xi32> -> vector<16xi32>
    %min3A_586 = arith.minsi %select_n3A_582, %gather3A_585 : vector<16xi32>
    %broadcast_in_dim3A_587 = vector.shape_cast %xor3A_9 : vector<16xi32> to vector<16x1xi32>
    %gather3A_588 = vector.shape_cast %broadcast_in_dim3A_587 : vector<16x1xi32> to vector<16xi32>
    %gather3A_589 = tpu.dynamic_gather %min3A_586[%gather3A_588] in [0] : vector<16xi32>, vector<16xi32> -> vector<16xi32>
    %min3A_590 = arith.minsi %min3A_586, %gather3A_589 : vector<16xi32>
    %broadcast_in_dim3A_591 = vector.shape_cast %xor3A_12 : vector<16xi32> to vector<16x1xi32>
    %gather3A_592 = vector.shape_cast %broadcast_in_dim3A_591 : vector<16x1xi32> to vector<16xi32>
    %gather3A_593 = tpu.dynamic_gather %min3A_590[%gather3A_592] in [0] : vector<16xi32>, vector<16xi32> -> vector<16xi32>
    %min3A_594 = arith.minsi %min3A_590, %gather3A_593 : vector<16xi32>
    %eq3A_595 = arith.cmpi eq, %and3A_14, %min3A_594 : vector<16xi32>
    %jit3A_596 = arith.constant -1.000000e+00 : f32
    %broadcast_in_dim3A_597 = vector.broadcast %jit3A_596 : f32 to vector<16xf32>
    %select_n3A_598 = arith.select %eq3A_595, %broadcast_in_dim3A_597, %div3A_566 : vector<16xi1>, vector<16xf32>
    %broadcast_in_dim3A_599 = vector.shape_cast %xor3A_6 : vector<16xi32> to vector<16x1xi32>
    %gather3A_600 = vector.shape_cast %broadcast_in_dim3A_599 : vector<16x1xi32> to vector<16xi32>
    %gather3A_601 = tpu.dynamic_gather %select_n3A_598[%gather3A_600] in [0] : vector<16xf32>, vector<16xi32> -> vector<16xf32>
    %max3A_602 = arith.maximumf %select_n3A_598, %gather3A_601 : vector<16xf32>
    %broadcast_in_dim3A_603 = vector.shape_cast %xor3A_9 : vector<16xi32> to vector<16x1xi32>
    %gather3A_604 = vector.shape_cast %broadcast_in_dim3A_603 : vector<16x1xi32> to vector<16xi32>
    %gather3A_605 = tpu.dynamic_gather %max3A_602[%gather3A_604] in [0] : vector<16xf32>, vector<16xi32> -> vector<16xf32>
    %max3A_606 = arith.maximumf %max3A_602, %gather3A_605 : vector<16xf32>
    %broadcast_in_dim3A_607 = vector.shape_cast %xor3A_12 : vector<16xi32> to vector<16x1xi32>
    %gather3A_608 = vector.shape_cast %broadcast_in_dim3A_607 : vector<16x1xi32> to vector<16xi32>
    %gather3A_609 = tpu.dynamic_gather %max3A_606[%gather3A_608] in [0] : vector<16xf32>, vector<16xi32> -> vector<16xf32>
    %max3A_610 = arith.maximumf %max3A_606, %gather3A_609 : vector<16xf32>
    %ge3A_611 = arith.cmpf oge, %select_n3A_598, %max3A_610 : vector<16xf32>
    %jit3A_612 = arith.constant 8 : i32
    %broadcast_in_dim3A_613 = vector.broadcast %jit3A_612 : i32 to vector<16xi32>
    %select_n3A_614 = arith.select %ge3A_611, %and3A_14, %broadcast_in_dim3A_613 : vector<16xi1>, vector<16xi32>
    %broadcast_in_dim3A_615 = vector.shape_cast %xor3A_6 : vector<16xi32> to vector<16x1xi32>
    %gather3A_616 = vector.shape_cast %broadcast_in_dim3A_615 : vector<16x1xi32> to vector<16xi32>
    %gather3A_617 = tpu.dynamic_gather %select_n3A_614[%gather3A_616] in [0] : vector<16xi32>, vector<16xi32> -> vector<16xi32>
    %min3A_618 = arith.minsi %select_n3A_614, %gather3A_617 : vector<16xi32>
    %broadcast_in_dim3A_619 = vector.shape_cast %xor3A_9 : vector<16xi32> to vector<16x1xi32>
    %gather3A_620 = vector.shape_cast %broadcast_in_dim3A_619 : vector<16x1xi32> to vector<16xi32>
    %gather3A_621 = tpu.dynamic_gather %min3A_618[%gather3A_620] in [0] : vector<16xi32>, vector<16xi32> -> vector<16xi32>
    %min3A_622 = arith.minsi %min3A_618, %gather3A_621 : vector<16xi32>
    %broadcast_in_dim3A_623 = vector.shape_cast %xor3A_12 : vector<16xi32> to vector<16x1xi32>
    %gather3A_624 = vector.shape_cast %broadcast_in_dim3A_623 : vector<16x1xi32> to vector<16xi32>
    %gather3A_625 = tpu.dynamic_gather %min3A_622[%gather3A_624] in [0] : vector<16xi32>, vector<16xi32> -> vector<16xi32>
    %min3A_626 = arith.minsi %min3A_622, %gather3A_625 : vector<16xi32>
    %eq3A_627 = arith.cmpi eq, %and3A_14, %min3A_626 : vector<16xi32>
    %add3A_628 = arith.addf %max3A_578, %max3A_610 : vector<16xf32>
    %add3A_629 = arith.constant 9.99999997E-7 : f32
    %add3A_630 = vector.broadcast %add3A_629 : f32 to vector<16xf32>
    %add3A_631 = arith.addf %add3A_628, %add3A_630 : vector<16xf32>
    %jit3A_632 = arith.constant 0.000000e+00 : f32
    %broadcast_in_dim3A_633 = vector.broadcast %jit3A_632 : f32 to vector<16xf32>
    %select_n3A_634 = arith.select %eq3A_595, %max3A_578, %broadcast_in_dim3A_633 : vector<16xi1>, vector<16xf32>
    %jit3A_635 = arith.constant 0.000000e+00 : f32
    %broadcast_in_dim3A_636 = vector.broadcast %jit3A_635 : f32 to vector<16xf32>
    %select_n3A_637 = arith.select %eq3A_627, %max3A_610, %broadcast_in_dim3A_636 : vector<16xi1>, vector<16xf32>
    %add3A_638 = arith.addf %select_n3A_634, %select_n3A_637 : vector<16xf32>
    %div3A_639 = arith.divf %add3A_638, %add3A_631 : vector<16xf32>
    %swap3A_640 = arith.constant 80 : index
    %swap3A_641 = tpu.vector_load %arg5[%swap3A_640] {strides = array<i32>} : memref<512xf32, #tpu.memory_space<vmem>>, vector<16xf32>,
    %swap3A_642 = vector.shape_cast %swap3A_641 : vector<16xf32> to vector<16xf32>
    %swap3A_643 = vector.shape_cast %div3A_639 : vector<16xf32> to vector<16xf32>
    tpu.vector_store %arg5[%swap3A_640], %swap3A_643 {strides = array<i32>} : memref<512xf32, #tpu.memory_space<vmem>>, vector<16xf32>,
    %get3A_644 = arith.constant 96 : index
    %get3A_645 = tpu.vector_load %arg4[%get3A_644] {strides = array<i32>} : memref<512xf32, #tpu.memory_space<vmem>>, vector<16xf32>,
    %get3A_646 = vector.shape_cast %get3A_645 : vector<16xf32> to vector<16xf32>
    %broadcast_in_dim3A_647 = vector.shape_cast %xor3A_6 : vector<16xi32> to vector<16x1xi32>
    %gather3A_648 = vector.shape_cast %broadcast_in_dim3A_647 : vector<16x1xi32> to vector<16xi32>
    %gather3A_649 = tpu.dynamic_gather %get3A_646[%gather3A_648] in [0] : vector<16xf32>, vector<16xi32> -> vector<16xf32>
    %max3A_650 = arith.maximumf %get3A_646, %gather3A_649 : vector<16xf32>
    %broadcast_in_dim3A_651 = vector.shape_cast %xor3A_9 : vector<16xi32> to vector<16x1xi32>
    %gather3A_652 = vector.shape_cast %broadcast_in_dim3A_651 : vector<16x1xi32> to vector<16xi32>
    %gather3A_653 = tpu.dynamic_gather %max3A_650[%gather3A_652] in [0] : vector<16xf32>, vector<16xi32> -> vector<16xf32>
    %max3A_654 = arith.maximumf %max3A_650, %gather3A_653 : vector<16xf32>
    %broadcast_in_dim3A_655 = vector.shape_cast %xor3A_12 : vector<16xi32> to vector<16x1xi32>
    %gather3A_656 = vector.shape_cast %broadcast_in_dim3A_655 : vector<16x1xi32> to vector<16xi32>
    %gather3A_657 = tpu.dynamic_gather %max3A_654[%gather3A_656] in [0] : vector<16xf32>, vector<16xi32> -> vector<16xf32>
    %max3A_658 = arith.maximumf %max3A_654, %gather3A_657 : vector<16xf32>
    %sub3A_659 = arith.subf %get3A_646, %max3A_658 : vector<16xf32>
    %exp3A_660 = math.exp %sub3A_659 : vector<16xf32>
    %broadcast_in_dim3A_661 = vector.shape_cast %xor3A_6 : vector<16xi32> to vector<16x1xi32>
    %gather3A_662 = vector.shape_cast %broadcast_in_dim3A_661 : vector<16x1xi32> to vector<16xi32>
    %gather3A_663 = tpu.dynamic_gather %exp3A_660[%gather3A_662] in [0] : vector<16xf32>, vector<16xi32> -> vector<16xf32>
    %add3A_664 = arith.addf %exp3A_660, %gather3A_663 : vector<16xf32>
    %broadcast_in_dim3A_665 = vector.shape_cast %xor3A_9 : vector<16xi32> to vector<16x1xi32>
    %gather3A_666 = vector.shape_cast %broadcast_in_dim3A_665 : vector<16x1xi32> to vector<16xi32>
    %gather3A_667 = tpu.dynamic_gather %add3A_664[%gather3A_666] in [0] : vector<16xf32>, vector<16xi32> -> vector<16xf32>
    %add3A_668 = arith.addf %add3A_664, %gather3A_667 : vector<16xf32>
    %broadcast_in_dim3A_669 = vector.shape_cast %xor3A_12 : vector<16xi32> to vector<16x1xi32>
    %gather3A_670 = vector.shape_cast %broadcast_in_dim3A_669 : vector<16x1xi32> to vector<16xi32>
    %gather3A_671 = tpu.dynamic_gather %add3A_668[%gather3A_670] in [0] : vector<16xf32>, vector<16xi32> -> vector<16xf32>
    %add3A_672 = arith.addf %add3A_668, %gather3A_671 : vector<16xf32>
    %div3A_673 = arith.divf %exp3A_660, %add3A_672 : vector<16xf32>
    %broadcast_in_dim3A_674 = vector.shape_cast %xor3A_6 : vector<16xi32> to vector<16x1xi32>
    %gather3A_675 = vector.shape_cast %broadcast_in_dim3A_674 : vector<16x1xi32> to vector<16xi32>
    %gather3A_676 = tpu.dynamic_gather %div3A_673[%gather3A_675] in [0] : vector<16xf32>, vector<16xi32> -> vector<16xf32>
    %max3A_677 = arith.maximumf %div3A_673, %gather3A_676 : vector<16xf32>
    %broadcast_in_dim3A_678 = vector.shape_cast %xor3A_9 : vector<16xi32> to vector<16x1xi32>
    %gather3A_679 = vector.shape_cast %broadcast_in_dim3A_678 : vector<16x1xi32> to vector<16xi32>
    %gather3A_680 = tpu.dynamic_gather %max3A_677[%gather3A_679] in [0] : vector<16xf32>, vector<16xi32> -> vector<16xf32>
    %max3A_681 = arith.maximumf %max3A_677, %gather3A_680 : vector<16xf32>
    %broadcast_in_dim3A_682 = vector.shape_cast %xor3A_12 : vector<16xi32> to vector<16x1xi32>
    %gather3A_683 = vector.shape_cast %broadcast_in_dim3A_682 : vector<16x1xi32> to vector<16xi32>
    %gather3A_684 = tpu.dynamic_gather %max3A_681[%gather3A_683] in [0] : vector<16xf32>, vector<16xi32> -> vector<16xf32>
    %max3A_685 = arith.maximumf %max3A_681, %gather3A_684 : vector<16xf32>
    %ge3A_686 = arith.cmpf oge, %div3A_673, %max3A_685 : vector<16xf32>
    %jit3A_687 = arith.constant 8 : i32
    %broadcast_in_dim3A_688 = vector.broadcast %jit3A_687 : i32 to vector<16xi32>
    %select_n3A_689 = arith.select %ge3A_686, %and3A_14, %broadcast_in_dim3A_688 : vector<16xi1>, vector<16xi32>
    %broadcast_in_dim3A_690 = vector.shape_cast %xor3A_6 : vector<16xi32> to vector<16x1xi32>
    %gather3A_691 = vector.shape_cast %broadcast_in_dim3A_690 : vector<16x1xi32> to vector<16xi32>
    %gather3A_692 = tpu.dynamic_gather %select_n3A_689[%gather3A_691] in [0] : vector<16xi32>, vector<16xi32> -> vector<16xi32>
    %min3A_693 = arith.minsi %select_n3A_689, %gather3A_692 : vector<16xi32>
    %broadcast_in_dim3A_694 = vector.shape_cast %xor3A_9 : vector<16xi32> to vector<16x1xi32>
    %gather3A_695 = vector.shape_cast %broadcast_in_dim3A_694 : vector<16x1xi32> to vector<16xi32>
    %gather3A_696 = tpu.dynamic_gather %min3A_693[%gather3A_695] in [0] : vector<16xi32>, vector<16xi32> -> vector<16xi32>
    %min3A_697 = arith.minsi %min3A_693, %gather3A_696 : vector<16xi32>
    %broadcast_in_dim3A_698 = vector.shape_cast %xor3A_12 : vector<16xi32> to vector<16x1xi32>
    %gather3A_699 = vector.shape_cast %broadcast_in_dim3A_698 : vector<16x1xi32> to vector<16xi32>
    %gather3A_700 = tpu.dynamic_gather %min3A_697[%gather3A_699] in [0] : vector<16xi32>, vector<16xi32> -> vector<16xi32>
    %min3A_701 = arith.minsi %min3A_697, %gather3A_700 : vector<16xi32>
    %eq3A_702 = arith.cmpi eq, %and3A_14, %min3A_701 : vector<16xi32>
    %jit3A_703 = arith.constant -1.000000e+00 : f32
    %broadcast_in_dim3A_704 = vector.broadcast %jit3A_703 : f32 to vector<16xf32>
    %select_n3A_705 = arith.select %eq3A_702, %broadcast_in_dim3A_704, %div3A_673 : vector<16xi1>, vector<16xf32>
    %broadcast_in_dim3A_706 = vector.shape_cast %xor3A_6 : vector<16xi32> to vector<16x1xi32>
    %gather3A_707 = vector.shape_cast %broadcast_in_dim3A_706 : vector<16x1xi32> to vector<16xi32>
    %gather3A_708 = tpu.dynamic_gather %select_n3A_705[%gather3A_707] in [0] : vector<16xf32>, vector<16xi32> -> vector<16xf32>
    %max3A_709 = arith.maximumf %select_n3A_705, %gather3A_708 : vector<16xf32>
    %broadcast_in_dim3A_710 = vector.shape_cast %xor3A_9 : vector<16xi32> to vector<16x1xi32>
    %gather3A_711 = vector.shape_cast %broadcast_in_dim3A_710 : vector<16x1xi32> to vector<16xi32>
    %gather3A_712 = tpu.dynamic_gather %max3A_709[%gather3A_711] in [0] : vector<16xf32>, vector<16xi32> -> vector<16xf32>
    %max3A_713 = arith.maximumf %max3A_709, %gather3A_712 : vector<16xf32>
    %broadcast_in_dim3A_714 = vector.shape_cast %xor3A_12 : vector<16xi32> to vector<16x1xi32>
    %gather3A_715 = vector.shape_cast %broadcast_in_dim3A_714 : vector<16x1xi32> to vector<16xi32>
    %gather3A_716 = tpu.dynamic_gather %max3A_713[%gather3A_715] in [0] : vector<16xf32>, vector<16xi32> -> vector<16xf32>
    %max3A_717 = arith.maximumf %max3A_713, %gather3A_716 : vector<16xf32>
    %ge3A_718 = arith.cmpf oge, %select_n3A_705, %max3A_717 : vector<16xf32>
    %jit3A_719 = arith.constant 8 : i32
    %broadcast_in_dim3A_720 = vector.broadcast %jit3A_719 : i32 to vector<16xi32>
    %select_n3A_721 = arith.select %ge3A_718, %and3A_14, %broadcast_in_dim3A_720 : vector<16xi1>, vector<16xi32>
    %broadcast_in_dim3A_722 = vector.shape_cast %xor3A_6 : vector<16xi32> to vector<16x1xi32>
    %gather3A_723 = vector.shape_cast %broadcast_in_dim3A_722 : vector<16x1xi32> to vector<16xi32>
    %gather3A_724 = tpu.dynamic_gather %select_n3A_721[%gather3A_723] in [0] : vector<16xi32>, vector<16xi32> -> vector<16xi32>
    %min3A_725 = arith.minsi %select_n3A_721, %gather3A_724 : vector<16xi32>
    %broadcast_in_dim3A_726 = vector.shape_cast %xor3A_9 : vector<16xi32> to vector<16x1xi32>
    %gather3A_727 = vector.shape_cast %broadcast_in_dim3A_726 : vector<16x1xi32> to vector<16xi32>
    %gather3A_728 = tpu.dynamic_gather %min3A_725[%gather3A_727] in [0] : vector<16xi32>, vector<16xi32> -> vector<16xi32>
    %min3A_729 = arith.minsi %min3A_725, %gather3A_728 : vector<16xi32>
    %broadcast_in_dim3A_730 = vector.shape_cast %xor3A_12 : vector<16xi32> to vector<16x1xi32>
    %gather3A_731 = vector.shape_cast %broadcast_in_dim3A_730 : vector<16x1xi32> to vector<16xi32>
    %gather3A_732 = tpu.dynamic_gather %min3A_729[%gather3A_731] in [0] : vector<16xi32>, vector<16xi32> -> vector<16xi32>
    %min3A_733 = arith.minsi %min3A_729, %gather3A_732 : vector<16xi32>
    %eq3A_734 = arith.cmpi eq, %and3A_14, %min3A_733 : vector<16xi32>
    %add3A_735 = arith.addf %max3A_685, %max3A_717 : vector<16xf32>
    %add3A_736 = arith.constant 9.99999997E-7 : f32
    %add3A_737 = vector.broadcast %add3A_736 : f32 to vector<16xf32>
    %add3A_738 = arith.addf %add3A_735, %add3A_737 : vector<16xf32>
    %jit3A_739 = arith.constant 0.000000e+00 : f32
    %broadcast_in_dim3A_740 = vector.broadcast %jit3A_739 : f32 to vector<16xf32>
    %select_n3A_741 = arith.select %eq3A_702, %max3A_685, %broadcast_in_dim3A_740 : vector<16xi1>, vector<16xf32>
    %jit3A_742 = arith.constant 0.000000e+00 : f32
    %broadcast_in_dim3A_743 = vector.broadcast %jit3A_742 : f32 to vector<16xf32>
    %select_n3A_744 = arith.select %eq3A_734, %max3A_717, %broadcast_in_dim3A_743 : vector<16xi1>, vector<16xf32>
    %add3A_745 = arith.addf %select_n3A_741, %select_n3A_744 : vector<16xf32>
    %div3A_746 = arith.divf %add3A_745, %add3A_738 : vector<16xf32>
    %swap3A_747 = arith.constant 96 : index
    %swap3A_748 = tpu.vector_load %arg5[%swap3A_747] {strides = array<i32>} : memref<512xf32, #tpu.memory_space<vmem>>, vector<16xf32>,
    %swap3A_749 = vector.shape_cast %swap3A_748 : vector<16xf32> to vector<16xf32>
    %swap3A_750 = vector.shape_cast %div3A_746 : vector<16xf32> to vector<16xf32>
    tpu.vector_store %arg5[%swap3A_747], %swap3A_750 {strides = array<i32>} : memref<512xf32, #tpu.memory_space<vmem>>, vector<16xf32>,
    %get3A_751 = arith.constant 112 : index
    %get3A_752 = tpu.vector_load %arg4[%get3A_751] {strides = array<i32>} : memref<512xf32, #tpu.memory_space<vmem>>, vector<16xf32>,
    %get3A_753 = vector.shape_cast %get3A_752 : vector<16xf32> to vector<16xf32>
    %broadcast_in_dim3A_754 = vector.shape_cast %xor3A_6 : vector<16xi32> to vector<16x1xi32>
    %gather3A_755 = vector.shape_cast %broadcast_in_dim3A_754 : vector<16x1xi32> to vector<16xi32>
    %gather3A_756 = tpu.dynamic_gather %get3A_753[%gather3A_755] in [0] : vector<16xf32>, vector<16xi32> -> vector<16xf32>
    %max3A_757 = arith.maximumf %get3A_753, %gather3A_756 : vector<16xf32>
    %broadcast_in_dim3A_758 = vector.shape_cast %xor3A_9 : vector<16xi32> to vector<16x1xi32>
    %gather3A_759 = vector.shape_cast %broadcast_in_dim3A_758 : vector<16x1xi32> to vector<16xi32>
    %gather3A_760 = tpu.dynamic_gather %max3A_757[%gather3A_759] in [0] : vector<16xf32>, vector<16xi32> -> vector<16xf32>
    %max3A_761 = arith.maximumf %max3A_757, %gather3A_760 : vector<16xf32>
    %broadcast_in_dim3A_762 = vector.shape_cast %xor3A_12 : vector<16xi32> to vector<16x1xi32>
    %gather3A_763 = vector.shape_cast %broadcast_in_dim3A_762 : vector<16x1xi32> to vector<16xi32>
    %gather3A_764 = tpu.dynamic_gather %max3A_761[%gather3A_763] in [0] : vector<16xf32>, vector<16xi32> -> vector<16xf32>
    %max3A_765 = arith.maximumf %max3A_761, %gather3A_764 : vector<16xf32>
    %sub3A_766 = arith.subf %get3A_753, %max3A_765 : vector<16xf32>
    %exp3A_767 = math.exp %sub3A_766 : vector<16xf32>
    %broadcast_in_dim3A_768 = vector.shape_cast %xor3A_6 : vector<16xi32> to vector<16x1xi32>
    %gather3A_769 = vector.shape_cast %broadcast_in_dim3A_768 : vector<16x1xi32> to vector<16xi32>
    %gather3A_770 = tpu.dynamic_gather %exp3A_767[%gather3A_769] in [0] : vector<16xf32>, vector<16xi32> -> vector<16xf32>
    %add3A_771 = arith.addf %exp3A_767, %gather3A_770 : vector<16xf32>
    %broadcast_in_dim3A_772 = vector.shape_cast %xor3A_9 : vector<16xi32> to vector<16x1xi32>
    %gather3A_773 = vector.shape_cast %broadcast_in_dim3A_772 : vector<16x1xi32> to vector<16xi32>
    %gather3A_774 = tpu.dynamic_gather %add3A_771[%gather3A_773] in [0] : vector<16xf32>, vector<16xi32> -> vector<16xf32>
    %add3A_775 = arith.addf %add3A_771, %gather3A_774 : vector<16xf32>
    %broadcast_in_dim3A_776 = vector.shape_cast %xor3A_12 : vector<16xi32> to vector<16x1xi32>
    %gather3A_777 = vector.shape_cast %broadcast_in_dim3A_776 : vector<16x1xi32> to vector<16xi32>
    %gather3A_778 = tpu.dynamic_gather %add3A_775[%gather3A_777] in [0] : vector<16xf32>, vector<16xi32> -> vector<16xf32>
    %add3A_779 = arith.addf %add3A_775, %gather3A_778 : vector<16xf32>
    %div3A_780 = arith.divf %exp3A_767, %add3A_779 : vector<16xf32>
    %broadcast_in_dim3A_781 = vector.shape_cast %xor3A_6 : vector<16xi32> to vector<16x1xi32>
    %gather3A_782 = vector.shape_cast %broadcast_in_dim3A_781 : vector<16x1xi32> to vector<16xi32>
    %gather3A_783 = tpu.dynamic_gather %div3A_780[%gather3A_782] in [0] : vector<16xf32>, vector<16xi32> -> vector<16xf32>
    %max3A_784 = arith.maximumf %div3A_780, %gather3A_783 : vector<16xf32>
    %broadcast_in_dim3A_785 = vector.shape_cast %xor3A_9 : vector<16xi32> to vector<16x1xi32>
    %gather3A_786 = vector.shape_cast %broadcast_in_dim3A_785 : vector<16x1xi32> to vector<16xi32>
    %gather3A_787 = tpu.dynamic_gather %max3A_784[%gather3A_786] in [0] : vector<16xf32>, vector<16xi32> -> vector<16xf32>
    %max3A_788 = arith.maximumf %max3A_784, %gather3A_787 : vector<16xf32>
    %broadcast_in_dim3A_789 = vector.shape_cast %xor3A_12 : vector<16xi32> to vector<16x1xi32>
    %gather3A_790 = vector.shape_cast %broadcast_in_dim3A_789 : vector<16x1xi32> to vector<16xi32>
    %gather3A_791 = tpu.dynamic_gather %max3A_788[%gather3A_790] in [0] : vector<16xf32>, vector<16xi32> -> vector<16xf32>
    %max3A_792 = arith.maximumf %max3A_788, %gather3A_791 : vector<16xf32>
    %ge3A_793 = arith.cmpf oge, %div3A_780, %max3A_792 : vector<16xf32>
    %jit3A_794 = arith.constant 8 : i32
    %broadcast_in_dim3A_795 = vector.broadcast %jit3A_794 : i32 to vector<16xi32>
    %select_n3A_796 = arith.select %ge3A_793, %and3A_14, %broadcast_in_dim3A_795 : vector<16xi1>, vector<16xi32>
    %broadcast_in_dim3A_797 = vector.shape_cast %xor3A_6 : vector<16xi32> to vector<16x1xi32>
    %gather3A_798 = vector.shape_cast %broadcast_in_dim3A_797 : vector<16x1xi32> to vector<16xi32>
    %gather3A_799 = tpu.dynamic_gather %select_n3A_796[%gather3A_798] in [0] : vector<16xi32>, vector<16xi32> -> vector<16xi32>
    %min3A_800 = arith.minsi %select_n3A_796, %gather3A_799 : vector<16xi32>
    %broadcast_in_dim3A_801 = vector.shape_cast %xor3A_9 : vector<16xi32> to vector<16x1xi32>
    %gather3A_802 = vector.shape_cast %broadcast_in_dim3A_801 : vector<16x1xi32> to vector<16xi32>
    %gather3A_803 = tpu.dynamic_gather %min3A_800[%gather3A_802] in [0] : vector<16xi32>, vector<16xi32> -> vector<16xi32>
    %min3A_804 = arith.minsi %min3A_800, %gather3A_803 : vector<16xi32>
    %broadcast_in_dim3A_805 = vector.shape_cast %xor3A_12 : vector<16xi32> to vector<16x1xi32>
    %gather3A_806 = vector.shape_cast %broadcast_in_dim3A_805 : vector<16x1xi32> to vector<16xi32>
    %gather3A_807 = tpu.dynamic_gather %min3A_804[%gather3A_806] in [0] : vector<16xi32>, vector<16xi32> -> vector<16xi32>
    %min3A_808 = arith.minsi %min3A_804, %gather3A_807 : vector<16xi32>
    %eq3A_809 = arith.cmpi eq, %and3A_14, %min3A_808 : vector<16xi32>
    %jit3A_810 = arith.constant -1.000000e+00 : f32
    %broadcast_in_dim3A_811 = vector.broadcast %jit3A_810 : f32 to vector<16xf32>
    %select_n3A_812 = arith.select %eq3A_809, %broadcast_in_dim3A_811, %div3A_780 : vector<16xi1>, vector<16xf32>
    %broadcast_in_dim3A_813 = vector.shape_cast %xor3A_6 : vector<16xi32> to vector<16x1xi32>
    %gather3A_814 = vector.shape_cast %broadcast_in_dim3A_813 : vector<16x1xi32> to vector<16xi32>
    %gather3A_815 = tpu.dynamic_gather %select_n3A_812[%gather3A_814] in [0] : vector<16xf32>, vector<16xi32> -> vector<16xf32>
    %max3A_816 = arith.maximumf %select_n3A_812, %gather3A_815 : vector<16xf32>
    %broadcast_in_dim3A_817 = vector.shape_cast %xor3A_9 : vector<16xi32> to vector<16x1xi32>
    %gather3A_818 = vector.shape_cast %broadcast_in_dim3A_817 : vector<16x1xi32> to vector<16xi32>
    %gather3A_819 = tpu.dynamic_gather %max3A_816[%gather3A_818] in [0] : vector<16xf32>, vector<16xi32> -> vector<16xf32>
    %max3A_820 = arith.maximumf %max3A_816, %gather3A_819 : vector<16xf32>
    %broadcast_in_dim3A_821 = vector.shape_cast %xor3A_12 : vector<16xi32> to vector<16x1xi32>
    %gather3A_822 = vector.shape_cast %broadcast_in_dim3A_821 : vector<16x1xi32> to vector<16xi32>
    %gather3A_823 = tpu.dynamic_gather %max3A_820[%gather3A_822] in [0] : vector<16xf32>, vector<16xi32> -> vector<16xf32>
    %max3A_824 = arith.maximumf %max3A_820, %gather3A_823 : vector<16xf32>
    %ge3A_825 = arith.cmpf oge, %select_n3A_812, %max3A_824 : vector<16xf32>
    %jit3A_826 = arith.constant 8 : i32
    %broadcast_in_dim3A_827 = vector.broadcast %jit3A_826 : i32 to vector<16xi32>
    %select_n3A_828 = arith.select %ge3A_825, %and3A_14, %broadcast_in_dim3A_827 : vector<16xi1>, vector<16xi32>
    %broadcast_in_dim3A_829 = vector.shape_cast %xor3A_6 : vector<16xi32> to vector<16x1xi32>
    %gather3A_830 = vector.shape_cast %broadcast_in_dim3A_829 : vector<16x1xi32> to vector<16xi32>
    %gather3A_831 = tpu.dynamic_gather %select_n3A_828[%gather3A_830] in [0] : vector<16xi32>, vector<16xi32> -> vector<16xi32>
    %min3A_832 = arith.minsi %select_n3A_828, %gather3A_831 : vector<16xi32>
    %broadcast_in_dim3A_833 = vector.shape_cast %xor3A_9 : vector<16xi32> to vector<16x1xi32>
    %gather3A_834 = vector.shape_cast %broadcast_in_dim3A_833 : vector<16x1xi32> to vector<16xi32>
    %gather3A_835 = tpu.dynamic_gather %min3A_832[%gather3A_834] in [0] : vector<16xi32>, vector<16xi32> -> vector<16xi32>
    %min3A_836 = arith.minsi %min3A_832, %gather3A_835 : vector<16xi32>
    %broadcast_in_dim3A_837 = vector.shape_cast %xor3A_12 : vector<16xi32> to vector<16x1xi32>
    %gather3A_838 = vector.shape_cast %broadcast_in_dim3A_837 : vector<16x1xi32> to vector<16xi32>
    %gather3A_839 = tpu.dynamic_gather %min3A_836[%gather3A_838] in [0] : vector<16xi32>, vector<16xi32> -> vector<16xi32>
    %min3A_840 = arith.minsi %min3A_836, %gather3A_839 : vector<16xi32>
    %eq3A_841 = arith.cmpi eq, %and3A_14, %min3A_840 : vector<16xi32>
    %add3A_842 = arith.addf %max3A_792, %max3A_824 : vector<16xf32>
    %add3A_843 = arith.constant 9.99999997E-7 : f32
    %add3A_844 = vector.broadcast %add3A_843 : f32 to vector<16xf32>
    %add3A_845 = arith.addf %add3A_842, %add3A_844 : vector<16xf32>
    %jit3A_846 = arith.constant 0.000000e+00 : f32
    %broadcast_in_dim3A_847 = vector.broadcast %jit3A_846 : f32 to vector<16xf32>
    %select_n3A_848 = arith.select %eq3A_809, %max3A_792, %broadcast_in_dim3A_847 : vector<16xi1>, vector<16xf32>
    %jit3A_849 = arith.constant 0.000000e+00 : f32
    %broadcast_in_dim3A_850 = vector.broadcast %jit3A_849 : f32 to vector<16xf32>
    %select_n3A_851 = arith.select %eq3A_841, %max3A_824, %broadcast_in_dim3A_850 : vector<16xi1>, vector<16xf32>
    %add3A_852 = arith.addf %select_n3A_848, %select_n3A_851 : vector<16xf32>
    %div3A_853 = arith.divf %add3A_852, %add3A_845 : vector<16xf32>
    %swap3A_854 = arith.constant 112 : index
    %swap3A_855 = tpu.vector_load %arg5[%swap3A_854] {strides = array<i32>} : memref<512xf32, #tpu.memory_space<vmem>>, vector<16xf32>,
    %swap3A_856 = vector.shape_cast %swap3A_855 : vector<16xf32> to vector<16xf32>
    %swap3A_857 = vector.shape_cast %div3A_853 : vector<16xf32> to vector<16xf32>
    tpu.vector_store %arg5[%swap3A_854], %swap3A_857 {strides = array<i32>} : memref<512xf32, #tpu.memory_space<vmem>>, vector<16xf32>,
    %get3A_858 = arith.constant 128 : index
    %get3A_859 = tpu.vector_load %arg4[%get3A_858] {strides = array<i32>} : memref<512xf32, #tpu.memory_space<vmem>>, vector<16xf32>,
    %get3A_860 = vector.shape_cast %get3A_859 : vector<16xf32> to vector<16xf32>
    %broadcast_in_dim3A_861 = vector.shape_cast %xor3A_6 : vector<16xi32> to vector<16x1xi32>
    %gather3A_862 = vector.shape_cast %broadcast_in_dim3A_861 : vector<16x1xi32> to vector<16xi32>
    %gather3A_863 = tpu.dynamic_gather %get3A_860[%gather3A_862] in [0] : vector<16xf32>, vector<16xi32> -> vector<16xf32>
    %max3A_864 = arith.maximumf %get3A_860, %gather3A_863 : vector<16xf32>
    %broadcast_in_dim3A_865 = vector.shape_cast %xor3A_9 : vector<16xi32> to vector<16x1xi32>
    %gather3A_866 = vector.shape_cast %broadcast_in_dim3A_865 : vector<16x1xi32> to vector<16xi32>
    %gather3A_867 = tpu.dynamic_gather %max3A_864[%gather3A_866] in [0] : vector<16xf32>, vector<16xi32> -> vector<16xf32>
    %max3A_868 = arith.maximumf %max3A_864, %gather3A_867 : vector<16xf32>
    %broadcast_in_dim3A_869 = vector.shape_cast %xor3A_12 : vector<16xi32> to vector<16x1xi32>
    %gather3A_870 = vector.shape_cast %broadcast_in_dim3A_869 : vector<16x1xi32> to vector<16xi32>
    %gather3A_871 = tpu.dynamic_gather %max3A_868[%gather3A_870] in [0] : vector<16xf32>, vector<16xi32> -> vector<16xf32>
    %max3A_872 = arith.maximumf %max3A_868, %gather3A_871 : vector<16xf32>
    %sub3A_873 = arith.subf %get3A_860, %max3A_872 : vector<16xf32>
    %exp3A_874 = math.exp %sub3A_873 : vector<16xf32>
    %broadcast_in_dim3A_875 = vector.shape_cast %xor3A_6 : vector<16xi32> to vector<16x1xi32>
    %gather3A_876 = vector.shape_cast %broadcast_in_dim3A_875 : vector<16x1xi32> to vector<16xi32>
    %gather3A_877 = tpu.dynamic_gather %exp3A_874[%gather3A_876] in [0] : vector<16xf32>, vector<16xi32> -> vector<16xf32>
    %add3A_878 = arith.addf %exp3A_874, %gather3A_877 : vector<16xf32>
    %broadcast_in_dim3A_879 = vector.shape_cast %xor3A_9 : vector<16xi32> to vector<16x1xi32>
    %gather3A_880 = vector.shape_cast %broadcast_in_dim3A_879 : vector<16x1xi32> to vector<16xi32>
    %gather3A_881 = tpu.dynamic_gather %add3A_878[%gather3A_880] in [0] : vector<16xf32>, vector<16xi32> -> vector<16xf32>
    %add3A_882 = arith.addf %add3A_878, %gather3A_881 : vector<16xf32>
    %broadcast_in_dim3A_883 = vector.shape_cast %xor3A_12 : vector<16xi32> to vector<16x1xi32>
    %gather3A_884 = vector.shape_cast %broadcast_in_dim3A_883 : vector<16x1xi32> to vector<16xi32>
    %gather3A_885 = tpu.dynamic_gather %add3A_882[%gather3A_884] in [0] : vector<16xf32>, vector<16xi32> -> vector<16xf32>
    %add3A_886 = arith.addf %add3A_882, %gather3A_885 : vector<16xf32>
    %div3A_887 = arith.divf %exp3A_874, %add3A_886 : vector<16xf32>
    %broadcast_in_dim3A_888 = vector.shape_cast %xor3A_6 : vector<16xi32> to vector<16x1xi32>
    %gather3A_889 = vector.shape_cast %broadcast_in_dim3A_888 : vector<16x1xi32> to vector<16xi32>
    %gather3A_890 = tpu.dynamic_gather %div3A_887[%gather3A_889] in [0] : vector<16xf32>, vector<16xi32> -> vector<16xf32>
    %max3A_891 = arith.maximumf %div3A_887, %gather3A_890 : vector<16xf32>
    %broadcast_in_dim3A_892 = vector.shape_cast %xor3A_9 : vector<16xi32> to vector<16x1xi32>
    %gather3A_893 = vector.shape_cast %broadcast_in_dim3A_892 : vector<16x1xi32> to vector<16xi32>
    %gather3A_894 = tpu.dynamic_gather %max3A_891[%gather3A_893] in [0] : vector<16xf32>, vector<16xi32> -> vector<16xf32>
    %max3A_895 = arith.maximumf %max3A_891, %gather3A_894 : vector<16xf32>
    %broadcast_in_dim3A_896 = vector.shape_cast %xor3A_12 : vector<16xi32> to vector<16x1xi32>
    %gather3A_897 = vector.shape_cast %broadcast_in_dim3A_896 : vector<16x1xi32> to vector<16xi32>
    %gather3A_898 = tpu.dynamic_gather %max3A_895[%gather3A_897] in [0] : vector<16xf32>, vector<16xi32> -> vector<16xf32>
    %max3A_899 = arith.maximumf %max3A_895, %gather3A_898 : vector<16xf32>
    %ge3A_900 = arith.cmpf oge, %div3A_887, %max3A_899 : vector<16xf32>
    %jit3A_901 = arith.constant 8 : i32
    %broadcast_in_dim3A_902 = vector.broadcast %jit3A_901 : i32 to vector<16xi32>
    %select_n3A_903 = arith.select %ge3A_900, %and3A_14, %broadcast_in_dim3A_902 : vector<16xi1>, vector<16xi32>
    %broadcast_in_dim3A_904 = vector.shape_cast %xor3A_6 : vector<16xi32> to vector<16x1xi32>
    %gather3A_905 = vector.shape_cast %broadcast_in_dim3A_904 : vector<16x1xi32> to vector<16xi32>
    %gather3A_906 = tpu.dynamic_gather %select_n3A_903[%gather3A_905] in [0] : vector<16xi32>, vector<16xi32> -> vector<16xi32>
    %min3A_907 = arith.minsi %select_n3A_903, %gather3A_906 : vector<16xi32>
    %broadcast_in_dim3A_908 = vector.shape_cast %xor3A_9 : vector<16xi32> to vector<16x1xi32>
    %gather3A_909 = vector.shape_cast %broadcast_in_dim3A_908 : vector<16x1xi32> to vector<16xi32>
    %gather3A_910 = tpu.dynamic_gather %min3A_907[%gather3A_909] in [0] : vector<16xi32>, vector<16xi32> -> vector<16xi32>
    %min3A_911 = arith.minsi %min3A_907, %gather3A_910 : vector<16xi32>
    %broadcast_in_dim3A_912 = vector.shape_cast %xor3A_12 : vector<16xi32> to vector<16x1xi32>
    %gather3A_913 = vector.shape_cast %broadcast_in_dim3A_912 : vector<16x1xi32> to vector<16xi32>
    %gather3A_914 = tpu.dynamic_gather %min3A_911[%gather3A_913] in [0] : vector<16xi32>, vector<16xi32> -> vector<16xi32>
    %min3A_915 = arith.minsi %min3A_911, %gather3A_914 : vector<16xi32>
    %eq3A_916 = arith.cmpi eq, %and3A_14, %min3A_915 : vector<16xi32>
    %jit3A_917 = arith.constant -1.000000e+00 : f32
    %broadcast_in_dim3A_918 = vector.broadcast %jit3A_917 : f32 to vector<16xf32>
    %select_n3A_919 = arith.select %eq3A_916, %broadcast_in_dim3A_918, %div3A_887 : vector<16xi1>, vector<16xf32>
    %broadcast_in_dim3A_920 = vector.shape_cast %xor3A_6 : vector<16xi32> to vector<16x1xi32>
    %gather3A_921 = vector.shape_cast %broadcast_in_dim3A_920 : vector<16x1xi32> to vector<16xi32>
    %gather3A_922 = tpu.dynamic_gather %select_n3A_919[%gather3A_921] in [0] : vector<16xf32>, vector<16xi32> -> vector<16xf32>
    %max3A_923 = arith.maximumf %select_n3A_919, %gather3A_922 : vector<16xf32>
    %broadcast_in_dim3A_924 = vector.shape_cast %xor3A_9 : vector<16xi32> to vector<16x1xi32>
    %gather3A_925 = vector.shape_cast %broadcast_in_dim3A_924 : vector<16x1xi32> to vector<16xi32>
    %gather3A_926 = tpu.dynamic_gather %max3A_923[%gather3A_925] in [0] : vector<16xf32>, vector<16xi32> -> vector<16xf32>
    %max3A_927 = arith.maximumf %max3A_923, %gather3A_926 : vector<16xf32>
    %broadcast_in_dim3A_928 = vector.shape_cast %xor3A_12 : vector<16xi32> to vector<16x1xi32>
    %gather3A_929 = vector.shape_cast %broadcast_in_dim3A_928 : vector<16x1xi32> to vector<16xi32>
    %gather3A_930 = tpu.dynamic_gather %max3A_927[%gather3A_929] in [0] : vector<16xf32>, vector<16xi32> -> vector<16xf32>
    %max3A_931 = arith.maximumf %max3A_927, %gather3A_930 : vector<16xf32>
    %ge3A_932 = arith.cmpf oge, %select_n3A_919, %max3A_931 : vector<16xf32>
    %jit3A_933 = arith.constant 8 : i32
    %broadcast_in_dim3A_934 = vector.broadcast %jit3A_933 : i32 to vector<16xi32>
    %select_n3A_935 = arith.select %ge3A_932, %and3A_14, %broadcast_in_dim3A_934 : vector<16xi1>, vector<16xi32>
    %broadcast_in_dim3A_936 = vector.shape_cast %xor3A_6 : vector<16xi32> to vector<16x1xi32>
    %gather3A_937 = vector.shape_cast %broadcast_in_dim3A_936 : vector<16x1xi32> to vector<16xi32>
    %gather3A_938 = tpu.dynamic_gather %select_n3A_935[%gather3A_937] in [0] : vector<16xi32>, vector<16xi32> -> vector<16xi32>
    %min3A_939 = arith.minsi %select_n3A_935, %gather3A_938 : vector<16xi32>
    %broadcast_in_dim3A_940 = vector.shape_cast %xor3A_9 : vector<16xi32> to vector<16x1xi32>
    %gather3A_941 = vector.shape_cast %broadcast_in_dim3A_940 : vector<16x1xi32> to vector<16xi32>
    %gather3A_942 = tpu.dynamic_gather %min3A_939[%gather3A_941] in [0] : vector<16xi32>, vector<16xi32> -> vector<16xi32>
    %min3A_943 = arith.minsi %min3A_939, %gather3A_942 : vector<16xi32>
    %broadcast_in_dim3A_944 = vector.shape_cast %xor3A_12 : vector<16xi32> to vector<16x1xi32>
    %gather3A_945 = vector.shape_cast %broadcast_in_dim3A_944 : vector<16x1xi32> to vector<16xi32>
    %gather3A_946 = tpu.dynamic_gather %min3A_943[%gather3A_945] in [0] : vector<16xi32>, vector<16xi32> -> vector<16xi32>
    %min3A_947 = arith.minsi %min3A_943, %gather3A_946 : vector<16xi32>
    %eq3A_948 = arith.cmpi eq, %and3A_14, %min3A_947 : vector<16xi32>
    %add3A_949 = arith.addf %max3A_899, %max3A_931 : vector<16xf32>
    %add3A_950 = arith.constant 9.99999997E-7 : f32
    %add3A_951 = vector.broadcast %add3A_950 : f32 to vector<16xf32>
    %add3A_952 = arith.addf %add3A_949, %add3A_951 : vector<16xf32>
    %jit3A_953 = arith.constant 0.000000e+00 : f32
    %broadcast_in_dim3A_954 = vector.broadcast %jit3A_953 : f32 to vector<16xf32>
    %select_n3A_955 = arith.select %eq3A_916, %max3A_899, %broadcast_in_dim3A_954 : vector<16xi1>, vector<16xf32>
    %jit3A_956 = arith.constant 0.000000e+00 : f32
    %broadcast_in_dim3A_957 = vector.broadcast %jit3A_956 : f32 to vector<16xf32>
    %select_n3A_958 = arith.select %eq3A_948, %max3A_931, %broadcast_in_dim3A_957 : vector<16xi1>, vector<16xf32>
    %add3A_959 = arith.addf %select_n3A_955, %select_n3A_958 : vector<16xf32>
    %div3A_960 = arith.divf %add3A_959, %add3A_952 : vector<16xf32>
    %swap3A_961 = arith.constant 128 : index
    %swap3A_962 = tpu.vector_load %arg5[%swap3A_961] {strides = array<i32>} : memref<512xf32, #tpu.memory_space<vmem>>, vector<16xf32>,
    %swap3A_963 = vector.shape_cast %swap3A_962 : vector<16xf32> to vector<16xf32>
    %swap3A_964 = vector.shape_cast %div3A_960 : vector<16xf32> to vector<16xf32>
    tpu.vector_store %arg5[%swap3A_961], %swap3A_964 {strides = array<i32>} : memref<512xf32, #tpu.memory_space<vmem>>, vector<16xf32>,
    %get3A_965 = arith.constant 144 : index
    %get3A_966 = tpu.vector_load %arg4[%get3A_965] {strides = array<i32>} : memref<512xf32, #tpu.memory_space<vmem>>, vector<16xf32>,
    %get3A_967 = vector.shape_cast %get3A_966 : vector<16xf32> to vector<16xf32>
    %broadcast_in_dim3A_968 = vector.shape_cast %xor3A_6 : vector<16xi32> to vector<16x1xi32>
    %gather3A_969 = vector.shape_cast %broadcast_in_dim3A_968 : vector<16x1xi32> to vector<16xi32>
    %gather3A_970 = tpu.dynamic_gather %get3A_967[%gather3A_969] in [0] : vector<16xf32>, vector<16xi32> -> vector<16xf32>
    %max3A_971 = arith.maximumf %get3A_967, %gather3A_970 : vector<16xf32>
    %broadcast_in_dim3A_972 = vector.shape_cast %xor3A_9 : vector<16xi32> to vector<16x1xi32>
    %gather3A_973 = vector.shape_cast %broadcast_in_dim3A_972 : vector<16x1xi32> to vector<16xi32>
    %gather3A_974 = tpu.dynamic_gather %max3A_971[%gather3A_973] in [0] : vector<16xf32>, vector<16xi32> -> vector<16xf32>
    %max3A_975 = arith.maximumf %max3A_971, %gather3A_974 : vector<16xf32>
    %broadcast_in_dim3A_976 = vector.shape_cast %xor3A_12 : vector<16xi32> to vector<16x1xi32>
    %gather3A_977 = vector.shape_cast %broadcast_in_dim3A_976 : vector<16x1xi32> to vector<16xi32>
    %gather3A_978 = tpu.dynamic_gather %max3A_975[%gather3A_977] in [0] : vector<16xf32>, vector<16xi32> -> vector<16xf32>
    %max3A_979 = arith.maximumf %max3A_975, %gather3A_978 : vector<16xf32>
    %sub3A_980 = arith.subf %get3A_967, %max3A_979 : vector<16xf32>
    %exp3A_981 = math.exp %sub3A_980 : vector<16xf32>
    %broadcast_in_dim3A_982 = vector.shape_cast %xor3A_6 : vector<16xi32> to vector<16x1xi32>
    %gather3A_983 = vector.shape_cast %broadcast_in_dim3A_982 : vector<16x1xi32> to vector<16xi32>
    %gather3A_984 = tpu.dynamic_gather %exp3A_981[%gather3A_983] in [0] : vector<16xf32>, vector<16xi32> -> vector<16xf32>
    %add3A_985 = arith.addf %exp3A_981, %gather3A_984 : vector<16xf32>
    %broadcast_in_dim3A_986 = vector.shape_cast %xor3A_9 : vector<16xi32> to vector<16x1xi32>
    %gather3A_987 = vector.shape_cast %broadcast_in_dim3A_986 : vector<16x1xi32> to vector<16xi32>
    %gather3A_988 = tpu.dynamic_gather %add3A_985[%gather3A_987] in [0] : vector<16xf32>, vector<16xi32> -> vector<16xf32>
    %add3A_989 = arith.addf %add3A_985, %gather3A_988 : vector<16xf32>
    %broadcast_in_dim3A_990 = vector.shape_cast %xor3A_12 : vector<16xi32> to vector<16x1xi32>
    %gather3A_991 = vector.shape_cast %broadcast_in_dim3A_990 : vector<16x1xi32> to vector<16xi32>
    %gather3A_992 = tpu.dynamic_gather %add3A_989[%gather3A_991] in [0] : vector<16xf32>, vector<16xi32> -> vector<16xf32>
    %add3A_993 = arith.addf %add3A_989, %gather3A_992 : vector<16xf32>
    %div3A_994 = arith.divf %exp3A_981, %add3A_993 : vector<16xf32>
    %broadcast_in_dim3A_995 = vector.shape_cast %xor3A_6 : vector<16xi32> to vector<16x1xi32>
    %gather3A_996 = vector.shape_cast %broadcast_in_dim3A_995 : vector<16x1xi32> to vector<16xi32>
    %gather3A_997 = tpu.dynamic_gather %div3A_994[%gather3A_996] in [0] : vector<16xf32>, vector<16xi32> -> vector<16xf32>
    %max3A_998 = arith.maximumf %div3A_994, %gather3A_997 : vector<16xf32>
    %broadcast_in_dim3A_999 = vector.shape_cast %xor3A_9 : vector<16xi32> to vector<16x1xi32>
    %gather3A_1000 = vector.shape_cast %broadcast_in_dim3A_999 : vector<16x1xi32> to vector<16xi32>
    %gather3A_1001 = tpu.dynamic_gather %max3A_998[%gather3A_1000] in [0] : vector<16xf32>, vector<16xi32> -> vector<16xf32>
    %max3A_1002 = arith.maximumf %max3A_998, %gather3A_1001 : vector<16xf32>
    %broadcast_in_dim3A_1003 = vector.shape_cast %xor3A_12 : vector<16xi32> to vector<16x1xi32>
    %gather3A_1004 = vector.shape_cast %broadcast_in_dim3A_1003 : vector<16x1xi32> to vector<16xi32>
    %gather3A_1005 = tpu.dynamic_gather %max3A_1002[%gather3A_1004] in [0] : vector<16xf32>, vector<16xi32> -> vector<16xf32>
    %max3A_1006 = arith.maximumf %max3A_1002, %gather3A_1005 : vector<16xf32>
    %ge3A_1007 = arith.cmpf oge, %div3A_994, %max3A_1006 : vector<16xf32>
    %jit3A_1008 = arith.constant 8 : i32
    %broadcast_in_dim3A_1009 = vector.broadcast %jit3A_1008 : i32 to vector<16xi32>
    %select_n3A_1010 = arith.select %ge3A_1007, %and3A_14, %broadcast_in_dim3A_1009 : vector<16xi1>, vector<16xi32>
    %broadcast_in_dim3A_1011 = vector.shape_cast %xor3A_6 : vector<16xi32> to vector<16x1xi32>
    %gather3A_1012 = vector.shape_cast %broadcast_in_dim3A_1011 : vector<16x1xi32> to vector<16xi32>
    %gather3A_1013 = tpu.dynamic_gather %select_n3A_1010[%gather3A_1012] in [0] : vector<16xi32>, vector<16xi32> -> vector<16xi32>
    %min3A_1014 = arith.minsi %select_n3A_1010, %gather3A_1013 : vector<16xi32>
    %broadcast_in_dim3A_1015 = vector.shape_cast %xor3A_9 : vector<16xi32> to vector<16x1xi32>
    %gather3A_1016 = vector.shape_cast %broadcast_in_dim3A_1015 : vector<16x1xi32> to vector<16xi32>
    %gather3A_1017 = tpu.dynamic_gather %min3A_1014[%gather3A_1016] in [0] : vector<16xi32>, vector<16xi32> -> vector<16xi32>
    %min3A_1018 = arith.minsi %min3A_1014, %gather3A_1017 : vector<16xi32>
    %broadcast_in_dim3A_1019 = vector.shape_cast %xor3A_12 : vector<16xi32> to vector<16x1xi32>
    %gather3A_1020 = vector.shape_cast %broadcast_in_dim3A_1019 : vector<16x1xi32> to vector<16xi32>
    %gather3A_1021 = tpu.dynamic_gather %min3A_1018[%gather3A_1020] in [0] : vector<16xi32>, vector<16xi32> -> vector<16xi32>
    %min3A_1022 = arith.minsi %min3A_1018, %gather3A_1021 : vector<16xi32>
    %eq3A_1023 = arith.cmpi eq, %and3A_14, %min3A_1022 : vector<16xi32>
    %jit3A_1024 = arith.constant -1.000000e+00 : f32
    %broadcast_in_dim3A_1025 = vector.broadcast %jit3A_1024 : f32 to vector<16xf32>
    %select_n3A_1026 = arith.select %eq3A_1023, %broadcast_in_dim3A_1025, %div3A_994 : vector<16xi1>, vector<16xf32>
    %broadcast_in_dim3A_1027 = vector.shape_cast %xor3A_6 : vector<16xi32> to vector<16x1xi32>
    %gather3A_1028 = vector.shape_cast %broadcast_in_dim3A_1027 : vector<16x1xi32> to vector<16xi32>
    %gather3A_1029 = tpu.dynamic_gather %select_n3A_1026[%gather3A_1028] in [0] : vector<16xf32>, vector<16xi32> -> vector<16xf32>
    %max3A_1030 = arith.maximumf %select_n3A_1026, %gather3A_1029 : vector<16xf32>
    %broadcast_in_dim3A_1031 = vector.shape_cast %xor3A_9 : vector<16xi32> to vector<16x1xi32>
    %gather3A_1032 = vector.shape_cast %broadcast_in_dim3A_1031 : vector<16x1xi32> to vector<16xi32>
    %gather3A_1033 = tpu.dynamic_gather %max3A_1030[%gather3A_1032] in [0] : vector<16xf32>, vector<16xi32> -> vector<16xf32>
    %max3A_1034 = arith.maximumf %max3A_1030, %gather3A_1033 : vector<16xf32>
    %broadcast_in_dim3A_1035 = vector.shape_cast %xor3A_12 : vector<16xi32> to vector<16x1xi32>
    %gather3A_1036 = vector.shape_cast %broadcast_in_dim3A_1035 : vector<16x1xi32> to vector<16xi32>
    %gather3A_1037 = tpu.dynamic_gather %max3A_1034[%gather3A_1036] in [0] : vector<16xf32>, vector<16xi32> -> vector<16xf32>
    %max3A_1038 = arith.maximumf %max3A_1034, %gather3A_1037 : vector<16xf32>
    %ge3A_1039 = arith.cmpf oge, %select_n3A_1026, %max3A_1038 : vector<16xf32>
    %jit3A_1040 = arith.constant 8 : i32
    %broadcast_in_dim3A_1041 = vector.broadcast %jit3A_1040 : i32 to vector<16xi32>
    %select_n3A_1042 = arith.select %ge3A_1039, %and3A_14, %broadcast_in_dim3A_1041 : vector<16xi1>, vector<16xi32>
    %broadcast_in_dim3A_1043 = vector.shape_cast %xor3A_6 : vector<16xi32> to vector<16x1xi32>
    %gather3A_1044 = vector.shape_cast %broadcast_in_dim3A_1043 : vector<16x1xi32> to vector<16xi32>
    %gather3A_1045 = tpu.dynamic_gather %select_n3A_1042[%gather3A_1044] in [0] : vector<16xi32>, vector<16xi32> -> vector<16xi32>
    %min3A_1046 = arith.minsi %select_n3A_1042, %gather3A_1045 : vector<16xi32>
    %broadcast_in_dim3A_1047 = vector.shape_cast %xor3A_9 : vector<16xi32> to vector<16x1xi32>
    %gather3A_1048 = vector.shape_cast %broadcast_in_dim3A_1047 : vector<16x1xi32> to vector<16xi32>
    %gather3A_1049 = tpu.dynamic_gather %min3A_1046[%gather3A_1048] in [0] : vector<16xi32>, vector<16xi32> -> vector<16xi32>
    %min3A_1050 = arith.minsi %min3A_1046, %gather3A_1049 : vector<16xi32>
    %broadcast_in_dim3A_1051 = vector.shape_cast %xor3A_12 : vector<16xi32> to vector<16x1xi32>
    %gather3A_1052 = vector.shape_cast %broadcast_in_dim3A_1051 : vector<16x1xi32> to vector<16xi32>
    %gather3A_1053 = tpu.dynamic_gather %min3A_1050[%gather3A_1052] in [0] : vector<16xi32>, vector<16xi32> -> vector<16xi32>
    %min3A_1054 = arith.minsi %min3A_1050, %gather3A_1053 : vector<16xi32>
    %eq3A_1055 = arith.cmpi eq, %and3A_14, %min3A_1054 : vector<16xi32>
    %add3A_1056 = arith.addf %max3A_1006, %max3A_1038 : vector<16xf32>
    %add3A_1057 = arith.constant 9.99999997E-7 : f32
    %add3A_1058 = vector.broadcast %add3A_1057 : f32 to vector<16xf32>
    %add3A_1059 = arith.addf %add3A_1056, %add3A_1058 : vector<16xf32>
    %jit3A_1060 = arith.constant 0.000000e+00 : f32
    %broadcast_in_dim3A_1061 = vector.broadcast %jit3A_1060 : f32 to vector<16xf32>
    %select_n3A_1062 = arith.select %eq3A_1023, %max3A_1006, %broadcast_in_dim3A_1061 : vector<16xi1>, vector<16xf32>
    %jit3A_1063 = arith.constant 0.000000e+00 : f32
    %broadcast_in_dim3A_1064 = vector.broadcast %jit3A_1063 : f32 to vector<16xf32>
    %select_n3A_1065 = arith.select %eq3A_1055, %max3A_1038, %broadcast_in_dim3A_1064 : vector<16xi1>, vector<16xf32>
    %add3A_1066 = arith.addf %select_n3A_1062, %select_n3A_1065 : vector<16xf32>
    %div3A_1067 = arith.divf %add3A_1066, %add3A_1059 : vector<16xf32>
    %swap3A_1068 = arith.constant 144 : index
    %swap3A_1069 = tpu.vector_load %arg5[%swap3A_1068] {strides = array<i32>} : memref<512xf32, #tpu.memory_space<vmem>>, vector<16xf32>,
    %swap3A_1070 = vector.shape_cast %swap3A_1069 : vector<16xf32> to vector<16xf32>
    %swap3A_1071 = vector.shape_cast %div3A_1067 : vector<16xf32> to vector<16xf32>
    tpu.vector_store %arg5[%swap3A_1068], %swap3A_1071 {strides = array<i32>} : memref<512xf32, #tpu.memory_space<vmem>>, vector<16xf32>,
    %get3A_1072 = arith.constant 160 : index
    %get3A_1073 = tpu.vector_load %arg4[%get3A_1072] {strides = array<i32>} : memref<512xf32, #tpu.memory_space<vmem>>, vector<16xf32>,
    %get3A_1074 = vector.shape_cast %get3A_1073 : vector<16xf32> to vector<16xf32>
    %broadcast_in_dim3A_1075 = vector.shape_cast %xor3A_6 : vector<16xi32> to vector<16x1xi32>
    %gather3A_1076 = vector.shape_cast %broadcast_in_dim3A_1075 : vector<16x1xi32> to vector<16xi32>
    %gather3A_1077 = tpu.dynamic_gather %get3A_1074[%gather3A_1076] in [0] : vector<16xf32>, vector<16xi32> -> vector<16xf32>
    %max3A_1078 = arith.maximumf %get3A_1074, %gather3A_1077 : vector<16xf32>
    %broadcast_in_dim3A_1079 = vector.shape_cast %xor3A_9 : vector<16xi32> to vector<16x1xi32>
    %gather3A_1080 = vector.shape_cast %broadcast_in_dim3A_1079 : vector<16x1xi32> to vector<16xi32>
    %gather3A_1081 = tpu.dynamic_gather %max3A_1078[%gather3A_1080] in [0] : vector<16xf32>, vector<16xi32> -> vector<16xf32>
    %max3A_1082 = arith.maximumf %max3A_1078, %gather3A_1081 : vector<16xf32>
    %broadcast_in_dim3A_1083 = vector.shape_cast %xor3A_12 : vector<16xi32> to vector<16x1xi32>
    %gather3A_1084 = vector.shape_cast %broadcast_in_dim3A_1083 : vector<16x1xi32> to vector<16xi32>
    %gather3A_1085 = tpu.dynamic_gather %max3A_1082[%gather3A_1084] in [0] : vector<16xf32>, vector<16xi32> -> vector<16xf32>
    %max3A_1086 = arith.maximumf %max3A_1082, %gather3A_1085 : vector<16xf32>
    %sub3A_1087 = arith.subf %get3A_1074, %max3A_1086 : vector<16xf32>
    %exp3A_1088 = math.exp %sub3A_1087 : vector<16xf32>
    %broadcast_in_dim3A_1089 = vector.shape_cast %xor3A_6 : vector<16xi32> to vector<16x1xi32>
    %gather3A_1090 = vector.shape_cast %broadcast_in_dim3A_1089 : vector<16x1xi32> to vector<16xi32>
    %gather3A_1091 = tpu.dynamic_gather %exp3A_1088[%gather3A_1090] in [0] : vector<16xf32>, vector<16xi32> -> vector<16xf32>
    %add3A_1092 = arith.addf %exp3A_1088, %gather3A_1091 : vector<16xf32>
    %broadcast_in_dim3A_1093 = vector.shape_cast %xor3A_9 : vector<16xi32> to vector<16x1xi32>
    %gather3A_1094 = vector.shape_cast %broadcast_in_dim3A_1093 : vector<16x1xi32> to vector<16xi32>
    %gather3A_1095 = tpu.dynamic_gather %add3A_1092[%gather3A_1094] in [0] : vector<16xf32>, vector<16xi32> -> vector<16xf32>
    %add3A_1096 = arith.addf %add3A_1092, %gather3A_1095 : vector<16xf32>
    %broadcast_in_dim3A_1097 = vector.shape_cast %xor3A_12 : vector<16xi32> to vector<16x1xi32>
    %gather3A_1098 = vector.shape_cast %broadcast_in_dim3A_1097 : vector<16x1xi32> to vector<16xi32>
    %gather3A_1099 = tpu.dynamic_gather %add3A_1096[%gather3A_1098] in [0] : vector<16xf32>, vector<16xi32> -> vector<16xf32>
    %add3A_1100 = arith.addf %add3A_1096, %gather3A_1099 : vector<16xf32>
    %div3A_1101 = arith.divf %exp3A_1088, %add3A_1100 : vector<16xf32>
    %broadcast_in_dim3A_1102 = vector.shape_cast %xor3A_6 : vector<16xi32> to vector<16x1xi32>
    %gather3A_1103 = vector.shape_cast %broadcast_in_dim3A_1102 : vector<16x1xi32> to vector<16xi32>
    %gather3A_1104 = tpu.dynamic_gather %div3A_1101[%gather3A_1103] in [0] : vector<16xf32>, vector<16xi32> -> vector<16xf32>
    %max3A_1105 = arith.maximumf %div3A_1101, %gather3A_1104 : vector<16xf32>
    %broadcast_in_dim3A_1106 = vector.shape_cast %xor3A_9 : vector<16xi32> to vector<16x1xi32>
    %gather3A_1107 = vector.shape_cast %broadcast_in_dim3A_1106 : vector<16x1xi32> to vector<16xi32>
    %gather3A_1108 = tpu.dynamic_gather %max3A_1105[%gather3A_1107] in [0] : vector<16xf32>, vector<16xi32> -> vector<16xf32>
    %max3A_1109 = arith.maximumf %max3A_1105, %gather3A_1108 : vector<16xf32>
    %broadcast_in_dim3A_1110 = vector.shape_cast %xor3A_12 : vector<16xi32> to vector<16x1xi32>
    %gather3A_1111 = vector.shape_cast %broadcast_in_dim3A_1110 : vector<16x1xi32> to vector<16xi32>
    %gather3A_1112 = tpu.dynamic_gather %max3A_1109[%gather3A_1111] in [0] : vector<16xf32>, vector<16xi32> -> vector<16xf32>
    %max3A_1113 = arith.maximumf %max3A_1109, %gather3A_1112 : vector<16xf32>
    %ge3A_1114 = arith.cmpf oge, %div3A_1101, %max3A_1113 : vector<16xf32>
    %jit3A_1115 = arith.constant 8 : i32
    %broadcast_in_dim3A_1116 = vector.broadcast %jit3A_1115 : i32 to vector<16xi32>
    %select_n3A_1117 = arith.select %ge3A_1114, %and3A_14, %broadcast_in_dim3A_1116 : vector<16xi1>, vector<16xi32>
    %broadcast_in_dim3A_1118 = vector.shape_cast %xor3A_6 : vector<16xi32> to vector<16x1xi32>
    %gather3A_1119 = vector.shape_cast %broadcast_in_dim3A_1118 : vector<16x1xi32> to vector<16xi32>
    %gather3A_1120 = tpu.dynamic_gather %select_n3A_1117[%gather3A_1119] in [0] : vector<16xi32>, vector<16xi32> -> vector<16xi32>
    %min3A_1121 = arith.minsi %select_n3A_1117, %gather3A_1120 : vector<16xi32>
    %broadcast_in_dim3A_1122 = vector.shape_cast %xor3A_9 : vector<16xi32> to vector<16x1xi32>
    %gather3A_1123 = vector.shape_cast %broadcast_in_dim3A_1122 : vector<16x1xi32> to vector<16xi32>
    %gather3A_1124 = tpu.dynamic_gather %min3A_1121[%gather3A_1123] in [0] : vector<16xi32>, vector<16xi32> -> vector<16xi32>
    %min3A_1125 = arith.minsi %min3A_1121, %gather3A_1124 : vector<16xi32>
    %broadcast_in_dim3A_1126 = vector.shape_cast %xor3A_12 : vector<16xi32> to vector<16x1xi32>
    %gather3A_1127 = vector.shape_cast %broadcast_in_dim3A_1126 : vector<16x1xi32> to vector<16xi32>
    %gather3A_1128 = tpu.dynamic_gather %min3A_1125[%gather3A_1127] in [0] : vector<16xi32>, vector<16xi32> -> vector<16xi32>
    %min3A_1129 = arith.minsi %min3A_1125, %gather3A_1128 : vector<16xi32>
    %eq3A_1130 = arith.cmpi eq, %and3A_14, %min3A_1129 : vector<16xi32>
    %jit3A_1131 = arith.constant -1.000000e+00 : f32
    %broadcast_in_dim3A_1132 = vector.broadcast %jit3A_1131 : f32 to vector<16xf32>
    %select_n3A_1133 = arith.select %eq3A_1130, %broadcast_in_dim3A_1132, %div3A_1101 : vector<16xi1>, vector<16xf32>
    %broadcast_in_dim3A_1134 = vector.shape_cast %xor3A_6 : vector<16xi32> to vector<16x1xi32>
    %gather3A_1135 = vector.shape_cast %broadcast_in_dim3A_1134 : vector<16x1xi32> to vector<16xi32>
    %gather3A_1136 = tpu.dynamic_gather %select_n3A_1133[%gather3A_1135] in [0] : vector<16xf32>, vector<16xi32> -> vector<16xf32>
    %max3A_1137 = arith.maximumf %select_n3A_1133, %gather3A_1136 : vector<16xf32>
    %broadcast_in_dim3A_1138 = vector.shape_cast %xor3A_9 : vector<16xi32> to vector<16x1xi32>
    %gather3A_1139 = vector.shape_cast %broadcast_in_dim3A_1138 : vector<16x1xi32> to vector<16xi32>
    %gather3A_1140 = tpu.dynamic_gather %max3A_1137[%gather3A_1139] in [0] : vector<16xf32>, vector<16xi32> -> vector<16xf32>
    %max3A_1141 = arith.maximumf %max3A_1137, %gather3A_1140 : vector<16xf32>
    %broadcast_in_dim3A_1142 = vector.shape_cast %xor3A_12 : vector<16xi32> to vector<16x1xi32>
    %gather3A_1143 = vector.shape_cast %broadcast_in_dim3A_1142 : vector<16x1xi32> to vector<16xi32>
    %gather3A_1144 = tpu.dynamic_gather %max3A_1141[%gather3A_1143] in [0] : vector<16xf32>, vector<16xi32> -> vector<16xf32>
    %max3A_1145 = arith.maximumf %max3A_1141, %gather3A_1144 : vector<16xf32>
    %ge3A_1146 = arith.cmpf oge, %select_n3A_1133, %max3A_1145 : vector<16xf32>
    %jit3A_1147 = arith.constant 8 : i32
    %broadcast_in_dim3A_1148 = vector.broadcast %jit3A_1147 : i32 to vector<16xi32>
    %select_n3A_1149 = arith.select %ge3A_1146, %and3A_14, %broadcast_in_dim3A_1148 : vector<16xi1>, vector<16xi32>
    %broadcast_in_dim3A_1150 = vector.shape_cast %xor3A_6 : vector<16xi32> to vector<16x1xi32>
    %gather3A_1151 = vector.shape_cast %broadcast_in_dim3A_1150 : vector<16x1xi32> to vector<16xi32>
    %gather3A_1152 = tpu.dynamic_gather %select_n3A_1149[%gather3A_1151] in [0] : vector<16xi32>, vector<16xi32> -> vector<16xi32>
    %min3A_1153 = arith.minsi %select_n3A_1149, %gather3A_1152 : vector<16xi32>
    %broadcast_in_dim3A_1154 = vector.shape_cast %xor3A_9 : vector<16xi32> to vector<16x1xi32>
    %gather3A_1155 = vector.shape_cast %broadcast_in_dim3A_1154 : vector<16x1xi32> to vector<16xi32>
    %gather3A_1156 = tpu.dynamic_gather %min3A_1153[%gather3A_1155] in [0] : vector<16xi32>, vector<16xi32> -> vector<16xi32>
    %min3A_1157 = arith.minsi %min3A_1153, %gather3A_1156 : vector<16xi32>
    %broadcast_in_dim3A_1158 = vector.shape_cast %xor3A_12 : vector<16xi32> to vector<16x1xi32>
    %gather3A_1159 = vector.shape_cast %broadcast_in_dim3A_1158 : vector<16x1xi32> to vector<16xi32>
    %gather3A_1160 = tpu.dynamic_gather %min3A_1157[%gather3A_1159] in [0] : vector<16xi32>, vector<16xi32> -> vector<16xi32>
    %min3A_1161 = arith.minsi %min3A_1157, %gather3A_1160 : vector<16xi32>
    %eq3A_1162 = arith.cmpi eq, %and3A_14, %min3A_1161 : vector<16xi32>
    %add3A_1163 = arith.addf %max3A_1113, %max3A_1145 : vector<16xf32>
    %add3A_1164 = arith.constant 9.99999997E-7 : f32
    %add3A_1165 = vector.broadcast %add3A_1164 : f32 to vector<16xf32>
    %add3A_1166 = arith.addf %add3A_1163, %add3A_1165 : vector<16xf32>
    %jit3A_1167 = arith.constant 0.000000e+00 : f32
    %broadcast_in_dim3A_1168 = vector.broadcast %jit3A_1167 : f32 to vector<16xf32>
    %select_n3A_1169 = arith.select %eq3A_1130, %max3A_1113, %broadcast_in_dim3A_1168 : vector<16xi1>, vector<16xf32>
    %jit3A_1170 = arith.constant 0.000000e+00 : f32
    %broadcast_in_dim3A_1171 = vector.broadcast %jit3A_1170 : f32 to vector<16xf32>
    %select_n3A_1172 = arith.select %eq3A_1162, %max3A_1145, %broadcast_in_dim3A_1171 : vector<16xi1>, vector<16xf32>
    %add3A_1173 = arith.addf %select_n3A_1169, %select_n3A_1172 : vector<16xf32>
    %div3A_1174 = arith.divf %add3A_1173, %add3A_1166 : vector<16xf32>
    %swap3A_1175 = arith.constant 160 : index
    %swap3A_1176 = tpu.vector_load %arg5[%swap3A_1175] {strides = array<i32>} : memref<512xf32, #tpu.memory_space<vmem>>, vector<16xf32>,
    %swap3A_1177 = vector.shape_cast %swap3A_1176 : vector<16xf32> to vector<16xf32>
    %swap3A_1178 = vector.shape_cast %div3A_1174 : vector<16xf32> to vector<16xf32>
    tpu.vector_store %arg5[%swap3A_1175], %swap3A_1178 {strides = array<i32>} : memref<512xf32, #tpu.memory_space<vmem>>, vector<16xf32>,
    %get3A_1179 = arith.constant 176 : index
    %get3A_1180 = tpu.vector_load %arg4[%get3A_1179] {strides = array<i32>} : memref<512xf32, #tpu.memory_space<vmem>>, vector<16xf32>,
    %get3A_1181 = vector.shape_cast %get3A_1180 : vector<16xf32> to vector<16xf32>
    %broadcast_in_dim3A_1182 = vector.shape_cast %xor3A_6 : vector<16xi32> to vector<16x1xi32>
    %gather3A_1183 = vector.shape_cast %broadcast_in_dim3A_1182 : vector<16x1xi32> to vector<16xi32>
    %gather3A_1184 = tpu.dynamic_gather %get3A_1181[%gather3A_1183] in [0] : vector<16xf32>, vector<16xi32> -> vector<16xf32>
    %max3A_1185 = arith.maximumf %get3A_1181, %gather3A_1184 : vector<16xf32>
    %broadcast_in_dim3A_1186 = vector.shape_cast %xor3A_9 : vector<16xi32> to vector<16x1xi32>
    %gather3A_1187 = vector.shape_cast %broadcast_in_dim3A_1186 : vector<16x1xi32> to vector<16xi32>
    %gather3A_1188 = tpu.dynamic_gather %max3A_1185[%gather3A_1187] in [0] : vector<16xf32>, vector<16xi32> -> vector<16xf32>
    %max3A_1189 = arith.maximumf %max3A_1185, %gather3A_1188 : vector<16xf32>
    %broadcast_in_dim3A_1190 = vector.shape_cast %xor3A_12 : vector<16xi32> to vector<16x1xi32>
    %gather3A_1191 = vector.shape_cast %broadcast_in_dim3A_1190 : vector<16x1xi32> to vector<16xi32>
    %gather3A_1192 = tpu.dynamic_gather %max3A_1189[%gather3A_1191] in [0] : vector<16xf32>, vector<16xi32> -> vector<16xf32>
    %max3A_1193 = arith.maximumf %max3A_1189, %gather3A_1192 : vector<16xf32>
    %sub3A_1194 = arith.subf %get3A_1181, %max3A_1193 : vector<16xf32>
    %exp3A_1195 = math.exp %sub3A_1194 : vector<16xf32>
    %broadcast_in_dim3A_1196 = vector.shape_cast %xor3A_6 : vector<16xi32> to vector<16x1xi32>
    %gather3A_1197 = vector.shape_cast %broadcast_in_dim3A_1196 : vector<16x1xi32> to vector<16xi32>
    %gather3A_1198 = tpu.dynamic_gather %exp3A_1195[%gather3A_1197] in [0] : vector<16xf32>, vector<16xi32> -> vector<16xf32>
    %add3A_1199 = arith.addf %exp3A_1195, %gather3A_1198 : vector<16xf32>
    %broadcast_in_dim3A_1200 = vector.shape_cast %xor3A_9 : vector<16xi32> to vector<16x1xi32>
    %gather3A_1201 = vector.shape_cast %broadcast_in_dim3A_1200 : vector<16x1xi32> to vector<16xi32>
    %gather3A_1202 = tpu.dynamic_gather %add3A_1199[%gather3A_1201] in [0] : vector<16xf32>, vector<16xi32> -> vector<16xf32>
    %add3A_1203 = arith.addf %add3A_1199, %gather3A_1202 : vector<16xf32>
    %broadcast_in_dim3A_1204 = vector.shape_cast %xor3A_12 : vector<16xi32> to vector<16x1xi32>
    %gather3A_1205 = vector.shape_cast %broadcast_in_dim3A_1204 : vector<16x1xi32> to vector<16xi32>
    %gather3A_1206 = tpu.dynamic_gather %add3A_1203[%gather3A_1205] in [0] : vector<16xf32>, vector<16xi32> -> vector<16xf32>
    %add3A_1207 = arith.addf %add3A_1203, %gather3A_1206 : vector<16xf32>
    %div3A_1208 = arith.divf %exp3A_1195, %add3A_1207 : vector<16xf32>
    %broadcast_in_dim3A_1209 = vector.shape_cast %xor3A_6 : vector<16xi32> to vector<16x1xi32>
    %gather3A_1210 = vector.shape_cast %broadcast_in_dim3A_1209 : vector<16x1xi32> to vector<16xi32>
    %gather3A_1211 = tpu.dynamic_gather %div3A_1208[%gather3A_1210] in [0] : vector<16xf32>, vector<16xi32> -> vector<16xf32>
    %max3A_1212 = arith.maximumf %div3A_1208, %gather3A_1211 : vector<16xf32>
    %broadcast_in_dim3A_1213 = vector.shape_cast %xor3A_9 : vector<16xi32> to vector<16x1xi32>
    %gather3A_1214 = vector.shape_cast %broadcast_in_dim3A_1213 : vector<16x1xi32> to vector<16xi32>
    %gather3A_1215 = tpu.dynamic_gather %max3A_1212[%gather3A_1214] in [0] : vector<16xf32>, vector<16xi32> -> vector<16xf32>
    %max3A_1216 = arith.maximumf %max3A_1212, %gather3A_1215 : vector<16xf32>
    %broadcast_in_dim3A_1217 = vector.shape_cast %xor3A_12 : vector<16xi32> to vector<16x1xi32>
    %gather3A_1218 = vector.shape_cast %broadcast_in_dim3A_1217 : vector<16x1xi32> to vector<16xi32>
    %gather3A_1219 = tpu.dynamic_gather %max3A_1216[%gather3A_1218] in [0] : vector<16xf32>, vector<16xi32> -> vector<16xf32>
    %max3A_1220 = arith.maximumf %max3A_1216, %gather3A_1219 : vector<16xf32>
    %ge3A_1221 = arith.cmpf oge, %div3A_1208, %max3A_1220 : vector<16xf32>
    %jit3A_1222 = arith.constant 8 : i32
    %broadcast_in_dim3A_1223 = vector.broadcast %jit3A_1222 : i32 to vector<16xi32>
    %select_n3A_1224 = arith.select %ge3A_1221, %and3A_14, %broadcast_in_dim3A_1223 : vector<16xi1>, vector<16xi32>
    %broadcast_in_dim3A_1225 = vector.shape_cast %xor3A_6 : vector<16xi32> to vector<16x1xi32>
    %gather3A_1226 = vector.shape_cast %broadcast_in_dim3A_1225 : vector<16x1xi32> to vector<16xi32>
    %gather3A_1227 = tpu.dynamic_gather %select_n3A_1224[%gather3A_1226] in [0] : vector<16xi32>, vector<16xi32> -> vector<16xi32>
    %min3A_1228 = arith.minsi %select_n3A_1224, %gather3A_1227 : vector<16xi32>
    %broadcast_in_dim3A_1229 = vector.shape_cast %xor3A_9 : vector<16xi32> to vector<16x1xi32>
    %gather3A_1230 = vector.shape_cast %broadcast_in_dim3A_1229 : vector<16x1xi32> to vector<16xi32>
    %gather3A_1231 = tpu.dynamic_gather %min3A_1228[%gather3A_1230] in [0] : vector<16xi32>, vector<16xi32> -> vector<16xi32>
    %min3A_1232 = arith.minsi %min3A_1228, %gather3A_1231 : vector<16xi32>
    %broadcast_in_dim3A_1233 = vector.shape_cast %xor3A_12 : vector<16xi32> to vector<16x1xi32>
    %gather3A_1234 = vector.shape_cast %broadcast_in_dim3A_1233 : vector<16x1xi32> to vector<16xi32>
    %gather3A_1235 = tpu.dynamic_gather %min3A_1232[%gather3A_1234] in [0] : vector<16xi32>, vector<16xi32> -> vector<16xi32>
    %min3A_1236 = arith.minsi %min3A_1232, %gather3A_1235 : vector<16xi32>
    %eq3A_1237 = arith.cmpi eq, %and3A_14, %min3A_1236 : vector<16xi32>
    %jit3A_1238 = arith.constant -1.000000e+00 : f32
    %broadcast_in_dim3A_1239 = vector.broadcast %jit3A_1238 : f32 to vector<16xf32>
    %select_n3A_1240 = arith.select %eq3A_1237, %broadcast_in_dim3A_1239, %div3A_1208 : vector<16xi1>, vector<16xf32>
    %broadcast_in_dim3A_1241 = vector.shape_cast %xor3A_6 : vector<16xi32> to vector<16x1xi32>
    %gather3A_1242 = vector.shape_cast %broadcast_in_dim3A_1241 : vector<16x1xi32> to vector<16xi32>
    %gather3A_1243 = tpu.dynamic_gather %select_n3A_1240[%gather3A_1242] in [0] : vector<16xf32>, vector<16xi32> -> vector<16xf32>
    %max3A_1244 = arith.maximumf %select_n3A_1240, %gather3A_1243 : vector<16xf32>
    %broadcast_in_dim3A_1245 = vector.shape_cast %xor3A_9 : vector<16xi32> to vector<16x1xi32>
    %gather3A_1246 = vector.shape_cast %broadcast_in_dim3A_1245 : vector<16x1xi32> to vector<16xi32>
    %gather3A_1247 = tpu.dynamic_gather %max3A_1244[%gather3A_1246] in [0] : vector<16xf32>, vector<16xi32> -> vector<16xf32>
    %max3A_1248 = arith.maximumf %max3A_1244, %gather3A_1247 : vector<16xf32>
    %broadcast_in_dim3A_1249 = vector.shape_cast %xor3A_12 : vector<16xi32> to vector<16x1xi32>
    %gather3A_1250 = vector.shape_cast %broadcast_in_dim3A_1249 : vector<16x1xi32> to vector<16xi32>
    %gather3A_1251 = tpu.dynamic_gather %max3A_1248[%gather3A_1250] in [0] : vector<16xf32>, vector<16xi32> -> vector<16xf32>
    %max3A_1252 = arith.maximumf %max3A_1248, %gather3A_1251 : vector<16xf32>
    %ge3A_1253 = arith.cmpf oge, %select_n3A_1240, %max3A_1252 : vector<16xf32>
    %jit3A_1254 = arith.constant 8 : i32
    %broadcast_in_dim3A_1255 = vector.broadcast %jit3A_1254 : i32 to vector<16xi32>
    %select_n3A_1256 = arith.select %ge3A_1253, %and3A_14, %broadcast_in_dim3A_1255 : vector<16xi1>, vector<16xi32>
    %broadcast_in_dim3A_1257 = vector.shape_cast %xor3A_6 : vector<16xi32> to vector<16x1xi32>
    %gather3A_1258 = vector.shape_cast %broadcast_in_dim3A_1257 : vector<16x1xi32> to vector<16xi32>
    %gather3A_1259 = tpu.dynamic_gather %select_n3A_1256[%gather3A_1258] in [0] : vector<16xi32>, vector<16xi32> -> vector<16xi32>
    %min3A_1260 = arith.minsi %select_n3A_1256, %gather3A_1259 : vector<16xi32>
    %broadcast_in_dim3A_1261 = vector.shape_cast %xor3A_9 : vector<16xi32> to vector<16x1xi32>
    %gather3A_1262 = vector.shape_cast %broadcast_in_dim3A_1261 : vector<16x1xi32> to vector<16xi32>
    %gather3A_1263 = tpu.dynamic_gather %min3A_1260[%gather3A_1262] in [0] : vector<16xi32>, vector<16xi32> -> vector<16xi32>
    %min3A_1264 = arith.minsi %min3A_1260, %gather3A_1263 : vector<16xi32>
    %broadcast_in_dim3A_1265 = vector.shape_cast %xor3A_12 : vector<16xi32> to vector<16x1xi32>
    %gather3A_1266 = vector.shape_cast %broadcast_in_dim3A_1265 : vector<16x1xi32> to vector<16xi32>
    %gather3A_1267 = tpu.dynamic_gather %min3A_1264[%gather3A_1266] in [0] : vector<16xi32>, vector<16xi32> -> vector<16xi32>
    %min3A_1268 = arith.minsi %min3A_1264, %gather3A_1267 : vector<16xi32>
    %eq3A_1269 = arith.cmpi eq, %and3A_14, %min3A_1268 : vector<16xi32>
    %add3A_1270 = arith.addf %max3A_1220, %max3A_1252 : vector<16xf32>
    %add3A_1271 = arith.constant 9.99999997E-7 : f32
    %add3A_1272 = vector.broadcast %add3A_1271 : f32 to vector<16xf32>
    %add3A_1273 = arith.addf %add3A_1270, %add3A_1272 : vector<16xf32>
    %jit3A_1274 = arith.constant 0.000000e+00 : f32
    %broadcast_in_dim3A_1275 = vector.broadcast %jit3A_1274 : f32 to vector<16xf32>
    %select_n3A_1276 = arith.select %eq3A_1237, %max3A_1220, %broadcast_in_dim3A_1275 : vector<16xi1>, vector<16xf32>
    %jit3A_1277 = arith.constant 0.000000e+00 : f32
    %broadcast_in_dim3A_1278 = vector.broadcast %jit3A_1277 : f32 to vector<16xf32>
    %select_n3A_1279 = arith.select %eq3A_1269, %max3A_1252, %broadcast_in_dim3A_1278 : vector<16xi1>, vector<16xf32>
    %add3A_1280 = arith.addf %select_n3A_1276, %select_n3A_1279 : vector<16xf32>
    %div3A_1281 = arith.divf %add3A_1280, %add3A_1273 : vector<16xf32>
    %swap3A_1282 = arith.constant 176 : index
    %swap3A_1283 = tpu.vector_load %arg5[%swap3A_1282] {strides = array<i32>} : memref<512xf32, #tpu.memory_space<vmem>>, vector<16xf32>,
    %swap3A_1284 = vector.shape_cast %swap3A_1283 : vector<16xf32> to vector<16xf32>
    %swap3A_1285 = vector.shape_cast %div3A_1281 : vector<16xf32> to vector<16xf32>
    tpu.vector_store %arg5[%swap3A_1282], %swap3A_1285 {strides = array<i32>} : memref<512xf32, #tpu.memory_space<vmem>>, vector<16xf32>,
    %get3A_1286 = arith.constant 192 : index
    %get3A_1287 = tpu.vector_load %arg4[%get3A_1286] {strides = array<i32>} : memref<512xf32, #tpu.memory_space<vmem>>, vector<16xf32>,
    %get3A_1288 = vector.shape_cast %get3A_1287 : vector<16xf32> to vector<16xf32>
    %broadcast_in_dim3A_1289 = vector.shape_cast %xor3A_6 : vector<16xi32> to vector<16x1xi32>
    %gather3A_1290 = vector.shape_cast %broadcast_in_dim3A_1289 : vector<16x1xi32> to vector<16xi32>
    %gather3A_1291 = tpu.dynamic_gather %get3A_1288[%gather3A_1290] in [0] : vector<16xf32>, vector<16xi32> -> vector<16xf32>
    %max3A_1292 = arith.maximumf %get3A_1288, %gather3A_1291 : vector<16xf32>
    %broadcast_in_dim3A_1293 = vector.shape_cast %xor3A_9 : vector<16xi32> to vector<16x1xi32>
    %gather3A_1294 = vector.shape_cast %broadcast_in_dim3A_1293 : vector<16x1xi32> to vector<16xi32>
    %gather3A_1295 = tpu.dynamic_gather %max3A_1292[%gather3A_1294] in [0] : vector<16xf32>, vector<16xi32> -> vector<16xf32>
    %max3A_1296 = arith.maximumf %max3A_1292, %gather3A_1295 : vector<16xf32>
    %broadcast_in_dim3A_1297 = vector.shape_cast %xor3A_12 : vector<16xi32> to vector<16x1xi32>
    %gather3A_1298 = vector.shape_cast %broadcast_in_dim3A_1297 : vector<16x1xi32> to vector<16xi32>
    %gather3A_1299 = tpu.dynamic_gather %max3A_1296[%gather3A_1298] in [0] : vector<16xf32>, vector<16xi32> -> vector<16xf32>
    %max3A_1300 = arith.maximumf %max3A_1296, %gather3A_1299 : vector<16xf32>
    %sub3A_1301 = arith.subf %get3A_1288, %max3A_1300 : vector<16xf32>
    %exp3A_1302 = math.exp %sub3A_1301 : vector<16xf32>
    %broadcast_in_dim3A_1303 = vector.shape_cast %xor3A_6 : vector<16xi32> to vector<16x1xi32>
    %gather3A_1304 = vector.shape_cast %broadcast_in_dim3A_1303 : vector<16x1xi32> to vector<16xi32>
    %gather3A_1305 = tpu.dynamic_gather %exp3A_1302[%gather3A_1304] in [0] : vector<16xf32>, vector<16xi32> -> vector<16xf32>
    %add3A_1306 = arith.addf %exp3A_1302, %gather3A_1305 : vector<16xf32>
    %broadcast_in_dim3A_1307 = vector.shape_cast %xor3A_9 : vector<16xi32> to vector<16x1xi32>
    %gather3A_1308 = vector.shape_cast %broadcast_in_dim3A_1307 : vector<16x1xi32> to vector<16xi32>
    %gather3A_1309 = tpu.dynamic_gather %add3A_1306[%gather3A_1308] in [0] : vector<16xf32>, vector<16xi32> -> vector<16xf32>
    %add3A_1310 = arith.addf %add3A_1306, %gather3A_1309 : vector<16xf32>
    %broadcast_in_dim3A_1311 = vector.shape_cast %xor3A_12 : vector<16xi32> to vector<16x1xi32>
    %gather3A_1312 = vector.shape_cast %broadcast_in_dim3A_1311 : vector<16x1xi32> to vector<16xi32>
    %gather3A_1313 = tpu.dynamic_gather %add3A_1310[%gather3A_1312] in [0] : vector<16xf32>, vector<16xi32> -> vector<16xf32>
    %add3A_1314 = arith.addf %add3A_1310, %gather3A_1313 : vector<16xf32>
    %div3A_1315 = arith.divf %exp3A_1302, %add3A_1314 : vector<16xf32>
    %broadcast_in_dim3A_1316 = vector.shape_cast %xor3A_6 : vector<16xi32> to vector<16x1xi32>
    %gather3A_1317 = vector.shape_cast %broadcast_in_dim3A_1316 : vector<16x1xi32> to vector<16xi32>
    %gather3A_1318 = tpu.dynamic_gather %div3A_1315[%gather3A_1317] in [0] : vector<16xf32>, vector<16xi32> -> vector<16xf32>
    %max3A_1319 = arith.maximumf %div3A_1315, %gather3A_1318 : vector<16xf32>
    %broadcast_in_dim3A_1320 = vector.shape_cast %xor3A_9 : vector<16xi32> to vector<16x1xi32>
    %gather3A_1321 = vector.shape_cast %broadcast_in_dim3A_1320 : vector<16x1xi32> to vector<16xi32>
    %gather3A_1322 = tpu.dynamic_gather %max3A_1319[%gather3A_1321] in [0] : vector<16xf32>, vector<16xi32> -> vector<16xf32>
    %max3A_1323 = arith.maximumf %max3A_1319, %gather3A_1322 : vector<16xf32>
    %broadcast_in_dim3A_1324 = vector.shape_cast %xor3A_12 : vector<16xi32> to vector<16x1xi32>
    %gather3A_1325 = vector.shape_cast %broadcast_in_dim3A_1324 : vector<16x1xi32> to vector<16xi32>
    %gather3A_1326 = tpu.dynamic_gather %max3A_1323[%gather3A_1325] in [0] : vector<16xf32>, vector<16xi32> -> vector<16xf32>
    %max3A_1327 = arith.maximumf %max3A_1323, %gather3A_1326 : vector<16xf32>
    %ge3A_1328 = arith.cmpf oge, %div3A_1315, %max3A_1327 : vector<16xf32>
    %jit3A_1329 = arith.constant 8 : i32
    %broadcast_in_dim3A_1330 = vector.broadcast %jit3A_1329 : i32 to vector<16xi32>
    %select_n3A_1331 = arith.select %ge3A_1328, %and3A_14, %broadcast_in_dim3A_1330 : vector<16xi1>, vector<16xi32>
    %broadcast_in_dim3A_1332 = vector.shape_cast %xor3A_6 : vector<16xi32> to vector<16x1xi32>
    %gather3A_1333 = vector.shape_cast %broadcast_in_dim3A_1332 : vector<16x1xi32> to vector<16xi32>
    %gather3A_1334 = tpu.dynamic_gather %select_n3A_1331[%gather3A_1333] in [0] : vector<16xi32>, vector<16xi32> -> vector<16xi32>
    %min3A_1335 = arith.minsi %select_n3A_1331, %gather3A_1334 : vector<16xi32>
    %broadcast_in_dim3A_1336 = vector.shape_cast %xor3A_9 : vector<16xi32> to vector<16x1xi32>
    %gather3A_1337 = vector.shape_cast %broadcast_in_dim3A_1336 : vector<16x1xi32> to vector<16xi32>
    %gather3A_1338 = tpu.dynamic_gather %min3A_1335[%gather3A_1337] in [0] : vector<16xi32>, vector<16xi32> -> vector<16xi32>
    %min3A_1339 = arith.minsi %min3A_1335, %gather3A_1338 : vector<16xi32>
    %broadcast_in_dim3A_1340 = vector.shape_cast %xor3A_12 : vector<16xi32> to vector<16x1xi32>
    %gather3A_1341 = vector.shape_cast %broadcast_in_dim3A_1340 : vector<16x1xi32> to vector<16xi32>
    %gather3A_1342 = tpu.dynamic_gather %min3A_1339[%gather3A_1341] in [0] : vector<16xi32>, vector<16xi32> -> vector<16xi32>
    %min3A_1343 = arith.minsi %min3A_1339, %gather3A_1342 : vector<16xi32>
    %eq3A_1344 = arith.cmpi eq, %and3A_14, %min3A_1343 : vector<16xi32>
    %jit3A_1345 = arith.constant -1.000000e+00 : f32
    %broadcast_in_dim3A_1346 = vector.broadcast %jit3A_1345 : f32 to vector<16xf32>
    %select_n3A_1347 = arith.select %eq3A_1344, %broadcast_in_dim3A_1346, %div3A_1315 : vector<16xi1>, vector<16xf32>
    %broadcast_in_dim3A_1348 = vector.shape_cast %xor3A_6 : vector<16xi32> to vector<16x1xi32>
    %gather3A_1349 = vector.shape_cast %broadcast_in_dim3A_1348 : vector<16x1xi32> to vector<16xi32>
    %gather3A_1350 = tpu.dynamic_gather %select_n3A_1347[%gather3A_1349] in [0] : vector<16xf32>, vector<16xi32> -> vector<16xf32>
    %max3A_1351 = arith.maximumf %select_n3A_1347, %gather3A_1350 : vector<16xf32>
    %broadcast_in_dim3A_1352 = vector.shape_cast %xor3A_9 : vector<16xi32> to vector<16x1xi32>
    %gather3A_1353 = vector.shape_cast %broadcast_in_dim3A_1352 : vector<16x1xi32> to vector<16xi32>
    %gather3A_1354 = tpu.dynamic_gather %max3A_1351[%gather3A_1353] in [0] : vector<16xf32>, vector<16xi32> -> vector<16xf32>
    %max3A_1355 = arith.maximumf %max3A_1351, %gather3A_1354 : vector<16xf32>
    %broadcast_in_dim3A_1356 = vector.shape_cast %xor3A_12 : vector<16xi32> to vector<16x1xi32>
    %gather3A_1357 = vector.shape_cast %broadcast_in_dim3A_1356 : vector<16x1xi32> to vector<16xi32>
    %gather3A_1358 = tpu.dynamic_gather %max3A_1355[%gather3A_1357] in [0] : vector<16xf32>, vector<16xi32> -> vector<16xf32>
    %max3A_1359 = arith.maximumf %max3A_1355, %gather3A_1358 : vector<16xf32>
    %ge3A_1360 = arith.cmpf oge, %select_n3A_1347, %max3A_1359 : vector<16xf32>
    %jit3A_1361 = arith.constant 8 : i32
    %broadcast_in_dim3A_1362 = vector.broadcast %jit3A_1361 : i32 to vector<16xi32>
    %select_n3A_1363 = arith.select %ge3A_1360, %and3A_14, %broadcast_in_dim3A_1362 : vector<16xi1>, vector<16xi32>
    %broadcast_in_dim3A_1364 = vector.shape_cast %xor3A_6 : vector<16xi32> to vector<16x1xi32>
    %gather3A_1365 = vector.shape_cast %broadcast_in_dim3A_1364 : vector<16x1xi32> to vector<16xi32>
    %gather3A_1366 = tpu.dynamic_gather %select_n3A_1363[%gather3A_1365] in [0] : vector<16xi32>, vector<16xi32> -> vector<16xi32>
    %min3A_1367 = arith.minsi %select_n3A_1363, %gather3A_1366 : vector<16xi32>
    %broadcast_in_dim3A_1368 = vector.shape_cast %xor3A_9 : vector<16xi32> to vector<16x1xi32>
    %gather3A_1369 = vector.shape_cast %broadcast_in_dim3A_1368 : vector<16x1xi32> to vector<16xi32>
    %gather3A_1370 = tpu.dynamic_gather %min3A_1367[%gather3A_1369] in [0] : vector<16xi32>, vector<16xi32> -> vector<16xi32>
    %min3A_1371 = arith.minsi %min3A_1367, %gather3A_1370 : vector<16xi32>
    %broadcast_in_dim3A_1372 = vector.shape_cast %xor3A_12 : vector<16xi32> to vector<16x1xi32>
    %gather3A_1373 = vector.shape_cast %broadcast_in_dim3A_1372 : vector<16x1xi32> to vector<16xi32>
    %gather3A_1374 = tpu.dynamic_gather %min3A_1371[%gather3A_1373] in [0] : vector<16xi32>, vector<16xi32> -> vector<16xi32>
    %min3A_1375 = arith.minsi %min3A_1371, %gather3A_1374 : vector<16xi32>
    %eq3A_1376 = arith.cmpi eq, %and3A_14, %min3A_1375 : vector<16xi32>
    %add3A_1377 = arith.addf %max3A_1327, %max3A_1359 : vector<16xf32>
    %add3A_1378 = arith.constant 9.99999997E-7 : f32
    %add3A_1379 = vector.broadcast %add3A_1378 : f32 to vector<16xf32>
    %add3A_1380 = arith.addf %add3A_1377, %add3A_1379 : vector<16xf32>
    %jit3A_1381 = arith.constant 0.000000e+00 : f32
    %broadcast_in_dim3A_1382 = vector.broadcast %jit3A_1381 : f32 to vector<16xf32>
    %select_n3A_1383 = arith.select %eq3A_1344, %max3A_1327, %broadcast_in_dim3A_1382 : vector<16xi1>, vector<16xf32>
    %jit3A_1384 = arith.constant 0.000000e+00 : f32
    %broadcast_in_dim3A_1385 = vector.broadcast %jit3A_1384 : f32 to vector<16xf32>
    %select_n3A_1386 = arith.select %eq3A_1376, %max3A_1359, %broadcast_in_dim3A_1385 : vector<16xi1>, vector<16xf32>
    %add3A_1387 = arith.addf %select_n3A_1383, %select_n3A_1386 : vector<16xf32>
    %div3A_1388 = arith.divf %add3A_1387, %add3A_1380 : vector<16xf32>
    %swap3A_1389 = arith.constant 192 : index
    %swap3A_1390 = tpu.vector_load %arg5[%swap3A_1389] {strides = array<i32>} : memref<512xf32, #tpu.memory_space<vmem>>, vector<16xf32>,
    %swap3A_1391 = vector.shape_cast %swap3A_1390 : vector<16xf32> to vector<16xf32>
    %swap3A_1392 = vector.shape_cast %div3A_1388 : vector<16xf32> to vector<16xf32>
    tpu.vector_store %arg5[%swap3A_1389], %swap3A_1392 {strides = array<i32>} : memref<512xf32, #tpu.memory_space<vmem>>, vector<16xf32>,
    %get3A_1393 = arith.constant 208 : index
    %get3A_1394 = tpu.vector_load %arg4[%get3A_1393] {strides = array<i32>} : memref<512xf32, #tpu.memory_space<vmem>>, vector<16xf32>,
    %get3A_1395 = vector.shape_cast %get3A_1394 : vector<16xf32> to vector<16xf32>
    %broadcast_in_dim3A_1396 = vector.shape_cast %xor3A_6 : vector<16xi32> to vector<16x1xi32>
    %gather3A_1397 = vector.shape_cast %broadcast_in_dim3A_1396 : vector<16x1xi32> to vector<16xi32>
    %gather3A_1398 = tpu.dynamic_gather %get3A_1395[%gather3A_1397] in [0] : vector<16xf32>, vector<16xi32> -> vector<16xf32>
    %max3A_1399 = arith.maximumf %get3A_1395, %gather3A_1398 : vector<16xf32>
    %broadcast_in_dim3A_1400 = vector.shape_cast %xor3A_9 : vector<16xi32> to vector<16x1xi32>
    %gather3A_1401 = vector.shape_cast %broadcast_in_dim3A_1400 : vector<16x1xi32> to vector<16xi32>
    %gather3A_1402 = tpu.dynamic_gather %max3A_1399[%gather3A_1401] in [0] : vector<16xf32>, vector<16xi32> -> vector<16xf32>
    %max3A_1403 = arith.maximumf %max3A_1399, %gather3A_1402 : vector<16xf32>
    %broadcast_in_dim3A_1404 = vector.shape_cast %xor3A_12 : vector<16xi32> to vector<16x1xi32>
    %gather3A_1405 = vector.shape_cast %broadcast_in_dim3A_1404 : vector<16x1xi32> to vector<16xi32>
    %gather3A_1406 = tpu.dynamic_gather %max3A_1403[%gather3A_1405] in [0] : vector<16xf32>, vector<16xi32> -> vector<16xf32>
    %max3A_1407 = arith.maximumf %max3A_1403, %gather3A_1406 : vector<16xf32>
    %sub3A_1408 = arith.subf %get3A_1395, %max3A_1407 : vector<16xf32>
    %exp3A_1409 = math.exp %sub3A_1408 : vector<16xf32>
    %broadcast_in_dim3A_1410 = vector.shape_cast %xor3A_6 : vector<16xi32> to vector<16x1xi32>
    %gather3A_1411 = vector.shape_cast %broadcast_in_dim3A_1410 : vector<16x1xi32> to vector<16xi32>
    %gather3A_1412 = tpu.dynamic_gather %exp3A_1409[%gather3A_1411] in [0] : vector<16xf32>, vector<16xi32> -> vector<16xf32>
    %add3A_1413 = arith.addf %exp3A_1409, %gather3A_1412 : vector<16xf32>
    %broadcast_in_dim3A_1414 = vector.shape_cast %xor3A_9 : vector<16xi32> to vector<16x1xi32>
    %gather3A_1415 = vector.shape_cast %broadcast_in_dim3A_1414 : vector<16x1xi32> to vector<16xi32>
    %gather3A_1416 = tpu.dynamic_gather %add3A_1413[%gather3A_1415] in [0] : vector<16xf32>, vector<16xi32> -> vector<16xf32>
    %add3A_1417 = arith.addf %add3A_1413, %gather3A_1416 : vector<16xf32>
    %broadcast_in_dim3A_1418 = vector.shape_cast %xor3A_12 : vector<16xi32> to vector<16x1xi32>
    %gather3A_1419 = vector.shape_cast %broadcast_in_dim3A_1418 : vector<16x1xi32> to vector<16xi32>
    %gather3A_1420 = tpu.dynamic_gather %add3A_1417[%gather3A_1419] in [0] : vector<16xf32>, vector<16xi32> -> vector<16xf32>
    %add3A_1421 = arith.addf %add3A_1417, %gather3A_1420 : vector<16xf32>
    %div3A_1422 = arith.divf %exp3A_1409, %add3A_1421 : vector<16xf32>
    %broadcast_in_dim3A_1423 = vector.shape_cast %xor3A_6 : vector<16xi32> to vector<16x1xi32>
    %gather3A_1424 = vector.shape_cast %broadcast_in_dim3A_1423 : vector<16x1xi32> to vector<16xi32>
    %gather3A_1425 = tpu.dynamic_gather %div3A_1422[%gather3A_1424] in [0] : vector<16xf32>, vector<16xi32> -> vector<16xf32>
    %max3A_1426 = arith.maximumf %div3A_1422, %gather3A_1425 : vector<16xf32>
    %broadcast_in_dim3A_1427 = vector.shape_cast %xor3A_9 : vector<16xi32> to vector<16x1xi32>
    %gather3A_1428 = vector.shape_cast %broadcast_in_dim3A_1427 : vector<16x1xi32> to vector<16xi32>
    %gather3A_1429 = tpu.dynamic_gather %max3A_1426[%gather3A_1428] in [0] : vector<16xf32>, vector<16xi32> -> vector<16xf32>
    %max3A_1430 = arith.maximumf %max3A_1426, %gather3A_1429 : vector<16xf32>
    %broadcast_in_dim3A_1431 = vector.shape_cast %xor3A_12 : vector<16xi32> to vector<16x1xi32>
    %gather3A_1432 = vector.shape_cast %broadcast_in_dim3A_1431 : vector<16x1xi32> to vector<16xi32>
    %gather3A_1433 = tpu.dynamic_gather %max3A_1430[%gather3A_1432] in [0] : vector<16xf32>, vector<16xi32> -> vector<16xf32>
    %max3A_1434 = arith.maximumf %max3A_1430, %gather3A_1433 : vector<16xf32>
    %ge3A_1435 = arith.cmpf oge, %div3A_1422, %max3A_1434 : vector<16xf32>
    %jit3A_1436 = arith.constant 8 : i32
    %broadcast_in_dim3A_1437 = vector.broadcast %jit3A_1436 : i32 to vector<16xi32>
    %select_n3A_1438 = arith.select %ge3A_1435, %and3A_14, %broadcast_in_dim3A_1437 : vector<16xi1>, vector<16xi32>
    %broadcast_in_dim3A_1439 = vector.shape_cast %xor3A_6 : vector<16xi32> to vector<16x1xi32>
    %gather3A_1440 = vector.shape_cast %broadcast_in_dim3A_1439 : vector<16x1xi32> to vector<16xi32>
    %gather3A_1441 = tpu.dynamic_gather %select_n3A_1438[%gather3A_1440] in [0] : vector<16xi32>, vector<16xi32> -> vector<16xi32>
    %min3A_1442 = arith.minsi %select_n3A_1438, %gather3A_1441 : vector<16xi32>
    %broadcast_in_dim3A_1443 = vector.shape_cast %xor3A_9 : vector<16xi32> to vector<16x1xi32>
    %gather3A_1444 = vector.shape_cast %broadcast_in_dim3A_1443 : vector<16x1xi32> to vector<16xi32>
    %gather3A_1445 = tpu.dynamic_gather %min3A_1442[%gather3A_1444] in [0] : vector<16xi32>, vector<16xi32> -> vector<16xi32>
    %min3A_1446 = arith.minsi %min3A_1442, %gather3A_1445 : vector<16xi32>
    %broadcast_in_dim3A_1447 = vector.shape_cast %xor3A_12 : vector<16xi32> to vector<16x1xi32>
    %gather3A_1448 = vector.shape_cast %broadcast_in_dim3A_1447 : vector<16x1xi32> to vector<16xi32>
    %gather3A_1449 = tpu.dynamic_gather %min3A_1446[%gather3A_1448] in [0] : vector<16xi32>, vector<16xi32> -> vector<16xi32>
    %min3A_1450 = arith.minsi %min3A_1446, %gather3A_1449 : vector<16xi32>
    %eq3A_1451 = arith.cmpi eq, %and3A_14, %min3A_1450 : vector<16xi32>
    %jit3A_1452 = arith.constant -1.000000e+00 : f32
    %broadcast_in_dim3A_1453 = vector.broadcast %jit3A_1452 : f32 to vector<16xf32>
    %select_n3A_1454 = arith.select %eq3A_1451, %broadcast_in_dim3A_1453, %div3A_1422 : vector<16xi1>, vector<16xf32>
    %broadcast_in_dim3A_1455 = vector.shape_cast %xor3A_6 : vector<16xi32> to vector<16x1xi32>
    %gather3A_1456 = vector.shape_cast %broadcast_in_dim3A_1455 : vector<16x1xi32> to vector<16xi32>
    %gather3A_1457 = tpu.dynamic_gather %select_n3A_1454[%gather3A_1456] in [0] : vector<16xf32>, vector<16xi32> -> vector<16xf32>
    %max3A_1458 = arith.maximumf %select_n3A_1454, %gather3A_1457 : vector<16xf32>
    %broadcast_in_dim3A_1459 = vector.shape_cast %xor3A_9 : vector<16xi32> to vector<16x1xi32>
    %gather3A_1460 = vector.shape_cast %broadcast_in_dim3A_1459 : vector<16x1xi32> to vector<16xi32>
    %gather3A_1461 = tpu.dynamic_gather %max3A_1458[%gather3A_1460] in [0] : vector<16xf32>, vector<16xi32> -> vector<16xf32>
    %max3A_1462 = arith.maximumf %max3A_1458, %gather3A_1461 : vector<16xf32>
    %broadcast_in_dim3A_1463 = vector.shape_cast %xor3A_12 : vector<16xi32> to vector<16x1xi32>
    %gather3A_1464 = vector.shape_cast %broadcast_in_dim3A_1463 : vector<16x1xi32> to vector<16xi32>
    %gather3A_1465 = tpu.dynamic_gather %max3A_1462[%gather3A_1464] in [0] : vector<16xf32>, vector<16xi32> -> vector<16xf32>
    %max3A_1466 = arith.maximumf %max3A_1462, %gather3A_1465 : vector<16xf32>
    %ge3A_1467 = arith.cmpf oge, %select_n3A_1454, %max3A_1466 : vector<16xf32>
    %jit3A_1468 = arith.constant 8 : i32
    %broadcast_in_dim3A_1469 = vector.broadcast %jit3A_1468 : i32 to vector<16xi32>
    %select_n3A_1470 = arith.select %ge3A_1467, %and3A_14, %broadcast_in_dim3A_1469 : vector<16xi1>, vector<16xi32>
    %broadcast_in_dim3A_1471 = vector.shape_cast %xor3A_6 : vector<16xi32> to vector<16x1xi32>
    %gather3A_1472 = vector.shape_cast %broadcast_in_dim3A_1471 : vector<16x1xi32> to vector<16xi32>
    %gather3A_1473 = tpu.dynamic_gather %select_n3A_1470[%gather3A_1472] in [0] : vector<16xi32>, vector<16xi32> -> vector<16xi32>
    %min3A_1474 = arith.minsi %select_n3A_1470, %gather3A_1473 : vector<16xi32>
    %broadcast_in_dim3A_1475 = vector.shape_cast %xor3A_9 : vector<16xi32> to vector<16x1xi32>
    %gather3A_1476 = vector.shape_cast %broadcast_in_dim3A_1475 : vector<16x1xi32> to vector<16xi32>
    %gather3A_1477 = tpu.dynamic_gather %min3A_1474[%gather3A_1476] in [0] : vector<16xi32>, vector<16xi32> -> vector<16xi32>
    %min3A_1478 = arith.minsi %min3A_1474, %gather3A_1477 : vector<16xi32>
    %broadcast_in_dim3A_1479 = vector.shape_cast %xor3A_12 : vector<16xi32> to vector<16x1xi32>
    %gather3A_1480 = vector.shape_cast %broadcast_in_dim3A_1479 : vector<16x1xi32> to vector<16xi32>
    %gather3A_1481 = tpu.dynamic_gather %min3A_1478[%gather3A_1480] in [0] : vector<16xi32>, vector<16xi32> -> vector<16xi32>
    %min3A_1482 = arith.minsi %min3A_1478, %gather3A_1481 : vector<16xi32>
    %eq3A_1483 = arith.cmpi eq, %and3A_14, %min3A_1482 : vector<16xi32>
    %add3A_1484 = arith.addf %max3A_1434, %max3A_1466 : vector<16xf32>
    %add3A_1485 = arith.constant 9.99999997E-7 : f32
    %add3A_1486 = vector.broadcast %add3A_1485 : f32 to vector<16xf32>
    %add3A_1487 = arith.addf %add3A_1484, %add3A_1486 : vector<16xf32>
    %jit3A_1488 = arith.constant 0.000000e+00 : f32
    %broadcast_in_dim3A_1489 = vector.broadcast %jit3A_1488 : f32 to vector<16xf32>
    %select_n3A_1490 = arith.select %eq3A_1451, %max3A_1434, %broadcast_in_dim3A_1489 : vector<16xi1>, vector<16xf32>
    %jit3A_1491 = arith.constant 0.000000e+00 : f32
    %broadcast_in_dim3A_1492 = vector.broadcast %jit3A_1491 : f32 to vector<16xf32>
    %select_n3A_1493 = arith.select %eq3A_1483, %max3A_1466, %broadcast_in_dim3A_1492 : vector<16xi1>, vector<16xf32>
    %add3A_1494 = arith.addf %select_n3A_1490, %select_n3A_1493 : vector<16xf32>
    %div3A_1495 = arith.divf %add3A_1494, %add3A_1487 : vector<16xf32>
    %swap3A_1496 = arith.constant 208 : index
    %swap3A_1497 = tpu.vector_load %arg5[%swap3A_1496] {strides = array<i32>} : memref<512xf32, #tpu.memory_space<vmem>>, vector<16xf32>,
    %swap3A_1498 = vector.shape_cast %swap3A_1497 : vector<16xf32> to vector<16xf32>
    %swap3A_1499 = vector.shape_cast %div3A_1495 : vector<16xf32> to vector<16xf32>
    tpu.vector_store %arg5[%swap3A_1496], %swap3A_1499 {strides = array<i32>} : memref<512xf32, #tpu.memory_space<vmem>>, vector<16xf32>,
    %get3A_1500 = arith.constant 224 : index
    %get3A_1501 = tpu.vector_load %arg4[%get3A_1500] {strides = array<i32>} : memref<512xf32, #tpu.memory_space<vmem>>, vector<16xf32>,
    %get3A_1502 = vector.shape_cast %get3A_1501 : vector<16xf32> to vector<16xf32>
    %broadcast_in_dim3A_1503 = vector.shape_cast %xor3A_6 : vector<16xi32> to vector<16x1xi32>
    %gather3A_1504 = vector.shape_cast %broadcast_in_dim3A_1503 : vector<16x1xi32> to vector<16xi32>
    %gather3A_1505 = tpu.dynamic_gather %get3A_1502[%gather3A_1504] in [0] : vector<16xf32>, vector<16xi32> -> vector<16xf32>
    %max3A_1506 = arith.maximumf %get3A_1502, %gather3A_1505 : vector<16xf32>
    %broadcast_in_dim3A_1507 = vector.shape_cast %xor3A_9 : vector<16xi32> to vector<16x1xi32>
    %gather3A_1508 = vector.shape_cast %broadcast_in_dim3A_1507 : vector<16x1xi32> to vector<16xi32>
    %gather3A_1509 = tpu.dynamic_gather %max3A_1506[%gather3A_1508] in [0] : vector<16xf32>, vector<16xi32> -> vector<16xf32>
    %max3A_1510 = arith.maximumf %max3A_1506, %gather3A_1509 : vector<16xf32>
    %broadcast_in_dim3A_1511 = vector.shape_cast %xor3A_12 : vector<16xi32> to vector<16x1xi32>
    %gather3A_1512 = vector.shape_cast %broadcast_in_dim3A_1511 : vector<16x1xi32> to vector<16xi32>
    %gather3A_1513 = tpu.dynamic_gather %max3A_1510[%gather3A_1512] in [0] : vector<16xf32>, vector<16xi32> -> vector<16xf32>
    %max3A_1514 = arith.maximumf %max3A_1510, %gather3A_1513 : vector<16xf32>
    %sub3A_1515 = arith.subf %get3A_1502, %max3A_1514 : vector<16xf32>
    %exp3A_1516 = math.exp %sub3A_1515 : vector<16xf32>
    %broadcast_in_dim3A_1517 = vector.shape_cast %xor3A_6 : vector<16xi32> to vector<16x1xi32>
    %gather3A_1518 = vector.shape_cast %broadcast_in_dim3A_1517 : vector<16x1xi32> to vector<16xi32>
    %gather3A_1519 = tpu.dynamic_gather %exp3A_1516[%gather3A_1518] in [0] : vector<16xf32>, vector<16xi32> -> vector<16xf32>
    %add3A_1520 = arith.addf %exp3A_1516, %gather3A_1519 : vector<16xf32>
    %broadcast_in_dim3A_1521 = vector.shape_cast %xor3A_9 : vector<16xi32> to vector<16x1xi32>
    %gather3A_1522 = vector.shape_cast %broadcast_in_dim3A_1521 : vector<16x1xi32> to vector<16xi32>
    %gather3A_1523 = tpu.dynamic_gather %add3A_1520[%gather3A_1522] in [0] : vector<16xf32>, vector<16xi32> -> vector<16xf32>
    %add3A_1524 = arith.addf %add3A_1520, %gather3A_1523 : vector<16xf32>
    %broadcast_in_dim3A_1525 = vector.shape_cast %xor3A_12 : vector<16xi32> to vector<16x1xi32>
    %gather3A_1526 = vector.shape_cast %broadcast_in_dim3A_1525 : vector<16x1xi32> to vector<16xi32>
    %gather3A_1527 = tpu.dynamic_gather %add3A_1524[%gather3A_1526] in [0] : vector<16xf32>, vector<16xi32> -> vector<16xf32>
    %add3A_1528 = arith.addf %add3A_1524, %gather3A_1527 : vector<16xf32>
    %div3A_1529 = arith.divf %exp3A_1516, %add3A_1528 : vector<16xf32>
    %broadcast_in_dim3A_1530 = vector.shape_cast %xor3A_6 : vector<16xi32> to vector<16x1xi32>
    %gather3A_1531 = vector.shape_cast %broadcast_in_dim3A_1530 : vector<16x1xi32> to vector<16xi32>
    %gather3A_1532 = tpu.dynamic_gather %div3A_1529[%gather3A_1531] in [0] : vector<16xf32>, vector<16xi32> -> vector<16xf32>
    %max3A_1533 = arith.maximumf %div3A_1529, %gather3A_1532 : vector<16xf32>
    %broadcast_in_dim3A_1534 = vector.shape_cast %xor3A_9 : vector<16xi32> to vector<16x1xi32>
    %gather3A_1535 = vector.shape_cast %broadcast_in_dim3A_1534 : vector<16x1xi32> to vector<16xi32>
    %gather3A_1536 = tpu.dynamic_gather %max3A_1533[%gather3A_1535] in [0] : vector<16xf32>, vector<16xi32> -> vector<16xf32>
    %max3A_1537 = arith.maximumf %max3A_1533, %gather3A_1536 : vector<16xf32>
    %broadcast_in_dim3A_1538 = vector.shape_cast %xor3A_12 : vector<16xi32> to vector<16x1xi32>
    %gather3A_1539 = vector.shape_cast %broadcast_in_dim3A_1538 : vector<16x1xi32> to vector<16xi32>
    %gather3A_1540 = tpu.dynamic_gather %max3A_1537[%gather3A_1539] in [0] : vector<16xf32>, vector<16xi32> -> vector<16xf32>
    %max3A_1541 = arith.maximumf %max3A_1537, %gather3A_1540 : vector<16xf32>
    %ge3A_1542 = arith.cmpf oge, %div3A_1529, %max3A_1541 : vector<16xf32>
    %jit3A_1543 = arith.constant 8 : i32
    %broadcast_in_dim3A_1544 = vector.broadcast %jit3A_1543 : i32 to vector<16xi32>
    %select_n3A_1545 = arith.select %ge3A_1542, %and3A_14, %broadcast_in_dim3A_1544 : vector<16xi1>, vector<16xi32>
    %broadcast_in_dim3A_1546 = vector.shape_cast %xor3A_6 : vector<16xi32> to vector<16x1xi32>
    %gather3A_1547 = vector.shape_cast %broadcast_in_dim3A_1546 : vector<16x1xi32> to vector<16xi32>
    %gather3A_1548 = tpu.dynamic_gather %select_n3A_1545[%gather3A_1547] in [0] : vector<16xi32>, vector<16xi32> -> vector<16xi32>
    %min3A_1549 = arith.minsi %select_n3A_1545, %gather3A_1548 : vector<16xi32>
    %broadcast_in_dim3A_1550 = vector.shape_cast %xor3A_9 : vector<16xi32> to vector<16x1xi32>
    %gather3A_1551 = vector.shape_cast %broadcast_in_dim3A_1550 : vector<16x1xi32> to vector<16xi32>
    %gather3A_1552 = tpu.dynamic_gather %min3A_1549[%gather3A_1551] in [0] : vector<16xi32>, vector<16xi32> -> vector<16xi32>
    %min3A_1553 = arith.minsi %min3A_1549, %gather3A_1552 : vector<16xi32>
    %broadcast_in_dim3A_1554 = vector.shape_cast %xor3A_12 : vector<16xi32> to vector<16x1xi32>
    %gather3A_1555 = vector.shape_cast %broadcast_in_dim3A_1554 : vector<16x1xi32> to vector<16xi32>
    %gather3A_1556 = tpu.dynamic_gather %min3A_1553[%gather3A_1555] in [0] : vector<16xi32>, vector<16xi32> -> vector<16xi32>
    %min3A_1557 = arith.minsi %min3A_1553, %gather3A_1556 : vector<16xi32>
    %eq3A_1558 = arith.cmpi eq, %and3A_14, %min3A_1557 : vector<16xi32>
    %jit3A_1559 = arith.constant -1.000000e+00 : f32
    %broadcast_in_dim3A_1560 = vector.broadcast %jit3A_1559 : f32 to vector<16xf32>
    %select_n3A_1561 = arith.select %eq3A_1558, %broadcast_in_dim3A_1560, %div3A_1529 : vector<16xi1>, vector<16xf32>
    %broadcast_in_dim3A_1562 = vector.shape_cast %xor3A_6 : vector<16xi32> to vector<16x1xi32>
    %gather3A_1563 = vector.shape_cast %broadcast_in_dim3A_1562 : vector<16x1xi32> to vector<16xi32>
    %gather3A_1564 = tpu.dynamic_gather %select_n3A_1561[%gather3A_1563] in [0] : vector<16xf32>, vector<16xi32> -> vector<16xf32>
    %max3A_1565 = arith.maximumf %select_n3A_1561, %gather3A_1564 : vector<16xf32>
    %broadcast_in_dim3A_1566 = vector.shape_cast %xor3A_9 : vector<16xi32> to vector<16x1xi32>
    %gather3A_1567 = vector.shape_cast %broadcast_in_dim3A_1566 : vector<16x1xi32> to vector<16xi32>
    %gather3A_1568 = tpu.dynamic_gather %max3A_1565[%gather3A_1567] in [0] : vector<16xf32>, vector<16xi32> -> vector<16xf32>
    %max3A_1569 = arith.maximumf %max3A_1565, %gather3A_1568 : vector<16xf32>
    %broadcast_in_dim3A_1570 = vector.shape_cast %xor3A_12 : vector<16xi32> to vector<16x1xi32>
    %gather3A_1571 = vector.shape_cast %broadcast_in_dim3A_1570 : vector<16x1xi32> to vector<16xi32>
    %gather3A_1572 = tpu.dynamic_gather %max3A_1569[%gather3A_1571] in [0] : vector<16xf32>, vector<16xi32> -> vector<16xf32>
    %max3A_1573 = arith.maximumf %max3A_1569, %gather3A_1572 : vector<16xf32>
    %ge3A_1574 = arith.cmpf oge, %select_n3A_1561, %max3A_1573 : vector<16xf32>
    %jit3A_1575 = arith.constant 8 : i32
    %broadcast_in_dim3A_1576 = vector.broadcast %jit3A_1575 : i32 to vector<16xi32>
    %select_n3A_1577 = arith.select %ge3A_1574, %and3A_14, %broadcast_in_dim3A_1576 : vector<16xi1>, vector<16xi32>
    %broadcast_in_dim3A_1578 = vector.shape_cast %xor3A_6 : vector<16xi32> to vector<16x1xi32>
    %gather3A_1579 = vector.shape_cast %broadcast_in_dim3A_1578 : vector<16x1xi32> to vector<16xi32>
    %gather3A_1580 = tpu.dynamic_gather %select_n3A_1577[%gather3A_1579] in [0] : vector<16xi32>, vector<16xi32> -> vector<16xi32>
    %min3A_1581 = arith.minsi %select_n3A_1577, %gather3A_1580 : vector<16xi32>
    %broadcast_in_dim3A_1582 = vector.shape_cast %xor3A_9 : vector<16xi32> to vector<16x1xi32>
    %gather3A_1583 = vector.shape_cast %broadcast_in_dim3A_1582 : vector<16x1xi32> to vector<16xi32>
    %gather3A_1584 = tpu.dynamic_gather %min3A_1581[%gather3A_1583] in [0] : vector<16xi32>, vector<16xi32> -> vector<16xi32>
    %min3A_1585 = arith.minsi %min3A_1581, %gather3A_1584 : vector<16xi32>
    %broadcast_in_dim3A_1586 = vector.shape_cast %xor3A_12 : vector<16xi32> to vector<16x1xi32>
    %gather3A_1587 = vector.shape_cast %broadcast_in_dim3A_1586 : vector<16x1xi32> to vector<16xi32>
    %gather3A_1588 = tpu.dynamic_gather %min3A_1585[%gather3A_1587] in [0] : vector<16xi32>, vector<16xi32> -> vector<16xi32>
    %min3A_1589 = arith.minsi %min3A_1585, %gather3A_1588 : vector<16xi32>
    %eq3A_1590 = arith.cmpi eq, %and3A_14, %min3A_1589 : vector<16xi32>
    %add3A_1591 = arith.addf %max3A_1541, %max3A_1573 : vector<16xf32>
    %add3A_1592 = arith.constant 9.99999997E-7 : f32
    %add3A_1593 = vector.broadcast %add3A_1592 : f32 to vector<16xf32>
    %add3A_1594 = arith.addf %add3A_1591, %add3A_1593 : vector<16xf32>
    %jit3A_1595 = arith.constant 0.000000e+00 : f32
    %broadcast_in_dim3A_1596 = vector.broadcast %jit3A_1595 : f32 to vector<16xf32>
    %select_n3A_1597 = arith.select %eq3A_1558, %max3A_1541, %broadcast_in_dim3A_1596 : vector<16xi1>, vector<16xf32>
    %jit3A_1598 = arith.constant 0.000000e+00 : f32
    %broadcast_in_dim3A_1599 = vector.broadcast %jit3A_1598 : f32 to vector<16xf32>
    %select_n3A_1600 = arith.select %eq3A_1590, %max3A_1573, %broadcast_in_dim3A_1599 : vector<16xi1>, vector<16xf32>
    %add3A_1601 = arith.addf %select_n3A_1597, %select_n3A_1600 : vector<16xf32>
    %div3A_1602 = arith.divf %add3A_1601, %add3A_1594 : vector<16xf32>
    %swap3A_1603 = arith.constant 224 : index
    %swap3A_1604 = tpu.vector_load %arg5[%swap3A_1603] {strides = array<i32>} : memref<512xf32, #tpu.memory_space<vmem>>, vector<16xf32>,
    %swap3A_1605 = vector.shape_cast %swap3A_1604 : vector<16xf32> to vector<16xf32>
    %swap3A_1606 = vector.shape_cast %div3A_1602 : vector<16xf32> to vector<16xf32>
    tpu.vector_store %arg5[%swap3A_1603], %swap3A_1606 {strides = array<i32>} : memref<512xf32, #tpu.memory_space<vmem>>, vector<16xf32>,
    %get3A_1607 = arith.constant 240 : index
    %get3A_1608 = tpu.vector_load %arg4[%get3A_1607] {strides = array<i32>} : memref<512xf32, #tpu.memory_space<vmem>>, vector<16xf32>,
    %get3A_1609 = vector.shape_cast %get3A_1608 : vector<16xf32> to vector<16xf32>
    %broadcast_in_dim3A_1610 = vector.shape_cast %xor3A_6 : vector<16xi32> to vector<16x1xi32>
    %gather3A_1611 = vector.shape_cast %broadcast_in_dim3A_1610 : vector<16x1xi32> to vector<16xi32>
    %gather3A_1612 = tpu.dynamic_gather %get3A_1609[%gather3A_1611] in [0] : vector<16xf32>, vector<16xi32> -> vector<16xf32>
    %max3A_1613 = arith.maximumf %get3A_1609, %gather3A_1612 : vector<16xf32>
    %broadcast_in_dim3A_1614 = vector.shape_cast %xor3A_9 : vector<16xi32> to vector<16x1xi32>
    %gather3A_1615 = vector.shape_cast %broadcast_in_dim3A_1614 : vector<16x1xi32> to vector<16xi32>
    %gather3A_1616 = tpu.dynamic_gather %max3A_1613[%gather3A_1615] in [0] : vector<16xf32>, vector<16xi32> -> vector<16xf32>
    %max3A_1617 = arith.maximumf %max3A_1613, %gather3A_1616 : vector<16xf32>
    %broadcast_in_dim3A_1618 = vector.shape_cast %xor3A_12 : vector<16xi32> to vector<16x1xi32>
    %gather3A_1619 = vector.shape_cast %broadcast_in_dim3A_1618 : vector<16x1xi32> to vector<16xi32>
    %gather3A_1620 = tpu.dynamic_gather %max3A_1617[%gather3A_1619] in [0] : vector<16xf32>, vector<16xi32> -> vector<16xf32>
    %max3A_1621 = arith.maximumf %max3A_1617, %gather3A_1620 : vector<16xf32>
    %sub3A_1622 = arith.subf %get3A_1609, %max3A_1621 : vector<16xf32>
    %exp3A_1623 = math.exp %sub3A_1622 : vector<16xf32>
    %broadcast_in_dim3A_1624 = vector.shape_cast %xor3A_6 : vector<16xi32> to vector<16x1xi32>
    %gather3A_1625 = vector.shape_cast %broadcast_in_dim3A_1624 : vector<16x1xi32> to vector<16xi32>
    %gather3A_1626 = tpu.dynamic_gather %exp3A_1623[%gather3A_1625] in [0] : vector<16xf32>, vector<16xi32> -> vector<16xf32>
    %add3A_1627 = arith.addf %exp3A_1623, %gather3A_1626 : vector<16xf32>
    %broadcast_in_dim3A_1628 = vector.shape_cast %xor3A_9 : vector<16xi32> to vector<16x1xi32>
    %gather3A_1629 = vector.shape_cast %broadcast_in_dim3A_1628 : vector<16x1xi32> to vector<16xi32>
    %gather3A_1630 = tpu.dynamic_gather %add3A_1627[%gather3A_1629] in [0] : vector<16xf32>, vector<16xi32> -> vector<16xf32>
    %add3A_1631 = arith.addf %add3A_1627, %gather3A_1630 : vector<16xf32>
    %broadcast_in_dim3A_1632 = vector.shape_cast %xor3A_12 : vector<16xi32> to vector<16x1xi32>
    %gather3A_1633 = vector.shape_cast %broadcast_in_dim3A_1632 : vector<16x1xi32> to vector<16xi32>
    %gather3A_1634 = tpu.dynamic_gather %add3A_1631[%gather3A_1633] in [0] : vector<16xf32>, vector<16xi32> -> vector<16xf32>
    %add3A_1635 = arith.addf %add3A_1631, %gather3A_1634 : vector<16xf32>
    %div3A_1636 = arith.divf %exp3A_1623, %add3A_1635 : vector<16xf32>
    %broadcast_in_dim3A_1637 = vector.shape_cast %xor3A_6 : vector<16xi32> to vector<16x1xi32>
    %gather3A_1638 = vector.shape_cast %broadcast_in_dim3A_1637 : vector<16x1xi32> to vector<16xi32>
    %gather3A_1639 = tpu.dynamic_gather %div3A_1636[%gather3A_1638] in [0] : vector<16xf32>, vector<16xi32> -> vector<16xf32>
    %max3A_1640 = arith.maximumf %div3A_1636, %gather3A_1639 : vector<16xf32>
    %broadcast_in_dim3A_1641 = vector.shape_cast %xor3A_9 : vector<16xi32> to vector<16x1xi32>
    %gather3A_1642 = vector.shape_cast %broadcast_in_dim3A_1641 : vector<16x1xi32> to vector<16xi32>
    %gather3A_1643 = tpu.dynamic_gather %max3A_1640[%gather3A_1642] in [0] : vector<16xf32>, vector<16xi32> -> vector<16xf32>
    %max3A_1644 = arith.maximumf %max3A_1640, %gather3A_1643 : vector<16xf32>
    %broadcast_in_dim3A_1645 = vector.shape_cast %xor3A_12 : vector<16xi32> to vector<16x1xi32>
    %gather3A_1646 = vector.shape_cast %broadcast_in_dim3A_1645 : vector<16x1xi32> to vector<16xi32>
    %gather3A_1647 = tpu.dynamic_gather %max3A_1644[%gather3A_1646] in [0] : vector<16xf32>, vector<16xi32> -> vector<16xf32>
    %max3A_1648 = arith.maximumf %max3A_1644, %gather3A_1647 : vector<16xf32>
    %ge3A_1649 = arith.cmpf oge, %div3A_1636, %max3A_1648 : vector<16xf32>
    %jit3A_1650 = arith.constant 8 : i32
    %broadcast_in_dim3A_1651 = vector.broadcast %jit3A_1650 : i32 to vector<16xi32>
    %select_n3A_1652 = arith.select %ge3A_1649, %and3A_14, %broadcast_in_dim3A_1651 : vector<16xi1>, vector<16xi32>
    %broadcast_in_dim3A_1653 = vector.shape_cast %xor3A_6 : vector<16xi32> to vector<16x1xi32>
    %gather3A_1654 = vector.shape_cast %broadcast_in_dim3A_1653 : vector<16x1xi32> to vector<16xi32>
    %gather3A_1655 = tpu.dynamic_gather %select_n3A_1652[%gather3A_1654] in [0] : vector<16xi32>, vector<16xi32> -> vector<16xi32>
    %min3A_1656 = arith.minsi %select_n3A_1652, %gather3A_1655 : vector<16xi32>
    %broadcast_in_dim3A_1657 = vector.shape_cast %xor3A_9 : vector<16xi32> to vector<16x1xi32>
    %gather3A_1658 = vector.shape_cast %broadcast_in_dim3A_1657 : vector<16x1xi32> to vector<16xi32>
    %gather3A_1659 = tpu.dynamic_gather %min3A_1656[%gather3A_1658] in [0] : vector<16xi32>, vector<16xi32> -> vector<16xi32>
    %min3A_1660 = arith.minsi %min3A_1656, %gather3A_1659 : vector<16xi32>
    %broadcast_in_dim3A_1661 = vector.shape_cast %xor3A_12 : vector<16xi32> to vector<16x1xi32>
    %gather3A_1662 = vector.shape_cast %broadcast_in_dim3A_1661 : vector<16x1xi32> to vector<16xi32>
    %gather3A_1663 = tpu.dynamic_gather %min3A_1660[%gather3A_1662] in [0] : vector<16xi32>, vector<16xi32> -> vector<16xi32>
    %min3A_1664 = arith.minsi %min3A_1660, %gather3A_1663 : vector<16xi32>
    %eq3A_1665 = arith.cmpi eq, %and3A_14, %min3A_1664 : vector<16xi32>
    %jit3A_1666 = arith.constant -1.000000e+00 : f32
    %broadcast_in_dim3A_1667 = vector.broadcast %jit3A_1666 : f32 to vector<16xf32>
    %select_n3A_1668 = arith.select %eq3A_1665, %broadcast_in_dim3A_1667, %div3A_1636 : vector<16xi1>, vector<16xf32>
    %broadcast_in_dim3A_1669 = vector.shape_cast %xor3A_6 : vector<16xi32> to vector<16x1xi32>
    %gather3A_1670 = vector.shape_cast %broadcast_in_dim3A_1669 : vector<16x1xi32> to vector<16xi32>
    %gather3A_1671 = tpu.dynamic_gather %select_n3A_1668[%gather3A_1670] in [0] : vector<16xf32>, vector<16xi32> -> vector<16xf32>
    %max3A_1672 = arith.maximumf %select_n3A_1668, %gather3A_1671 : vector<16xf32>
    %broadcast_in_dim3A_1673 = vector.shape_cast %xor3A_9 : vector<16xi32> to vector<16x1xi32>
    %gather3A_1674 = vector.shape_cast %broadcast_in_dim3A_1673 : vector<16x1xi32> to vector<16xi32>
    %gather3A_1675 = tpu.dynamic_gather %max3A_1672[%gather3A_1674] in [0] : vector<16xf32>, vector<16xi32> -> vector<16xf32>
    %max3A_1676 = arith.maximumf %max3A_1672, %gather3A_1675 : vector<16xf32>
    %broadcast_in_dim3A_1677 = vector.shape_cast %xor3A_12 : vector<16xi32> to vector<16x1xi32>
    %gather3A_1678 = vector.shape_cast %broadcast_in_dim3A_1677 : vector<16x1xi32> to vector<16xi32>
    %gather3A_1679 = tpu.dynamic_gather %max3A_1676[%gather3A_1678] in [0] : vector<16xf32>, vector<16xi32> -> vector<16xf32>
    %max3A_1680 = arith.maximumf %max3A_1676, %gather3A_1679 : vector<16xf32>
    %ge3A_1681 = arith.cmpf oge, %select_n3A_1668, %max3A_1680 : vector<16xf32>
    %jit3A_1682 = arith.constant 8 : i32
    %broadcast_in_dim3A_1683 = vector.broadcast %jit3A_1682 : i32 to vector<16xi32>
    %select_n3A_1684 = arith.select %ge3A_1681, %and3A_14, %broadcast_in_dim3A_1683 : vector<16xi1>, vector<16xi32>
    %broadcast_in_dim3A_1685 = vector.shape_cast %xor3A_6 : vector<16xi32> to vector<16x1xi32>
    %gather3A_1686 = vector.shape_cast %broadcast_in_dim3A_1685 : vector<16x1xi32> to vector<16xi32>
    %gather3A_1687 = tpu.dynamic_gather %select_n3A_1684[%gather3A_1686] in [0] : vector<16xi32>, vector<16xi32> -> vector<16xi32>
    %min3A_1688 = arith.minsi %select_n3A_1684, %gather3A_1687 : vector<16xi32>
    %broadcast_in_dim3A_1689 = vector.shape_cast %xor3A_9 : vector<16xi32> to vector<16x1xi32>
    %gather3A_1690 = vector.shape_cast %broadcast_in_dim3A_1689 : vector<16x1xi32> to vector<16xi32>
    %gather3A_1691 = tpu.dynamic_gather %min3A_1688[%gather3A_1690] in [0] : vector<16xi32>, vector<16xi32> -> vector<16xi32>
    %min3A_1692 = arith.minsi %min3A_1688, %gather3A_1691 : vector<16xi32>
    %broadcast_in_dim3A_1693 = vector.shape_cast %xor3A_12 : vector<16xi32> to vector<16x1xi32>
    %gather3A_1694 = vector.shape_cast %broadcast_in_dim3A_1693 : vector<16x1xi32> to vector<16xi32>
    %gather3A_1695 = tpu.dynamic_gather %min3A_1692[%gather3A_1694] in [0] : vector<16xi32>, vector<16xi32> -> vector<16xi32>
    %min3A_1696 = arith.minsi %min3A_1692, %gather3A_1695 : vector<16xi32>
    %eq3A_1697 = arith.cmpi eq, %and3A_14, %min3A_1696 : vector<16xi32>
    %add3A_1698 = arith.addf %max3A_1648, %max3A_1680 : vector<16xf32>
    %add3A_1699 = arith.constant 9.99999997E-7 : f32
    %add3A_1700 = vector.broadcast %add3A_1699 : f32 to vector<16xf32>
    %add3A_1701 = arith.addf %add3A_1698, %add3A_1700 : vector<16xf32>
    %jit3A_1702 = arith.constant 0.000000e+00 : f32
    %broadcast_in_dim3A_1703 = vector.broadcast %jit3A_1702 : f32 to vector<16xf32>
    %select_n3A_1704 = arith.select %eq3A_1665, %max3A_1648, %broadcast_in_dim3A_1703 : vector<16xi1>, vector<16xf32>
    %jit3A_1705 = arith.constant 0.000000e+00 : f32
    %broadcast_in_dim3A_1706 = vector.broadcast %jit3A_1705 : f32 to vector<16xf32>
    %select_n3A_1707 = arith.select %eq3A_1697, %max3A_1680, %broadcast_in_dim3A_1706 : vector<16xi1>, vector<16xf32>
    %add3A_1708 = arith.addf %select_n3A_1704, %select_n3A_1707 : vector<16xf32>
    %div3A_1709 = arith.divf %add3A_1708, %add3A_1701 : vector<16xf32>
    %swap3A_1710 = arith.constant 240 : index
    %swap3A_1711 = tpu.vector_load %arg5[%swap3A_1710] {strides = array<i32>} : memref<512xf32, #tpu.memory_space<vmem>>, vector<16xf32>,
    %swap3A_1712 = vector.shape_cast %swap3A_1711 : vector<16xf32> to vector<16xf32>
    %swap3A_1713 = vector.shape_cast %div3A_1709 : vector<16xf32> to vector<16xf32>
    tpu.vector_store %arg5[%swap3A_1710], %swap3A_1713 {strides = array<i32>} : memref<512xf32, #tpu.memory_space<vmem>>, vector<16xf32>,
    %get3A_1714 = arith.constant 256 : index
    %get3A_1715 = tpu.vector_load %arg4[%get3A_1714] {strides = array<i32>} : memref<512xf32, #tpu.memory_space<vmem>>, vector<16xf32>,
    %get3A_1716 = vector.shape_cast %get3A_1715 : vector<16xf32> to vector<16xf32>
    %broadcast_in_dim3A_1717 = vector.shape_cast %xor3A_6 : vector<16xi32> to vector<16x1xi32>
    %gather3A_1718 = vector.shape_cast %broadcast_in_dim3A_1717 : vector<16x1xi32> to vector<16xi32>
    %gather3A_1719 = tpu.dynamic_gather %get3A_1716[%gather3A_1718] in [0] : vector<16xf32>, vector<16xi32> -> vector<16xf32>
    %max3A_1720 = arith.maximumf %get3A_1716, %gather3A_1719 : vector<16xf32>
    %broadcast_in_dim3A_1721 = vector.shape_cast %xor3A_9 : vector<16xi32> to vector<16x1xi32>
    %gather3A_1722 = vector.shape_cast %broadcast_in_dim3A_1721 : vector<16x1xi32> to vector<16xi32>
    %gather3A_1723 = tpu.dynamic_gather %max3A_1720[%gather3A_1722] in [0] : vector<16xf32>, vector<16xi32> -> vector<16xf32>
    %max3A_1724 = arith.maximumf %max3A_1720, %gather3A_1723 : vector<16xf32>
    %broadcast_in_dim3A_1725 = vector.shape_cast %xor3A_12 : vector<16xi32> to vector<16x1xi32>
    %gather3A_1726 = vector.shape_cast %broadcast_in_dim3A_1725 : vector<16x1xi32> to vector<16xi32>
    %gather3A_1727 = tpu.dynamic_gather %max3A_1724[%gather3A_1726] in [0] : vector<16xf32>, vector<16xi32> -> vector<16xf32>
    %max3A_1728 = arith.maximumf %max3A_1724, %gather3A_1727 : vector<16xf32>
    %sub3A_1729 = arith.subf %get3A_1716, %max3A_1728 : vector<16xf32>
    %exp3A_1730 = math.exp %sub3A_1729 : vector<16xf32>
    %broadcast_in_dim3A_1731 = vector.shape_cast %xor3A_6 : vector<16xi32> to vector<16x1xi32>
    %gather3A_1732 = vector.shape_cast %broadcast_in_dim3A_1731 : vector<16x1xi32> to vector<16xi32>
    %gather3A_1733 = tpu.dynamic_gather %exp3A_1730[%gather3A_1732] in [0] : vector<16xf32>, vector<16xi32> -> vector<16xf32>
    %add3A_1734 = arith.addf %exp3A_1730, %gather3A_1733 : vector<16xf32>
    %broadcast_in_dim3A_1735 = vector.shape_cast %xor3A_9 : vector<16xi32> to vector<16x1xi32>
    %gather3A_1736 = vector.shape_cast %broadcast_in_dim3A_1735 : vector<16x1xi32> to vector<16xi32>
    %gather3A_1737 = tpu.dynamic_gather %add3A_1734[%gather3A_1736] in [0] : vector<16xf32>, vector<16xi32> -> vector<16xf32>
    %add3A_1738 = arith.addf %add3A_1734, %gather3A_1737 : vector<16xf32>
    %broadcast_in_dim3A_1739 = vector.shape_cast %xor3A_12 : vector<16xi32> to vector<16x1xi32>
    %gather3A_1740 = vector.shape_cast %broadcast_in_dim3A_1739 : vector<16x1xi32> to vector<16xi32>
    %gather3A_1741 = tpu.dynamic_gather %add3A_1738[%gather3A_1740] in [0] : vector<16xf32>, vector<16xi32> -> vector<16xf32>
    %add3A_1742 = arith.addf %add3A_1738, %gather3A_1741 : vector<16xf32>
    %div3A_1743 = arith.divf %exp3A_1730, %add3A_1742 : vector<16xf32>
    %broadcast_in_dim3A_1744 = vector.shape_cast %xor3A_6 : vector<16xi32> to vector<16x1xi32>
    %gather3A_1745 = vector.shape_cast %broadcast_in_dim3A_1744 : vector<16x1xi32> to vector<16xi32>
    %gather3A_1746 = tpu.dynamic_gather %div3A_1743[%gather3A_1745] in [0] : vector<16xf32>, vector<16xi32> -> vector<16xf32>
    %max3A_1747 = arith.maximumf %div3A_1743, %gather3A_1746 : vector<16xf32>
    %broadcast_in_dim3A_1748 = vector.shape_cast %xor3A_9 : vector<16xi32> to vector<16x1xi32>
    %gather3A_1749 = vector.shape_cast %broadcast_in_dim3A_1748 : vector<16x1xi32> to vector<16xi32>
    %gather3A_1750 = tpu.dynamic_gather %max3A_1747[%gather3A_1749] in [0] : vector<16xf32>, vector<16xi32> -> vector<16xf32>
    %max3A_1751 = arith.maximumf %max3A_1747, %gather3A_1750 : vector<16xf32>
    %broadcast_in_dim3A_1752 = vector.shape_cast %xor3A_12 : vector<16xi32> to vector<16x1xi32>
    %gather3A_1753 = vector.shape_cast %broadcast_in_dim3A_1752 : vector<16x1xi32> to vector<16xi32>
    %gather3A_1754 = tpu.dynamic_gather %max3A_1751[%gather3A_1753] in [0] : vector<16xf32>, vector<16xi32> -> vector<16xf32>
    %max3A_1755 = arith.maximumf %max3A_1751, %gather3A_1754 : vector<16xf32>
    %ge3A_1756 = arith.cmpf oge, %div3A_1743, %max3A_1755 : vector<16xf32>
    %jit3A_1757 = arith.constant 8 : i32
    %broadcast_in_dim3A_1758 = vector.broadcast %jit3A_1757 : i32 to vector<16xi32>
    %select_n3A_1759 = arith.select %ge3A_1756, %and3A_14, %broadcast_in_dim3A_1758 : vector<16xi1>, vector<16xi32>
    %broadcast_in_dim3A_1760 = vector.shape_cast %xor3A_6 : vector<16xi32> to vector<16x1xi32>
    %gather3A_1761 = vector.shape_cast %broadcast_in_dim3A_1760 : vector<16x1xi32> to vector<16xi32>
    %gather3A_1762 = tpu.dynamic_gather %select_n3A_1759[%gather3A_1761] in [0] : vector<16xi32>, vector<16xi32> -> vector<16xi32>
    %min3A_1763 = arith.minsi %select_n3A_1759, %gather3A_1762 : vector<16xi32>
    %broadcast_in_dim3A_1764 = vector.shape_cast %xor3A_9 : vector<16xi32> to vector<16x1xi32>
    %gather3A_1765 = vector.shape_cast %broadcast_in_dim3A_1764 : vector<16x1xi32> to vector<16xi32>
    %gather3A_1766 = tpu.dynamic_gather %min3A_1763[%gather3A_1765] in [0] : vector<16xi32>, vector<16xi32> -> vector<16xi32>
    %min3A_1767 = arith.minsi %min3A_1763, %gather3A_1766 : vector<16xi32>
    %broadcast_in_dim3A_1768 = vector.shape_cast %xor3A_12 : vector<16xi32> to vector<16x1xi32>
    %gather3A_1769 = vector.shape_cast %broadcast_in_dim3A_1768 : vector<16x1xi32> to vector<16xi32>
    %gather3A_1770 = tpu.dynamic_gather %min3A_1767[%gather3A_1769] in [0] : vector<16xi32>, vector<16xi32> -> vector<16xi32>
    %min3A_1771 = arith.minsi %min3A_1767, %gather3A_1770 : vector<16xi32>
    %eq3A_1772 = arith.cmpi eq, %and3A_14, %min3A_1771 : vector<16xi32>
    %jit3A_1773 = arith.constant -1.000000e+00 : f32
    %broadcast_in_dim3A_1774 = vector.broadcast %jit3A_1773 : f32 to vector<16xf32>
    %select_n3A_1775 = arith.select %eq3A_1772, %broadcast_in_dim3A_1774, %div3A_1743 : vector<16xi1>, vector<16xf32>
    %broadcast_in_dim3A_1776 = vector.shape_cast %xor3A_6 : vector<16xi32> to vector<16x1xi32>
    %gather3A_1777 = vector.shape_cast %broadcast_in_dim3A_1776 : vector<16x1xi32> to vector<16xi32>
    %gather3A_1778 = tpu.dynamic_gather %select_n3A_1775[%gather3A_1777] in [0] : vector<16xf32>, vector<16xi32> -> vector<16xf32>
    %max3A_1779 = arith.maximumf %select_n3A_1775, %gather3A_1778 : vector<16xf32>
    %broadcast_in_dim3A_1780 = vector.shape_cast %xor3A_9 : vector<16xi32> to vector<16x1xi32>
    %gather3A_1781 = vector.shape_cast %broadcast_in_dim3A_1780 : vector<16x1xi32> to vector<16xi32>
    %gather3A_1782 = tpu.dynamic_gather %max3A_1779[%gather3A_1781] in [0] : vector<16xf32>, vector<16xi32> -> vector<16xf32>
    %max3A_1783 = arith.maximumf %max3A_1779, %gather3A_1782 : vector<16xf32>
    %broadcast_in_dim3A_1784 = vector.shape_cast %xor3A_12 : vector<16xi32> to vector<16x1xi32>
    %gather3A_1785 = vector.shape_cast %broadcast_in_dim3A_1784 : vector<16x1xi32> to vector<16xi32>
    %gather3A_1786 = tpu.dynamic_gather %max3A_1783[%gather3A_1785] in [0] : vector<16xf32>, vector<16xi32> -> vector<16xf32>
    %max3A_1787 = arith.maximumf %max3A_1783, %gather3A_1786 : vector<16xf32>
    %ge3A_1788 = arith.cmpf oge, %select_n3A_1775, %max3A_1787 : vector<16xf32>
    %jit3A_1789 = arith.constant 8 : i32
    %broadcast_in_dim3A_1790 = vector.broadcast %jit3A_1789 : i32 to vector<16xi32>
    %select_n3A_1791 = arith.select %ge3A_1788, %and3A_14, %broadcast_in_dim3A_1790 : vector<16xi1>, vector<16xi32>
    %broadcast_in_dim3A_1792 = vector.shape_cast %xor3A_6 : vector<16xi32> to vector<16x1xi32>
    %gather3A_1793 = vector.shape_cast %broadcast_in_dim3A_1792 : vector<16x1xi32> to vector<16xi32>
    %gather3A_1794 = tpu.dynamic_gather %select_n3A_1791[%gather3A_1793] in [0] : vector<16xi32>, vector<16xi32> -> vector<16xi32>
    %min3A_1795 = arith.minsi %select_n3A_1791, %gather3A_1794 : vector<16xi32>
    %broadcast_in_dim3A_1796 = vector.shape_cast %xor3A_9 : vector<16xi32> to vector<16x1xi32>
    %gather3A_1797 = vector.shape_cast %broadcast_in_dim3A_1796 : vector<16x1xi32> to vector<16xi32>
    %gather3A_1798 = tpu.dynamic_gather %min3A_1795[%gather3A_1797] in [0] : vector<16xi32>, vector<16xi32> -> vector<16xi32>
    %min3A_1799 = arith.minsi %min3A_1795, %gather3A_1798 : vector<16xi32>
    %broadcast_in_dim3A_1800 = vector.shape_cast %xor3A_12 : vector<16xi32> to vector<16x1xi32>
    %gather3A_1801 = vector.shape_cast %broadcast_in_dim3A_1800 : vector<16x1xi32> to vector<16xi32>
    %gather3A_1802 = tpu.dynamic_gather %min3A_1799[%gather3A_1801] in [0] : vector<16xi32>, vector<16xi32> -> vector<16xi32>
    %min3A_1803 = arith.minsi %min3A_1799, %gather3A_1802 : vector<16xi32>
    %eq3A_1804 = arith.cmpi eq, %and3A_14, %min3A_1803 : vector<16xi32>
    %add3A_1805 = arith.addf %max3A_1755, %max3A_1787 : vector<16xf32>
    %add3A_1806 = arith.constant 9.99999997E-7 : f32
    %add3A_1807 = vector.broadcast %add3A_1806 : f32 to vector<16xf32>
    %add3A_1808 = arith.addf %add3A_1805, %add3A_1807 : vector<16xf32>
    %jit3A_1809 = arith.constant 0.000000e+00 : f32
    %broadcast_in_dim3A_1810 = vector.broadcast %jit3A_1809 : f32 to vector<16xf32>
    %select_n3A_1811 = arith.select %eq3A_1772, %max3A_1755, %broadcast_in_dim3A_1810 : vector<16xi1>, vector<16xf32>
    %jit3A_1812 = arith.constant 0.000000e+00 : f32
    %broadcast_in_dim3A_1813 = vector.broadcast %jit3A_1812 : f32 to vector<16xf32>
    %select_n3A_1814 = arith.select %eq3A_1804, %max3A_1787, %broadcast_in_dim3A_1813 : vector<16xi1>, vector<16xf32>
    %add3A_1815 = arith.addf %select_n3A_1811, %select_n3A_1814 : vector<16xf32>
    %div3A_1816 = arith.divf %add3A_1815, %add3A_1808 : vector<16xf32>
    %swap3A_1817 = arith.constant 256 : index
    %swap3A_1818 = tpu.vector_load %arg5[%swap3A_1817] {strides = array<i32>} : memref<512xf32, #tpu.memory_space<vmem>>, vector<16xf32>,
    %swap3A_1819 = vector.shape_cast %swap3A_1818 : vector<16xf32> to vector<16xf32>
    %swap3A_1820 = vector.shape_cast %div3A_1816 : vector<16xf32> to vector<16xf32>
    tpu.vector_store %arg5[%swap3A_1817], %swap3A_1820 {strides = array<i32>} : memref<512xf32, #tpu.memory_space<vmem>>, vector<16xf32>,
    %get3A_1821 = arith.constant 272 : index
    %get3A_1822 = tpu.vector_load %arg4[%get3A_1821] {strides = array<i32>} : memref<512xf32, #tpu.memory_space<vmem>>, vector<16xf32>,
    %get3A_1823 = vector.shape_cast %get3A_1822 : vector<16xf32> to vector<16xf32>
    %broadcast_in_dim3A_1824 = vector.shape_cast %xor3A_6 : vector<16xi32> to vector<16x1xi32>
    %gather3A_1825 = vector.shape_cast %broadcast_in_dim3A_1824 : vector<16x1xi32> to vector<16xi32>
    %gather3A_1826 = tpu.dynamic_gather %get3A_1823[%gather3A_1825] in [0] : vector<16xf32>, vector<16xi32> -> vector<16xf32>
    %max3A_1827 = arith.maximumf %get3A_1823, %gather3A_1826 : vector<16xf32>
    %broadcast_in_dim3A_1828 = vector.shape_cast %xor3A_9 : vector<16xi32> to vector<16x1xi32>
    %gather3A_1829 = vector.shape_cast %broadcast_in_dim3A_1828 : vector<16x1xi32> to vector<16xi32>
    %gather3A_1830 = tpu.dynamic_gather %max3A_1827[%gather3A_1829] in [0] : vector<16xf32>, vector<16xi32> -> vector<16xf32>
    %max3A_1831 = arith.maximumf %max3A_1827, %gather3A_1830 : vector<16xf32>
    %broadcast_in_dim3A_1832 = vector.shape_cast %xor3A_12 : vector<16xi32> to vector<16x1xi32>
    %gather3A_1833 = vector.shape_cast %broadcast_in_dim3A_1832 : vector<16x1xi32> to vector<16xi32>
    %gather3A_1834 = tpu.dynamic_gather %max3A_1831[%gather3A_1833] in [0] : vector<16xf32>, vector<16xi32> -> vector<16xf32>
    %max3A_1835 = arith.maximumf %max3A_1831, %gather3A_1834 : vector<16xf32>
    %sub3A_1836 = arith.subf %get3A_1823, %max3A_1835 : vector<16xf32>
    %exp3A_1837 = math.exp %sub3A_1836 : vector<16xf32>
    %broadcast_in_dim3A_1838 = vector.shape_cast %xor3A_6 : vector<16xi32> to vector<16x1xi32>
    %gather3A_1839 = vector.shape_cast %broadcast_in_dim3A_1838 : vector<16x1xi32> to vector<16xi32>
    %gather3A_1840 = tpu.dynamic_gather %exp3A_1837[%gather3A_1839] in [0] : vector<16xf32>, vector<16xi32> -> vector<16xf32>
    %add3A_1841 = arith.addf %exp3A_1837, %gather3A_1840 : vector<16xf32>
    %broadcast_in_dim3A_1842 = vector.shape_cast %xor3A_9 : vector<16xi32> to vector<16x1xi32>
    %gather3A_1843 = vector.shape_cast %broadcast_in_dim3A_1842 : vector<16x1xi32> to vector<16xi32>
    %gather3A_1844 = tpu.dynamic_gather %add3A_1841[%gather3A_1843] in [0] : vector<16xf32>, vector<16xi32> -> vector<16xf32>
    %add3A_1845 = arith.addf %add3A_1841, %gather3A_1844 : vector<16xf32>
    %broadcast_in_dim3A_1846 = vector.shape_cast %xor3A_12 : vector<16xi32> to vector<16x1xi32>
    %gather3A_1847 = vector.shape_cast %broadcast_in_dim3A_1846 : vector<16x1xi32> to vector<16xi32>
    %gather3A_1848 = tpu.dynamic_gather %add3A_1845[%gather3A_1847] in [0] : vector<16xf32>, vector<16xi32> -> vector<16xf32>
    %add3A_1849 = arith.addf %add3A_1845, %gather3A_1848 : vector<16xf32>
    %div3A_1850 = arith.divf %exp3A_1837, %add3A_1849 : vector<16xf32>
    %broadcast_in_dim3A_1851 = vector.shape_cast %xor3A_6 : vector<16xi32> to vector<16x1xi32>
    %gather3A_1852 = vector.shape_cast %broadcast_in_dim3A_1851 : vector<16x1xi32> to vector<16xi32>
    %gather3A_1853 = tpu.dynamic_gather %div3A_1850[%gather3A_1852] in [0] : vector<16xf32>, vector<16xi32> -> vector<16xf32>
    %max3A_1854 = arith.maximumf %div3A_1850, %gather3A_1853 : vector<16xf32>
    %broadcast_in_dim3A_1855 = vector.shape_cast %xor3A_9 : vector<16xi32> to vector<16x1xi32>
    %gather3A_1856 = vector.shape_cast %broadcast_in_dim3A_1855 : vector<16x1xi32> to vector<16xi32>
    %gather3A_1857 = tpu.dynamic_gather %max3A_1854[%gather3A_1856] in [0] : vector<16xf32>, vector<16xi32> -> vector<16xf32>
    %max3A_1858 = arith.maximumf %max3A_1854, %gather3A_1857 : vector<16xf32>
    %broadcast_in_dim3A_1859 = vector.shape_cast %xor3A_12 : vector<16xi32> to vector<16x1xi32>
    %gather3A_1860 = vector.shape_cast %broadcast_in_dim3A_1859 : vector<16x1xi32> to vector<16xi32>
    %gather3A_1861 = tpu.dynamic_gather %max3A_1858[%gather3A_1860] in [0] : vector<16xf32>, vector<16xi32> -> vector<16xf32>
    %max3A_1862 = arith.maximumf %max3A_1858, %gather3A_1861 : vector<16xf32>
    %ge3A_1863 = arith.cmpf oge, %div3A_1850, %max3A_1862 : vector<16xf32>
    %jit3A_1864 = arith.constant 8 : i32
    %broadcast_in_dim3A_1865 = vector.broadcast %jit3A_1864 : i32 to vector<16xi32>
    %select_n3A_1866 = arith.select %ge3A_1863, %and3A_14, %broadcast_in_dim3A_1865 : vector<16xi1>, vector<16xi32>
    %broadcast_in_dim3A_1867 = vector.shape_cast %xor3A_6 : vector<16xi32> to vector<16x1xi32>
    %gather3A_1868 = vector.shape_cast %broadcast_in_dim3A_1867 : vector<16x1xi32> to vector<16xi32>
    %gather3A_1869 = tpu.dynamic_gather %select_n3A_1866[%gather3A_1868] in [0] : vector<16xi32>, vector<16xi32> -> vector<16xi32>
    %min3A_1870 = arith.minsi %select_n3A_1866, %gather3A_1869 : vector<16xi32>
    %broadcast_in_dim3A_1871 = vector.shape_cast %xor3A_9 : vector<16xi32> to vector<16x1xi32>
    %gather3A_1872 = vector.shape_cast %broadcast_in_dim3A_1871 : vector<16x1xi32> to vector<16xi32>
    %gather3A_1873 = tpu.dynamic_gather %min3A_1870[%gather3A_1872] in [0] : vector<16xi32>, vector<16xi32> -> vector<16xi32>
    %min3A_1874 = arith.minsi %min3A_1870, %gather3A_1873 : vector<16xi32>
    %broadcast_in_dim3A_1875 = vector.shape_cast %xor3A_12 : vector<16xi32> to vector<16x1xi32>
    %gather3A_1876 = vector.shape_cast %broadcast_in_dim3A_1875 : vector<16x1xi32> to vector<16xi32>
    %gather3A_1877 = tpu.dynamic_gather %min3A_1874[%gather3A_1876] in [0] : vector<16xi32>, vector<16xi32> -> vector<16xi32>
    %min3A_1878 = arith.minsi %min3A_1874, %gather3A_1877 : vector<16xi32>
    %eq3A_1879 = arith.cmpi eq, %and3A_14, %min3A_1878 : vector<16xi32>
    %jit3A_1880 = arith.constant -1.000000e+00 : f32
    %broadcast_in_dim3A_1881 = vector.broadcast %jit3A_1880 : f32 to vector<16xf32>
    %select_n3A_1882 = arith.select %eq3A_1879, %broadcast_in_dim3A_1881, %div3A_1850 : vector<16xi1>, vector<16xf32>
    %broadcast_in_dim3A_1883 = vector.shape_cast %xor3A_6 : vector<16xi32> to vector<16x1xi32>
    %gather3A_1884 = vector.shape_cast %broadcast_in_dim3A_1883 : vector<16x1xi32> to vector<16xi32>
    %gather3A_1885 = tpu.dynamic_gather %select_n3A_1882[%gather3A_1884] in [0] : vector<16xf32>, vector<16xi32> -> vector<16xf32>
    %max3A_1886 = arith.maximumf %select_n3A_1882, %gather3A_1885 : vector<16xf32>
    %broadcast_in_dim3A_1887 = vector.shape_cast %xor3A_9 : vector<16xi32> to vector<16x1xi32>
    %gather3A_1888 = vector.shape_cast %broadcast_in_dim3A_1887 : vector<16x1xi32> to vector<16xi32>
    %gather3A_1889 = tpu.dynamic_gather %max3A_1886[%gather3A_1888] in [0] : vector<16xf32>, vector<16xi32> -> vector<16xf32>
    %max3A_1890 = arith.maximumf %max3A_1886, %gather3A_1889 : vector<16xf32>
    %broadcast_in_dim3A_1891 = vector.shape_cast %xor3A_12 : vector<16xi32> to vector<16x1xi32>
    %gather3A_1892 = vector.shape_cast %broadcast_in_dim3A_1891 : vector<16x1xi32> to vector<16xi32>
    %gather3A_1893 = tpu.dynamic_gather %max3A_1890[%gather3A_1892] in [0] : vector<16xf32>, vector<16xi32> -> vector<16xf32>
    %max3A_1894 = arith.maximumf %max3A_1890, %gather3A_1893 : vector<16xf32>
    %ge3A_1895 = arith.cmpf oge, %select_n3A_1882, %max3A_1894 : vector<16xf32>
    %jit3A_1896 = arith.constant 8 : i32
    %broadcast_in_dim3A_1897 = vector.broadcast %jit3A_1896 : i32 to vector<16xi32>
    %select_n3A_1898 = arith.select %ge3A_1895, %and3A_14, %broadcast_in_dim3A_1897 : vector<16xi1>, vector<16xi32>
    %broadcast_in_dim3A_1899 = vector.shape_cast %xor3A_6 : vector<16xi32> to vector<16x1xi32>
    %gather3A_1900 = vector.shape_cast %broadcast_in_dim3A_1899 : vector<16x1xi32> to vector<16xi32>
    %gather3A_1901 = tpu.dynamic_gather %select_n3A_1898[%gather3A_1900] in [0] : vector<16xi32>, vector<16xi32> -> vector<16xi32>
    %min3A_1902 = arith.minsi %select_n3A_1898, %gather3A_1901 : vector<16xi32>
    %broadcast_in_dim3A_1903 = vector.shape_cast %xor3A_9 : vector<16xi32> to vector<16x1xi32>
    %gather3A_1904 = vector.shape_cast %broadcast_in_dim3A_1903 : vector<16x1xi32> to vector<16xi32>
    %gather3A_1905 = tpu.dynamic_gather %min3A_1902[%gather3A_1904] in [0] : vector<16xi32>, vector<16xi32> -> vector<16xi32>
    %min3A_1906 = arith.minsi %min3A_1902, %gather3A_1905 : vector<16xi32>
    %broadcast_in_dim3A_1907 = vector.shape_cast %xor3A_12 : vector<16xi32> to vector<16x1xi32>
    %gather3A_1908 = vector.shape_cast %broadcast_in_dim3A_1907 : vector<16x1xi32> to vector<16xi32>
    %gather3A_1909 = tpu.dynamic_gather %min3A_1906[%gather3A_1908] in [0] : vector<16xi32>, vector<16xi32> -> vector<16xi32>
    %min3A_1910 = arith.minsi %min3A_1906, %gather3A_1909 : vector<16xi32>
    %eq3A_1911 = arith.cmpi eq, %and3A_14, %min3A_1910 : vector<16xi32>
    %add3A_1912 = arith.addf %max3A_1862, %max3A_1894 : vector<16xf32>
    %add3A_1913 = arith.constant 9.99999997E-7 : f32
    %add3A_1914 = vector.broadcast %add3A_1913 : f32 to vector<16xf32>
    %add3A_1915 = arith.addf %add3A_1912, %add3A_1914 : vector<16xf32>
    %jit3A_1916 = arith.constant 0.000000e+00 : f32
    %broadcast_in_dim3A_1917 = vector.broadcast %jit3A_1916 : f32 to vector<16xf32>
    %select_n3A_1918 = arith.select %eq3A_1879, %max3A_1862, %broadcast_in_dim3A_1917 : vector<16xi1>, vector<16xf32>
    %jit3A_1919 = arith.constant 0.000000e+00 : f32
    %broadcast_in_dim3A_1920 = vector.broadcast %jit3A_1919 : f32 to vector<16xf32>
    %select_n3A_1921 = arith.select %eq3A_1911, %max3A_1894, %broadcast_in_dim3A_1920 : vector<16xi1>, vector<16xf32>
    %add3A_1922 = arith.addf %select_n3A_1918, %select_n3A_1921 : vector<16xf32>
    %div3A_1923 = arith.divf %add3A_1922, %add3A_1915 : vector<16xf32>
    %swap3A_1924 = arith.constant 272 : index
    %swap3A_1925 = tpu.vector_load %arg5[%swap3A_1924] {strides = array<i32>} : memref<512xf32, #tpu.memory_space<vmem>>, vector<16xf32>,
    %swap3A_1926 = vector.shape_cast %swap3A_1925 : vector<16xf32> to vector<16xf32>
    %swap3A_1927 = vector.shape_cast %div3A_1923 : vector<16xf32> to vector<16xf32>
    tpu.vector_store %arg5[%swap3A_1924], %swap3A_1927 {strides = array<i32>} : memref<512xf32, #tpu.memory_space<vmem>>, vector<16xf32>,
    %get3A_1928 = arith.constant 288 : index
    %get3A_1929 = tpu.vector_load %arg4[%get3A_1928] {strides = array<i32>} : memref<512xf32, #tpu.memory_space<vmem>>, vector<16xf32>,
    %get3A_1930 = vector.shape_cast %get3A_1929 : vector<16xf32> to vector<16xf32>
    %broadcast_in_dim3A_1931 = vector.shape_cast %xor3A_6 : vector<16xi32> to vector<16x1xi32>
    %gather3A_1932 = vector.shape_cast %broadcast_in_dim3A_1931 : vector<16x1xi32> to vector<16xi32>
    %gather3A_1933 = tpu.dynamic_gather %get3A_1930[%gather3A_1932] in [0] : vector<16xf32>, vector<16xi32> -> vector<16xf32>
    %max3A_1934 = arith.maximumf %get3A_1930, %gather3A_1933 : vector<16xf32>
    %broadcast_in_dim3A_1935 = vector.shape_cast %xor3A_9 : vector<16xi32> to vector<16x1xi32>
    %gather3A_1936 = vector.shape_cast %broadcast_in_dim3A_1935 : vector<16x1xi32> to vector<16xi32>
    %gather3A_1937 = tpu.dynamic_gather %max3A_1934[%gather3A_1936] in [0] : vector<16xf32>, vector<16xi32> -> vector<16xf32>
    %max3A_1938 = arith.maximumf %max3A_1934, %gather3A_1937 : vector<16xf32>
    %broadcast_in_dim3A_1939 = vector.shape_cast %xor3A_12 : vector<16xi32> to vector<16x1xi32>
    %gather3A_1940 = vector.shape_cast %broadcast_in_dim3A_1939 : vector<16x1xi32> to vector<16xi32>
    %gather3A_1941 = tpu.dynamic_gather %max3A_1938[%gather3A_1940] in [0] : vector<16xf32>, vector<16xi32> -> vector<16xf32>
    %max3A_1942 = arith.maximumf %max3A_1938, %gather3A_1941 : vector<16xf32>
    %sub3A_1943 = arith.subf %get3A_1930, %max3A_1942 : vector<16xf32>
    %exp3A_1944 = math.exp %sub3A_1943 : vector<16xf32>
    %broadcast_in_dim3A_1945 = vector.shape_cast %xor3A_6 : vector<16xi32> to vector<16x1xi32>
    %gather3A_1946 = vector.shape_cast %broadcast_in_dim3A_1945 : vector<16x1xi32> to vector<16xi32>
    %gather3A_1947 = tpu.dynamic_gather %exp3A_1944[%gather3A_1946] in [0] : vector<16xf32>, vector<16xi32> -> vector<16xf32>
    %add3A_1948 = arith.addf %exp3A_1944, %gather3A_1947 : vector<16xf32>
    %broadcast_in_dim3A_1949 = vector.shape_cast %xor3A_9 : vector<16xi32> to vector<16x1xi32>
    %gather3A_1950 = vector.shape_cast %broadcast_in_dim3A_1949 : vector<16x1xi32> to vector<16xi32>
    %gather3A_1951 = tpu.dynamic_gather %add3A_1948[%gather3A_1950] in [0] : vector<16xf32>, vector<16xi32> -> vector<16xf32>
    %add3A_1952 = arith.addf %add3A_1948, %gather3A_1951 : vector<16xf32>
    %broadcast_in_dim3A_1953 = vector.shape_cast %xor3A_12 : vector<16xi32> to vector<16x1xi32>
    %gather3A_1954 = vector.shape_cast %broadcast_in_dim3A_1953 : vector<16x1xi32> to vector<16xi32>
    %gather3A_1955 = tpu.dynamic_gather %add3A_1952[%gather3A_1954] in [0] : vector<16xf32>, vector<16xi32> -> vector<16xf32>
    %add3A_1956 = arith.addf %add3A_1952, %gather3A_1955 : vector<16xf32>
    %div3A_1957 = arith.divf %exp3A_1944, %add3A_1956 : vector<16xf32>
    %broadcast_in_dim3A_1958 = vector.shape_cast %xor3A_6 : vector<16xi32> to vector<16x1xi32>
    %gather3A_1959 = vector.shape_cast %broadcast_in_dim3A_1958 : vector<16x1xi32> to vector<16xi32>
    %gather3A_1960 = tpu.dynamic_gather %div3A_1957[%gather3A_1959] in [0] : vector<16xf32>, vector<16xi32> -> vector<16xf32>
    %max3A_1961 = arith.maximumf %div3A_1957, %gather3A_1960 : vector<16xf32>
    %broadcast_in_dim3A_1962 = vector.shape_cast %xor3A_9 : vector<16xi32> to vector<16x1xi32>
    %gather3A_1963 = vector.shape_cast %broadcast_in_dim3A_1962 : vector<16x1xi32> to vector<16xi32>
    %gather3A_1964 = tpu.dynamic_gather %max3A_1961[%gather3A_1963] in [0] : vector<16xf32>, vector<16xi32> -> vector<16xf32>
    %max3A_1965 = arith.maximumf %max3A_1961, %gather3A_1964 : vector<16xf32>
    %broadcast_in_dim3A_1966 = vector.shape_cast %xor3A_12 : vector<16xi32> to vector<16x1xi32>
    %gather3A_1967 = vector.shape_cast %broadcast_in_dim3A_1966 : vector<16x1xi32> to vector<16xi32>
    %gather3A_1968 = tpu.dynamic_gather %max3A_1965[%gather3A_1967] in [0] : vector<16xf32>, vector<16xi32> -> vector<16xf32>
    %max3A_1969 = arith.maximumf %max3A_1965, %gather3A_1968 : vector<16xf32>
    %ge3A_1970 = arith.cmpf oge, %div3A_1957, %max3A_1969 : vector<16xf32>
    %jit3A_1971 = arith.constant 8 : i32
    %broadcast_in_dim3A_1972 = vector.broadcast %jit3A_1971 : i32 to vector<16xi32>
    %select_n3A_1973 = arith.select %ge3A_1970, %and3A_14, %broadcast_in_dim3A_1972 : vector<16xi1>, vector<16xi32>
    %broadcast_in_dim3A_1974 = vector.shape_cast %xor3A_6 : vector<16xi32> to vector<16x1xi32>
    %gather3A_1975 = vector.shape_cast %broadcast_in_dim3A_1974 : vector<16x1xi32> to vector<16xi32>
    %gather3A_1976 = tpu.dynamic_gather %select_n3A_1973[%gather3A_1975] in [0] : vector<16xi32>, vector<16xi32> -> vector<16xi32>
    %min3A_1977 = arith.minsi %select_n3A_1973, %gather3A_1976 : vector<16xi32>
    %broadcast_in_dim3A_1978 = vector.shape_cast %xor3A_9 : vector<16xi32> to vector<16x1xi32>
    %gather3A_1979 = vector.shape_cast %broadcast_in_dim3A_1978 : vector<16x1xi32> to vector<16xi32>
    %gather3A_1980 = tpu.dynamic_gather %min3A_1977[%gather3A_1979] in [0] : vector<16xi32>, vector<16xi32> -> vector<16xi32>
    %min3A_1981 = arith.minsi %min3A_1977, %gather3A_1980 : vector<16xi32>
    %broadcast_in_dim3A_1982 = vector.shape_cast %xor3A_12 : vector<16xi32> to vector<16x1xi32>
    %gather3A_1983 = vector.shape_cast %broadcast_in_dim3A_1982 : vector<16x1xi32> to vector<16xi32>
    %gather3A_1984 = tpu.dynamic_gather %min3A_1981[%gather3A_1983] in [0] : vector<16xi32>, vector<16xi32> -> vector<16xi32>
    %min3A_1985 = arith.minsi %min3A_1981, %gather3A_1984 : vector<16xi32>
    %eq3A_1986 = arith.cmpi eq, %and3A_14, %min3A_1985 : vector<16xi32>
    %jit3A_1987 = arith.constant -1.000000e+00 : f32
    %broadcast_in_dim3A_1988 = vector.broadcast %jit3A_1987 : f32 to vector<16xf32>
    %select_n3A_1989 = arith.select %eq3A_1986, %broadcast_in_dim3A_1988, %div3A_1957 : vector<16xi1>, vector<16xf32>
    %broadcast_in_dim3A_1990 = vector.shape_cast %xor3A_6 : vector<16xi32> to vector<16x1xi32>
    %gather3A_1991 = vector.shape_cast %broadcast_in_dim3A_1990 : vector<16x1xi32> to vector<16xi32>
    %gather3A_1992 = tpu.dynamic_gather %select_n3A_1989[%gather3A_1991] in [0] : vector<16xf32>, vector<16xi32> -> vector<16xf32>
    %max3A_1993 = arith.maximumf %select_n3A_1989, %gather3A_1992 : vector<16xf32>
    %broadcast_in_dim3A_1994 = vector.shape_cast %xor3A_9 : vector<16xi32> to vector<16x1xi32>
    %gather3A_1995 = vector.shape_cast %broadcast_in_dim3A_1994 : vector<16x1xi32> to vector<16xi32>
    %gather3A_1996 = tpu.dynamic_gather %max3A_1993[%gather3A_1995] in [0] : vector<16xf32>, vector<16xi32> -> vector<16xf32>
    %max3A_1997 = arith.maximumf %max3A_1993, %gather3A_1996 : vector<16xf32>
    %broadcast_in_dim3A_1998 = vector.shape_cast %xor3A_12 : vector<16xi32> to vector<16x1xi32>
    %gather3A_1999 = vector.shape_cast %broadcast_in_dim3A_1998 : vector<16x1xi32> to vector<16xi32>
    %gather3A_2000 = tpu.dynamic_gather %max3A_1997[%gather3A_1999] in [0] : vector<16xf32>, vector<16xi32> -> vector<16xf32>
    %max3A_2001 = arith.maximumf %max3A_1997, %gather3A_2000 : vector<16xf32>
    %ge3A_2002 = arith.cmpf oge, %select_n3A_1989, %max3A_2001 : vector<16xf32>
    %jit3A_2003 = arith.constant 8 : i32
    %broadcast_in_dim3A_2004 = vector.broadcast %jit3A_2003 : i32 to vector<16xi32>
    %select_n3A_2005 = arith.select %ge3A_2002, %and3A_14, %broadcast_in_dim3A_2004 : vector<16xi1>, vector<16xi32>
    %broadcast_in_dim3A_2006 = vector.shape_cast %xor3A_6 : vector<16xi32> to vector<16x1xi32>
    %gather3A_2007 = vector.shape_cast %broadcast_in_dim3A_2006 : vector<16x1xi32> to vector<16xi32>
    %gather3A_2008 = tpu.dynamic_gather %select_n3A_2005[%gather3A_2007] in [0] : vector<16xi32>, vector<16xi32> -> vector<16xi32>
    %min3A_2009 = arith.minsi %select_n3A_2005, %gather3A_2008 : vector<16xi32>
    %broadcast_in_dim3A_2010 = vector.shape_cast %xor3A_9 : vector<16xi32> to vector<16x1xi32>
    %gather3A_2011 = vector.shape_cast %broadcast_in_dim3A_2010 : vector<16x1xi32> to vector<16xi32>
    %gather3A_2012 = tpu.dynamic_gather %min3A_2009[%gather3A_2011] in [0] : vector<16xi32>, vector<16xi32> -> vector<16xi32>
    %min3A_2013 = arith.minsi %min3A_2009, %gather3A_2012 : vector<16xi32>
    %broadcast_in_dim3A_2014 = vector.shape_cast %xor3A_12 : vector<16xi32> to vector<16x1xi32>
    %gather3A_2015 = vector.shape_cast %broadcast_in_dim3A_2014 : vector<16x1xi32> to vector<16xi32>
    %gather3A_2016 = tpu.dynamic_gather %min3A_2013[%gather3A_2015] in [0] : vector<16xi32>, vector<16xi32> -> vector<16xi32>
    %min3A_2017 = arith.minsi %min3A_2013, %gather3A_2016 : vector<16xi32>
    %eq3A_2018 = arith.cmpi eq, %and3A_14, %min3A_2017 : vector<16xi32>
    %add3A_2019 = arith.addf %max3A_1969, %max3A_2001 : vector<16xf32>
    %add3A_2020 = arith.constant 9.99999997E-7 : f32
    %add3A_2021 = vector.broadcast %add3A_2020 : f32 to vector<16xf32>
    %add3A_2022 = arith.addf %add3A_2019, %add3A_2021 : vector<16xf32>
    %jit3A_2023 = arith.constant 0.000000e+00 : f32
    %broadcast_in_dim3A_2024 = vector.broadcast %jit3A_2023 : f32 to vector<16xf32>
    %select_n3A_2025 = arith.select %eq3A_1986, %max3A_1969, %broadcast_in_dim3A_2024 : vector<16xi1>, vector<16xf32>
    %jit3A_2026 = arith.constant 0.000000e+00 : f32
    %broadcast_in_dim3A_2027 = vector.broadcast %jit3A_2026 : f32 to vector<16xf32>
    %select_n3A_2028 = arith.select %eq3A_2018, %max3A_2001, %broadcast_in_dim3A_2027 : vector<16xi1>, vector<16xf32>
    %add3A_2029 = arith.addf %select_n3A_2025, %select_n3A_2028 : vector<16xf32>
    %div3A_2030 = arith.divf %add3A_2029, %add3A_2022 : vector<16xf32>
    %swap3A_2031 = arith.constant 288 : index
    %swap3A_2032 = tpu.vector_load %arg5[%swap3A_2031] {strides = array<i32>} : memref<512xf32, #tpu.memory_space<vmem>>, vector<16xf32>,
    %swap3A_2033 = vector.shape_cast %swap3A_2032 : vector<16xf32> to vector<16xf32>
    %swap3A_2034 = vector.shape_cast %div3A_2030 : vector<16xf32> to vector<16xf32>
    tpu.vector_store %arg5[%swap3A_2031], %swap3A_2034 {strides = array<i32>} : memref<512xf32, #tpu.memory_space<vmem>>, vector<16xf32>,
    %get3A_2035 = arith.constant 304 : index
    %get3A_2036 = tpu.vector_load %arg4[%get3A_2035] {strides = array<i32>} : memref<512xf32, #tpu.memory_space<vmem>>, vector<16xf32>,
    %get3A_2037 = vector.shape_cast %get3A_2036 : vector<16xf32> to vector<16xf32>
    %broadcast_in_dim3A_2038 = vector.shape_cast %xor3A_6 : vector<16xi32> to vector<16x1xi32>
    %gather3A_2039 = vector.shape_cast %broadcast_in_dim3A_2038 : vector<16x1xi32> to vector<16xi32>
    %gather3A_2040 = tpu.dynamic_gather %get3A_2037[%gather3A_2039] in [0] : vector<16xf32>, vector<16xi32> -> vector<16xf32>
    %max3A_2041 = arith.maximumf %get3A_2037, %gather3A_2040 : vector<16xf32>
    %broadcast_in_dim3A_2042 = vector.shape_cast %xor3A_9 : vector<16xi32> to vector<16x1xi32>
    %gather3A_2043 = vector.shape_cast %broadcast_in_dim3A_2042 : vector<16x1xi32> to vector<16xi32>
    %gather3A_2044 = tpu.dynamic_gather %max3A_2041[%gather3A_2043] in [0] : vector<16xf32>, vector<16xi32> -> vector<16xf32>
    %max3A_2045 = arith.maximumf %max3A_2041, %gather3A_2044 : vector<16xf32>
    %broadcast_in_dim3A_2046 = vector.shape_cast %xor3A_12 : vector<16xi32> to vector<16x1xi32>
    %gather3A_2047 = vector.shape_cast %broadcast_in_dim3A_2046 : vector<16x1xi32> to vector<16xi32>
    %gather3A_2048 = tpu.dynamic_gather %max3A_2045[%gather3A_2047] in [0] : vector<16xf32>, vector<16xi32> -> vector<16xf32>
    %max3A_2049 = arith.maximumf %max3A_2045, %gather3A_2048 : vector<16xf32>
    %sub3A_2050 = arith.subf %get3A_2037, %max3A_2049 : vector<16xf32>
    %exp3A_2051 = math.exp %sub3A_2050 : vector<16xf32>
    %broadcast_in_dim3A_2052 = vector.shape_cast %xor3A_6 : vector<16xi32> to vector<16x1xi32>
    %gather3A_2053 = vector.shape_cast %broadcast_in_dim3A_2052 : vector<16x1xi32> to vector<16xi32>
    %gather3A_2054 = tpu.dynamic_gather %exp3A_2051[%gather3A_2053] in [0] : vector<16xf32>, vector<16xi32> -> vector<16xf32>
    %add3A_2055 = arith.addf %exp3A_2051, %gather3A_2054 : vector<16xf32>
    %broadcast_in_dim3A_2056 = vector.shape_cast %xor3A_9 : vector<16xi32> to vector<16x1xi32>
    %gather3A_2057 = vector.shape_cast %broadcast_in_dim3A_2056 : vector<16x1xi32> to vector<16xi32>
    %gather3A_2058 = tpu.dynamic_gather %add3A_2055[%gather3A_2057] in [0] : vector<16xf32>, vector<16xi32> -> vector<16xf32>
    %add3A_2059 = arith.addf %add3A_2055, %gather3A_2058 : vector<16xf32>
    %broadcast_in_dim3A_2060 = vector.shape_cast %xor3A_12 : vector<16xi32> to vector<16x1xi32>
    %gather3A_2061 = vector.shape_cast %broadcast_in_dim3A_2060 : vector<16x1xi32> to vector<16xi32>
    %gather3A_2062 = tpu.dynamic_gather %add3A_2059[%gather3A_2061] in [0] : vector<16xf32>, vector<16xi32> -> vector<16xf32>
    %add3A_2063 = arith.addf %add3A_2059, %gather3A_2062 : vector<16xf32>
    %div3A_2064 = arith.divf %exp3A_2051, %add3A_2063 : vector<16xf32>
    %broadcast_in_dim3A_2065 = vector.shape_cast %xor3A_6 : vector<16xi32> to vector<16x1xi32>
    %gather3A_2066 = vector.shape_cast %broadcast_in_dim3A_2065 : vector<16x1xi32> to vector<16xi32>
    %gather3A_2067 = tpu.dynamic_gather %div3A_2064[%gather3A_2066] in [0] : vector<16xf32>, vector<16xi32> -> vector<16xf32>
    %max3A_2068 = arith.maximumf %div3A_2064, %gather3A_2067 : vector<16xf32>
    %broadcast_in_dim3A_2069 = vector.shape_cast %xor3A_9 : vector<16xi32> to vector<16x1xi32>
    %gather3A_2070 = vector.shape_cast %broadcast_in_dim3A_2069 : vector<16x1xi32> to vector<16xi32>
    %gather3A_2071 = tpu.dynamic_gather %max3A_2068[%gather3A_2070] in [0] : vector<16xf32>, vector<16xi32> -> vector<16xf32>
    %max3A_2072 = arith.maximumf %max3A_2068, %gather3A_2071 : vector<16xf32>
    %broadcast_in_dim3A_2073 = vector.shape_cast %xor3A_12 : vector<16xi32> to vector<16x1xi32>
    %gather3A_2074 = vector.shape_cast %broadcast_in_dim3A_2073 : vector<16x1xi32> to vector<16xi32>
    %gather3A_2075 = tpu.dynamic_gather %max3A_2072[%gather3A_2074] in [0] : vector<16xf32>, vector<16xi32> -> vector<16xf32>
    %max3A_2076 = arith.maximumf %max3A_2072, %gather3A_2075 : vector<16xf32>
    %ge3A_2077 = arith.cmpf oge, %div3A_2064, %max3A_2076 : vector<16xf32>
    %jit3A_2078 = arith.constant 8 : i32
    %broadcast_in_dim3A_2079 = vector.broadcast %jit3A_2078 : i32 to vector<16xi32>
    %select_n3A_2080 = arith.select %ge3A_2077, %and3A_14, %broadcast_in_dim3A_2079 : vector<16xi1>, vector<16xi32>
    %broadcast_in_dim3A_2081 = vector.shape_cast %xor3A_6 : vector<16xi32> to vector<16x1xi32>
    %gather3A_2082 = vector.shape_cast %broadcast_in_dim3A_2081 : vector<16x1xi32> to vector<16xi32>
    %gather3A_2083 = tpu.dynamic_gather %select_n3A_2080[%gather3A_2082] in [0] : vector<16xi32>, vector<16xi32> -> vector<16xi32>
    %min3A_2084 = arith.minsi %select_n3A_2080, %gather3A_2083 : vector<16xi32>
    %broadcast_in_dim3A_2085 = vector.shape_cast %xor3A_9 : vector<16xi32> to vector<16x1xi32>
    %gather3A_2086 = vector.shape_cast %broadcast_in_dim3A_2085 : vector<16x1xi32> to vector<16xi32>
    %gather3A_2087 = tpu.dynamic_gather %min3A_2084[%gather3A_2086] in [0] : vector<16xi32>, vector<16xi32> -> vector<16xi32>
    %min3A_2088 = arith.minsi %min3A_2084, %gather3A_2087 : vector<16xi32>
    %broadcast_in_dim3A_2089 = vector.shape_cast %xor3A_12 : vector<16xi32> to vector<16x1xi32>
    %gather3A_2090 = vector.shape_cast %broadcast_in_dim3A_2089 : vector<16x1xi32> to vector<16xi32>
    %gather3A_2091 = tpu.dynamic_gather %min3A_2088[%gather3A_2090] in [0] : vector<16xi32>, vector<16xi32> -> vector<16xi32>
    %min3A_2092 = arith.minsi %min3A_2088, %gather3A_2091 : vector<16xi32>
    %eq3A_2093 = arith.cmpi eq, %and3A_14, %min3A_2092 : vector<16xi32>
    %jit3A_2094 = arith.constant -1.000000e+00 : f32
    %broadcast_in_dim3A_2095 = vector.broadcast %jit3A_2094 : f32 to vector<16xf32>
    %select_n3A_2096 = arith.select %eq3A_2093, %broadcast_in_dim3A_2095, %div3A_2064 : vector<16xi1>, vector<16xf32>
    %broadcast_in_dim3A_2097 = vector.shape_cast %xor3A_6 : vector<16xi32> to vector<16x1xi32>
    %gather3A_2098 = vector.shape_cast %broadcast_in_dim3A_2097 : vector<16x1xi32> to vector<16xi32>
    %gather3A_2099 = tpu.dynamic_gather %select_n3A_2096[%gather3A_2098] in [0] : vector<16xf32>, vector<16xi32> -> vector<16xf32>
    %max3A_2100 = arith.maximumf %select_n3A_2096, %gather3A_2099 : vector<16xf32>
    %broadcast_in_dim3A_2101 = vector.shape_cast %xor3A_9 : vector<16xi32> to vector<16x1xi32>
    %gather3A_2102 = vector.shape_cast %broadcast_in_dim3A_2101 : vector<16x1xi32> to vector<16xi32>
    %gather3A_2103 = tpu.dynamic_gather %max3A_2100[%gather3A_2102] in [0] : vector<16xf32>, vector<16xi32> -> vector<16xf32>
    %max3A_2104 = arith.maximumf %max3A_2100, %gather3A_2103 : vector<16xf32>
    %broadcast_in_dim3A_2105 = vector.shape_cast %xor3A_12 : vector<16xi32> to vector<16x1xi32>
    %gather3A_2106 = vector.shape_cast %broadcast_in_dim3A_2105 : vector<16x1xi32> to vector<16xi32>
    %gather3A_2107 = tpu.dynamic_gather %max3A_2104[%gather3A_2106] in [0] : vector<16xf32>, vector<16xi32> -> vector<16xf32>
    %max3A_2108 = arith.maximumf %max3A_2104, %gather3A_2107 : vector<16xf32>
    %ge3A_2109 = arith.cmpf oge, %select_n3A_2096, %max3A_2108 : vector<16xf32>
    %jit3A_2110 = arith.constant 8 : i32
    %broadcast_in_dim3A_2111 = vector.broadcast %jit3A_2110 : i32 to vector<16xi32>
    %select_n3A_2112 = arith.select %ge3A_2109, %and3A_14, %broadcast_in_dim3A_2111 : vector<16xi1>, vector<16xi32>
    %broadcast_in_dim3A_2113 = vector.shape_cast %xor3A_6 : vector<16xi32> to vector<16x1xi32>
    %gather3A_2114 = vector.shape_cast %broadcast_in_dim3A_2113 : vector<16x1xi32> to vector<16xi32>
    %gather3A_2115 = tpu.dynamic_gather %select_n3A_2112[%gather3A_2114] in [0] : vector<16xi32>, vector<16xi32> -> vector<16xi32>
    %min3A_2116 = arith.minsi %select_n3A_2112, %gather3A_2115 : vector<16xi32>
    %broadcast_in_dim3A_2117 = vector.shape_cast %xor3A_9 : vector<16xi32> to vector<16x1xi32>
    %gather3A_2118 = vector.shape_cast %broadcast_in_dim3A_2117 : vector<16x1xi32> to vector<16xi32>
    %gather3A_2119 = tpu.dynamic_gather %min3A_2116[%gather3A_2118] in [0] : vector<16xi32>, vector<16xi32> -> vector<16xi32>
    %min3A_2120 = arith.minsi %min3A_2116, %gather3A_2119 : vector<16xi32>
    %broadcast_in_dim3A_2121 = vector.shape_cast %xor3A_12 : vector<16xi32> to vector<16x1xi32>
    %gather3A_2122 = vector.shape_cast %broadcast_in_dim3A_2121 : vector<16x1xi32> to vector<16xi32>
    %gather3A_2123 = tpu.dynamic_gather %min3A_2120[%gather3A_2122] in [0] : vector<16xi32>, vector<16xi32> -> vector<16xi32>
    %min3A_2124 = arith.minsi %min3A_2120, %gather3A_2123 : vector<16xi32>
    %eq3A_2125 = arith.cmpi eq, %and3A_14, %min3A_2124 : vector<16xi32>
    %add3A_2126 = arith.addf %max3A_2076, %max3A_2108 : vector<16xf32>
    %add3A_2127 = arith.constant 9.99999997E-7 : f32
    %add3A_2128 = vector.broadcast %add3A_2127 : f32 to vector<16xf32>
    %add3A_2129 = arith.addf %add3A_2126, %add3A_2128 : vector<16xf32>
    %jit3A_2130 = arith.constant 0.000000e+00 : f32
    %broadcast_in_dim3A_2131 = vector.broadcast %jit3A_2130 : f32 to vector<16xf32>
    %select_n3A_2132 = arith.select %eq3A_2093, %max3A_2076, %broadcast_in_dim3A_2131 : vector<16xi1>, vector<16xf32>
    %jit3A_2133 = arith.constant 0.000000e+00 : f32
    %broadcast_in_dim3A_2134 = vector.broadcast %jit3A_2133 : f32 to vector<16xf32>
    %select_n3A_2135 = arith.select %eq3A_2125, %max3A_2108, %broadcast_in_dim3A_2134 : vector<16xi1>, vector<16xf32>
    %add3A_2136 = arith.addf %select_n3A_2132, %select_n3A_2135 : vector<16xf32>
    %div3A_2137 = arith.divf %add3A_2136, %add3A_2129 : vector<16xf32>
    %swap3A_2138 = arith.constant 304 : index
    %swap3A_2139 = tpu.vector_load %arg5[%swap3A_2138] {strides = array<i32>} : memref<512xf32, #tpu.memory_space<vmem>>, vector<16xf32>,
    %swap3A_2140 = vector.shape_cast %swap3A_2139 : vector<16xf32> to vector<16xf32>
    %swap3A_2141 = vector.shape_cast %div3A_2137 : vector<16xf32> to vector<16xf32>
    tpu.vector_store %arg5[%swap3A_2138], %swap3A_2141 {strides = array<i32>} : memref<512xf32, #tpu.memory_space<vmem>>, vector<16xf32>,
    %get3A_2142 = arith.constant 320 : index
    %get3A_2143 = tpu.vector_load %arg4[%get3A_2142] {strides = array<i32>} : memref<512xf32, #tpu.memory_space<vmem>>, vector<16xf32>,
    %get3A_2144 = vector.shape_cast %get3A_2143 : vector<16xf32> to vector<16xf32>
    %broadcast_in_dim3A_2145 = vector.shape_cast %xor3A_6 : vector<16xi32> to vector<16x1xi32>
    %gather3A_2146 = vector.shape_cast %broadcast_in_dim3A_2145 : vector<16x1xi32> to vector<16xi32>
    %gather3A_2147 = tpu.dynamic_gather %get3A_2144[%gather3A_2146] in [0] : vector<16xf32>, vector<16xi32> -> vector<16xf32>
    %max3A_2148 = arith.maximumf %get3A_2144, %gather3A_2147 : vector<16xf32>
    %broadcast_in_dim3A_2149 = vector.shape_cast %xor3A_9 : vector<16xi32> to vector<16x1xi32>
    %gather3A_2150 = vector.shape_cast %broadcast_in_dim3A_2149 : vector<16x1xi32> to vector<16xi32>
    %gather3A_2151 = tpu.dynamic_gather %max3A_2148[%gather3A_2150] in [0] : vector<16xf32>, vector<16xi32> -> vector<16xf32>
    %max3A_2152 = arith.maximumf %max3A_2148, %gather3A_2151 : vector<16xf32>
    %broadcast_in_dim3A_2153 = vector.shape_cast %xor3A_12 : vector<16xi32> to vector<16x1xi32>
    %gather3A_2154 = vector.shape_cast %broadcast_in_dim3A_2153 : vector<16x1xi32> to vector<16xi32>
    %gather3A_2155 = tpu.dynamic_gather %max3A_2152[%gather3A_2154] in [0] : vector<16xf32>, vector<16xi32> -> vector<16xf32>
    %max3A_2156 = arith.maximumf %max3A_2152, %gather3A_2155 : vector<16xf32>
    %sub3A_2157 = arith.subf %get3A_2144, %max3A_2156 : vector<16xf32>
    %exp3A_2158 = math.exp %sub3A_2157 : vector<16xf32>
    %broadcast_in_dim3A_2159 = vector.shape_cast %xor3A_6 : vector<16xi32> to vector<16x1xi32>
    %gather3A_2160 = vector.shape_cast %broadcast_in_dim3A_2159 : vector<16x1xi32> to vector<16xi32>
    %gather3A_2161 = tpu.dynamic_gather %exp3A_2158[%gather3A_2160] in [0] : vector<16xf32>, vector<16xi32> -> vector<16xf32>
    %add3A_2162 = arith.addf %exp3A_2158, %gather3A_2161 : vector<16xf32>
    %broadcast_in_dim3A_2163 = vector.shape_cast %xor3A_9 : vector<16xi32> to vector<16x1xi32>
    %gather3A_2164 = vector.shape_cast %broadcast_in_dim3A_2163 : vector<16x1xi32> to vector<16xi32>
    %gather3A_2165 = tpu.dynamic_gather %add3A_2162[%gather3A_2164] in [0] : vector<16xf32>, vector<16xi32> -> vector<16xf32>
    %add3A_2166 = arith.addf %add3A_2162, %gather3A_2165 : vector<16xf32>
    %broadcast_in_dim3A_2167 = vector.shape_cast %xor3A_12 : vector<16xi32> to vector<16x1xi32>
    %gather3A_2168 = vector.shape_cast %broadcast_in_dim3A_2167 : vector<16x1xi32> to vector<16xi32>
    %gather3A_2169 = tpu.dynamic_gather %add3A_2166[%gather3A_2168] in [0] : vector<16xf32>, vector<16xi32> -> vector<16xf32>
    %add3A_2170 = arith.addf %add3A_2166, %gather3A_2169 : vector<16xf32>
    %div3A_2171 = arith.divf %exp3A_2158, %add3A_2170 : vector<16xf32>
    %broadcast_in_dim3A_2172 = vector.shape_cast %xor3A_6 : vector<16xi32> to vector<16x1xi32>
    %gather3A_2173 = vector.shape_cast %broadcast_in_dim3A_2172 : vector<16x1xi32> to vector<16xi32>
    %gather3A_2174 = tpu.dynamic_gather %div3A_2171[%gather3A_2173] in [0] : vector<16xf32>, vector<16xi32> -> vector<16xf32>
    %max3A_2175 = arith.maximumf %div3A_2171, %gather3A_2174 : vector<16xf32>
    %broadcast_in_dim3A_2176 = vector.shape_cast %xor3A_9 : vector<16xi32> to vector<16x1xi32>
    %gather3A_2177 = vector.shape_cast %broadcast_in_dim3A_2176 : vector<16x1xi32> to vector<16xi32>
    %gather3A_2178 = tpu.dynamic_gather %max3A_2175[%gather3A_2177] in [0] : vector<16xf32>, vector<16xi32> -> vector<16xf32>
    %max3A_2179 = arith.maximumf %max3A_2175, %gather3A_2178 : vector<16xf32>
    %broadcast_in_dim3A_2180 = vector.shape_cast %xor3A_12 : vector<16xi32> to vector<16x1xi32>
    %gather3A_2181 = vector.shape_cast %broadcast_in_dim3A_2180 : vector<16x1xi32> to vector<16xi32>
    %gather3A_2182 = tpu.dynamic_gather %max3A_2179[%gather3A_2181] in [0] : vector<16xf32>, vector<16xi32> -> vector<16xf32>
    %max3A_2183 = arith.maximumf %max3A_2179, %gather3A_2182 : vector<16xf32>
    %ge3A_2184 = arith.cmpf oge, %div3A_2171, %max3A_2183 : vector<16xf32>
    %jit3A_2185 = arith.constant 8 : i32
    %broadcast_in_dim3A_2186 = vector.broadcast %jit3A_2185 : i32 to vector<16xi32>
    %select_n3A_2187 = arith.select %ge3A_2184, %and3A_14, %broadcast_in_dim3A_2186 : vector<16xi1>, vector<16xi32>
    %broadcast_in_dim3A_2188 = vector.shape_cast %xor3A_6 : vector<16xi32> to vector<16x1xi32>
    %gather3A_2189 = vector.shape_cast %broadcast_in_dim3A_2188 : vector<16x1xi32> to vector<16xi32>
    %gather3A_2190 = tpu.dynamic_gather %select_n3A_2187[%gather3A_2189] in [0] : vector<16xi32>, vector<16xi32> -> vector<16xi32>
    %min3A_2191 = arith.minsi %select_n3A_2187, %gather3A_2190 : vector<16xi32>
    %broadcast_in_dim3A_2192 = vector.shape_cast %xor3A_9 : vector<16xi32> to vector<16x1xi32>
    %gather3A_2193 = vector.shape_cast %broadcast_in_dim3A_2192 : vector<16x1xi32> to vector<16xi32>
    %gather3A_2194 = tpu.dynamic_gather %min3A_2191[%gather3A_2193] in [0] : vector<16xi32>, vector<16xi32> -> vector<16xi32>
    %min3A_2195 = arith.minsi %min3A_2191, %gather3A_2194 : vector<16xi32>
    %broadcast_in_dim3A_2196 = vector.shape_cast %xor3A_12 : vector<16xi32> to vector<16x1xi32>
    %gather3A_2197 = vector.shape_cast %broadcast_in_dim3A_2196 : vector<16x1xi32> to vector<16xi32>
    %gather3A_2198 = tpu.dynamic_gather %min3A_2195[%gather3A_2197] in [0] : vector<16xi32>, vector<16xi32> -> vector<16xi32>
    %min3A_2199 = arith.minsi %min3A_2195, %gather3A_2198 : vector<16xi32>
    %eq3A_2200 = arith.cmpi eq, %and3A_14, %min3A_2199 : vector<16xi32>
    %jit3A_2201 = arith.constant -1.000000e+00 : f32
    %broadcast_in_dim3A_2202 = vector.broadcast %jit3A_2201 : f32 to vector<16xf32>
    %select_n3A_2203 = arith.select %eq3A_2200, %broadcast_in_dim3A_2202, %div3A_2171 : vector<16xi1>, vector<16xf32>
    %broadcast_in_dim3A_2204 = vector.shape_cast %xor3A_6 : vector<16xi32> to vector<16x1xi32>
    %gather3A_2205 = vector.shape_cast %broadcast_in_dim3A_2204 : vector<16x1xi32> to vector<16xi32>
    %gather3A_2206 = tpu.dynamic_gather %select_n3A_2203[%gather3A_2205] in [0] : vector<16xf32>, vector<16xi32> -> vector<16xf32>
    %max3A_2207 = arith.maximumf %select_n3A_2203, %gather3A_2206 : vector<16xf32>
    %broadcast_in_dim3A_2208 = vector.shape_cast %xor3A_9 : vector<16xi32> to vector<16x1xi32>
    %gather3A_2209 = vector.shape_cast %broadcast_in_dim3A_2208 : vector<16x1xi32> to vector<16xi32>
    %gather3A_2210 = tpu.dynamic_gather %max3A_2207[%gather3A_2209] in [0] : vector<16xf32>, vector<16xi32> -> vector<16xf32>
    %max3A_2211 = arith.maximumf %max3A_2207, %gather3A_2210 : vector<16xf32>
    %broadcast_in_dim3A_2212 = vector.shape_cast %xor3A_12 : vector<16xi32> to vector<16x1xi32>
    %gather3A_2213 = vector.shape_cast %broadcast_in_dim3A_2212 : vector<16x1xi32> to vector<16xi32>
    %gather3A_2214 = tpu.dynamic_gather %max3A_2211[%gather3A_2213] in [0] : vector<16xf32>, vector<16xi32> -> vector<16xf32>
    %max3A_2215 = arith.maximumf %max3A_2211, %gather3A_2214 : vector<16xf32>
    %ge3A_2216 = arith.cmpf oge, %select_n3A_2203, %max3A_2215 : vector<16xf32>
    %jit3A_2217 = arith.constant 8 : i32
    %broadcast_in_dim3A_2218 = vector.broadcast %jit3A_2217 : i32 to vector<16xi32>
    %select_n3A_2219 = arith.select %ge3A_2216, %and3A_14, %broadcast_in_dim3A_2218 : vector<16xi1>, vector<16xi32>
    %broadcast_in_dim3A_2220 = vector.shape_cast %xor3A_6 : vector<16xi32> to vector<16x1xi32>
    %gather3A_2221 = vector.shape_cast %broadcast_in_dim3A_2220 : vector<16x1xi32> to vector<16xi32>
    %gather3A_2222 = tpu.dynamic_gather %select_n3A_2219[%gather3A_2221] in [0] : vector<16xi32>, vector<16xi32> -> vector<16xi32>
    %min3A_2223 = arith.minsi %select_n3A_2219, %gather3A_2222 : vector<16xi32>
    %broadcast_in_dim3A_2224 = vector.shape_cast %xor3A_9 : vector<16xi32> to vector<16x1xi32>
    %gather3A_2225 = vector.shape_cast %broadcast_in_dim3A_2224 : vector<16x1xi32> to vector<16xi32>
    %gather3A_2226 = tpu.dynamic_gather %min3A_2223[%gather3A_2225] in [0] : vector<16xi32>, vector<16xi32> -> vector<16xi32>
    %min3A_2227 = arith.minsi %min3A_2223, %gather3A_2226 : vector<16xi32>
    %broadcast_in_dim3A_2228 = vector.shape_cast %xor3A_12 : vector<16xi32> to vector<16x1xi32>
    %gather3A_2229 = vector.shape_cast %broadcast_in_dim3A_2228 : vector<16x1xi32> to vector<16xi32>
    %gather3A_2230 = tpu.dynamic_gather %min3A_2227[%gather3A_2229] in [0] : vector<16xi32>, vector<16xi32> -> vector<16xi32>
    %min3A_2231 = arith.minsi %min3A_2227, %gather3A_2230 : vector<16xi32>
    %eq3A_2232 = arith.cmpi eq, %and3A_14, %min3A_2231 : vector<16xi32>
    %add3A_2233 = arith.addf %max3A_2183, %max3A_2215 : vector<16xf32>
    %add3A_2234 = arith.constant 9.99999997E-7 : f32
    %add3A_2235 = vector.broadcast %add3A_2234 : f32 to vector<16xf32>
    %add3A_2236 = arith.addf %add3A_2233, %add3A_2235 : vector<16xf32>
    %jit3A_2237 = arith.constant 0.000000e+00 : f32
    %broadcast_in_dim3A_2238 = vector.broadcast %jit3A_2237 : f32 to vector<16xf32>
    %select_n3A_2239 = arith.select %eq3A_2200, %max3A_2183, %broadcast_in_dim3A_2238 : vector<16xi1>, vector<16xf32>
    %jit3A_2240 = arith.constant 0.000000e+00 : f32
    %broadcast_in_dim3A_2241 = vector.broadcast %jit3A_2240 : f32 to vector<16xf32>
    %select_n3A_2242 = arith.select %eq3A_2232, %max3A_2215, %broadcast_in_dim3A_2241 : vector<16xi1>, vector<16xf32>
    %add3A_2243 = arith.addf %select_n3A_2239, %select_n3A_2242 : vector<16xf32>
    %div3A_2244 = arith.divf %add3A_2243, %add3A_2236 : vector<16xf32>
    %swap3A_2245 = arith.constant 320 : index
    %swap3A_2246 = tpu.vector_load %arg5[%swap3A_2245] {strides = array<i32>} : memref<512xf32, #tpu.memory_space<vmem>>, vector<16xf32>,
    %swap3A_2247 = vector.shape_cast %swap3A_2246 : vector<16xf32> to vector<16xf32>
    %swap3A_2248 = vector.shape_cast %div3A_2244 : vector<16xf32> to vector<16xf32>
    tpu.vector_store %arg5[%swap3A_2245], %swap3A_2248 {strides = array<i32>} : memref<512xf32, #tpu.memory_space<vmem>>, vector<16xf32>,
    %get3A_2249 = arith.constant 336 : index
    %get3A_2250 = tpu.vector_load %arg4[%get3A_2249] {strides = array<i32>} : memref<512xf32, #tpu.memory_space<vmem>>, vector<16xf32>,
    %get3A_2251 = vector.shape_cast %get3A_2250 : vector<16xf32> to vector<16xf32>
    %broadcast_in_dim3A_2252 = vector.shape_cast %xor3A_6 : vector<16xi32> to vector<16x1xi32>
    %gather3A_2253 = vector.shape_cast %broadcast_in_dim3A_2252 : vector<16x1xi32> to vector<16xi32>
    %gather3A_2254 = tpu.dynamic_gather %get3A_2251[%gather3A_2253] in [0] : vector<16xf32>, vector<16xi32> -> vector<16xf32>
    %max3A_2255 = arith.maximumf %get3A_2251, %gather3A_2254 : vector<16xf32>
    %broadcast_in_dim3A_2256 = vector.shape_cast %xor3A_9 : vector<16xi32> to vector<16x1xi32>
    %gather3A_2257 = vector.shape_cast %broadcast_in_dim3A_2256 : vector<16x1xi32> to vector<16xi32>
    %gather3A_2258 = tpu.dynamic_gather %max3A_2255[%gather3A_2257] in [0] : vector<16xf32>, vector<16xi32> -> vector<16xf32>
    %max3A_2259 = arith.maximumf %max3A_2255, %gather3A_2258 : vector<16xf32>
    %broadcast_in_dim3A_2260 = vector.shape_cast %xor3A_12 : vector<16xi32> to vector<16x1xi32>
    %gather3A_2261 = vector.shape_cast %broadcast_in_dim3A_2260 : vector<16x1xi32> to vector<16xi32>
    %gather3A_2262 = tpu.dynamic_gather %max3A_2259[%gather3A_2261] in [0] : vector<16xf32>, vector<16xi32> -> vector<16xf32>
    %max3A_2263 = arith.maximumf %max3A_2259, %gather3A_2262 : vector<16xf32>
    %sub3A_2264 = arith.subf %get3A_2251, %max3A_2263 : vector<16xf32>
    %exp3A_2265 = math.exp %sub3A_2264 : vector<16xf32>
    %broadcast_in_dim3A_2266 = vector.shape_cast %xor3A_6 : vector<16xi32> to vector<16x1xi32>
    %gather3A_2267 = vector.shape_cast %broadcast_in_dim3A_2266 : vector<16x1xi32> to vector<16xi32>
    %gather3A_2268 = tpu.dynamic_gather %exp3A_2265[%gather3A_2267] in [0] : vector<16xf32>, vector<16xi32> -> vector<16xf32>
    %add3A_2269 = arith.addf %exp3A_2265, %gather3A_2268 : vector<16xf32>
    %broadcast_in_dim3A_2270 = vector.shape_cast %xor3A_9 : vector<16xi32> to vector<16x1xi32>
    %gather3A_2271 = vector.shape_cast %broadcast_in_dim3A_2270 : vector<16x1xi32> to vector<16xi32>
    %gather3A_2272 = tpu.dynamic_gather %add3A_2269[%gather3A_2271] in [0] : vector<16xf32>, vector<16xi32> -> vector<16xf32>
    %add3A_2273 = arith.addf %add3A_2269, %gather3A_2272 : vector<16xf32>
    %broadcast_in_dim3A_2274 = vector.shape_cast %xor3A_12 : vector<16xi32> to vector<16x1xi32>
    %gather3A_2275 = vector.shape_cast %broadcast_in_dim3A_2274 : vector<16x1xi32> to vector<16xi32>
    %gather3A_2276 = tpu.dynamic_gather %add3A_2273[%gather3A_2275] in [0] : vector<16xf32>, vector<16xi32> -> vector<16xf32>
    %add3A_2277 = arith.addf %add3A_2273, %gather3A_2276 : vector<16xf32>
    %div3A_2278 = arith.divf %exp3A_2265, %add3A_2277 : vector<16xf32>
    %broadcast_in_dim3A_2279 = vector.shape_cast %xor3A_6 : vector<16xi32> to vector<16x1xi32>
    %gather3A_2280 = vector.shape_cast %broadcast_in_dim3A_2279 : vector<16x1xi32> to vector<16xi32>
    %gather3A_2281 = tpu.dynamic_gather %div3A_2278[%gather3A_2280] in [0] : vector<16xf32>, vector<16xi32> -> vector<16xf32>
    %max3A_2282 = arith.maximumf %div3A_2278, %gather3A_2281 : vector<16xf32>
    %broadcast_in_dim3A_2283 = vector.shape_cast %xor3A_9 : vector<16xi32> to vector<16x1xi32>
    %gather3A_2284 = vector.shape_cast %broadcast_in_dim3A_2283 : vector<16x1xi32> to vector<16xi32>
    %gather3A_2285 = tpu.dynamic_gather %max3A_2282[%gather3A_2284] in [0] : vector<16xf32>, vector<16xi32> -> vector<16xf32>
    %max3A_2286 = arith.maximumf %max3A_2282, %gather3A_2285 : vector<16xf32>
    %broadcast_in_dim3A_2287 = vector.shape_cast %xor3A_12 : vector<16xi32> to vector<16x1xi32>
    %gather3A_2288 = vector.shape_cast %broadcast_in_dim3A_2287 : vector<16x1xi32> to vector<16xi32>
    %gather3A_2289 = tpu.dynamic_gather %max3A_2286[%gather3A_2288] in [0] : vector<16xf32>, vector<16xi32> -> vector<16xf32>
    %max3A_2290 = arith.maximumf %max3A_2286, %gather3A_2289 : vector<16xf32>
    %ge3A_2291 = arith.cmpf oge, %div3A_2278, %max3A_2290 : vector<16xf32>
    %jit3A_2292 = arith.constant 8 : i32
    %broadcast_in_dim3A_2293 = vector.broadcast %jit3A_2292 : i32 to vector<16xi32>
    %select_n3A_2294 = arith.select %ge3A_2291, %and3A_14, %broadcast_in_dim3A_2293 : vector<16xi1>, vector<16xi32>
    %broadcast_in_dim3A_2295 = vector.shape_cast %xor3A_6 : vector<16xi32> to vector<16x1xi32>
    %gather3A_2296 = vector.shape_cast %broadcast_in_dim3A_2295 : vector<16x1xi32> to vector<16xi32>
    %gather3A_2297 = tpu.dynamic_gather %select_n3A_2294[%gather3A_2296] in [0] : vector<16xi32>, vector<16xi32> -> vector<16xi32>
    %min3A_2298 = arith.minsi %select_n3A_2294, %gather3A_2297 : vector<16xi32>
    %broadcast_in_dim3A_2299 = vector.shape_cast %xor3A_9 : vector<16xi32> to vector<16x1xi32>
    %gather3A_2300 = vector.shape_cast %broadcast_in_dim3A_2299 : vector<16x1xi32> to vector<16xi32>
    %gather3A_2301 = tpu.dynamic_gather %min3A_2298[%gather3A_2300] in [0] : vector<16xi32>, vector<16xi32> -> vector<16xi32>
    %min3A_2302 = arith.minsi %min3A_2298, %gather3A_2301 : vector<16xi32>
    %broadcast_in_dim3A_2303 = vector.shape_cast %xor3A_12 : vector<16xi32> to vector<16x1xi32>
    %gather3A_2304 = vector.shape_cast %broadcast_in_dim3A_2303 : vector<16x1xi32> to vector<16xi32>
    %gather3A_2305 = tpu.dynamic_gather %min3A_2302[%gather3A_2304] in [0] : vector<16xi32>, vector<16xi32> -> vector<16xi32>
    %min3A_2306 = arith.minsi %min3A_2302, %gather3A_2305 : vector<16xi32>
    %eq3A_2307 = arith.cmpi eq, %and3A_14, %min3A_2306 : vector<16xi32>
    %jit3A_2308 = arith.constant -1.000000e+00 : f32
    %broadcast_in_dim3A_2309 = vector.broadcast %jit3A_2308 : f32 to vector<16xf32>
    %select_n3A_2310 = arith.select %eq3A_2307, %broadcast_in_dim3A_2309, %div3A_2278 : vector<16xi1>, vector<16xf32>
    %broadcast_in_dim3A_2311 = vector.shape_cast %xor3A_6 : vector<16xi32> to vector<16x1xi32>
    %gather3A_2312 = vector.shape_cast %broadcast_in_dim3A_2311 : vector<16x1xi32> to vector<16xi32>
    %gather3A_2313 = tpu.dynamic_gather %select_n3A_2310[%gather3A_2312] in [0] : vector<16xf32>, vector<16xi32> -> vector<16xf32>
    %max3A_2314 = arith.maximumf %select_n3A_2310, %gather3A_2313 : vector<16xf32>
    %broadcast_in_dim3A_2315 = vector.shape_cast %xor3A_9 : vector<16xi32> to vector<16x1xi32>
    %gather3A_2316 = vector.shape_cast %broadcast_in_dim3A_2315 : vector<16x1xi32> to vector<16xi32>
    %gather3A_2317 = tpu.dynamic_gather %max3A_2314[%gather3A_2316] in [0] : vector<16xf32>, vector<16xi32> -> vector<16xf32>
    %max3A_2318 = arith.maximumf %max3A_2314, %gather3A_2317 : vector<16xf32>
    %broadcast_in_dim3A_2319 = vector.shape_cast %xor3A_12 : vector<16xi32> to vector<16x1xi32>
    %gather3A_2320 = vector.shape_cast %broadcast_in_dim3A_2319 : vector<16x1xi32> to vector<16xi32>
    %gather3A_2321 = tpu.dynamic_gather %max3A_2318[%gather3A_2320] in [0] : vector<16xf32>, vector<16xi32> -> vector<16xf32>
    %max3A_2322 = arith.maximumf %max3A_2318, %gather3A_2321 : vector<16xf32>
    %ge3A_2323 = arith.cmpf oge, %select_n3A_2310, %max3A_2322 : vector<16xf32>
    %jit3A_2324 = arith.constant 8 : i32
    %broadcast_in_dim3A_2325 = vector.broadcast %jit3A_2324 : i32 to vector<16xi32>
    %select_n3A_2326 = arith.select %ge3A_2323, %and3A_14, %broadcast_in_dim3A_2325 : vector<16xi1>, vector<16xi32>
    %broadcast_in_dim3A_2327 = vector.shape_cast %xor3A_6 : vector<16xi32> to vector<16x1xi32>
    %gather3A_2328 = vector.shape_cast %broadcast_in_dim3A_2327 : vector<16x1xi32> to vector<16xi32>
    %gather3A_2329 = tpu.dynamic_gather %select_n3A_2326[%gather3A_2328] in [0] : vector<16xi32>, vector<16xi32> -> vector<16xi32>
    %min3A_2330 = arith.minsi %select_n3A_2326, %gather3A_2329 : vector<16xi32>
    %broadcast_in_dim3A_2331 = vector.shape_cast %xor3A_9 : vector<16xi32> to vector<16x1xi32>
    %gather3A_2332 = vector.shape_cast %broadcast_in_dim3A_2331 : vector<16x1xi32> to vector<16xi32>
    %gather3A_2333 = tpu.dynamic_gather %min3A_2330[%gather3A_2332] in [0] : vector<16xi32>, vector<16xi32> -> vector<16xi32>
    %min3A_2334 = arith.minsi %min3A_2330, %gather3A_2333 : vector<16xi32>
    %broadcast_in_dim3A_2335 = vector.shape_cast %xor3A_12 : vector<16xi32> to vector<16x1xi32>
    %gather3A_2336 = vector.shape_cast %broadcast_in_dim3A_2335 : vector<16x1xi32> to vector<16xi32>
    %gather3A_2337 = tpu.dynamic_gather %min3A_2334[%gather3A_2336] in [0] : vector<16xi32>, vector<16xi32> -> vector<16xi32>
    %min3A_2338 = arith.minsi %min3A_2334, %gather3A_2337 : vector<16xi32>
    %eq3A_2339 = arith.cmpi eq, %and3A_14, %min3A_2338 : vector<16xi32>
    %add3A_2340 = arith.addf %max3A_2290, %max3A_2322 : vector<16xf32>
    %add3A_2341 = arith.constant 9.99999997E-7 : f32
    %add3A_2342 = vector.broadcast %add3A_2341 : f32 to vector<16xf32>
    %add3A_2343 = arith.addf %add3A_2340, %add3A_2342 : vector<16xf32>
    %jit3A_2344 = arith.constant 0.000000e+00 : f32
    %broadcast_in_dim3A_2345 = vector.broadcast %jit3A_2344 : f32 to vector<16xf32>
    %select_n3A_2346 = arith.select %eq3A_2307, %max3A_2290, %broadcast_in_dim3A_2345 : vector<16xi1>, vector<16xf32>
    %jit3A_2347 = arith.constant 0.000000e+00 : f32
    %broadcast_in_dim3A_2348 = vector.broadcast %jit3A_2347 : f32 to vector<16xf32>
    %select_n3A_2349 = arith.select %eq3A_2339, %max3A_2322, %broadcast_in_dim3A_2348 : vector<16xi1>, vector<16xf32>
    %add3A_2350 = arith.addf %select_n3A_2346, %select_n3A_2349 : vector<16xf32>
    %div3A_2351 = arith.divf %add3A_2350, %add3A_2343 : vector<16xf32>
    %swap3A_2352 = arith.constant 336 : index
    %swap3A_2353 = tpu.vector_load %arg5[%swap3A_2352] {strides = array<i32>} : memref<512xf32, #tpu.memory_space<vmem>>, vector<16xf32>,
    %swap3A_2354 = vector.shape_cast %swap3A_2353 : vector<16xf32> to vector<16xf32>
    %swap3A_2355 = vector.shape_cast %div3A_2351 : vector<16xf32> to vector<16xf32>
    tpu.vector_store %arg5[%swap3A_2352], %swap3A_2355 {strides = array<i32>} : memref<512xf32, #tpu.memory_space<vmem>>, vector<16xf32>,
    %get3A_2356 = arith.constant 352 : index
    %get3A_2357 = tpu.vector_load %arg4[%get3A_2356] {strides = array<i32>} : memref<512xf32, #tpu.memory_space<vmem>>, vector<16xf32>,
    %get3A_2358 = vector.shape_cast %get3A_2357 : vector<16xf32> to vector<16xf32>
    %broadcast_in_dim3A_2359 = vector.shape_cast %xor3A_6 : vector<16xi32> to vector<16x1xi32>
    %gather3A_2360 = vector.shape_cast %broadcast_in_dim3A_2359 : vector<16x1xi32> to vector<16xi32>
    %gather3A_2361 = tpu.dynamic_gather %get3A_2358[%gather3A_2360] in [0] : vector<16xf32>, vector<16xi32> -> vector<16xf32>
    %max3A_2362 = arith.maximumf %get3A_2358, %gather3A_2361 : vector<16xf32>
    %broadcast_in_dim3A_2363 = vector.shape_cast %xor3A_9 : vector<16xi32> to vector<16x1xi32>
    %gather3A_2364 = vector.shape_cast %broadcast_in_dim3A_2363 : vector<16x1xi32> to vector<16xi32>
    %gather3A_2365 = tpu.dynamic_gather %max3A_2362[%gather3A_2364] in [0] : vector<16xf32>, vector<16xi32> -> vector<16xf32>
    %max3A_2366 = arith.maximumf %max3A_2362, %gather3A_2365 : vector<16xf32>
    %broadcast_in_dim3A_2367 = vector.shape_cast %xor3A_12 : vector<16xi32> to vector<16x1xi32>
    %gather3A_2368 = vector.shape_cast %broadcast_in_dim3A_2367 : vector<16x1xi32> to vector<16xi32>
    %gather3A_2369 = tpu.dynamic_gather %max3A_2366[%gather3A_2368] in [0] : vector<16xf32>, vector<16xi32> -> vector<16xf32>
    %max3A_2370 = arith.maximumf %max3A_2366, %gather3A_2369 : vector<16xf32>
    %sub3A_2371 = arith.subf %get3A_2358, %max3A_2370 : vector<16xf32>
    %exp3A_2372 = math.exp %sub3A_2371 : vector<16xf32>
    %broadcast_in_dim3A_2373 = vector.shape_cast %xor3A_6 : vector<16xi32> to vector<16x1xi32>
    %gather3A_2374 = vector.shape_cast %broadcast_in_dim3A_2373 : vector<16x1xi32> to vector<16xi32>
    %gather3A_2375 = tpu.dynamic_gather %exp3A_2372[%gather3A_2374] in [0] : vector<16xf32>, vector<16xi32> -> vector<16xf32>
    %add3A_2376 = arith.addf %exp3A_2372, %gather3A_2375 : vector<16xf32>
    %broadcast_in_dim3A_2377 = vector.shape_cast %xor3A_9 : vector<16xi32> to vector<16x1xi32>
    %gather3A_2378 = vector.shape_cast %broadcast_in_dim3A_2377 : vector<16x1xi32> to vector<16xi32>
    %gather3A_2379 = tpu.dynamic_gather %add3A_2376[%gather3A_2378] in [0] : vector<16xf32>, vector<16xi32> -> vector<16xf32>
    %add3A_2380 = arith.addf %add3A_2376, %gather3A_2379 : vector<16xf32>
    %broadcast_in_dim3A_2381 = vector.shape_cast %xor3A_12 : vector<16xi32> to vector<16x1xi32>
    %gather3A_2382 = vector.shape_cast %broadcast_in_dim3A_2381 : vector<16x1xi32> to vector<16xi32>
    %gather3A_2383 = tpu.dynamic_gather %add3A_2380[%gather3A_2382] in [0] : vector<16xf32>, vector<16xi32> -> vector<16xf32>
    %add3A_2384 = arith.addf %add3A_2380, %gather3A_2383 : vector<16xf32>
    %div3A_2385 = arith.divf %exp3A_2372, %add3A_2384 : vector<16xf32>
    %broadcast_in_dim3A_2386 = vector.shape_cast %xor3A_6 : vector<16xi32> to vector<16x1xi32>
    %gather3A_2387 = vector.shape_cast %broadcast_in_dim3A_2386 : vector<16x1xi32> to vector<16xi32>
    %gather3A_2388 = tpu.dynamic_gather %div3A_2385[%gather3A_2387] in [0] : vector<16xf32>, vector<16xi32> -> vector<16xf32>
    %max3A_2389 = arith.maximumf %div3A_2385, %gather3A_2388 : vector<16xf32>
    %broadcast_in_dim3A_2390 = vector.shape_cast %xor3A_9 : vector<16xi32> to vector<16x1xi32>
    %gather3A_2391 = vector.shape_cast %broadcast_in_dim3A_2390 : vector<16x1xi32> to vector<16xi32>
    %gather3A_2392 = tpu.dynamic_gather %max3A_2389[%gather3A_2391] in [0] : vector<16xf32>, vector<16xi32> -> vector<16xf32>
    %max3A_2393 = arith.maximumf %max3A_2389, %gather3A_2392 : vector<16xf32>
    %broadcast_in_dim3A_2394 = vector.shape_cast %xor3A_12 : vector<16xi32> to vector<16x1xi32>
    %gather3A_2395 = vector.shape_cast %broadcast_in_dim3A_2394 : vector<16x1xi32> to vector<16xi32>
    %gather3A_2396 = tpu.dynamic_gather %max3A_2393[%gather3A_2395] in [0] : vector<16xf32>, vector<16xi32> -> vector<16xf32>
    %max3A_2397 = arith.maximumf %max3A_2393, %gather3A_2396 : vector<16xf32>
    %ge3A_2398 = arith.cmpf oge, %div3A_2385, %max3A_2397 : vector<16xf32>
    %jit3A_2399 = arith.constant 8 : i32
    %broadcast_in_dim3A_2400 = vector.broadcast %jit3A_2399 : i32 to vector<16xi32>
    %select_n3A_2401 = arith.select %ge3A_2398, %and3A_14, %broadcast_in_dim3A_2400 : vector<16xi1>, vector<16xi32>
    %broadcast_in_dim3A_2402 = vector.shape_cast %xor3A_6 : vector<16xi32> to vector<16x1xi32>
    %gather3A_2403 = vector.shape_cast %broadcast_in_dim3A_2402 : vector<16x1xi32> to vector<16xi32>
    %gather3A_2404 = tpu.dynamic_gather %select_n3A_2401[%gather3A_2403] in [0] : vector<16xi32>, vector<16xi32> -> vector<16xi32>
    %min3A_2405 = arith.minsi %select_n3A_2401, %gather3A_2404 : vector<16xi32>
    %broadcast_in_dim3A_2406 = vector.shape_cast %xor3A_9 : vector<16xi32> to vector<16x1xi32>
    %gather3A_2407 = vector.shape_cast %broadcast_in_dim3A_2406 : vector<16x1xi32> to vector<16xi32>
    %gather3A_2408 = tpu.dynamic_gather %min3A_2405[%gather3A_2407] in [0] : vector<16xi32>, vector<16xi32> -> vector<16xi32>
    %min3A_2409 = arith.minsi %min3A_2405, %gather3A_2408 : vector<16xi32>
    %broadcast_in_dim3A_2410 = vector.shape_cast %xor3A_12 : vector<16xi32> to vector<16x1xi32>
    %gather3A_2411 = vector.shape_cast %broadcast_in_dim3A_2410 : vector<16x1xi32> to vector<16xi32>
    %gather3A_2412 = tpu.dynamic_gather %min3A_2409[%gather3A_2411] in [0] : vector<16xi32>, vector<16xi32> -> vector<16xi32>
    %min3A_2413 = arith.minsi %min3A_2409, %gather3A_2412 : vector<16xi32>
    %eq3A_2414 = arith.cmpi eq, %and3A_14, %min3A_2413 : vector<16xi32>
    %jit3A_2415 = arith.constant -1.000000e+00 : f32
    %broadcast_in_dim3A_2416 = vector.broadcast %jit3A_2415 : f32 to vector<16xf32>
    %select_n3A_2417 = arith.select %eq3A_2414, %broadcast_in_dim3A_2416, %div3A_2385 : vector<16xi1>, vector<16xf32>
    %broadcast_in_dim3A_2418 = vector.shape_cast %xor3A_6 : vector<16xi32> to vector<16x1xi32>
    %gather3A_2419 = vector.shape_cast %broadcast_in_dim3A_2418 : vector<16x1xi32> to vector<16xi32>
    %gather3A_2420 = tpu.dynamic_gather %select_n3A_2417[%gather3A_2419] in [0] : vector<16xf32>, vector<16xi32> -> vector<16xf32>
    %max3A_2421 = arith.maximumf %select_n3A_2417, %gather3A_2420 : vector<16xf32>
    %broadcast_in_dim3A_2422 = vector.shape_cast %xor3A_9 : vector<16xi32> to vector<16x1xi32>
    %gather3A_2423 = vector.shape_cast %broadcast_in_dim3A_2422 : vector<16x1xi32> to vector<16xi32>
    %gather3A_2424 = tpu.dynamic_gather %max3A_2421[%gather3A_2423] in [0] : vector<16xf32>, vector<16xi32> -> vector<16xf32>
    %max3A_2425 = arith.maximumf %max3A_2421, %gather3A_2424 : vector<16xf32>
    %broadcast_in_dim3A_2426 = vector.shape_cast %xor3A_12 : vector<16xi32> to vector<16x1xi32>
    %gather3A_2427 = vector.shape_cast %broadcast_in_dim3A_2426 : vector<16x1xi32> to vector<16xi32>
    %gather3A_2428 = tpu.dynamic_gather %max3A_2425[%gather3A_2427] in [0] : vector<16xf32>, vector<16xi32> -> vector<16xf32>
    %max3A_2429 = arith.maximumf %max3A_2425, %gather3A_2428 : vector<16xf32>
    %ge3A_2430 = arith.cmpf oge, %select_n3A_2417, %max3A_2429 : vector<16xf32>
    %jit3A_2431 = arith.constant 8 : i32
    %broadcast_in_dim3A_2432 = vector.broadcast %jit3A_2431 : i32 to vector<16xi32>
    %select_n3A_2433 = arith.select %ge3A_2430, %and3A_14, %broadcast_in_dim3A_2432 : vector<16xi1>, vector<16xi32>
    %broadcast_in_dim3A_2434 = vector.shape_cast %xor3A_6 : vector<16xi32> to vector<16x1xi32>
    %gather3A_2435 = vector.shape_cast %broadcast_in_dim3A_2434 : vector<16x1xi32> to vector<16xi32>
    %gather3A_2436 = tpu.dynamic_gather %select_n3A_2433[%gather3A_2435] in [0] : vector<16xi32>, vector<16xi32> -> vector<16xi32>
    %min3A_2437 = arith.minsi %select_n3A_2433, %gather3A_2436 : vector<16xi32>
    %broadcast_in_dim3A_2438 = vector.shape_cast %xor3A_9 : vector<16xi32> to vector<16x1xi32>
    %gather3A_2439 = vector.shape_cast %broadcast_in_dim3A_2438 : vector<16x1xi32> to vector<16xi32>
    %gather3A_2440 = tpu.dynamic_gather %min3A_2437[%gather3A_2439] in [0] : vector<16xi32>, vector<16xi32> -> vector<16xi32>
    %min3A_2441 = arith.minsi %min3A_2437, %gather3A_2440 : vector<16xi32>
    %broadcast_in_dim3A_2442 = vector.shape_cast %xor3A_12 : vector<16xi32> to vector<16x1xi32>
    %gather3A_2443 = vector.shape_cast %broadcast_in_dim3A_2442 : vector<16x1xi32> to vector<16xi32>
    %gather3A_2444 = tpu.dynamic_gather %min3A_2441[%gather3A_2443] in [0] : vector<16xi32>, vector<16xi32> -> vector<16xi32>
    %min3A_2445 = arith.minsi %min3A_2441, %gather3A_2444 : vector<16xi32>
    %eq3A_2446 = arith.cmpi eq, %and3A_14, %min3A_2445 : vector<16xi32>
    %add3A_2447 = arith.addf %max3A_2397, %max3A_2429 : vector<16xf32>
    %add3A_2448 = arith.constant 9.99999997E-7 : f32
    %add3A_2449 = vector.broadcast %add3A_2448 : f32 to vector<16xf32>
    %add3A_2450 = arith.addf %add3A_2447, %add3A_2449 : vector<16xf32>
    %jit3A_2451 = arith.constant 0.000000e+00 : f32
    %broadcast_in_dim3A_2452 = vector.broadcast %jit3A_2451 : f32 to vector<16xf32>
    %select_n3A_2453 = arith.select %eq3A_2414, %max3A_2397, %broadcast_in_dim3A_2452 : vector<16xi1>, vector<16xf32>
    %jit3A_2454 = arith.constant 0.000000e+00 : f32
    %broadcast_in_dim3A_2455 = vector.broadcast %jit3A_2454 : f32 to vector<16xf32>
    %select_n3A_2456 = arith.select %eq3A_2446, %max3A_2429, %broadcast_in_dim3A_2455 : vector<16xi1>, vector<16xf32>
    %add3A_2457 = arith.addf %select_n3A_2453, %select_n3A_2456 : vector<16xf32>
    %div3A_2458 = arith.divf %add3A_2457, %add3A_2450 : vector<16xf32>
    %swap3A_2459 = arith.constant 352 : index
    %swap3A_2460 = tpu.vector_load %arg5[%swap3A_2459] {strides = array<i32>} : memref<512xf32, #tpu.memory_space<vmem>>, vector<16xf32>,
    %swap3A_2461 = vector.shape_cast %swap3A_2460 : vector<16xf32> to vector<16xf32>
    %swap3A_2462 = vector.shape_cast %div3A_2458 : vector<16xf32> to vector<16xf32>
    tpu.vector_store %arg5[%swap3A_2459], %swap3A_2462 {strides = array<i32>} : memref<512xf32, #tpu.memory_space<vmem>>, vector<16xf32>,
    %get3A_2463 = arith.constant 368 : index
    %get3A_2464 = tpu.vector_load %arg4[%get3A_2463] {strides = array<i32>} : memref<512xf32, #tpu.memory_space<vmem>>, vector<16xf32>,
    %get3A_2465 = vector.shape_cast %get3A_2464 : vector<16xf32> to vector<16xf32>
    %broadcast_in_dim3A_2466 = vector.shape_cast %xor3A_6 : vector<16xi32> to vector<16x1xi32>
    %gather3A_2467 = vector.shape_cast %broadcast_in_dim3A_2466 : vector<16x1xi32> to vector<16xi32>
    %gather3A_2468 = tpu.dynamic_gather %get3A_2465[%gather3A_2467] in [0] : vector<16xf32>, vector<16xi32> -> vector<16xf32>
    %max3A_2469 = arith.maximumf %get3A_2465, %gather3A_2468 : vector<16xf32>
    %broadcast_in_dim3A_2470 = vector.shape_cast %xor3A_9 : vector<16xi32> to vector<16x1xi32>
    %gather3A_2471 = vector.shape_cast %broadcast_in_dim3A_2470 : vector<16x1xi32> to vector<16xi32>
    %gather3A_2472 = tpu.dynamic_gather %max3A_2469[%gather3A_2471] in [0] : vector<16xf32>, vector<16xi32> -> vector<16xf32>
    %max3A_2473 = arith.maximumf %max3A_2469, %gather3A_2472 : vector<16xf32>
    %broadcast_in_dim3A_2474 = vector.shape_cast %xor3A_12 : vector<16xi32> to vector<16x1xi32>
    %gather3A_2475 = vector.shape_cast %broadcast_in_dim3A_2474 : vector<16x1xi32> to vector<16xi32>
    %gather3A_2476 = tpu.dynamic_gather %max3A_2473[%gather3A_2475] in [0] : vector<16xf32>, vector<16xi32> -> vector<16xf32>
    %max3A_2477 = arith.maximumf %max3A_2473, %gather3A_2476 : vector<16xf32>
    %sub3A_2478 = arith.subf %get3A_2465, %max3A_2477 : vector<16xf32>
    %exp3A_2479 = math.exp %sub3A_2478 : vector<16xf32>
    %broadcast_in_dim3A_2480 = vector.shape_cast %xor3A_6 : vector<16xi32> to vector<16x1xi32>
    %gather3A_2481 = vector.shape_cast %broadcast_in_dim3A_2480 : vector<16x1xi32> to vector<16xi32>
    %gather3A_2482 = tpu.dynamic_gather %exp3A_2479[%gather3A_2481] in [0] : vector<16xf32>, vector<16xi32> -> vector<16xf32>
    %add3A_2483 = arith.addf %exp3A_2479, %gather3A_2482 : vector<16xf32>
    %broadcast_in_dim3A_2484 = vector.shape_cast %xor3A_9 : vector<16xi32> to vector<16x1xi32>
    %gather3A_2485 = vector.shape_cast %broadcast_in_dim3A_2484 : vector<16x1xi32> to vector<16xi32>
    %gather3A_2486 = tpu.dynamic_gather %add3A_2483[%gather3A_2485] in [0] : vector<16xf32>, vector<16xi32> -> vector<16xf32>
    %add3A_2487 = arith.addf %add3A_2483, %gather3A_2486 : vector<16xf32>
    %broadcast_in_dim3A_2488 = vector.shape_cast %xor3A_12 : vector<16xi32> to vector<16x1xi32>
    %gather3A_2489 = vector.shape_cast %broadcast_in_dim3A_2488 : vector<16x1xi32> to vector<16xi32>
    %gather3A_2490 = tpu.dynamic_gather %add3A_2487[%gather3A_2489] in [0] : vector<16xf32>, vector<16xi32> -> vector<16xf32>
    %add3A_2491 = arith.addf %add3A_2487, %gather3A_2490 : vector<16xf32>
    %div3A_2492 = arith.divf %exp3A_2479, %add3A_2491 : vector<16xf32>
    %broadcast_in_dim3A_2493 = vector.shape_cast %xor3A_6 : vector<16xi32> to vector<16x1xi32>
    %gather3A_2494 = vector.shape_cast %broadcast_in_dim3A_2493 : vector<16x1xi32> to vector<16xi32>
    %gather3A_2495 = tpu.dynamic_gather %div3A_2492[%gather3A_2494] in [0] : vector<16xf32>, vector<16xi32> -> vector<16xf32>
    %max3A_2496 = arith.maximumf %div3A_2492, %gather3A_2495 : vector<16xf32>
    %broadcast_in_dim3A_2497 = vector.shape_cast %xor3A_9 : vector<16xi32> to vector<16x1xi32>
    %gather3A_2498 = vector.shape_cast %broadcast_in_dim3A_2497 : vector<16x1xi32> to vector<16xi32>
    %gather3A_2499 = tpu.dynamic_gather %max3A_2496[%gather3A_2498] in [0] : vector<16xf32>, vector<16xi32> -> vector<16xf32>
    %max3A_2500 = arith.maximumf %max3A_2496, %gather3A_2499 : vector<16xf32>
    %broadcast_in_dim3A_2501 = vector.shape_cast %xor3A_12 : vector<16xi32> to vector<16x1xi32>
    %gather3A_2502 = vector.shape_cast %broadcast_in_dim3A_2501 : vector<16x1xi32> to vector<16xi32>
    %gather3A_2503 = tpu.dynamic_gather %max3A_2500[%gather3A_2502] in [0] : vector<16xf32>, vector<16xi32> -> vector<16xf32>
    %max3A_2504 = arith.maximumf %max3A_2500, %gather3A_2503 : vector<16xf32>
    %ge3A_2505 = arith.cmpf oge, %div3A_2492, %max3A_2504 : vector<16xf32>
    %jit3A_2506 = arith.constant 8 : i32
    %broadcast_in_dim3A_2507 = vector.broadcast %jit3A_2506 : i32 to vector<16xi32>
    %select_n3A_2508 = arith.select %ge3A_2505, %and3A_14, %broadcast_in_dim3A_2507 : vector<16xi1>, vector<16xi32>
    %broadcast_in_dim3A_2509 = vector.shape_cast %xor3A_6 : vector<16xi32> to vector<16x1xi32>
    %gather3A_2510 = vector.shape_cast %broadcast_in_dim3A_2509 : vector<16x1xi32> to vector<16xi32>
    %gather3A_2511 = tpu.dynamic_gather %select_n3A_2508[%gather3A_2510] in [0] : vector<16xi32>, vector<16xi32> -> vector<16xi32>
    %min3A_2512 = arith.minsi %select_n3A_2508, %gather3A_2511 : vector<16xi32>
    %broadcast_in_dim3A_2513 = vector.shape_cast %xor3A_9 : vector<16xi32> to vector<16x1xi32>
    %gather3A_2514 = vector.shape_cast %broadcast_in_dim3A_2513 : vector<16x1xi32> to vector<16xi32>
    %gather3A_2515 = tpu.dynamic_gather %min3A_2512[%gather3A_2514] in [0] : vector<16xi32>, vector<16xi32> -> vector<16xi32>
    %min3A_2516 = arith.minsi %min3A_2512, %gather3A_2515 : vector<16xi32>
    %broadcast_in_dim3A_2517 = vector.shape_cast %xor3A_12 : vector<16xi32> to vector<16x1xi32>
    %gather3A_2518 = vector.shape_cast %broadcast_in_dim3A_2517 : vector<16x1xi32> to vector<16xi32>
    %gather3A_2519 = tpu.dynamic_gather %min3A_2516[%gather3A_2518] in [0] : vector<16xi32>, vector<16xi32> -> vector<16xi32>
    %min3A_2520 = arith.minsi %min3A_2516, %gather3A_2519 : vector<16xi32>
    %eq3A_2521 = arith.cmpi eq, %and3A_14, %min3A_2520 : vector<16xi32>
    %jit3A_2522 = arith.constant -1.000000e+00 : f32
    %broadcast_in_dim3A_2523 = vector.broadcast %jit3A_2522 : f32 to vector<16xf32>
    %select_n3A_2524 = arith.select %eq3A_2521, %broadcast_in_dim3A_2523, %div3A_2492 : vector<16xi1>, vector<16xf32>
    %broadcast_in_dim3A_2525 = vector.shape_cast %xor3A_6 : vector<16xi32> to vector<16x1xi32>
    %gather3A_2526 = vector.shape_cast %broadcast_in_dim3A_2525 : vector<16x1xi32> to vector<16xi32>
    %gather3A_2527 = tpu.dynamic_gather %select_n3A_2524[%gather3A_2526] in [0] : vector<16xf32>, vector<16xi32> -> vector<16xf32>
    %max3A_2528 = arith.maximumf %select_n3A_2524, %gather3A_2527 : vector<16xf32>
    %broadcast_in_dim3A_2529 = vector.shape_cast %xor3A_9 : vector<16xi32> to vector<16x1xi32>
    %gather3A_2530 = vector.shape_cast %broadcast_in_dim3A_2529 : vector<16x1xi32> to vector<16xi32>
    %gather3A_2531 = tpu.dynamic_gather %max3A_2528[%gather3A_2530] in [0] : vector<16xf32>, vector<16xi32> -> vector<16xf32>
    %max3A_2532 = arith.maximumf %max3A_2528, %gather3A_2531 : vector<16xf32>
    %broadcast_in_dim3A_2533 = vector.shape_cast %xor3A_12 : vector<16xi32> to vector<16x1xi32>
    %gather3A_2534 = vector.shape_cast %broadcast_in_dim3A_2533 : vector<16x1xi32> to vector<16xi32>
    %gather3A_2535 = tpu.dynamic_gather %max3A_2532[%gather3A_2534] in [0] : vector<16xf32>, vector<16xi32> -> vector<16xf32>
    %max3A_2536 = arith.maximumf %max3A_2532, %gather3A_2535 : vector<16xf32>
    %ge3A_2537 = arith.cmpf oge, %select_n3A_2524, %max3A_2536 : vector<16xf32>
    %jit3A_2538 = arith.constant 8 : i32
    %broadcast_in_dim3A_2539 = vector.broadcast %jit3A_2538 : i32 to vector<16xi32>
    %select_n3A_2540 = arith.select %ge3A_2537, %and3A_14, %broadcast_in_dim3A_2539 : vector<16xi1>, vector<16xi32>
    %broadcast_in_dim3A_2541 = vector.shape_cast %xor3A_6 : vector<16xi32> to vector<16x1xi32>
    %gather3A_2542 = vector.shape_cast %broadcast_in_dim3A_2541 : vector<16x1xi32> to vector<16xi32>
    %gather3A_2543 = tpu.dynamic_gather %select_n3A_2540[%gather3A_2542] in [0] : vector<16xi32>, vector<16xi32> -> vector<16xi32>
    %min3A_2544 = arith.minsi %select_n3A_2540, %gather3A_2543 : vector<16xi32>
    %broadcast_in_dim3A_2545 = vector.shape_cast %xor3A_9 : vector<16xi32> to vector<16x1xi32>
    %gather3A_2546 = vector.shape_cast %broadcast_in_dim3A_2545 : vector<16x1xi32> to vector<16xi32>
    %gather3A_2547 = tpu.dynamic_gather %min3A_2544[%gather3A_2546] in [0] : vector<16xi32>, vector<16xi32> -> vector<16xi32>
    %min3A_2548 = arith.minsi %min3A_2544, %gather3A_2547 : vector<16xi32>
    %broadcast_in_dim3A_2549 = vector.shape_cast %xor3A_12 : vector<16xi32> to vector<16x1xi32>
    %gather3A_2550 = vector.shape_cast %broadcast_in_dim3A_2549 : vector<16x1xi32> to vector<16xi32>
    %gather3A_2551 = tpu.dynamic_gather %min3A_2548[%gather3A_2550] in [0] : vector<16xi32>, vector<16xi32> -> vector<16xi32>
    %min3A_2552 = arith.minsi %min3A_2548, %gather3A_2551 : vector<16xi32>
    %eq3A_2553 = arith.cmpi eq, %and3A_14, %min3A_2552 : vector<16xi32>
    %add3A_2554 = arith.addf %max3A_2504, %max3A_2536 : vector<16xf32>
    %add3A_2555 = arith.constant 9.99999997E-7 : f32
    %add3A_2556 = vector.broadcast %add3A_2555 : f32 to vector<16xf32>
    %add3A_2557 = arith.addf %add3A_2554, %add3A_2556 : vector<16xf32>
    %jit3A_2558 = arith.constant 0.000000e+00 : f32
    %broadcast_in_dim3A_2559 = vector.broadcast %jit3A_2558 : f32 to vector<16xf32>
    %select_n3A_2560 = arith.select %eq3A_2521, %max3A_2504, %broadcast_in_dim3A_2559 : vector<16xi1>, vector<16xf32>
    %jit3A_2561 = arith.constant 0.000000e+00 : f32
    %broadcast_in_dim3A_2562 = vector.broadcast %jit3A_2561 : f32 to vector<16xf32>
    %select_n3A_2563 = arith.select %eq3A_2553, %max3A_2536, %broadcast_in_dim3A_2562 : vector<16xi1>, vector<16xf32>
    %add3A_2564 = arith.addf %select_n3A_2560, %select_n3A_2563 : vector<16xf32>
    %div3A_2565 = arith.divf %add3A_2564, %add3A_2557 : vector<16xf32>
    %swap3A_2566 = arith.constant 368 : index
    %swap3A_2567 = tpu.vector_load %arg5[%swap3A_2566] {strides = array<i32>} : memref<512xf32, #tpu.memory_space<vmem>>, vector<16xf32>,
    %swap3A_2568 = vector.shape_cast %swap3A_2567 : vector<16xf32> to vector<16xf32>
    %swap3A_2569 = vector.shape_cast %div3A_2565 : vector<16xf32> to vector<16xf32>
    tpu.vector_store %arg5[%swap3A_2566], %swap3A_2569 {strides = array<i32>} : memref<512xf32, #tpu.memory_space<vmem>>, vector<16xf32>,
    %get3A_2570 = arith.constant 384 : index
    %get3A_2571 = tpu.vector_load %arg4[%get3A_2570] {strides = array<i32>} : memref<512xf32, #tpu.memory_space<vmem>>, vector<16xf32>,
    %get3A_2572 = vector.shape_cast %get3A_2571 : vector<16xf32> to vector<16xf32>
    %broadcast_in_dim3A_2573 = vector.shape_cast %xor3A_6 : vector<16xi32> to vector<16x1xi32>
    %gather3A_2574 = vector.shape_cast %broadcast_in_dim3A_2573 : vector<16x1xi32> to vector<16xi32>
    %gather3A_2575 = tpu.dynamic_gather %get3A_2572[%gather3A_2574] in [0] : vector<16xf32>, vector<16xi32> -> vector<16xf32>
    %max3A_2576 = arith.maximumf %get3A_2572, %gather3A_2575 : vector<16xf32>
    %broadcast_in_dim3A_2577 = vector.shape_cast %xor3A_9 : vector<16xi32> to vector<16x1xi32>
    %gather3A_2578 = vector.shape_cast %broadcast_in_dim3A_2577 : vector<16x1xi32> to vector<16xi32>
    %gather3A_2579 = tpu.dynamic_gather %max3A_2576[%gather3A_2578] in [0] : vector<16xf32>, vector<16xi32> -> vector<16xf32>
    %max3A_2580 = arith.maximumf %max3A_2576, %gather3A_2579 : vector<16xf32>
    %broadcast_in_dim3A_2581 = vector.shape_cast %xor3A_12 : vector<16xi32> to vector<16x1xi32>
    %gather3A_2582 = vector.shape_cast %broadcast_in_dim3A_2581 : vector<16x1xi32> to vector<16xi32>
    %gather3A_2583 = tpu.dynamic_gather %max3A_2580[%gather3A_2582] in [0] : vector<16xf32>, vector<16xi32> -> vector<16xf32>
    %max3A_2584 = arith.maximumf %max3A_2580, %gather3A_2583 : vector<16xf32>
    %sub3A_2585 = arith.subf %get3A_2572, %max3A_2584 : vector<16xf32>
    %exp3A_2586 = math.exp %sub3A_2585 : vector<16xf32>
    %broadcast_in_dim3A_2587 = vector.shape_cast %xor3A_6 : vector<16xi32> to vector<16x1xi32>
    %gather3A_2588 = vector.shape_cast %broadcast_in_dim3A_2587 : vector<16x1xi32> to vector<16xi32>
    %gather3A_2589 = tpu.dynamic_gather %exp3A_2586[%gather3A_2588] in [0] : vector<16xf32>, vector<16xi32> -> vector<16xf32>
    %add3A_2590 = arith.addf %exp3A_2586, %gather3A_2589 : vector<16xf32>
    %broadcast_in_dim3A_2591 = vector.shape_cast %xor3A_9 : vector<16xi32> to vector<16x1xi32>
    %gather3A_2592 = vector.shape_cast %broadcast_in_dim3A_2591 : vector<16x1xi32> to vector<16xi32>
    %gather3A_2593 = tpu.dynamic_gather %add3A_2590[%gather3A_2592] in [0] : vector<16xf32>, vector<16xi32> -> vector<16xf32>
    %add3A_2594 = arith.addf %add3A_2590, %gather3A_2593 : vector<16xf32>
    %broadcast_in_dim3A_2595 = vector.shape_cast %xor3A_12 : vector<16xi32> to vector<16x1xi32>
    %gather3A_2596 = vector.shape_cast %broadcast_in_dim3A_2595 : vector<16x1xi32> to vector<16xi32>
    %gather3A_2597 = tpu.dynamic_gather %add3A_2594[%gather3A_2596] in [0] : vector<16xf32>, vector<16xi32> -> vector<16xf32>
    %add3A_2598 = arith.addf %add3A_2594, %gather3A_2597 : vector<16xf32>
    %div3A_2599 = arith.divf %exp3A_2586, %add3A_2598 : vector<16xf32>
    %broadcast_in_dim3A_2600 = vector.shape_cast %xor3A_6 : vector<16xi32> to vector<16x1xi32>
    %gather3A_2601 = vector.shape_cast %broadcast_in_dim3A_2600 : vector<16x1xi32> to vector<16xi32>
    %gather3A_2602 = tpu.dynamic_gather %div3A_2599[%gather3A_2601] in [0] : vector<16xf32>, vector<16xi32> -> vector<16xf32>
    %max3A_2603 = arith.maximumf %div3A_2599, %gather3A_2602 : vector<16xf32>
    %broadcast_in_dim3A_2604 = vector.shape_cast %xor3A_9 : vector<16xi32> to vector<16x1xi32>
    %gather3A_2605 = vector.shape_cast %broadcast_in_dim3A_2604 : vector<16x1xi32> to vector<16xi32>
    %gather3A_2606 = tpu.dynamic_gather %max3A_2603[%gather3A_2605] in [0] : vector<16xf32>, vector<16xi32> -> vector<16xf32>
    %max3A_2607 = arith.maximumf %max3A_2603, %gather3A_2606 : vector<16xf32>
    %broadcast_in_dim3A_2608 = vector.shape_cast %xor3A_12 : vector<16xi32> to vector<16x1xi32>
    %gather3A_2609 = vector.shape_cast %broadcast_in_dim3A_2608 : vector<16x1xi32> to vector<16xi32>
    %gather3A_2610 = tpu.dynamic_gather %max3A_2607[%gather3A_2609] in [0] : vector<16xf32>, vector<16xi32> -> vector<16xf32>
    %max3A_2611 = arith.maximumf %max3A_2607, %gather3A_2610 : vector<16xf32>
    %ge3A_2612 = arith.cmpf oge, %div3A_2599, %max3A_2611 : vector<16xf32>
    %jit3A_2613 = arith.constant 8 : i32
    %broadcast_in_dim3A_2614 = vector.broadcast %jit3A_2613 : i32 to vector<16xi32>
    %select_n3A_2615 = arith.select %ge3A_2612, %and3A_14, %broadcast_in_dim3A_2614 : vector<16xi1>, vector<16xi32>
    %broadcast_in_dim3A_2616 = vector.shape_cast %xor3A_6 : vector<16xi32> to vector<16x1xi32>
    %gather3A_2617 = vector.shape_cast %broadcast_in_dim3A_2616 : vector<16x1xi32> to vector<16xi32>
    %gather3A_2618 = tpu.dynamic_gather %select_n3A_2615[%gather3A_2617] in [0] : vector<16xi32>, vector<16xi32> -> vector<16xi32>
    %min3A_2619 = arith.minsi %select_n3A_2615, %gather3A_2618 : vector<16xi32>
    %broadcast_in_dim3A_2620 = vector.shape_cast %xor3A_9 : vector<16xi32> to vector<16x1xi32>
    %gather3A_2621 = vector.shape_cast %broadcast_in_dim3A_2620 : vector<16x1xi32> to vector<16xi32>
    %gather3A_2622 = tpu.dynamic_gather %min3A_2619[%gather3A_2621] in [0] : vector<16xi32>, vector<16xi32> -> vector<16xi32>
    %min3A_2623 = arith.minsi %min3A_2619, %gather3A_2622 : vector<16xi32>
    %broadcast_in_dim3A_2624 = vector.shape_cast %xor3A_12 : vector<16xi32> to vector<16x1xi32>
    %gather3A_2625 = vector.shape_cast %broadcast_in_dim3A_2624 : vector<16x1xi32> to vector<16xi32>
    %gather3A_2626 = tpu.dynamic_gather %min3A_2623[%gather3A_2625] in [0] : vector<16xi32>, vector<16xi32> -> vector<16xi32>
    %min3A_2627 = arith.minsi %min3A_2623, %gather3A_2626 : vector<16xi32>
    %eq3A_2628 = arith.cmpi eq, %and3A_14, %min3A_2627 : vector<16xi32>
    %jit3A_2629 = arith.constant -1.000000e+00 : f32
    %broadcast_in_dim3A_2630 = vector.broadcast %jit3A_2629 : f32 to vector<16xf32>
    %select_n3A_2631 = arith.select %eq3A_2628, %broadcast_in_dim3A_2630, %div3A_2599 : vector<16xi1>, vector<16xf32>
    %broadcast_in_dim3A_2632 = vector.shape_cast %xor3A_6 : vector<16xi32> to vector<16x1xi32>
    %gather3A_2633 = vector.shape_cast %broadcast_in_dim3A_2632 : vector<16x1xi32> to vector<16xi32>
    %gather3A_2634 = tpu.dynamic_gather %select_n3A_2631[%gather3A_2633] in [0] : vector<16xf32>, vector<16xi32> -> vector<16xf32>
    %max3A_2635 = arith.maximumf %select_n3A_2631, %gather3A_2634 : vector<16xf32>
    %broadcast_in_dim3A_2636 = vector.shape_cast %xor3A_9 : vector<16xi32> to vector<16x1xi32>
    %gather3A_2637 = vector.shape_cast %broadcast_in_dim3A_2636 : vector<16x1xi32> to vector<16xi32>
    %gather3A_2638 = tpu.dynamic_gather %max3A_2635[%gather3A_2637] in [0] : vector<16xf32>, vector<16xi32> -> vector<16xf32>
    %max3A_2639 = arith.maximumf %max3A_2635, %gather3A_2638 : vector<16xf32>
    %broadcast_in_dim3A_2640 = vector.shape_cast %xor3A_12 : vector<16xi32> to vector<16x1xi32>
    %gather3A_2641 = vector.shape_cast %broadcast_in_dim3A_2640 : vector<16x1xi32> to vector<16xi32>
    %gather3A_2642 = tpu.dynamic_gather %max3A_2639[%gather3A_2641] in [0] : vector<16xf32>, vector<16xi32> -> vector<16xf32>
    %max3A_2643 = arith.maximumf %max3A_2639, %gather3A_2642 : vector<16xf32>
    %ge3A_2644 = arith.cmpf oge, %select_n3A_2631, %max3A_2643 : vector<16xf32>
    %jit3A_2645 = arith.constant 8 : i32
    %broadcast_in_dim3A_2646 = vector.broadcast %jit3A_2645 : i32 to vector<16xi32>
    %select_n3A_2647 = arith.select %ge3A_2644, %and3A_14, %broadcast_in_dim3A_2646 : vector<16xi1>, vector<16xi32>
    %broadcast_in_dim3A_2648 = vector.shape_cast %xor3A_6 : vector<16xi32> to vector<16x1xi32>
    %gather3A_2649 = vector.shape_cast %broadcast_in_dim3A_2648 : vector<16x1xi32> to vector<16xi32>
    %gather3A_2650 = tpu.dynamic_gather %select_n3A_2647[%gather3A_2649] in [0] : vector<16xi32>, vector<16xi32> -> vector<16xi32>
    %min3A_2651 = arith.minsi %select_n3A_2647, %gather3A_2650 : vector<16xi32>
    %broadcast_in_dim3A_2652 = vector.shape_cast %xor3A_9 : vector<16xi32> to vector<16x1xi32>
    %gather3A_2653 = vector.shape_cast %broadcast_in_dim3A_2652 : vector<16x1xi32> to vector<16xi32>
    %gather3A_2654 = tpu.dynamic_gather %min3A_2651[%gather3A_2653] in [0] : vector<16xi32>, vector<16xi32> -> vector<16xi32>
    %min3A_2655 = arith.minsi %min3A_2651, %gather3A_2654 : vector<16xi32>
    %broadcast_in_dim3A_2656 = vector.shape_cast %xor3A_12 : vector<16xi32> to vector<16x1xi32>
    %gather3A_2657 = vector.shape_cast %broadcast_in_dim3A_2656 : vector<16x1xi32> to vector<16xi32>
    %gather3A_2658 = tpu.dynamic_gather %min3A_2655[%gather3A_2657] in [0] : vector<16xi32>, vector<16xi32> -> vector<16xi32>
    %min3A_2659 = arith.minsi %min3A_2655, %gather3A_2658 : vector<16xi32>
    %eq3A_2660 = arith.cmpi eq, %and3A_14, %min3A_2659 : vector<16xi32>
    %add3A_2661 = arith.addf %max3A_2611, %max3A_2643 : vector<16xf32>
    %add3A_2662 = arith.constant 9.99999997E-7 : f32
    %add3A_2663 = vector.broadcast %add3A_2662 : f32 to vector<16xf32>
    %add3A_2664 = arith.addf %add3A_2661, %add3A_2663 : vector<16xf32>
    %jit3A_2665 = arith.constant 0.000000e+00 : f32
    %broadcast_in_dim3A_2666 = vector.broadcast %jit3A_2665 : f32 to vector<16xf32>
    %select_n3A_2667 = arith.select %eq3A_2628, %max3A_2611, %broadcast_in_dim3A_2666 : vector<16xi1>, vector<16xf32>
    %jit3A_2668 = arith.constant 0.000000e+00 : f32
    %broadcast_in_dim3A_2669 = vector.broadcast %jit3A_2668 : f32 to vector<16xf32>
    %select_n3A_2670 = arith.select %eq3A_2660, %max3A_2643, %broadcast_in_dim3A_2669 : vector<16xi1>, vector<16xf32>
    %add3A_2671 = arith.addf %select_n3A_2667, %select_n3A_2670 : vector<16xf32>
    %div3A_2672 = arith.divf %add3A_2671, %add3A_2664 : vector<16xf32>
    %swap3A_2673 = arith.constant 384 : index
    %swap3A_2674 = tpu.vector_load %arg5[%swap3A_2673] {strides = array<i32>} : memref<512xf32, #tpu.memory_space<vmem>>, vector<16xf32>,
    %swap3A_2675 = vector.shape_cast %swap3A_2674 : vector<16xf32> to vector<16xf32>
    %swap3A_2676 = vector.shape_cast %div3A_2672 : vector<16xf32> to vector<16xf32>
    tpu.vector_store %arg5[%swap3A_2673], %swap3A_2676 {strides = array<i32>} : memref<512xf32, #tpu.memory_space<vmem>>, vector<16xf32>,
    %get3A_2677 = arith.constant 400 : index
    %get3A_2678 = tpu.vector_load %arg4[%get3A_2677] {strides = array<i32>} : memref<512xf32, #tpu.memory_space<vmem>>, vector<16xf32>,
    %get3A_2679 = vector.shape_cast %get3A_2678 : vector<16xf32> to vector<16xf32>
    %broadcast_in_dim3A_2680 = vector.shape_cast %xor3A_6 : vector<16xi32> to vector<16x1xi32>
    %gather3A_2681 = vector.shape_cast %broadcast_in_dim3A_2680 : vector<16x1xi32> to vector<16xi32>
    %gather3A_2682 = tpu.dynamic_gather %get3A_2679[%gather3A_2681] in [0] : vector<16xf32>, vector<16xi32> -> vector<16xf32>
    %max3A_2683 = arith.maximumf %get3A_2679, %gather3A_2682 : vector<16xf32>
    %broadcast_in_dim3A_2684 = vector.shape_cast %xor3A_9 : vector<16xi32> to vector<16x1xi32>
    %gather3A_2685 = vector.shape_cast %broadcast_in_dim3A_2684 : vector<16x1xi32> to vector<16xi32>
    %gather3A_2686 = tpu.dynamic_gather %max3A_2683[%gather3A_2685] in [0] : vector<16xf32>, vector<16xi32> -> vector<16xf32>
    %max3A_2687 = arith.maximumf %max3A_2683, %gather3A_2686 : vector<16xf32>
    %broadcast_in_dim3A_2688 = vector.shape_cast %xor3A_12 : vector<16xi32> to vector<16x1xi32>
    %gather3A_2689 = vector.shape_cast %broadcast_in_dim3A_2688 : vector<16x1xi32> to vector<16xi32>
    %gather3A_2690 = tpu.dynamic_gather %max3A_2687[%gather3A_2689] in [0] : vector<16xf32>, vector<16xi32> -> vector<16xf32>
    %max3A_2691 = arith.maximumf %max3A_2687, %gather3A_2690 : vector<16xf32>
    %sub3A_2692 = arith.subf %get3A_2679, %max3A_2691 : vector<16xf32>
    %exp3A_2693 = math.exp %sub3A_2692 : vector<16xf32>
    %broadcast_in_dim3A_2694 = vector.shape_cast %xor3A_6 : vector<16xi32> to vector<16x1xi32>
    %gather3A_2695 = vector.shape_cast %broadcast_in_dim3A_2694 : vector<16x1xi32> to vector<16xi32>
    %gather3A_2696 = tpu.dynamic_gather %exp3A_2693[%gather3A_2695] in [0] : vector<16xf32>, vector<16xi32> -> vector<16xf32>
    %add3A_2697 = arith.addf %exp3A_2693, %gather3A_2696 : vector<16xf32>
    %broadcast_in_dim3A_2698 = vector.shape_cast %xor3A_9 : vector<16xi32> to vector<16x1xi32>
    %gather3A_2699 = vector.shape_cast %broadcast_in_dim3A_2698 : vector<16x1xi32> to vector<16xi32>
    %gather3A_2700 = tpu.dynamic_gather %add3A_2697[%gather3A_2699] in [0] : vector<16xf32>, vector<16xi32> -> vector<16xf32>
    %add3A_2701 = arith.addf %add3A_2697, %gather3A_2700 : vector<16xf32>
    %broadcast_in_dim3A_2702 = vector.shape_cast %xor3A_12 : vector<16xi32> to vector<16x1xi32>
    %gather3A_2703 = vector.shape_cast %broadcast_in_dim3A_2702 : vector<16x1xi32> to vector<16xi32>
    %gather3A_2704 = tpu.dynamic_gather %add3A_2701[%gather3A_2703] in [0] : vector<16xf32>, vector<16xi32> -> vector<16xf32>
    %add3A_2705 = arith.addf %add3A_2701, %gather3A_2704 : vector<16xf32>
    %div3A_2706 = arith.divf %exp3A_2693, %add3A_2705 : vector<16xf32>
    %broadcast_in_dim3A_2707 = vector.shape_cast %xor3A_6 : vector<16xi32> to vector<16x1xi32>
    %gather3A_2708 = vector.shape_cast %broadcast_in_dim3A_2707 : vector<16x1xi32> to vector<16xi32>
    %gather3A_2709 = tpu.dynamic_gather %div3A_2706[%gather3A_2708] in [0] : vector<16xf32>, vector<16xi32> -> vector<16xf32>
    %max3A_2710 = arith.maximumf %div3A_2706, %gather3A_2709 : vector<16xf32>
    %broadcast_in_dim3A_2711 = vector.shape_cast %xor3A_9 : vector<16xi32> to vector<16x1xi32>
    %gather3A_2712 = vector.shape_cast %broadcast_in_dim3A_2711 : vector<16x1xi32> to vector<16xi32>
    %gather3A_2713 = tpu.dynamic_gather %max3A_2710[%gather3A_2712] in [0] : vector<16xf32>, vector<16xi32> -> vector<16xf32>
    %max3A_2714 = arith.maximumf %max3A_2710, %gather3A_2713 : vector<16xf32>
    %broadcast_in_dim3A_2715 = vector.shape_cast %xor3A_12 : vector<16xi32> to vector<16x1xi32>
    %gather3A_2716 = vector.shape_cast %broadcast_in_dim3A_2715 : vector<16x1xi32> to vector<16xi32>
    %gather3A_2717 = tpu.dynamic_gather %max3A_2714[%gather3A_2716] in [0] : vector<16xf32>, vector<16xi32> -> vector<16xf32>
    %max3A_2718 = arith.maximumf %max3A_2714, %gather3A_2717 : vector<16xf32>
    %ge3A_2719 = arith.cmpf oge, %div3A_2706, %max3A_2718 : vector<16xf32>
    %jit3A_2720 = arith.constant 8 : i32
    %broadcast_in_dim3A_2721 = vector.broadcast %jit3A_2720 : i32 to vector<16xi32>
    %select_n3A_2722 = arith.select %ge3A_2719, %and3A_14, %broadcast_in_dim3A_2721 : vector<16xi1>, vector<16xi32>
    %broadcast_in_dim3A_2723 = vector.shape_cast %xor3A_6 : vector<16xi32> to vector<16x1xi32>
    %gather3A_2724 = vector.shape_cast %broadcast_in_dim3A_2723 : vector<16x1xi32> to vector<16xi32>
    %gather3A_2725 = tpu.dynamic_gather %select_n3A_2722[%gather3A_2724] in [0] : vector<16xi32>, vector<16xi32> -> vector<16xi32>
    %min3A_2726 = arith.minsi %select_n3A_2722, %gather3A_2725 : vector<16xi32>
    %broadcast_in_dim3A_2727 = vector.shape_cast %xor3A_9 : vector<16xi32> to vector<16x1xi32>
    %gather3A_2728 = vector.shape_cast %broadcast_in_dim3A_2727 : vector<16x1xi32> to vector<16xi32>
    %gather3A_2729 = tpu.dynamic_gather %min3A_2726[%gather3A_2728] in [0] : vector<16xi32>, vector<16xi32> -> vector<16xi32>
    %min3A_2730 = arith.minsi %min3A_2726, %gather3A_2729 : vector<16xi32>
    %broadcast_in_dim3A_2731 = vector.shape_cast %xor3A_12 : vector<16xi32> to vector<16x1xi32>
    %gather3A_2732 = vector.shape_cast %broadcast_in_dim3A_2731 : vector<16x1xi32> to vector<16xi32>
    %gather3A_2733 = tpu.dynamic_gather %min3A_2730[%gather3A_2732] in [0] : vector<16xi32>, vector<16xi32> -> vector<16xi32>
    %min3A_2734 = arith.minsi %min3A_2730, %gather3A_2733 : vector<16xi32>
    %eq3A_2735 = arith.cmpi eq, %and3A_14, %min3A_2734 : vector<16xi32>
    %jit3A_2736 = arith.constant -1.000000e+00 : f32
    %broadcast_in_dim3A_2737 = vector.broadcast %jit3A_2736 : f32 to vector<16xf32>
    %select_n3A_2738 = arith.select %eq3A_2735, %broadcast_in_dim3A_2737, %div3A_2706 : vector<16xi1>, vector<16xf32>
    %broadcast_in_dim3A_2739 = vector.shape_cast %xor3A_6 : vector<16xi32> to vector<16x1xi32>
    %gather3A_2740 = vector.shape_cast %broadcast_in_dim3A_2739 : vector<16x1xi32> to vector<16xi32>
    %gather3A_2741 = tpu.dynamic_gather %select_n3A_2738[%gather3A_2740] in [0] : vector<16xf32>, vector<16xi32> -> vector<16xf32>
    %max3A_2742 = arith.maximumf %select_n3A_2738, %gather3A_2741 : vector<16xf32>
    %broadcast_in_dim3A_2743 = vector.shape_cast %xor3A_9 : vector<16xi32> to vector<16x1xi32>
    %gather3A_2744 = vector.shape_cast %broadcast_in_dim3A_2743 : vector<16x1xi32> to vector<16xi32>
    %gather3A_2745 = tpu.dynamic_gather %max3A_2742[%gather3A_2744] in [0] : vector<16xf32>, vector<16xi32> -> vector<16xf32>
    %max3A_2746 = arith.maximumf %max3A_2742, %gather3A_2745 : vector<16xf32>
    %broadcast_in_dim3A_2747 = vector.shape_cast %xor3A_12 : vector<16xi32> to vector<16x1xi32>
    %gather3A_2748 = vector.shape_cast %broadcast_in_dim3A_2747 : vector<16x1xi32> to vector<16xi32>
    %gather3A_2749 = tpu.dynamic_gather %max3A_2746[%gather3A_2748] in [0] : vector<16xf32>, vector<16xi32> -> vector<16xf32>
    %max3A_2750 = arith.maximumf %max3A_2746, %gather3A_2749 : vector<16xf32>
    %ge3A_2751 = arith.cmpf oge, %select_n3A_2738, %max3A_2750 : vector<16xf32>
    %jit3A_2752 = arith.constant 8 : i32
    %broadcast_in_dim3A_2753 = vector.broadcast %jit3A_2752 : i32 to vector<16xi32>
    %select_n3A_2754 = arith.select %ge3A_2751, %and3A_14, %broadcast_in_dim3A_2753 : vector<16xi1>, vector<16xi32>
    %broadcast_in_dim3A_2755 = vector.shape_cast %xor3A_6 : vector<16xi32> to vector<16x1xi32>
    %gather3A_2756 = vector.shape_cast %broadcast_in_dim3A_2755 : vector<16x1xi32> to vector<16xi32>
    %gather3A_2757 = tpu.dynamic_gather %select_n3A_2754[%gather3A_2756] in [0] : vector<16xi32>, vector<16xi32> -> vector<16xi32>
    %min3A_2758 = arith.minsi %select_n3A_2754, %gather3A_2757 : vector<16xi32>
    %broadcast_in_dim3A_2759 = vector.shape_cast %xor3A_9 : vector<16xi32> to vector<16x1xi32>
    %gather3A_2760 = vector.shape_cast %broadcast_in_dim3A_2759 : vector<16x1xi32> to vector<16xi32>
    %gather3A_2761 = tpu.dynamic_gather %min3A_2758[%gather3A_2760] in [0] : vector<16xi32>, vector<16xi32> -> vector<16xi32>
    %min3A_2762 = arith.minsi %min3A_2758, %gather3A_2761 : vector<16xi32>
    %broadcast_in_dim3A_2763 = vector.shape_cast %xor3A_12 : vector<16xi32> to vector<16x1xi32>
    %gather3A_2764 = vector.shape_cast %broadcast_in_dim3A_2763 : vector<16x1xi32> to vector<16xi32>
    %gather3A_2765 = tpu.dynamic_gather %min3A_2762[%gather3A_2764] in [0] : vector<16xi32>, vector<16xi32> -> vector<16xi32>
    %min3A_2766 = arith.minsi %min3A_2762, %gather3A_2765 : vector<16xi32>
    %eq3A_2767 = arith.cmpi eq, %and3A_14, %min3A_2766 : vector<16xi32>
    %add3A_2768 = arith.addf %max3A_2718, %max3A_2750 : vector<16xf32>
    %add3A_2769 = arith.constant 9.99999997E-7 : f32
    %add3A_2770 = vector.broadcast %add3A_2769 : f32 to vector<16xf32>
    %add3A_2771 = arith.addf %add3A_2768, %add3A_2770 : vector<16xf32>
    %jit3A_2772 = arith.constant 0.000000e+00 : f32
    %broadcast_in_dim3A_2773 = vector.broadcast %jit3A_2772 : f32 to vector<16xf32>
    %select_n3A_2774 = arith.select %eq3A_2735, %max3A_2718, %broadcast_in_dim3A_2773 : vector<16xi1>, vector<16xf32>
    %jit3A_2775 = arith.constant 0.000000e+00 : f32
    %broadcast_in_dim3A_2776 = vector.broadcast %jit3A_2775 : f32 to vector<16xf32>
    %select_n3A_2777 = arith.select %eq3A_2767, %max3A_2750, %broadcast_in_dim3A_2776 : vector<16xi1>, vector<16xf32>
    %add3A_2778 = arith.addf %select_n3A_2774, %select_n3A_2777 : vector<16xf32>
    %div3A_2779 = arith.divf %add3A_2778, %add3A_2771 : vector<16xf32>
    %swap3A_2780 = arith.constant 400 : index
    %swap3A_2781 = tpu.vector_load %arg5[%swap3A_2780] {strides = array<i32>} : memref<512xf32, #tpu.memory_space<vmem>>, vector<16xf32>,
    %swap3A_2782 = vector.shape_cast %swap3A_2781 : vector<16xf32> to vector<16xf32>
    %swap3A_2783 = vector.shape_cast %div3A_2779 : vector<16xf32> to vector<16xf32>
    tpu.vector_store %arg5[%swap3A_2780], %swap3A_2783 {strides = array<i32>} : memref<512xf32, #tpu.memory_space<vmem>>, vector<16xf32>,
    %get3A_2784 = arith.constant 416 : index
    %get3A_2785 = tpu.vector_load %arg4[%get3A_2784] {strides = array<i32>} : memref<512xf32, #tpu.memory_space<vmem>>, vector<16xf32>,
    %get3A_2786 = vector.shape_cast %get3A_2785 : vector<16xf32> to vector<16xf32>
    %broadcast_in_dim3A_2787 = vector.shape_cast %xor3A_6 : vector<16xi32> to vector<16x1xi32>
    %gather3A_2788 = vector.shape_cast %broadcast_in_dim3A_2787 : vector<16x1xi32> to vector<16xi32>
    %gather3A_2789 = tpu.dynamic_gather %get3A_2786[%gather3A_2788] in [0] : vector<16xf32>, vector<16xi32> -> vector<16xf32>
    %max3A_2790 = arith.maximumf %get3A_2786, %gather3A_2789 : vector<16xf32>
    %broadcast_in_dim3A_2791 = vector.shape_cast %xor3A_9 : vector<16xi32> to vector<16x1xi32>
    %gather3A_2792 = vector.shape_cast %broadcast_in_dim3A_2791 : vector<16x1xi32> to vector<16xi32>
    %gather3A_2793 = tpu.dynamic_gather %max3A_2790[%gather3A_2792] in [0] : vector<16xf32>, vector<16xi32> -> vector<16xf32>
    %max3A_2794 = arith.maximumf %max3A_2790, %gather3A_2793 : vector<16xf32>
    %broadcast_in_dim3A_2795 = vector.shape_cast %xor3A_12 : vector<16xi32> to vector<16x1xi32>
    %gather3A_2796 = vector.shape_cast %broadcast_in_dim3A_2795 : vector<16x1xi32> to vector<16xi32>
    %gather3A_2797 = tpu.dynamic_gather %max3A_2794[%gather3A_2796] in [0] : vector<16xf32>, vector<16xi32> -> vector<16xf32>
    %max3A_2798 = arith.maximumf %max3A_2794, %gather3A_2797 : vector<16xf32>
    %sub3A_2799 = arith.subf %get3A_2786, %max3A_2798 : vector<16xf32>
    %exp3A_2800 = math.exp %sub3A_2799 : vector<16xf32>
    %broadcast_in_dim3A_2801 = vector.shape_cast %xor3A_6 : vector<16xi32> to vector<16x1xi32>
    %gather3A_2802 = vector.shape_cast %broadcast_in_dim3A_2801 : vector<16x1xi32> to vector<16xi32>
    %gather3A_2803 = tpu.dynamic_gather %exp3A_2800[%gather3A_2802] in [0] : vector<16xf32>, vector<16xi32> -> vector<16xf32>
    %add3A_2804 = arith.addf %exp3A_2800, %gather3A_2803 : vector<16xf32>
    %broadcast_in_dim3A_2805 = vector.shape_cast %xor3A_9 : vector<16xi32> to vector<16x1xi32>
    %gather3A_2806 = vector.shape_cast %broadcast_in_dim3A_2805 : vector<16x1xi32> to vector<16xi32>
    %gather3A_2807 = tpu.dynamic_gather %add3A_2804[%gather3A_2806] in [0] : vector<16xf32>, vector<16xi32> -> vector<16xf32>
    %add3A_2808 = arith.addf %add3A_2804, %gather3A_2807 : vector<16xf32>
    %broadcast_in_dim3A_2809 = vector.shape_cast %xor3A_12 : vector<16xi32> to vector<16x1xi32>
    %gather3A_2810 = vector.shape_cast %broadcast_in_dim3A_2809 : vector<16x1xi32> to vector<16xi32>
    %gather3A_2811 = tpu.dynamic_gather %add3A_2808[%gather3A_2810] in [0] : vector<16xf32>, vector<16xi32> -> vector<16xf32>
    %add3A_2812 = arith.addf %add3A_2808, %gather3A_2811 : vector<16xf32>
    %div3A_2813 = arith.divf %exp3A_2800, %add3A_2812 : vector<16xf32>
    %broadcast_in_dim3A_2814 = vector.shape_cast %xor3A_6 : vector<16xi32> to vector<16x1xi32>
    %gather3A_2815 = vector.shape_cast %broadcast_in_dim3A_2814 : vector<16x1xi32> to vector<16xi32>
    %gather3A_2816 = tpu.dynamic_gather %div3A_2813[%gather3A_2815] in [0] : vector<16xf32>, vector<16xi32> -> vector<16xf32>
    %max3A_2817 = arith.maximumf %div3A_2813, %gather3A_2816 : vector<16xf32>
    %broadcast_in_dim3A_2818 = vector.shape_cast %xor3A_9 : vector<16xi32> to vector<16x1xi32>
    %gather3A_2819 = vector.shape_cast %broadcast_in_dim3A_2818 : vector<16x1xi32> to vector<16xi32>
    %gather3A_2820 = tpu.dynamic_gather %max3A_2817[%gather3A_2819] in [0] : vector<16xf32>, vector<16xi32> -> vector<16xf32>
    %max3A_2821 = arith.maximumf %max3A_2817, %gather3A_2820 : vector<16xf32>
    %broadcast_in_dim3A_2822 = vector.shape_cast %xor3A_12 : vector<16xi32> to vector<16x1xi32>
    %gather3A_2823 = vector.shape_cast %broadcast_in_dim3A_2822 : vector<16x1xi32> to vector<16xi32>
    %gather3A_2824 = tpu.dynamic_gather %max3A_2821[%gather3A_2823] in [0] : vector<16xf32>, vector<16xi32> -> vector<16xf32>
    %max3A_2825 = arith.maximumf %max3A_2821, %gather3A_2824 : vector<16xf32>
    %ge3A_2826 = arith.cmpf oge, %div3A_2813, %max3A_2825 : vector<16xf32>
    %jit3A_2827 = arith.constant 8 : i32
    %broadcast_in_dim3A_2828 = vector.broadcast %jit3A_2827 : i32 to vector<16xi32>
    %select_n3A_2829 = arith.select %ge3A_2826, %and3A_14, %broadcast_in_dim3A_2828 : vector<16xi1>, vector<16xi32>
    %broadcast_in_dim3A_2830 = vector.shape_cast %xor3A_6 : vector<16xi32> to vector<16x1xi32>
    %gather3A_2831 = vector.shape_cast %broadcast_in_dim3A_2830 : vector<16x1xi32> to vector<16xi32>
    %gather3A_2832 = tpu.dynamic_gather %select_n3A_2829[%gather3A_2831] in [0] : vector<16xi32>, vector<16xi32> -> vector<16xi32>
    %min3A_2833 = arith.minsi %select_n3A_2829, %gather3A_2832 : vector<16xi32>
    %broadcast_in_dim3A_2834 = vector.shape_cast %xor3A_9 : vector<16xi32> to vector<16x1xi32>
    %gather3A_2835 = vector.shape_cast %broadcast_in_dim3A_2834 : vector<16x1xi32> to vector<16xi32>
    %gather3A_2836 = tpu.dynamic_gather %min3A_2833[%gather3A_2835] in [0] : vector<16xi32>, vector<16xi32> -> vector<16xi32>
    %min3A_2837 = arith.minsi %min3A_2833, %gather3A_2836 : vector<16xi32>
    %broadcast_in_dim3A_2838 = vector.shape_cast %xor3A_12 : vector<16xi32> to vector<16x1xi32>
    %gather3A_2839 = vector.shape_cast %broadcast_in_dim3A_2838 : vector<16x1xi32> to vector<16xi32>
    %gather3A_2840 = tpu.dynamic_gather %min3A_2837[%gather3A_2839] in [0] : vector<16xi32>, vector<16xi32> -> vector<16xi32>
    %min3A_2841 = arith.minsi %min3A_2837, %gather3A_2840 : vector<16xi32>
    %eq3A_2842 = arith.cmpi eq, %and3A_14, %min3A_2841 : vector<16xi32>
    %jit3A_2843 = arith.constant -1.000000e+00 : f32
    %broadcast_in_dim3A_2844 = vector.broadcast %jit3A_2843 : f32 to vector<16xf32>
    %select_n3A_2845 = arith.select %eq3A_2842, %broadcast_in_dim3A_2844, %div3A_2813 : vector<16xi1>, vector<16xf32>
    %broadcast_in_dim3A_2846 = vector.shape_cast %xor3A_6 : vector<16xi32> to vector<16x1xi32>
    %gather3A_2847 = vector.shape_cast %broadcast_in_dim3A_2846 : vector<16x1xi32> to vector<16xi32>
    %gather3A_2848 = tpu.dynamic_gather %select_n3A_2845[%gather3A_2847] in [0] : vector<16xf32>, vector<16xi32> -> vector<16xf32>
    %max3A_2849 = arith.maximumf %select_n3A_2845, %gather3A_2848 : vector<16xf32>
    %broadcast_in_dim3A_2850 = vector.shape_cast %xor3A_9 : vector<16xi32> to vector<16x1xi32>
    %gather3A_2851 = vector.shape_cast %broadcast_in_dim3A_2850 : vector<16x1xi32> to vector<16xi32>
    %gather3A_2852 = tpu.dynamic_gather %max3A_2849[%gather3A_2851] in [0] : vector<16xf32>, vector<16xi32> -> vector<16xf32>
    %max3A_2853 = arith.maximumf %max3A_2849, %gather3A_2852 : vector<16xf32>
    %broadcast_in_dim3A_2854 = vector.shape_cast %xor3A_12 : vector<16xi32> to vector<16x1xi32>
    %gather3A_2855 = vector.shape_cast %broadcast_in_dim3A_2854 : vector<16x1xi32> to vector<16xi32>
    %gather3A_2856 = tpu.dynamic_gather %max3A_2853[%gather3A_2855] in [0] : vector<16xf32>, vector<16xi32> -> vector<16xf32>
    %max3A_2857 = arith.maximumf %max3A_2853, %gather3A_2856 : vector<16xf32>
    %ge3A_2858 = arith.cmpf oge, %select_n3A_2845, %max3A_2857 : vector<16xf32>
    %jit3A_2859 = arith.constant 8 : i32
    %broadcast_in_dim3A_2860 = vector.broadcast %jit3A_2859 : i32 to vector<16xi32>
    %select_n3A_2861 = arith.select %ge3A_2858, %and3A_14, %broadcast_in_dim3A_2860 : vector<16xi1>, vector<16xi32>
    %broadcast_in_dim3A_2862 = vector.shape_cast %xor3A_6 : vector<16xi32> to vector<16x1xi32>
    %gather3A_2863 = vector.shape_cast %broadcast_in_dim3A_2862 : vector<16x1xi32> to vector<16xi32>
    %gather3A_2864 = tpu.dynamic_gather %select_n3A_2861[%gather3A_2863] in [0] : vector<16xi32>, vector<16xi32> -> vector<16xi32>
    %min3A_2865 = arith.minsi %select_n3A_2861, %gather3A_2864 : vector<16xi32>
    %broadcast_in_dim3A_2866 = vector.shape_cast %xor3A_9 : vector<16xi32> to vector<16x1xi32>
    %gather3A_2867 = vector.shape_cast %broadcast_in_dim3A_2866 : vector<16x1xi32> to vector<16xi32>
    %gather3A_2868 = tpu.dynamic_gather %min3A_2865[%gather3A_2867] in [0] : vector<16xi32>, vector<16xi32> -> vector<16xi32>
    %min3A_2869 = arith.minsi %min3A_2865, %gather3A_2868 : vector<16xi32>
    %broadcast_in_dim3A_2870 = vector.shape_cast %xor3A_12 : vector<16xi32> to vector<16x1xi32>
    %gather3A_2871 = vector.shape_cast %broadcast_in_dim3A_2870 : vector<16x1xi32> to vector<16xi32>
    %gather3A_2872 = tpu.dynamic_gather %min3A_2869[%gather3A_2871] in [0] : vector<16xi32>, vector<16xi32> -> vector<16xi32>
    %min3A_2873 = arith.minsi %min3A_2869, %gather3A_2872 : vector<16xi32>
    %eq3A_2874 = arith.cmpi eq, %and3A_14, %min3A_2873 : vector<16xi32>
    %add3A_2875 = arith.addf %max3A_2825, %max3A_2857 : vector<16xf32>
    %add3A_2876 = arith.constant 9.99999997E-7 : f32
    %add3A_2877 = vector.broadcast %add3A_2876 : f32 to vector<16xf32>
    %add3A_2878 = arith.addf %add3A_2875, %add3A_2877 : vector<16xf32>
    %jit3A_2879 = arith.constant 0.000000e+00 : f32
    %broadcast_in_dim3A_2880 = vector.broadcast %jit3A_2879 : f32 to vector<16xf32>
    %select_n3A_2881 = arith.select %eq3A_2842, %max3A_2825, %broadcast_in_dim3A_2880 : vector<16xi1>, vector<16xf32>
    %jit3A_2882 = arith.constant 0.000000e+00 : f32
    %broadcast_in_dim3A_2883 = vector.broadcast %jit3A_2882 : f32 to vector<16xf32>
    %select_n3A_2884 = arith.select %eq3A_2874, %max3A_2857, %broadcast_in_dim3A_2883 : vector<16xi1>, vector<16xf32>
    %add3A_2885 = arith.addf %select_n3A_2881, %select_n3A_2884 : vector<16xf32>
    %div3A_2886 = arith.divf %add3A_2885, %add3A_2878 : vector<16xf32>
    %swap3A_2887 = arith.constant 416 : index
    %swap3A_2888 = tpu.vector_load %arg5[%swap3A_2887] {strides = array<i32>} : memref<512xf32, #tpu.memory_space<vmem>>, vector<16xf32>,
    %swap3A_2889 = vector.shape_cast %swap3A_2888 : vector<16xf32> to vector<16xf32>
    %swap3A_2890 = vector.shape_cast %div3A_2886 : vector<16xf32> to vector<16xf32>
    tpu.vector_store %arg5[%swap3A_2887], %swap3A_2890 {strides = array<i32>} : memref<512xf32, #tpu.memory_space<vmem>>, vector<16xf32>,
    %get3A_2891 = arith.constant 432 : index
    %get3A_2892 = tpu.vector_load %arg4[%get3A_2891] {strides = array<i32>} : memref<512xf32, #tpu.memory_space<vmem>>, vector<16xf32>,
    %get3A_2893 = vector.shape_cast %get3A_2892 : vector<16xf32> to vector<16xf32>
    %broadcast_in_dim3A_2894 = vector.shape_cast %xor3A_6 : vector<16xi32> to vector<16x1xi32>
    %gather3A_2895 = vector.shape_cast %broadcast_in_dim3A_2894 : vector<16x1xi32> to vector<16xi32>
    %gather3A_2896 = tpu.dynamic_gather %get3A_2893[%gather3A_2895] in [0] : vector<16xf32>, vector<16xi32> -> vector<16xf32>
    %max3A_2897 = arith.maximumf %get3A_2893, %gather3A_2896 : vector<16xf32>
    %broadcast_in_dim3A_2898 = vector.shape_cast %xor3A_9 : vector<16xi32> to vector<16x1xi32>
    %gather3A_2899 = vector.shape_cast %broadcast_in_dim3A_2898 : vector<16x1xi32> to vector<16xi32>
    %gather3A_2900 = tpu.dynamic_gather %max3A_2897[%gather3A_2899] in [0] : vector<16xf32>, vector<16xi32> -> vector<16xf32>
    %max3A_2901 = arith.maximumf %max3A_2897, %gather3A_2900 : vector<16xf32>
    %broadcast_in_dim3A_2902 = vector.shape_cast %xor3A_12 : vector<16xi32> to vector<16x1xi32>
    %gather3A_2903 = vector.shape_cast %broadcast_in_dim3A_2902 : vector<16x1xi32> to vector<16xi32>
    %gather3A_2904 = tpu.dynamic_gather %max3A_2901[%gather3A_2903] in [0] : vector<16xf32>, vector<16xi32> -> vector<16xf32>
    %max3A_2905 = arith.maximumf %max3A_2901, %gather3A_2904 : vector<16xf32>
    %sub3A_2906 = arith.subf %get3A_2893, %max3A_2905 : vector<16xf32>
    %exp3A_2907 = math.exp %sub3A_2906 : vector<16xf32>
    %broadcast_in_dim3A_2908 = vector.shape_cast %xor3A_6 : vector<16xi32> to vector<16x1xi32>
    %gather3A_2909 = vector.shape_cast %broadcast_in_dim3A_2908 : vector<16x1xi32> to vector<16xi32>
    %gather3A_2910 = tpu.dynamic_gather %exp3A_2907[%gather3A_2909] in [0] : vector<16xf32>, vector<16xi32> -> vector<16xf32>
    %add3A_2911 = arith.addf %exp3A_2907, %gather3A_2910 : vector<16xf32>
    %broadcast_in_dim3A_2912 = vector.shape_cast %xor3A_9 : vector<16xi32> to vector<16x1xi32>
    %gather3A_2913 = vector.shape_cast %broadcast_in_dim3A_2912 : vector<16x1xi32> to vector<16xi32>
    %gather3A_2914 = tpu.dynamic_gather %add3A_2911[%gather3A_2913] in [0] : vector<16xf32>, vector<16xi32> -> vector<16xf32>
    %add3A_2915 = arith.addf %add3A_2911, %gather3A_2914 : vector<16xf32>
    %broadcast_in_dim3A_2916 = vector.shape_cast %xor3A_12 : vector<16xi32> to vector<16x1xi32>
    %gather3A_2917 = vector.shape_cast %broadcast_in_dim3A_2916 : vector<16x1xi32> to vector<16xi32>
    %gather3A_2918 = tpu.dynamic_gather %add3A_2915[%gather3A_2917] in [0] : vector<16xf32>, vector<16xi32> -> vector<16xf32>
    %add3A_2919 = arith.addf %add3A_2915, %gather3A_2918 : vector<16xf32>
    %div3A_2920 = arith.divf %exp3A_2907, %add3A_2919 : vector<16xf32>
    %broadcast_in_dim3A_2921 = vector.shape_cast %xor3A_6 : vector<16xi32> to vector<16x1xi32>
    %gather3A_2922 = vector.shape_cast %broadcast_in_dim3A_2921 : vector<16x1xi32> to vector<16xi32>
    %gather3A_2923 = tpu.dynamic_gather %div3A_2920[%gather3A_2922] in [0] : vector<16xf32>, vector<16xi32> -> vector<16xf32>
    %max3A_2924 = arith.maximumf %div3A_2920, %gather3A_2923 : vector<16xf32>
    %broadcast_in_dim3A_2925 = vector.shape_cast %xor3A_9 : vector<16xi32> to vector<16x1xi32>
    %gather3A_2926 = vector.shape_cast %broadcast_in_dim3A_2925 : vector<16x1xi32> to vector<16xi32>
    %gather3A_2927 = tpu.dynamic_gather %max3A_2924[%gather3A_2926] in [0] : vector<16xf32>, vector<16xi32> -> vector<16xf32>
    %max3A_2928 = arith.maximumf %max3A_2924, %gather3A_2927 : vector<16xf32>
    %broadcast_in_dim3A_2929 = vector.shape_cast %xor3A_12 : vector<16xi32> to vector<16x1xi32>
    %gather3A_2930 = vector.shape_cast %broadcast_in_dim3A_2929 : vector<16x1xi32> to vector<16xi32>
    %gather3A_2931 = tpu.dynamic_gather %max3A_2928[%gather3A_2930] in [0] : vector<16xf32>, vector<16xi32> -> vector<16xf32>
    %max3A_2932 = arith.maximumf %max3A_2928, %gather3A_2931 : vector<16xf32>
    %ge3A_2933 = arith.cmpf oge, %div3A_2920, %max3A_2932 : vector<16xf32>
    %jit3A_2934 = arith.constant 8 : i32
    %broadcast_in_dim3A_2935 = vector.broadcast %jit3A_2934 : i32 to vector<16xi32>
    %select_n3A_2936 = arith.select %ge3A_2933, %and3A_14, %broadcast_in_dim3A_2935 : vector<16xi1>, vector<16xi32>
    %broadcast_in_dim3A_2937 = vector.shape_cast %xor3A_6 : vector<16xi32> to vector<16x1xi32>
    %gather3A_2938 = vector.shape_cast %broadcast_in_dim3A_2937 : vector<16x1xi32> to vector<16xi32>
    %gather3A_2939 = tpu.dynamic_gather %select_n3A_2936[%gather3A_2938] in [0] : vector<16xi32>, vector<16xi32> -> vector<16xi32>
    %min3A_2940 = arith.minsi %select_n3A_2936, %gather3A_2939 : vector<16xi32>
    %broadcast_in_dim3A_2941 = vector.shape_cast %xor3A_9 : vector<16xi32> to vector<16x1xi32>
    %gather3A_2942 = vector.shape_cast %broadcast_in_dim3A_2941 : vector<16x1xi32> to vector<16xi32>
    %gather3A_2943 = tpu.dynamic_gather %min3A_2940[%gather3A_2942] in [0] : vector<16xi32>, vector<16xi32> -> vector<16xi32>
    %min3A_2944 = arith.minsi %min3A_2940, %gather3A_2943 : vector<16xi32>
    %broadcast_in_dim3A_2945 = vector.shape_cast %xor3A_12 : vector<16xi32> to vector<16x1xi32>
    %gather3A_2946 = vector.shape_cast %broadcast_in_dim3A_2945 : vector<16x1xi32> to vector<16xi32>
    %gather3A_2947 = tpu.dynamic_gather %min3A_2944[%gather3A_2946] in [0] : vector<16xi32>, vector<16xi32> -> vector<16xi32>
    %min3A_2948 = arith.minsi %min3A_2944, %gather3A_2947 : vector<16xi32>
    %eq3A_2949 = arith.cmpi eq, %and3A_14, %min3A_2948 : vector<16xi32>
    %jit3A_2950 = arith.constant -1.000000e+00 : f32
    %broadcast_in_dim3A_2951 = vector.broadcast %jit3A_2950 : f32 to vector<16xf32>
    %select_n3A_2952 = arith.select %eq3A_2949, %broadcast_in_dim3A_2951, %div3A_2920 : vector<16xi1>, vector<16xf32>
    %broadcast_in_dim3A_2953 = vector.shape_cast %xor3A_6 : vector<16xi32> to vector<16x1xi32>
    %gather3A_2954 = vector.shape_cast %broadcast_in_dim3A_2953 : vector<16x1xi32> to vector<16xi32>
    %gather3A_2955 = tpu.dynamic_gather %select_n3A_2952[%gather3A_2954] in [0] : vector<16xf32>, vector<16xi32> -> vector<16xf32>
    %max3A_2956 = arith.maximumf %select_n3A_2952, %gather3A_2955 : vector<16xf32>
    %broadcast_in_dim3A_2957 = vector.shape_cast %xor3A_9 : vector<16xi32> to vector<16x1xi32>
    %gather3A_2958 = vector.shape_cast %broadcast_in_dim3A_2957 : vector<16x1xi32> to vector<16xi32>
    %gather3A_2959 = tpu.dynamic_gather %max3A_2956[%gather3A_2958] in [0] : vector<16xf32>, vector<16xi32> -> vector<16xf32>
    %max3A_2960 = arith.maximumf %max3A_2956, %gather3A_2959 : vector<16xf32>
    %broadcast_in_dim3A_2961 = vector.shape_cast %xor3A_12 : vector<16xi32> to vector<16x1xi32>
    %gather3A_2962 = vector.shape_cast %broadcast_in_dim3A_2961 : vector<16x1xi32> to vector<16xi32>
    %gather3A_2963 = tpu.dynamic_gather %max3A_2960[%gather3A_2962] in [0] : vector<16xf32>, vector<16xi32> -> vector<16xf32>
    %max3A_2964 = arith.maximumf %max3A_2960, %gather3A_2963 : vector<16xf32>
    %ge3A_2965 = arith.cmpf oge, %select_n3A_2952, %max3A_2964 : vector<16xf32>
    %jit3A_2966 = arith.constant 8 : i32
    %broadcast_in_dim3A_2967 = vector.broadcast %jit3A_2966 : i32 to vector<16xi32>
    %select_n3A_2968 = arith.select %ge3A_2965, %and3A_14, %broadcast_in_dim3A_2967 : vector<16xi1>, vector<16xi32>
    %broadcast_in_dim3A_2969 = vector.shape_cast %xor3A_6 : vector<16xi32> to vector<16x1xi32>
    %gather3A_2970 = vector.shape_cast %broadcast_in_dim3A_2969 : vector<16x1xi32> to vector<16xi32>
    %gather3A_2971 = tpu.dynamic_gather %select_n3A_2968[%gather3A_2970] in [0] : vector<16xi32>, vector<16xi32> -> vector<16xi32>
    %min3A_2972 = arith.minsi %select_n3A_2968, %gather3A_2971 : vector<16xi32>
    %broadcast_in_dim3A_2973 = vector.shape_cast %xor3A_9 : vector<16xi32> to vector<16x1xi32>
    %gather3A_2974 = vector.shape_cast %broadcast_in_dim3A_2973 : vector<16x1xi32> to vector<16xi32>
    %gather3A_2975 = tpu.dynamic_gather %min3A_2972[%gather3A_2974] in [0] : vector<16xi32>, vector<16xi32> -> vector<16xi32>
    %min3A_2976 = arith.minsi %min3A_2972, %gather3A_2975 : vector<16xi32>
    %broadcast_in_dim3A_2977 = vector.shape_cast %xor3A_12 : vector<16xi32> to vector<16x1xi32>
    %gather3A_2978 = vector.shape_cast %broadcast_in_dim3A_2977 : vector<16x1xi32> to vector<16xi32>
    %gather3A_2979 = tpu.dynamic_gather %min3A_2976[%gather3A_2978] in [0] : vector<16xi32>, vector<16xi32> -> vector<16xi32>
    %min3A_2980 = arith.minsi %min3A_2976, %gather3A_2979 : vector<16xi32>
    %eq3A_2981 = arith.cmpi eq, %and3A_14, %min3A_2980 : vector<16xi32>
    %add3A_2982 = arith.addf %max3A_2932, %max3A_2964 : vector<16xf32>
    %add3A_2983 = arith.constant 9.99999997E-7 : f32
    %add3A_2984 = vector.broadcast %add3A_2983 : f32 to vector<16xf32>
    %add3A_2985 = arith.addf %add3A_2982, %add3A_2984 : vector<16xf32>
    %jit3A_2986 = arith.constant 0.000000e+00 : f32
    %broadcast_in_dim3A_2987 = vector.broadcast %jit3A_2986 : f32 to vector<16xf32>
    %select_n3A_2988 = arith.select %eq3A_2949, %max3A_2932, %broadcast_in_dim3A_2987 : vector<16xi1>, vector<16xf32>
    %jit3A_2989 = arith.constant 0.000000e+00 : f32
    %broadcast_in_dim3A_2990 = vector.broadcast %jit3A_2989 : f32 to vector<16xf32>
    %select_n3A_2991 = arith.select %eq3A_2981, %max3A_2964, %broadcast_in_dim3A_2990 : vector<16xi1>, vector<16xf32>
    %add3A_2992 = arith.addf %select_n3A_2988, %select_n3A_2991 : vector<16xf32>
    %div3A_2993 = arith.divf %add3A_2992, %add3A_2985 : vector<16xf32>
    %swap3A_2994 = arith.constant 432 : index
    %swap3A_2995 = tpu.vector_load %arg5[%swap3A_2994] {strides = array<i32>} : memref<512xf32, #tpu.memory_space<vmem>>, vector<16xf32>,
    %swap3A_2996 = vector.shape_cast %swap3A_2995 : vector<16xf32> to vector<16xf32>
    %swap3A_2997 = vector.shape_cast %div3A_2993 : vector<16xf32> to vector<16xf32>
    tpu.vector_store %arg5[%swap3A_2994], %swap3A_2997 {strides = array<i32>} : memref<512xf32, #tpu.memory_space<vmem>>, vector<16xf32>,
    %get3A_2998 = arith.constant 448 : index
    %get3A_2999 = tpu.vector_load %arg4[%get3A_2998] {strides = array<i32>} : memref<512xf32, #tpu.memory_space<vmem>>, vector<16xf32>,
    %get3A_3000 = vector.shape_cast %get3A_2999 : vector<16xf32> to vector<16xf32>
    %broadcast_in_dim3A_3001 = vector.shape_cast %xor3A_6 : vector<16xi32> to vector<16x1xi32>
    %gather3A_3002 = vector.shape_cast %broadcast_in_dim3A_3001 : vector<16x1xi32> to vector<16xi32>
    %gather3A_3003 = tpu.dynamic_gather %get3A_3000[%gather3A_3002] in [0] : vector<16xf32>, vector<16xi32> -> vector<16xf32>
    %max3A_3004 = arith.maximumf %get3A_3000, %gather3A_3003 : vector<16xf32>
    %broadcast_in_dim3A_3005 = vector.shape_cast %xor3A_9 : vector<16xi32> to vector<16x1xi32>
    %gather3A_3006 = vector.shape_cast %broadcast_in_dim3A_3005 : vector<16x1xi32> to vector<16xi32>
    %gather3A_3007 = tpu.dynamic_gather %max3A_3004[%gather3A_3006] in [0] : vector<16xf32>, vector<16xi32> -> vector<16xf32>
    %max3A_3008 = arith.maximumf %max3A_3004, %gather3A_3007 : vector<16xf32>
    %broadcast_in_dim3A_3009 = vector.shape_cast %xor3A_12 : vector<16xi32> to vector<16x1xi32>
    %gather3A_3010 = vector.shape_cast %broadcast_in_dim3A_3009 : vector<16x1xi32> to vector<16xi32>
    %gather3A_3011 = tpu.dynamic_gather %max3A_3008[%gather3A_3010] in [0] : vector<16xf32>, vector<16xi32> -> vector<16xf32>
    %max3A_3012 = arith.maximumf %max3A_3008, %gather3A_3011 : vector<16xf32>
    %sub3A_3013 = arith.subf %get3A_3000, %max3A_3012 : vector<16xf32>
    %exp3A_3014 = math.exp %sub3A_3013 : vector<16xf32>
    %broadcast_in_dim3A_3015 = vector.shape_cast %xor3A_6 : vector<16xi32> to vector<16x1xi32>
    %gather3A_3016 = vector.shape_cast %broadcast_in_dim3A_3015 : vector<16x1xi32> to vector<16xi32>
    %gather3A_3017 = tpu.dynamic_gather %exp3A_3014[%gather3A_3016] in [0] : vector<16xf32>, vector<16xi32> -> vector<16xf32>
    %add3A_3018 = arith.addf %exp3A_3014, %gather3A_3017 : vector<16xf32>
    %broadcast_in_dim3A_3019 = vector.shape_cast %xor3A_9 : vector<16xi32> to vector<16x1xi32>
    %gather3A_3020 = vector.shape_cast %broadcast_in_dim3A_3019 : vector<16x1xi32> to vector<16xi32>
    %gather3A_3021 = tpu.dynamic_gather %add3A_3018[%gather3A_3020] in [0] : vector<16xf32>, vector<16xi32> -> vector<16xf32>
    %add3A_3022 = arith.addf %add3A_3018, %gather3A_3021 : vector<16xf32>
    %broadcast_in_dim3A_3023 = vector.shape_cast %xor3A_12 : vector<16xi32> to vector<16x1xi32>
    %gather3A_3024 = vector.shape_cast %broadcast_in_dim3A_3023 : vector<16x1xi32> to vector<16xi32>
    %gather3A_3025 = tpu.dynamic_gather %add3A_3022[%gather3A_3024] in [0] : vector<16xf32>, vector<16xi32> -> vector<16xf32>
    %add3A_3026 = arith.addf %add3A_3022, %gather3A_3025 : vector<16xf32>
    %div3A_3027 = arith.divf %exp3A_3014, %add3A_3026 : vector<16xf32>
    %broadcast_in_dim3A_3028 = vector.shape_cast %xor3A_6 : vector<16xi32> to vector<16x1xi32>
    %gather3A_3029 = vector.shape_cast %broadcast_in_dim3A_3028 : vector<16x1xi32> to vector<16xi32>
    %gather3A_3030 = tpu.dynamic_gather %div3A_3027[%gather3A_3029] in [0] : vector<16xf32>, vector<16xi32> -> vector<16xf32>
    %max3A_3031 = arith.maximumf %div3A_3027, %gather3A_3030 : vector<16xf32>
    %broadcast_in_dim3A_3032 = vector.shape_cast %xor3A_9 : vector<16xi32> to vector<16x1xi32>
    %gather3A_3033 = vector.shape_cast %broadcast_in_dim3A_3032 : vector<16x1xi32> to vector<16xi32>
    %gather3A_3034 = tpu.dynamic_gather %max3A_3031[%gather3A_3033] in [0] : vector<16xf32>, vector<16xi32> -> vector<16xf32>
    %max3A_3035 = arith.maximumf %max3A_3031, %gather3A_3034 : vector<16xf32>
    %broadcast_in_dim3A_3036 = vector.shape_cast %xor3A_12 : vector<16xi32> to vector<16x1xi32>
    %gather3A_3037 = vector.shape_cast %broadcast_in_dim3A_3036 : vector<16x1xi32> to vector<16xi32>
    %gather3A_3038 = tpu.dynamic_gather %max3A_3035[%gather3A_3037] in [0] : vector<16xf32>, vector<16xi32> -> vector<16xf32>
    %max3A_3039 = arith.maximumf %max3A_3035, %gather3A_3038 : vector<16xf32>
    %ge3A_3040 = arith.cmpf oge, %div3A_3027, %max3A_3039 : vector<16xf32>
    %jit3A_3041 = arith.constant 8 : i32
    %broadcast_in_dim3A_3042 = vector.broadcast %jit3A_3041 : i32 to vector<16xi32>
    %select_n3A_3043 = arith.select %ge3A_3040, %and3A_14, %broadcast_in_dim3A_3042 : vector<16xi1>, vector<16xi32>
    %broadcast_in_dim3A_3044 = vector.shape_cast %xor3A_6 : vector<16xi32> to vector<16x1xi32>
    %gather3A_3045 = vector.shape_cast %broadcast_in_dim3A_3044 : vector<16x1xi32> to vector<16xi32>
    %gather3A_3046 = tpu.dynamic_gather %select_n3A_3043[%gather3A_3045] in [0] : vector<16xi32>, vector<16xi32> -> vector<16xi32>
    %min3A_3047 = arith.minsi %select_n3A_3043, %gather3A_3046 : vector<16xi32>
    %broadcast_in_dim3A_3048 = vector.shape_cast %xor3A_9 : vector<16xi32> to vector<16x1xi32>
    %gather3A_3049 = vector.shape_cast %broadcast_in_dim3A_3048 : vector<16x1xi32> to vector<16xi32>
    %gather3A_3050 = tpu.dynamic_gather %min3A_3047[%gather3A_3049] in [0] : vector<16xi32>, vector<16xi32> -> vector<16xi32>
    %min3A_3051 = arith.minsi %min3A_3047, %gather3A_3050 : vector<16xi32>
    %broadcast_in_dim3A_3052 = vector.shape_cast %xor3A_12 : vector<16xi32> to vector<16x1xi32>
    %gather3A_3053 = vector.shape_cast %broadcast_in_dim3A_3052 : vector<16x1xi32> to vector<16xi32>
    %gather3A_3054 = tpu.dynamic_gather %min3A_3051[%gather3A_3053] in [0] : vector<16xi32>, vector<16xi32> -> vector<16xi32>
    %min3A_3055 = arith.minsi %min3A_3051, %gather3A_3054 : vector<16xi32>
    %eq3A_3056 = arith.cmpi eq, %and3A_14, %min3A_3055 : vector<16xi32>
    %jit3A_3057 = arith.constant -1.000000e+00 : f32
    %broadcast_in_dim3A_3058 = vector.broadcast %jit3A_3057 : f32 to vector<16xf32>
    %select_n3A_3059 = arith.select %eq3A_3056, %broadcast_in_dim3A_3058, %div3A_3027 : vector<16xi1>, vector<16xf32>
    %broadcast_in_dim3A_3060 = vector.shape_cast %xor3A_6 : vector<16xi32> to vector<16x1xi32>
    %gather3A_3061 = vector.shape_cast %broadcast_in_dim3A_3060 : vector<16x1xi32> to vector<16xi32>
    %gather3A_3062 = tpu.dynamic_gather %select_n3A_3059[%gather3A_3061] in [0] : vector<16xf32>, vector<16xi32> -> vector<16xf32>
    %max3A_3063 = arith.maximumf %select_n3A_3059, %gather3A_3062 : vector<16xf32>
    %broadcast_in_dim3A_3064 = vector.shape_cast %xor3A_9 : vector<16xi32> to vector<16x1xi32>
    %gather3A_3065 = vector.shape_cast %broadcast_in_dim3A_3064 : vector<16x1xi32> to vector<16xi32>
    %gather3A_3066 = tpu.dynamic_gather %max3A_3063[%gather3A_3065] in [0] : vector<16xf32>, vector<16xi32> -> vector<16xf32>
    %max3A_3067 = arith.maximumf %max3A_3063, %gather3A_3066 : vector<16xf32>
    %broadcast_in_dim3A_3068 = vector.shape_cast %xor3A_12 : vector<16xi32> to vector<16x1xi32>
    %gather3A_3069 = vector.shape_cast %broadcast_in_dim3A_3068 : vector<16x1xi32> to vector<16xi32>
    %gather3A_3070 = tpu.dynamic_gather %max3A_3067[%gather3A_3069] in [0] : vector<16xf32>, vector<16xi32> -> vector<16xf32>
    %max3A_3071 = arith.maximumf %max3A_3067, %gather3A_3070 : vector<16xf32>
    %ge3A_3072 = arith.cmpf oge, %select_n3A_3059, %max3A_3071 : vector<16xf32>
    %jit3A_3073 = arith.constant 8 : i32
    %broadcast_in_dim3A_3074 = vector.broadcast %jit3A_3073 : i32 to vector<16xi32>
    %select_n3A_3075 = arith.select %ge3A_3072, %and3A_14, %broadcast_in_dim3A_3074 : vector<16xi1>, vector<16xi32>
    %broadcast_in_dim3A_3076 = vector.shape_cast %xor3A_6 : vector<16xi32> to vector<16x1xi32>
    %gather3A_3077 = vector.shape_cast %broadcast_in_dim3A_3076 : vector<16x1xi32> to vector<16xi32>
    %gather3A_3078 = tpu.dynamic_gather %select_n3A_3075[%gather3A_3077] in [0] : vector<16xi32>, vector<16xi32> -> vector<16xi32>
    %min3A_3079 = arith.minsi %select_n3A_3075, %gather3A_3078 : vector<16xi32>
    %broadcast_in_dim3A_3080 = vector.shape_cast %xor3A_9 : vector<16xi32> to vector<16x1xi32>
    %gather3A_3081 = vector.shape_cast %broadcast_in_dim3A_3080 : vector<16x1xi32> to vector<16xi32>
    %gather3A_3082 = tpu.dynamic_gather %min3A_3079[%gather3A_3081] in [0] : vector<16xi32>, vector<16xi32> -> vector<16xi32>
    %min3A_3083 = arith.minsi %min3A_3079, %gather3A_3082 : vector<16xi32>
    %broadcast_in_dim3A_3084 = vector.shape_cast %xor3A_12 : vector<16xi32> to vector<16x1xi32>
    %gather3A_3085 = vector.shape_cast %broadcast_in_dim3A_3084 : vector<16x1xi32> to vector<16xi32>
    %gather3A_3086 = tpu.dynamic_gather %min3A_3083[%gather3A_3085] in [0] : vector<16xi32>, vector<16xi32> -> vector<16xi32>
    %min3A_3087 = arith.minsi %min3A_3083, %gather3A_3086 : vector<16xi32>
    %eq3A_3088 = arith.cmpi eq, %and3A_14, %min3A_3087 : vector<16xi32>
    %add3A_3089 = arith.addf %max3A_3039, %max3A_3071 : vector<16xf32>
    %add3A_3090 = arith.constant 9.99999997E-7 : f32
    %add3A_3091 = vector.broadcast %add3A_3090 : f32 to vector<16xf32>
    %add3A_3092 = arith.addf %add3A_3089, %add3A_3091 : vector<16xf32>
    %jit3A_3093 = arith.constant 0.000000e+00 : f32
    %broadcast_in_dim3A_3094 = vector.broadcast %jit3A_3093 : f32 to vector<16xf32>
    %select_n3A_3095 = arith.select %eq3A_3056, %max3A_3039, %broadcast_in_dim3A_3094 : vector<16xi1>, vector<16xf32>
    %jit3A_3096 = arith.constant 0.000000e+00 : f32
    %broadcast_in_dim3A_3097 = vector.broadcast %jit3A_3096 : f32 to vector<16xf32>
    %select_n3A_3098 = arith.select %eq3A_3088, %max3A_3071, %broadcast_in_dim3A_3097 : vector<16xi1>, vector<16xf32>
    %add3A_3099 = arith.addf %select_n3A_3095, %select_n3A_3098 : vector<16xf32>
    %div3A_3100 = arith.divf %add3A_3099, %add3A_3092 : vector<16xf32>
    %swap3A_3101 = arith.constant 448 : index
    %swap3A_3102 = tpu.vector_load %arg5[%swap3A_3101] {strides = array<i32>} : memref<512xf32, #tpu.memory_space<vmem>>, vector<16xf32>,
    %swap3A_3103 = vector.shape_cast %swap3A_3102 : vector<16xf32> to vector<16xf32>
    %swap3A_3104 = vector.shape_cast %div3A_3100 : vector<16xf32> to vector<16xf32>
    tpu.vector_store %arg5[%swap3A_3101], %swap3A_3104 {strides = array<i32>} : memref<512xf32, #tpu.memory_space<vmem>>, vector<16xf32>,
    %get3A_3105 = arith.constant 464 : index
    %get3A_3106 = tpu.vector_load %arg4[%get3A_3105] {strides = array<i32>} : memref<512xf32, #tpu.memory_space<vmem>>, vector<16xf32>,
    %get3A_3107 = vector.shape_cast %get3A_3106 : vector<16xf32> to vector<16xf32>
    %broadcast_in_dim3A_3108 = vector.shape_cast %xor3A_6 : vector<16xi32> to vector<16x1xi32>
    %gather3A_3109 = vector.shape_cast %broadcast_in_dim3A_3108 : vector<16x1xi32> to vector<16xi32>
    %gather3A_3110 = tpu.dynamic_gather %get3A_3107[%gather3A_3109] in [0] : vector<16xf32>, vector<16xi32> -> vector<16xf32>
    %max3A_3111 = arith.maximumf %get3A_3107, %gather3A_3110 : vector<16xf32>
    %broadcast_in_dim3A_3112 = vector.shape_cast %xor3A_9 : vector<16xi32> to vector<16x1xi32>
    %gather3A_3113 = vector.shape_cast %broadcast_in_dim3A_3112 : vector<16x1xi32> to vector<16xi32>
    %gather3A_3114 = tpu.dynamic_gather %max3A_3111[%gather3A_3113] in [0] : vector<16xf32>, vector<16xi32> -> vector<16xf32>
    %max3A_3115 = arith.maximumf %max3A_3111, %gather3A_3114 : vector<16xf32>
    %broadcast_in_dim3A_3116 = vector.shape_cast %xor3A_12 : vector<16xi32> to vector<16x1xi32>
    %gather3A_3117 = vector.shape_cast %broadcast_in_dim3A_3116 : vector<16x1xi32> to vector<16xi32>
    %gather3A_3118 = tpu.dynamic_gather %max3A_3115[%gather3A_3117] in [0] : vector<16xf32>, vector<16xi32> -> vector<16xf32>
    %max3A_3119 = arith.maximumf %max3A_3115, %gather3A_3118 : vector<16xf32>
    %sub3A_3120 = arith.subf %get3A_3107, %max3A_3119 : vector<16xf32>
    %exp3A_3121 = math.exp %sub3A_3120 : vector<16xf32>
    %broadcast_in_dim3A_3122 = vector.shape_cast %xor3A_6 : vector<16xi32> to vector<16x1xi32>
    %gather3A_3123 = vector.shape_cast %broadcast_in_dim3A_3122 : vector<16x1xi32> to vector<16xi32>
    %gather3A_3124 = tpu.dynamic_gather %exp3A_3121[%gather3A_3123] in [0] : vector<16xf32>, vector<16xi32> -> vector<16xf32>
    %add3A_3125 = arith.addf %exp3A_3121, %gather3A_3124 : vector<16xf32>
    %broadcast_in_dim3A_3126 = vector.shape_cast %xor3A_9 : vector<16xi32> to vector<16x1xi32>
    %gather3A_3127 = vector.shape_cast %broadcast_in_dim3A_3126 : vector<16x1xi32> to vector<16xi32>
    %gather3A_3128 = tpu.dynamic_gather %add3A_3125[%gather3A_3127] in [0] : vector<16xf32>, vector<16xi32> -> vector<16xf32>
    %add3A_3129 = arith.addf %add3A_3125, %gather3A_3128 : vector<16xf32>
    %broadcast_in_dim3A_3130 = vector.shape_cast %xor3A_12 : vector<16xi32> to vector<16x1xi32>
    %gather3A_3131 = vector.shape_cast %broadcast_in_dim3A_3130 : vector<16x1xi32> to vector<16xi32>
    %gather3A_3132 = tpu.dynamic_gather %add3A_3129[%gather3A_3131] in [0] : vector<16xf32>, vector<16xi32> -> vector<16xf32>
    %add3A_3133 = arith.addf %add3A_3129, %gather3A_3132 : vector<16xf32>
    %div3A_3134 = arith.divf %exp3A_3121, %add3A_3133 : vector<16xf32>
    %broadcast_in_dim3A_3135 = vector.shape_cast %xor3A_6 : vector<16xi32> to vector<16x1xi32>
    %gather3A_3136 = vector.shape_cast %broadcast_in_dim3A_3135 : vector<16x1xi32> to vector<16xi32>
    %gather3A_3137 = tpu.dynamic_gather %div3A_3134[%gather3A_3136] in [0] : vector<16xf32>, vector<16xi32> -> vector<16xf32>
    %max3A_3138 = arith.maximumf %div3A_3134, %gather3A_3137 : vector<16xf32>
    %broadcast_in_dim3A_3139 = vector.shape_cast %xor3A_9 : vector<16xi32> to vector<16x1xi32>
    %gather3A_3140 = vector.shape_cast %broadcast_in_dim3A_3139 : vector<16x1xi32> to vector<16xi32>
    %gather3A_3141 = tpu.dynamic_gather %max3A_3138[%gather3A_3140] in [0] : vector<16xf32>, vector<16xi32> -> vector<16xf32>
    %max3A_3142 = arith.maximumf %max3A_3138, %gather3A_3141 : vector<16xf32>
    %broadcast_in_dim3A_3143 = vector.shape_cast %xor3A_12 : vector<16xi32> to vector<16x1xi32>
    %gather3A_3144 = vector.shape_cast %broadcast_in_dim3A_3143 : vector<16x1xi32> to vector<16xi32>
    %gather3A_3145 = tpu.dynamic_gather %max3A_3142[%gather3A_3144] in [0] : vector<16xf32>, vector<16xi32> -> vector<16xf32>
    %max3A_3146 = arith.maximumf %max3A_3142, %gather3A_3145 : vector<16xf32>
    %ge3A_3147 = arith.cmpf oge, %div3A_3134, %max3A_3146 : vector<16xf32>
    %jit3A_3148 = arith.constant 8 : i32
    %broadcast_in_dim3A_3149 = vector.broadcast %jit3A_3148 : i32 to vector<16xi32>
    %select_n3A_3150 = arith.select %ge3A_3147, %and3A_14, %broadcast_in_dim3A_3149 : vector<16xi1>, vector<16xi32>
    %broadcast_in_dim3A_3151 = vector.shape_cast %xor3A_6 : vector<16xi32> to vector<16x1xi32>
    %gather3A_3152 = vector.shape_cast %broadcast_in_dim3A_3151 : vector<16x1xi32> to vector<16xi32>
    %gather3A_3153 = tpu.dynamic_gather %select_n3A_3150[%gather3A_3152] in [0] : vector<16xi32>, vector<16xi32> -> vector<16xi32>
    %min3A_3154 = arith.minsi %select_n3A_3150, %gather3A_3153 : vector<16xi32>
    %broadcast_in_dim3A_3155 = vector.shape_cast %xor3A_9 : vector<16xi32> to vector<16x1xi32>
    %gather3A_3156 = vector.shape_cast %broadcast_in_dim3A_3155 : vector<16x1xi32> to vector<16xi32>
    %gather3A_3157 = tpu.dynamic_gather %min3A_3154[%gather3A_3156] in [0] : vector<16xi32>, vector<16xi32> -> vector<16xi32>
    %min3A_3158 = arith.minsi %min3A_3154, %gather3A_3157 : vector<16xi32>
    %broadcast_in_dim3A_3159 = vector.shape_cast %xor3A_12 : vector<16xi32> to vector<16x1xi32>
    %gather3A_3160 = vector.shape_cast %broadcast_in_dim3A_3159 : vector<16x1xi32> to vector<16xi32>
    %gather3A_3161 = tpu.dynamic_gather %min3A_3158[%gather3A_3160] in [0] : vector<16xi32>, vector<16xi32> -> vector<16xi32>
    %min3A_3162 = arith.minsi %min3A_3158, %gather3A_3161 : vector<16xi32>
    %eq3A_3163 = arith.cmpi eq, %and3A_14, %min3A_3162 : vector<16xi32>
    %jit3A_3164 = arith.constant -1.000000e+00 : f32
    %broadcast_in_dim3A_3165 = vector.broadcast %jit3A_3164 : f32 to vector<16xf32>
    %select_n3A_3166 = arith.select %eq3A_3163, %broadcast_in_dim3A_3165, %div3A_3134 : vector<16xi1>, vector<16xf32>
    %broadcast_in_dim3A_3167 = vector.shape_cast %xor3A_6 : vector<16xi32> to vector<16x1xi32>
    %gather3A_3168 = vector.shape_cast %broadcast_in_dim3A_3167 : vector<16x1xi32> to vector<16xi32>
    %gather3A_3169 = tpu.dynamic_gather %select_n3A_3166[%gather3A_3168] in [0] : vector<16xf32>, vector<16xi32> -> vector<16xf32>
    %max3A_3170 = arith.maximumf %select_n3A_3166, %gather3A_3169 : vector<16xf32>
    %broadcast_in_dim3A_3171 = vector.shape_cast %xor3A_9 : vector<16xi32> to vector<16x1xi32>
    %gather3A_3172 = vector.shape_cast %broadcast_in_dim3A_3171 : vector<16x1xi32> to vector<16xi32>
    %gather3A_3173 = tpu.dynamic_gather %max3A_3170[%gather3A_3172] in [0] : vector<16xf32>, vector<16xi32> -> vector<16xf32>
    %max3A_3174 = arith.maximumf %max3A_3170, %gather3A_3173 : vector<16xf32>
    %broadcast_in_dim3A_3175 = vector.shape_cast %xor3A_12 : vector<16xi32> to vector<16x1xi32>
    %gather3A_3176 = vector.shape_cast %broadcast_in_dim3A_3175 : vector<16x1xi32> to vector<16xi32>
    %gather3A_3177 = tpu.dynamic_gather %max3A_3174[%gather3A_3176] in [0] : vector<16xf32>, vector<16xi32> -> vector<16xf32>
    %max3A_3178 = arith.maximumf %max3A_3174, %gather3A_3177 : vector<16xf32>
    %ge3A_3179 = arith.cmpf oge, %select_n3A_3166, %max3A_3178 : vector<16xf32>
    %jit3A_3180 = arith.constant 8 : i32
    %broadcast_in_dim3A_3181 = vector.broadcast %jit3A_3180 : i32 to vector<16xi32>
    %select_n3A_3182 = arith.select %ge3A_3179, %and3A_14, %broadcast_in_dim3A_3181 : vector<16xi1>, vector<16xi32>
    %broadcast_in_dim3A_3183 = vector.shape_cast %xor3A_6 : vector<16xi32> to vector<16x1xi32>
    %gather3A_3184 = vector.shape_cast %broadcast_in_dim3A_3183 : vector<16x1xi32> to vector<16xi32>
    %gather3A_3185 = tpu.dynamic_gather %select_n3A_3182[%gather3A_3184] in [0] : vector<16xi32>, vector<16xi32> -> vector<16xi32>
    %min3A_3186 = arith.minsi %select_n3A_3182, %gather3A_3185 : vector<16xi32>
    %broadcast_in_dim3A_3187 = vector.shape_cast %xor3A_9 : vector<16xi32> to vector<16x1xi32>
    %gather3A_3188 = vector.shape_cast %broadcast_in_dim3A_3187 : vector<16x1xi32> to vector<16xi32>
    %gather3A_3189 = tpu.dynamic_gather %min3A_3186[%gather3A_3188] in [0] : vector<16xi32>, vector<16xi32> -> vector<16xi32>
    %min3A_3190 = arith.minsi %min3A_3186, %gather3A_3189 : vector<16xi32>
    %broadcast_in_dim3A_3191 = vector.shape_cast %xor3A_12 : vector<16xi32> to vector<16x1xi32>
    %gather3A_3192 = vector.shape_cast %broadcast_in_dim3A_3191 : vector<16x1xi32> to vector<16xi32>
    %gather3A_3193 = tpu.dynamic_gather %min3A_3190[%gather3A_3192] in [0] : vector<16xi32>, vector<16xi32> -> vector<16xi32>
    %min3A_3194 = arith.minsi %min3A_3190, %gather3A_3193 : vector<16xi32>
    %eq3A_3195 = arith.cmpi eq, %and3A_14, %min3A_3194 : vector<16xi32>
    %add3A_3196 = arith.addf %max3A_3146, %max3A_3178 : vector<16xf32>
    %add3A_3197 = arith.constant 9.99999997E-7 : f32
    %add3A_3198 = vector.broadcast %add3A_3197 : f32 to vector<16xf32>
    %add3A_3199 = arith.addf %add3A_3196, %add3A_3198 : vector<16xf32>
    %jit3A_3200 = arith.constant 0.000000e+00 : f32
    %broadcast_in_dim3A_3201 = vector.broadcast %jit3A_3200 : f32 to vector<16xf32>
    %select_n3A_3202 = arith.select %eq3A_3163, %max3A_3146, %broadcast_in_dim3A_3201 : vector<16xi1>, vector<16xf32>
    %jit3A_3203 = arith.constant 0.000000e+00 : f32
    %broadcast_in_dim3A_3204 = vector.broadcast %jit3A_3203 : f32 to vector<16xf32>
    %select_n3A_3205 = arith.select %eq3A_3195, %max3A_3178, %broadcast_in_dim3A_3204 : vector<16xi1>, vector<16xf32>
    %add3A_3206 = arith.addf %select_n3A_3202, %select_n3A_3205 : vector<16xf32>
    %div3A_3207 = arith.divf %add3A_3206, %add3A_3199 : vector<16xf32>
    %swap3A_3208 = arith.constant 464 : index
    %swap3A_3209 = tpu.vector_load %arg5[%swap3A_3208] {strides = array<i32>} : memref<512xf32, #tpu.memory_space<vmem>>, vector<16xf32>,
    %swap3A_3210 = vector.shape_cast %swap3A_3209 : vector<16xf32> to vector<16xf32>
    %swap3A_3211 = vector.shape_cast %div3A_3207 : vector<16xf32> to vector<16xf32>
    tpu.vector_store %arg5[%swap3A_3208], %swap3A_3211 {strides = array<i32>} : memref<512xf32, #tpu.memory_space<vmem>>, vector<16xf32>,
    %get3A_3212 = arith.constant 480 : index
    %get3A_3213 = tpu.vector_load %arg4[%get3A_3212] {strides = array<i32>} : memref<512xf32, #tpu.memory_space<vmem>>, vector<16xf32>,
    %get3A_3214 = vector.shape_cast %get3A_3213 : vector<16xf32> to vector<16xf32>
    %broadcast_in_dim3A_3215 = vector.shape_cast %xor3A_6 : vector<16xi32> to vector<16x1xi32>
    %gather3A_3216 = vector.shape_cast %broadcast_in_dim3A_3215 : vector<16x1xi32> to vector<16xi32>
    %gather3A_3217 = tpu.dynamic_gather %get3A_3214[%gather3A_3216] in [0] : vector<16xf32>, vector<16xi32> -> vector<16xf32>
    %max3A_3218 = arith.maximumf %get3A_3214, %gather3A_3217 : vector<16xf32>
    %broadcast_in_dim3A_3219 = vector.shape_cast %xor3A_9 : vector<16xi32> to vector<16x1xi32>
    %gather3A_3220 = vector.shape_cast %broadcast_in_dim3A_3219 : vector<16x1xi32> to vector<16xi32>
    %gather3A_3221 = tpu.dynamic_gather %max3A_3218[%gather3A_3220] in [0] : vector<16xf32>, vector<16xi32> -> vector<16xf32>
    %max3A_3222 = arith.maximumf %max3A_3218, %gather3A_3221 : vector<16xf32>
    %broadcast_in_dim3A_3223 = vector.shape_cast %xor3A_12 : vector<16xi32> to vector<16x1xi32>
    %gather3A_3224 = vector.shape_cast %broadcast_in_dim3A_3223 : vector<16x1xi32> to vector<16xi32>
    %gather3A_3225 = tpu.dynamic_gather %max3A_3222[%gather3A_3224] in [0] : vector<16xf32>, vector<16xi32> -> vector<16xf32>
    %max3A_3226 = arith.maximumf %max3A_3222, %gather3A_3225 : vector<16xf32>
    %sub3A_3227 = arith.subf %get3A_3214, %max3A_3226 : vector<16xf32>
    %exp3A_3228 = math.exp %sub3A_3227 : vector<16xf32>
    %broadcast_in_dim3A_3229 = vector.shape_cast %xor3A_6 : vector<16xi32> to vector<16x1xi32>
    %gather3A_3230 = vector.shape_cast %broadcast_in_dim3A_3229 : vector<16x1xi32> to vector<16xi32>
    %gather3A_3231 = tpu.dynamic_gather %exp3A_3228[%gather3A_3230] in [0] : vector<16xf32>, vector<16xi32> -> vector<16xf32>
    %add3A_3232 = arith.addf %exp3A_3228, %gather3A_3231 : vector<16xf32>
    %broadcast_in_dim3A_3233 = vector.shape_cast %xor3A_9 : vector<16xi32> to vector<16x1xi32>
    %gather3A_3234 = vector.shape_cast %broadcast_in_dim3A_3233 : vector<16x1xi32> to vector<16xi32>
    %gather3A_3235 = tpu.dynamic_gather %add3A_3232[%gather3A_3234] in [0] : vector<16xf32>, vector<16xi32> -> vector<16xf32>
    %add3A_3236 = arith.addf %add3A_3232, %gather3A_3235 : vector<16xf32>
    %broadcast_in_dim3A_3237 = vector.shape_cast %xor3A_12 : vector<16xi32> to vector<16x1xi32>
    %gather3A_3238 = vector.shape_cast %broadcast_in_dim3A_3237 : vector<16x1xi32> to vector<16xi32>
    %gather3A_3239 = tpu.dynamic_gather %add3A_3236[%gather3A_3238] in [0] : vector<16xf32>, vector<16xi32> -> vector<16xf32>
    %add3A_3240 = arith.addf %add3A_3236, %gather3A_3239 : vector<16xf32>
    %div3A_3241 = arith.divf %exp3A_3228, %add3A_3240 : vector<16xf32>
    %broadcast_in_dim3A_3242 = vector.shape_cast %xor3A_6 : vector<16xi32> to vector<16x1xi32>
    %gather3A_3243 = vector.shape_cast %broadcast_in_dim3A_3242 : vector<16x1xi32> to vector<16xi32>
    %gather3A_3244 = tpu.dynamic_gather %div3A_3241[%gather3A_3243] in [0] : vector<16xf32>, vector<16xi32> -> vector<16xf32>
    %max3A_3245 = arith.maximumf %div3A_3241, %gather3A_3244 : vector<16xf32>
    %broadcast_in_dim3A_3246 = vector.shape_cast %xor3A_9 : vector<16xi32> to vector<16x1xi32>
    %gather3A_3247 = vector.shape_cast %broadcast_in_dim3A_3246 : vector<16x1xi32> to vector<16xi32>
    %gather3A_3248 = tpu.dynamic_gather %max3A_3245[%gather3A_3247] in [0] : vector<16xf32>, vector<16xi32> -> vector<16xf32>
    %max3A_3249 = arith.maximumf %max3A_3245, %gather3A_3248 : vector<16xf32>
    %broadcast_in_dim3A_3250 = vector.shape_cast %xor3A_12 : vector<16xi32> to vector<16x1xi32>
    %gather3A_3251 = vector.shape_cast %broadcast_in_dim3A_3250 : vector<16x1xi32> to vector<16xi32>
    %gather3A_3252 = tpu.dynamic_gather %max3A_3249[%gather3A_3251] in [0] : vector<16xf32>, vector<16xi32> -> vector<16xf32>
    %max3A_3253 = arith.maximumf %max3A_3249, %gather3A_3252 : vector<16xf32>
    %ge3A_3254 = arith.cmpf oge, %div3A_3241, %max3A_3253 : vector<16xf32>
    %jit3A_3255 = arith.constant 8 : i32
    %broadcast_in_dim3A_3256 = vector.broadcast %jit3A_3255 : i32 to vector<16xi32>
    %select_n3A_3257 = arith.select %ge3A_3254, %and3A_14, %broadcast_in_dim3A_3256 : vector<16xi1>, vector<16xi32>
    %broadcast_in_dim3A_3258 = vector.shape_cast %xor3A_6 : vector<16xi32> to vector<16x1xi32>
    %gather3A_3259 = vector.shape_cast %broadcast_in_dim3A_3258 : vector<16x1xi32> to vector<16xi32>
    %gather3A_3260 = tpu.dynamic_gather %select_n3A_3257[%gather3A_3259] in [0] : vector<16xi32>, vector<16xi32> -> vector<16xi32>
    %min3A_3261 = arith.minsi %select_n3A_3257, %gather3A_3260 : vector<16xi32>
    %broadcast_in_dim3A_3262 = vector.shape_cast %xor3A_9 : vector<16xi32> to vector<16x1xi32>
    %gather3A_3263 = vector.shape_cast %broadcast_in_dim3A_3262 : vector<16x1xi32> to vector<16xi32>
    %gather3A_3264 = tpu.dynamic_gather %min3A_3261[%gather3A_3263] in [0] : vector<16xi32>, vector<16xi32> -> vector<16xi32>
    %min3A_3265 = arith.minsi %min3A_3261, %gather3A_3264 : vector<16xi32>
    %broadcast_in_dim3A_3266 = vector.shape_cast %xor3A_12 : vector<16xi32> to vector<16x1xi32>
    %gather3A_3267 = vector.shape_cast %broadcast_in_dim3A_3266 : vector<16x1xi32> to vector<16xi32>
    %gather3A_3268 = tpu.dynamic_gather %min3A_3265[%gather3A_3267] in [0] : vector<16xi32>, vector<16xi32> -> vector<16xi32>
    %min3A_3269 = arith.minsi %min3A_3265, %gather3A_3268 : vector<16xi32>
    %eq3A_3270 = arith.cmpi eq, %and3A_14, %min3A_3269 : vector<16xi32>
    %jit3A_3271 = arith.constant -1.000000e+00 : f32
    %broadcast_in_dim3A_3272 = vector.broadcast %jit3A_3271 : f32 to vector<16xf32>
    %select_n3A_3273 = arith.select %eq3A_3270, %broadcast_in_dim3A_3272, %div3A_3241 : vector<16xi1>, vector<16xf32>
    %broadcast_in_dim3A_3274 = vector.shape_cast %xor3A_6 : vector<16xi32> to vector<16x1xi32>
    %gather3A_3275 = vector.shape_cast %broadcast_in_dim3A_3274 : vector<16x1xi32> to vector<16xi32>
    %gather3A_3276 = tpu.dynamic_gather %select_n3A_3273[%gather3A_3275] in [0] : vector<16xf32>, vector<16xi32> -> vector<16xf32>
    %max3A_3277 = arith.maximumf %select_n3A_3273, %gather3A_3276 : vector<16xf32>
    %broadcast_in_dim3A_3278 = vector.shape_cast %xor3A_9 : vector<16xi32> to vector<16x1xi32>
    %gather3A_3279 = vector.shape_cast %broadcast_in_dim3A_3278 : vector<16x1xi32> to vector<16xi32>
    %gather3A_3280 = tpu.dynamic_gather %max3A_3277[%gather3A_3279] in [0] : vector<16xf32>, vector<16xi32> -> vector<16xf32>
    %max3A_3281 = arith.maximumf %max3A_3277, %gather3A_3280 : vector<16xf32>
    %broadcast_in_dim3A_3282 = vector.shape_cast %xor3A_12 : vector<16xi32> to vector<16x1xi32>
    %gather3A_3283 = vector.shape_cast %broadcast_in_dim3A_3282 : vector<16x1xi32> to vector<16xi32>
    %gather3A_3284 = tpu.dynamic_gather %max3A_3281[%gather3A_3283] in [0] : vector<16xf32>, vector<16xi32> -> vector<16xf32>
    %max3A_3285 = arith.maximumf %max3A_3281, %gather3A_3284 : vector<16xf32>
    %ge3A_3286 = arith.cmpf oge, %select_n3A_3273, %max3A_3285 : vector<16xf32>
    %jit3A_3287 = arith.constant 8 : i32
    %broadcast_in_dim3A_3288 = vector.broadcast %jit3A_3287 : i32 to vector<16xi32>
    %select_n3A_3289 = arith.select %ge3A_3286, %and3A_14, %broadcast_in_dim3A_3288 : vector<16xi1>, vector<16xi32>
    %broadcast_in_dim3A_3290 = vector.shape_cast %xor3A_6 : vector<16xi32> to vector<16x1xi32>
    %gather3A_3291 = vector.shape_cast %broadcast_in_dim3A_3290 : vector<16x1xi32> to vector<16xi32>
    %gather3A_3292 = tpu.dynamic_gather %select_n3A_3289[%gather3A_3291] in [0] : vector<16xi32>, vector<16xi32> -> vector<16xi32>
    %min3A_3293 = arith.minsi %select_n3A_3289, %gather3A_3292 : vector<16xi32>
    %broadcast_in_dim3A_3294 = vector.shape_cast %xor3A_9 : vector<16xi32> to vector<16x1xi32>
    %gather3A_3295 = vector.shape_cast %broadcast_in_dim3A_3294 : vector<16x1xi32> to vector<16xi32>
    %gather3A_3296 = tpu.dynamic_gather %min3A_3293[%gather3A_3295] in [0] : vector<16xi32>, vector<16xi32> -> vector<16xi32>
    %min3A_3297 = arith.minsi %min3A_3293, %gather3A_3296 : vector<16xi32>
    %broadcast_in_dim3A_3298 = vector.shape_cast %xor3A_12 : vector<16xi32> to vector<16x1xi32>
    %gather3A_3299 = vector.shape_cast %broadcast_in_dim3A_3298 : vector<16x1xi32> to vector<16xi32>
    %gather3A_3300 = tpu.dynamic_gather %min3A_3297[%gather3A_3299] in [0] : vector<16xi32>, vector<16xi32> -> vector<16xi32>
    %min3A_3301 = arith.minsi %min3A_3297, %gather3A_3300 : vector<16xi32>
    %eq3A_3302 = arith.cmpi eq, %and3A_14, %min3A_3301 : vector<16xi32>
    %add3A_3303 = arith.addf %max3A_3253, %max3A_3285 : vector<16xf32>
    %add3A_3304 = arith.constant 9.99999997E-7 : f32
    %add3A_3305 = vector.broadcast %add3A_3304 : f32 to vector<16xf32>
    %add3A_3306 = arith.addf %add3A_3303, %add3A_3305 : vector<16xf32>
    %jit3A_3307 = arith.constant 0.000000e+00 : f32
    %broadcast_in_dim3A_3308 = vector.broadcast %jit3A_3307 : f32 to vector<16xf32>
    %select_n3A_3309 = arith.select %eq3A_3270, %max3A_3253, %broadcast_in_dim3A_3308 : vector<16xi1>, vector<16xf32>
    %jit3A_3310 = arith.constant 0.000000e+00 : f32
    %broadcast_in_dim3A_3311 = vector.broadcast %jit3A_3310 : f32 to vector<16xf32>
    %select_n3A_3312 = arith.select %eq3A_3302, %max3A_3285, %broadcast_in_dim3A_3311 : vector<16xi1>, vector<16xf32>
    %add3A_3313 = arith.addf %select_n3A_3309, %select_n3A_3312 : vector<16xf32>
    %div3A_3314 = arith.divf %add3A_3313, %add3A_3306 : vector<16xf32>
    %swap3A_3315 = arith.constant 480 : index
    %swap3A_3316 = tpu.vector_load %arg5[%swap3A_3315] {strides = array<i32>} : memref<512xf32, #tpu.memory_space<vmem>>, vector<16xf32>,
    %swap3A_3317 = vector.shape_cast %swap3A_3316 : vector<16xf32> to vector<16xf32>
    %swap3A_3318 = vector.shape_cast %div3A_3314 : vector<16xf32> to vector<16xf32>
    tpu.vector_store %arg5[%swap3A_3315], %swap3A_3318 {strides = array<i32>} : memref<512xf32, #tpu.memory_space<vmem>>, vector<16xf32>,
    %get3A_3319 = arith.constant 496 : index
    %get3A_3320 = tpu.vector_load %arg4[%get3A_3319] {strides = array<i32>} : memref<512xf32, #tpu.memory_space<vmem>>, vector<16xf32>,
    %get3A_3321 = vector.shape_cast %get3A_3320 : vector<16xf32> to vector<16xf32>
    %broadcast_in_dim3A_3322 = vector.shape_cast %xor3A_6 : vector<16xi32> to vector<16x1xi32>
    %gather3A_3323 = vector.shape_cast %broadcast_in_dim3A_3322 : vector<16x1xi32> to vector<16xi32>
    %gather3A_3324 = tpu.dynamic_gather %get3A_3321[%gather3A_3323] in [0] : vector<16xf32>, vector<16xi32> -> vector<16xf32>
    %max3A_3325 = arith.maximumf %get3A_3321, %gather3A_3324 : vector<16xf32>
    %broadcast_in_dim3A_3326 = vector.shape_cast %xor3A_9 : vector<16xi32> to vector<16x1xi32>
    %gather3A_3327 = vector.shape_cast %broadcast_in_dim3A_3326 : vector<16x1xi32> to vector<16xi32>
    %gather3A_3328 = tpu.dynamic_gather %max3A_3325[%gather3A_3327] in [0] : vector<16xf32>, vector<16xi32> -> vector<16xf32>
    %max3A_3329 = arith.maximumf %max3A_3325, %gather3A_3328 : vector<16xf32>
    %broadcast_in_dim3A_3330 = vector.shape_cast %xor3A_12 : vector<16xi32> to vector<16x1xi32>
    %gather3A_3331 = vector.shape_cast %broadcast_in_dim3A_3330 : vector<16x1xi32> to vector<16xi32>
    %gather3A_3332 = tpu.dynamic_gather %max3A_3329[%gather3A_3331] in [0] : vector<16xf32>, vector<16xi32> -> vector<16xf32>
    %max3A_3333 = arith.maximumf %max3A_3329, %gather3A_3332 : vector<16xf32>
    %sub3A_3334 = arith.subf %get3A_3321, %max3A_3333 : vector<16xf32>
    %exp3A_3335 = math.exp %sub3A_3334 : vector<16xf32>
    %broadcast_in_dim3A_3336 = vector.shape_cast %xor3A_6 : vector<16xi32> to vector<16x1xi32>
    %gather3A_3337 = vector.shape_cast %broadcast_in_dim3A_3336 : vector<16x1xi32> to vector<16xi32>
    %gather3A_3338 = tpu.dynamic_gather %exp3A_3335[%gather3A_3337] in [0] : vector<16xf32>, vector<16xi32> -> vector<16xf32>
    %add3A_3339 = arith.addf %exp3A_3335, %gather3A_3338 : vector<16xf32>
    %broadcast_in_dim3A_3340 = vector.shape_cast %xor3A_9 : vector<16xi32> to vector<16x1xi32>
    %gather3A_3341 = vector.shape_cast %broadcast_in_dim3A_3340 : vector<16x1xi32> to vector<16xi32>
    %gather3A_3342 = tpu.dynamic_gather %add3A_3339[%gather3A_3341] in [0] : vector<16xf32>, vector<16xi32> -> vector<16xf32>
    %add3A_3343 = arith.addf %add3A_3339, %gather3A_3342 : vector<16xf32>
    %broadcast_in_dim3A_3344 = vector.shape_cast %xor3A_12 : vector<16xi32> to vector<16x1xi32>
    %gather3A_3345 = vector.shape_cast %broadcast_in_dim3A_3344 : vector<16x1xi32> to vector<16xi32>
    %gather3A_3346 = tpu.dynamic_gather %add3A_3343[%gather3A_3345] in [0] : vector<16xf32>, vector<16xi32> -> vector<16xf32>
    %add3A_3347 = arith.addf %add3A_3343, %gather3A_3346 : vector<16xf32>
    %div3A_3348 = arith.divf %exp3A_3335, %add3A_3347 : vector<16xf32>
    %broadcast_in_dim3A_3349 = vector.shape_cast %xor3A_6 : vector<16xi32> to vector<16x1xi32>
    %gather3A_3350 = vector.shape_cast %broadcast_in_dim3A_3349 : vector<16x1xi32> to vector<16xi32>
    %gather3A_3351 = tpu.dynamic_gather %div3A_3348[%gather3A_3350] in [0] : vector<16xf32>, vector<16xi32> -> vector<16xf32>
    %max3A_3352 = arith.maximumf %div3A_3348, %gather3A_3351 : vector<16xf32>
    %broadcast_in_dim3A_3353 = vector.shape_cast %xor3A_9 : vector<16xi32> to vector<16x1xi32>
    %gather3A_3354 = vector.shape_cast %broadcast_in_dim3A_3353 : vector<16x1xi32> to vector<16xi32>
    %gather3A_3355 = tpu.dynamic_gather %max3A_3352[%gather3A_3354] in [0] : vector<16xf32>, vector<16xi32> -> vector<16xf32>
    %max3A_3356 = arith.maximumf %max3A_3352, %gather3A_3355 : vector<16xf32>
    %broadcast_in_dim3A_3357 = vector.shape_cast %xor3A_12 : vector<16xi32> to vector<16x1xi32>
    %gather3A_3358 = vector.shape_cast %broadcast_in_dim3A_3357 : vector<16x1xi32> to vector<16xi32>
    %gather3A_3359 = tpu.dynamic_gather %max3A_3356[%gather3A_3358] in [0] : vector<16xf32>, vector<16xi32> -> vector<16xf32>
    %max3A_3360 = arith.maximumf %max3A_3356, %gather3A_3359 : vector<16xf32>
    %ge3A_3361 = arith.cmpf oge, %div3A_3348, %max3A_3360 : vector<16xf32>
    %jit3A_3362 = arith.constant 8 : i32
    %broadcast_in_dim3A_3363 = vector.broadcast %jit3A_3362 : i32 to vector<16xi32>
    %select_n3A_3364 = arith.select %ge3A_3361, %and3A_14, %broadcast_in_dim3A_3363 : vector<16xi1>, vector<16xi32>
    %broadcast_in_dim3A_3365 = vector.shape_cast %xor3A_6 : vector<16xi32> to vector<16x1xi32>
    %gather3A_3366 = vector.shape_cast %broadcast_in_dim3A_3365 : vector<16x1xi32> to vector<16xi32>
    %gather3A_3367 = tpu.dynamic_gather %select_n3A_3364[%gather3A_3366] in [0] : vector<16xi32>, vector<16xi32> -> vector<16xi32>
    %min3A_3368 = arith.minsi %select_n3A_3364, %gather3A_3367 : vector<16xi32>
    %broadcast_in_dim3A_3369 = vector.shape_cast %xor3A_9 : vector<16xi32> to vector<16x1xi32>
    %gather3A_3370 = vector.shape_cast %broadcast_in_dim3A_3369 : vector<16x1xi32> to vector<16xi32>
    %gather3A_3371 = tpu.dynamic_gather %min3A_3368[%gather3A_3370] in [0] : vector<16xi32>, vector<16xi32> -> vector<16xi32>
    %min3A_3372 = arith.minsi %min3A_3368, %gather3A_3371 : vector<16xi32>
    %broadcast_in_dim3A_3373 = vector.shape_cast %xor3A_12 : vector<16xi32> to vector<16x1xi32>
    %gather3A_3374 = vector.shape_cast %broadcast_in_dim3A_3373 : vector<16x1xi32> to vector<16xi32>
    %gather3A_3375 = tpu.dynamic_gather %min3A_3372[%gather3A_3374] in [0] : vector<16xi32>, vector<16xi32> -> vector<16xi32>
    %min3A_3376 = arith.minsi %min3A_3372, %gather3A_3375 : vector<16xi32>
    %eq3A_3377 = arith.cmpi eq, %and3A_14, %min3A_3376 : vector<16xi32>
    %jit3A_3378 = arith.constant -1.000000e+00 : f32
    %broadcast_in_dim3A_3379 = vector.broadcast %jit3A_3378 : f32 to vector<16xf32>
    %select_n3A_3380 = arith.select %eq3A_3377, %broadcast_in_dim3A_3379, %div3A_3348 : vector<16xi1>, vector<16xf32>
    %broadcast_in_dim3A_3381 = vector.shape_cast %xor3A_6 : vector<16xi32> to vector<16x1xi32>
    %gather3A_3382 = vector.shape_cast %broadcast_in_dim3A_3381 : vector<16x1xi32> to vector<16xi32>
    %gather3A_3383 = tpu.dynamic_gather %select_n3A_3380[%gather3A_3382] in [0] : vector<16xf32>, vector<16xi32> -> vector<16xf32>
    %max3A_3384 = arith.maximumf %select_n3A_3380, %gather3A_3383 : vector<16xf32>
    %broadcast_in_dim3A_3385 = vector.shape_cast %xor3A_9 : vector<16xi32> to vector<16x1xi32>
    %gather3A_3386 = vector.shape_cast %broadcast_in_dim3A_3385 : vector<16x1xi32> to vector<16xi32>
    %gather3A_3387 = tpu.dynamic_gather %max3A_3384[%gather3A_3386] in [0] : vector<16xf32>, vector<16xi32> -> vector<16xf32>
    %max3A_3388 = arith.maximumf %max3A_3384, %gather3A_3387 : vector<16xf32>
    %broadcast_in_dim3A_3389 = vector.shape_cast %xor3A_12 : vector<16xi32> to vector<16x1xi32>
    %gather3A_3390 = vector.shape_cast %broadcast_in_dim3A_3389 : vector<16x1xi32> to vector<16xi32>
    %gather3A_3391 = tpu.dynamic_gather %max3A_3388[%gather3A_3390] in [0] : vector<16xf32>, vector<16xi32> -> vector<16xf32>
    %max3A_3392 = arith.maximumf %max3A_3388, %gather3A_3391 : vector<16xf32>
    %ge3A_3393 = arith.cmpf oge, %select_n3A_3380, %max3A_3392 : vector<16xf32>
    %jit3A_3394 = arith.constant 8 : i32
    %broadcast_in_dim3A_3395 = vector.broadcast %jit3A_3394 : i32 to vector<16xi32>
    %select_n3A_3396 = arith.select %ge3A_3393, %and3A_14, %broadcast_in_dim3A_3395 : vector<16xi1>, vector<16xi32>
    %broadcast_in_dim3A_3397 = vector.shape_cast %xor3A_6 : vector<16xi32> to vector<16x1xi32>
    %gather3A_3398 = vector.shape_cast %broadcast_in_dim3A_3397 : vector<16x1xi32> to vector<16xi32>
    %gather3A_3399 = tpu.dynamic_gather %select_n3A_3396[%gather3A_3398] in [0] : vector<16xi32>, vector<16xi32> -> vector<16xi32>
    %min3A_3400 = arith.minsi %select_n3A_3396, %gather3A_3399 : vector<16xi32>
    %broadcast_in_dim3A_3401 = vector.shape_cast %xor3A_9 : vector<16xi32> to vector<16x1xi32>
    %gather3A_3402 = vector.shape_cast %broadcast_in_dim3A_3401 : vector<16x1xi32> to vector<16xi32>
    %gather3A_3403 = tpu.dynamic_gather %min3A_3400[%gather3A_3402] in [0] : vector<16xi32>, vector<16xi32> -> vector<16xi32>
    %min3A_3404 = arith.minsi %min3A_3400, %gather3A_3403 : vector<16xi32>
    %broadcast_in_dim3A_3405 = vector.shape_cast %xor3A_12 : vector<16xi32> to vector<16x1xi32>
    %gather3A_3406 = vector.shape_cast %broadcast_in_dim3A_3405 : vector<16x1xi32> to vector<16xi32>
    %gather3A_3407 = tpu.dynamic_gather %min3A_3404[%gather3A_3406] in [0] : vector<16xi32>, vector<16xi32> -> vector<16xi32>
    %min3A_3408 = arith.minsi %min3A_3404, %gather3A_3407 : vector<16xi32>
    %eq3A_3409 = arith.cmpi eq, %and3A_14, %min3A_3408 : vector<16xi32>
    %add3A_3410 = arith.addf %max3A_3360, %max3A_3392 : vector<16xf32>
    %add3A_3411 = arith.constant 9.99999997E-7 : f32
    %add3A_3412 = vector.broadcast %add3A_3411 : f32 to vector<16xf32>
    %add3A_3413 = arith.addf %add3A_3410, %add3A_3412 : vector<16xf32>
    %jit3A_3414 = arith.constant 0.000000e+00 : f32
    %broadcast_in_dim3A_3415 = vector.broadcast %jit3A_3414 : f32 to vector<16xf32>
    %select_n3A_3416 = arith.select %eq3A_3377, %max3A_3360, %broadcast_in_dim3A_3415 : vector<16xi1>, vector<16xf32>
    %jit3A_3417 = arith.constant 0.000000e+00 : f32
    %broadcast_in_dim3A_3418 = vector.broadcast %jit3A_3417 : f32 to vector<16xf32>
    %select_n3A_3419 = arith.select %eq3A_3409, %max3A_3392, %broadcast_in_dim3A_3418 : vector<16xi1>, vector<16xf32>
    %add3A_3420 = arith.addf %select_n3A_3416, %select_n3A_3419 : vector<16xf32>
    %div3A_3421 = arith.divf %add3A_3420, %add3A_3413 : vector<16xf32>
    %swap3A_3422 = arith.constant 496 : index
    %swap3A_3423 = tpu.vector_load %arg5[%swap3A_3422] {strides = array<i32>} : memref<512xf32, #tpu.memory_space<vmem>>, vector<16xf32>,
    %swap3A_3424 = vector.shape_cast %swap3A_3423 : vector<16xf32> to vector<16xf32>
    %swap3A_3425 = vector.shape_cast %div3A_3421 : vector<16xf32> to vector<16xf32>
    tpu.vector_store %arg5[%swap3A_3422], %swap3A_3425 {strides = array<i32>} : memref<512xf32, #tpu.memory_space<vmem>>, vector<16xf32>,
    "tpu.region"() ({
      %run_scoped3A = tpu.sem_alloc : memref<!tpu.dma_semaphore, #tpu.memory_space<semaphore_mem>>
      %dma_start3A = tpu.memref_slice %arg3[%mul3A_4] : memref<16384xf32, #tpu.memory_space<hbm>> -> memref<512xf32, #tpu.memory_space<hbm>>
      %dma_start3A_3426 = tpu.memref_slice %arg3[%mul3A_4] : memref<16384xf32, #tpu.memory_space<hbm>> -> memref<512xf32, #tpu.memory_space<hbm>>
      tpu.enqueue_dma source(%arg5 : memref<512xf32, #tpu.memory_space<vmem>>) target(%dma_start3A_3426 : memref<512xf32, #tpu.memory_space<hbm>>) target_semaphore(%run_scoped3A : memref<!tpu.dma_semaphore, #tpu.memory_space<semaphore_mem>>)
      %dma_wait3A = tpu.memref_slice %arg3[%mul3A_4] : memref<16384xf32, #tpu.memory_space<hbm>> -> memref<512xf32, #tpu.memory_space<hbm>>
      %dma_wait3A_3427 = tpu.memref_slice %arg3[%mul3A_4] : memref<16384xf32, #tpu.memory_space<hbm>> -> memref<512xf32, #tpu.memory_space<hbm>>
      tpu.wait_dma2 semaphore(%run_scoped3A : memref<!tpu.dma_semaphore, #tpu.memory_space<semaphore_mem>>) src(%arg5 : memref<512xf32, #tpu.memory_space<vmem>>) dst(%dma_wait3A_3427 : memref<512xf32, #tpu.memory_space<hbm>>)
      tpu.yield
    }) : () -> ()
    return
  }
}

module attributes {stable_mosaic.version = 14 : i64} {
  func.func @_expert_body(%arg0: i32, %arg1: memref<2048x768xf32, #tpu.memory_space<vmem>>, %arg2: memref<1x768x768xf32, #tpu.memory_space<vmem>>, %arg3: memref<1x1x768xf32, #tpu.memory_space<vmem>>, %arg4: memref<1x768x64xf32, #tpu.memory_space<vmem>>, %arg5: memref<1x1x64xf32, #tpu.memory_space<vmem>>, %arg6: memref<1x2048x64xf32, #tpu.memory_space<vmem>>, %arg7: memref<2048x768xbf16, #tpu.memory_space<vmem>>) attributes {dimension_semantics = [#tpu.dimension_semantics<arbitrary>], iteration_bounds = array<i64: 8>, scalar_prefetch = 0 : i64, scratch_operands = 1 : i64, tpu.core_type = #tpu.core_type<tc>, window_params = [{pipeline_mode = #tpu.pipeline_mode<synchronous>, transform_indices = @transform_0, window_bounds = array<i64: 2048, 768>}, {transform_indices = @transform_1, window_bounds = array<i64: 1, 768, 768>}, {transform_indices = @transform_2, window_bounds = array<i64: 1, 1, 768>}, {transform_indices = @transform_3, window_bounds = array<i64: 1, 768, 64>}, {transform_indices = @transform_4, window_bounds = array<i64: 1, 1, 64>}, {transform_indices = @transform_5, window_bounds = array<i64: 1, 2048, 64>}]} {
    %eq3A = arith.constant 0 : i32
    %eq3A_0 = arith.cmpi eq, %arg0, %eq3A : i32
    %convert_element_type3A = arith.extui %eq3A_0 : i1 to i32
    %cond3A = arith.constant 0 : i32
    %cond3A_1 = arith.cmpi ne, %convert_element_type3A, %cond3A : i32
    scf.if %cond3A_1 {
      %get3A_41 = arith.constant 0 : index
      %get3A_42 = arith.constant 0 : index
      %get3A_43 = vector.load %arg1[%get3A_41, %get3A_42] : memref<2048x768xf32, #tpu.memory_space<vmem>>, vector<2048x768xf32>
      %convert_element_type3A_44 = arith.truncf %get3A_43 : vector<2048x768xf32> to vector<2048x768xbf16>
      %swap3A_45 = arith.constant 0 : index
      %swap3A_46 = arith.constant 0 : index
      %swap3A_47 = vector.load %arg7[%swap3A_45, %swap3A_46] : memref<2048x768xbf16, #tpu.memory_space<vmem>>, vector<2048x768xbf16>
      tpu.vector_store %arg7[%swap3A_45, %swap3A_46], %convert_element_type3A_44 {strides = array<i32>} : memref<2048x768xbf16, #tpu.memory_space<vmem>>, vector<2048x768xbf16>,
    } else {
    }
    %get3A = arith.constant 0 : index
    %get3A_2 = arith.constant 0 : index
    %get3A_3 = vector.load %arg7[%get3A, %get3A_2] : memref<2048x768xbf16, #tpu.memory_space<vmem>>, vector<2048x768xbf16>
    %get3A_4 = arith.constant 0 : index
    %get3A_5 = arith.constant 0 : index
    %get3A_6 = arith.constant 0 : index
    %get3A_7 = vector.load %arg2[%get3A_4, %get3A_5, %get3A_6] : memref<1x768x768xf32, #tpu.memory_space<vmem>>, vector<1x768x768xf32>
    %get3A_8 = vector.shape_cast %get3A_7 : vector<1x768x768xf32> to vector<768x768xf32>
    %convert_element_type3A_9 = arith.truncf %get3A_8 : vector<768x768xf32> to vector<768x768xbf16>
    %dot_general3A = arith.constant dense<0.000000e+00> : vector<2048x768xf32>
    %dot_general3A_10 = tpu.matmul %get3A_3, %convert_element_type3A_9, %dot_general3A {dimension_numbers = #tpu.dot_dimension_numbers<[1], [0], [0], [1], [0, 0, 1, 1], [], []>, transpose_lhs_hint = false} : vector<2048x768xbf16>, vector<768x768xbf16>, vector<2048x768xf32> -> vector<2048x768xf32>
    %convert_element_type3A_11 = arith.truncf %dot_general3A_10 : vector<2048x768xf32> to vector<2048x768xbf16>
    %get3A_12 = arith.constant 0 : index
    %get3A_13 = arith.constant 0 : index
    %get3A_14 = arith.constant 0 : index
    %get3A_15 = vector.load %arg3[%get3A_12, %get3A_13, %get3A_14] : memref<1x1x768xf32, #tpu.memory_space<vmem>>, vector<1x1x768xf32>
    %get3A_16 = vector.shape_cast %get3A_15 : vector<1x1x768xf32> to vector<1x768xf32>
    %convert_element_type3A_17 = arith.truncf %get3A_16 : vector<1x768xf32> to vector<1x768xbf16>
    %add3A = vector.broadcast %convert_element_type3A_17 : vector<1x768xbf16> to vector<2048x768xbf16>
    %add3A_18 = arith.addf %convert_element_type3A_11, %add3A : vector<2048x768xbf16>
    %max3A = arith.constant 0.000000e+00 : bf16
    %max3A_19 = vector.broadcast %max3A : bf16 to vector<2048x768xbf16>
    %max3A_20 = arith.maximumf %add3A_18, %max3A_19 : vector<2048x768xbf16>
    %get3A_21 = arith.constant 0 : index
    %get3A_22 = arith.constant 0 : index
    %get3A_23 = arith.constant 0 : index
    %get3A_24 = vector.load %arg4[%get3A_21, %get3A_22, %get3A_23] : memref<1x768x64xf32, #tpu.memory_space<vmem>>, vector<1x768x64xf32>
    %get3A_25 = vector.shape_cast %get3A_24 : vector<1x768x64xf32> to vector<768x64xf32>
    %convert_element_type3A_26 = arith.truncf %get3A_25 : vector<768x64xf32> to vector<768x64xbf16>
    %dot_general3A_27 = arith.constant dense<0.000000e+00> : vector<2048x64xf32>
    %dot_general3A_28 = tpu.matmul %max3A_20, %convert_element_type3A_26, %dot_general3A_27 {dimension_numbers = #tpu.dot_dimension_numbers<[1], [0], [0], [1], [0, 0, 1, 1], [], []>, transpose_lhs_hint = false} : vector<2048x768xbf16>, vector<768x64xbf16>, vector<2048x64xf32> -> vector<2048x64xf32>
    %get3A_29 = arith.constant 0 : index
    %get3A_30 = arith.constant 0 : index
    %get3A_31 = arith.constant 0 : index
    %get3A_32 = vector.load %arg5[%get3A_29, %get3A_30, %get3A_31] : memref<1x1x64xf32, #tpu.memory_space<vmem>>, vector<1x1x64xf32>
    %get3A_33 = vector.shape_cast %get3A_32 : vector<1x1x64xf32> to vector<1x64xf32>
    %add3A_34 = vector.broadcast %get3A_33 : vector<1x64xf32> to vector<2048x64xf32>
    %add3A_35 = arith.addf %dot_general3A_28, %add3A_34 : vector<2048x64xf32>
    %swap3A = arith.constant 0 : index
    %swap3A_36 = arith.constant 0 : index
    %swap3A_37 = arith.constant 0 : index
    %swap3A_38 = vector.load %arg6[%swap3A, %swap3A_36, %swap3A_37] : memref<1x2048x64xf32, #tpu.memory_space<vmem>>, vector<1x2048x64xf32>
    %swap3A_39 = vector.shape_cast %swap3A_38 : vector<1x2048x64xf32> to vector<2048x64xf32>
    %swap3A_40 = vector.shape_cast %add3A_35 : vector<2048x64xf32> to vector<1x2048x64xf32>
    tpu.vector_store %arg6[%swap3A, %swap3A_36, %swap3A_37], %swap3A_40 {strides = array<i32>} : memref<1x2048x64xf32, #tpu.memory_space<vmem>>, vector<1x2048x64xf32>,
    return
  }
  func.func @transform_0(%arg0: i32) -> (i32, i32) {
    %c0_i32 = arith.constant 0 : i32
    %c0_i32_0 = arith.constant 0 : i32
    %c0_i32_1 = arith.constant 0 : i32
    return %c0_i32, %c0_i32_0 : i32, i32
  }
  func.func @transform_1(%arg0: i32) -> (i32, i32, i32) {
    %c0_i32 = arith.constant 0 : i32
    %c0_i32_0 = arith.constant 0 : i32
    %c0_i32_1 = arith.constant 0 : i32
    return %arg0, %c0_i32, %c0_i32_0 : i32, i32, i32
  }
  func.func @transform_2(%arg0: i32) -> (i32, i32, i32) {
    %c0_i32 = arith.constant 0 : i32
    %c0_i32_0 = arith.constant 0 : i32
    %c0_i32_1 = arith.constant 0 : i32
    return %arg0, %c0_i32, %c0_i32_0 : i32, i32, i32
  }
  func.func @transform_3(%arg0: i32) -> (i32, i32, i32) {
    %c0_i32 = arith.constant 0 : i32
    %c0_i32_0 = arith.constant 0 : i32
    %c0_i32_1 = arith.constant 0 : i32
    return %arg0, %c0_i32, %c0_i32_0 : i32, i32, i32
  }
  func.func @transform_4(%arg0: i32) -> (i32, i32, i32) {
    %c0_i32 = arith.constant 0 : i32
    %c0_i32_0 = arith.constant 0 : i32
    %c0_i32_1 = arith.constant 0 : i32
    return %arg0, %c0_i32, %c0_i32_0 : i32, i32, i32
  }
  func.func @transform_5(%arg0: i32) -> (i32, i32, i32) {
    %c0_i32 = arith.constant 0 : i32
    %c0_i32_0 = arith.constant 0 : i32
    %c0_i32_1 = arith.constant 0 : i32
    return %arg0, %c0_i32, %c0_i32_0 : i32, i32, i32
  }
}

module attributes {stable_mosaic.version = 14 : i64} {
  func.func @_router_body(%arg0: memref<2048x768xf32, #tpu.memory_space<vmem>>, %arg1: memref<2048x768xf32, #tpu.memory_space<vmem>>, %arg2: memref<1536x768xf32, #tpu.memory_space<vmem>>, %arg3: memref<1x768xf32, #tpu.memory_space<vmem>>, %arg4: memref<768x8xf32, #tpu.memory_space<vmem>>, %arg5: memref<1x8xf32, #tpu.memory_space<vmem>>, %arg6: memref<2048x8xf32, #tpu.memory_space<vmem>>) attributes {dimension_semantics = [], scalar_prefetch = 0 : i64, scratch_operands = 0 : i64, tpu.core_type = #tpu.core_type<tc>} {
    %get3A = arith.constant 0 : index
    %get3A_0 = arith.constant 0 : index
    %get3A_1 = vector.load %arg0[%get3A, %get3A_0] : memref<2048x768xf32, #tpu.memory_space<vmem>>, vector<2048x768xf32>
    %get3A_2 = arith.constant 0 : index
    %get3A_3 = arith.constant 0 : index
    %get3A_4 = vector.load %arg2[%get3A_2, %get3A_3] : memref<1536x768xf32, #tpu.memory_space<vmem>>, vector<768x768xf32>
    %convert_element_type3A = arith.truncf %get3A_1 : vector<2048x768xf32> to vector<2048x768xbf16>
    %convert_element_type3A_5 = arith.truncf %get3A_4 : vector<768x768xf32> to vector<768x768xbf16>
    %dot_general3A = arith.constant dense<0.000000e+00> : vector<2048x768xf32>
    %dot_general3A_6 = tpu.matmul %convert_element_type3A, %convert_element_type3A_5, %dot_general3A {dimension_numbers = #tpu.dot_dimension_numbers<[1], [0], [0], [1], [0, 0, 1, 1], [], []>, transpose_lhs_hint = false} : vector<2048x768xbf16>, vector<768x768xbf16>, vector<2048x768xf32> -> vector<2048x768xf32>
    %get3A_7 = arith.constant 0 : index
    %get3A_8 = arith.constant 0 : index
    %get3A_9 = vector.load %arg1[%get3A_7, %get3A_8] : memref<2048x768xf32, #tpu.memory_space<vmem>>, vector<2048x768xf32>
    %get3A_10 = arith.constant 768 : index
    %get3A_11 = arith.constant 0 : index
    %get3A_12 = vector.load %arg2[%get3A_10, %get3A_11] : memref<1536x768xf32, #tpu.memory_space<vmem>>, vector<768x768xf32>
    %convert_element_type3A_13 = arith.truncf %get3A_9 : vector<2048x768xf32> to vector<2048x768xbf16>
    %convert_element_type3A_14 = arith.truncf %get3A_12 : vector<768x768xf32> to vector<768x768xbf16>
    %dot_general3A_15 = arith.constant dense<0.000000e+00> : vector<2048x768xf32>
    %dot_general3A_16 = tpu.matmul %convert_element_type3A_13, %convert_element_type3A_14, %dot_general3A_15 {dimension_numbers = #tpu.dot_dimension_numbers<[1], [0], [0], [1], [0, 0, 1, 1], [], []>, transpose_lhs_hint = false} : vector<2048x768xbf16>, vector<768x768xbf16>, vector<2048x768xf32> -> vector<2048x768xf32>
    %add3A = arith.addf %dot_general3A_6, %dot_general3A_16 : vector<2048x768xf32>
    %get3A_17 = arith.constant 0 : index
    %get3A_18 = arith.constant 0 : index
    %get3A_19 = vector.load %arg3[%get3A_17, %get3A_18] : memref<1x768xf32, #tpu.memory_space<vmem>>, vector<1x768xf32>
    %add3A_20 = vector.broadcast %get3A_19 : vector<1x768xf32> to vector<2048x768xf32>
    %add3A_21 = arith.addf %add3A, %add3A_20 : vector<2048x768xf32>
    %max3A = arith.constant 0.000000e+00 : f32
    %max3A_22 = vector.broadcast %max3A : f32 to vector<2048x768xf32>
    %max3A_23 = arith.maximumf %add3A_21, %max3A_22 : vector<2048x768xf32>
    %get3A_24 = arith.constant 0 : index
    %get3A_25 = arith.constant 0 : index
    %get3A_26 = vector.load %arg4[%get3A_24, %get3A_25] : memref<768x8xf32, #tpu.memory_space<vmem>>, vector<768x8xf32>
    %convert_element_type3A_27 = arith.truncf %max3A_23 : vector<2048x768xf32> to vector<2048x768xbf16>
    %convert_element_type3A_28 = arith.truncf %get3A_26 : vector<768x8xf32> to vector<768x8xbf16>
    %dot_general3A_29 = arith.constant dense<0.000000e+00> : vector<2048x8xf32>
    %dot_general3A_30 = tpu.matmul %convert_element_type3A_27, %convert_element_type3A_28, %dot_general3A_29 {dimension_numbers = #tpu.dot_dimension_numbers<[1], [0], [0], [1], [0, 0, 1, 1], [], []>, transpose_lhs_hint = false} : vector<2048x768xbf16>, vector<768x8xbf16>, vector<2048x8xf32> -> vector<2048x8xf32>
    %get3A_31 = arith.constant 0 : index
    %get3A_32 = arith.constant 0 : index
    %get3A_33 = vector.load %arg5[%get3A_31, %get3A_32] : memref<1x8xf32, #tpu.memory_space<vmem>>, vector<1x8xf32>
    %add3A_34 = vector.broadcast %get3A_33 : vector<1x8xf32> to vector<2048x8xf32>
    %add3A_35 = arith.addf %dot_general3A_30, %add3A_34 : vector<2048x8xf32>
    %swap3A = arith.constant 0 : index
    %swap3A_36 = arith.constant 0 : index
    %swap3A_37 = vector.load %arg6[%swap3A, %swap3A_36] : memref<2048x8xf32, #tpu.memory_space<vmem>>, vector<2048x8xf32>
    tpu.vector_store %arg6[%swap3A, %swap3A_36], %add3A_35 {strides = array<i32>} : memref<2048x8xf32, #tpu.memory_space<vmem>>, vector<2048x8xf32>,
    return
  }
}

module attributes {stable_mosaic.version = 14 : i64} {
  func.func @_combine_body(%arg0: memref<2048x8xf32, #tpu.memory_space<vmem>>, %arg1: memref<8x2048x64xf32, #tpu.memory_space<vmem>>, %arg2: memref<2048x64xf32, #tpu.memory_space<vmem>>) attributes {dimension_semantics = [], scalar_prefetch = 0 : i64, scratch_operands = 0 : i64, tpu.core_type = #tpu.core_type<tc>} {
    %iota3A = tpu.iota {dimensions = array<i32: 1>} : vector<2048x8xi32>
    %broadcast_in_dim3A = arith.constant 0.000000e+00 : f32
    %broadcast_in_dim3A_0 = vector.broadcast %broadcast_in_dim3A : f32 to vector<2048x64xf32>
    %eq3A = arith.constant 0 : i32
    %eq3A_1 = vector.broadcast %eq3A : i32 to vector<2048x8xi32>
    %eq3A_2 = arith.cmpi eq, %iota3A, %eq3A_1 : vector<2048x8xi32>
    %get3A = arith.constant 0 : index
    %get3A_3 = arith.constant 0 : index
    %get3A_4 = vector.load %arg0[%get3A, %get3A_3] : memref<2048x8xf32, #tpu.memory_space<vmem>>, vector<2048x8xf32>
    %jit3A = arith.constant 0.000000e+00 : f32
    %broadcast_in_dim3A_5 = vector.broadcast %jit3A : f32 to vector<2048x8xf32>
    %select_n3A = arith.select %eq3A_2, %get3A_4, %broadcast_in_dim3A_5 : vector<2048x8xi1>, vector<2048x8xf32>
    %reduce_sum3A = arith.constant dense<0.000000e+00> : vector<2048xf32>
    %reduce_sum3A_6 = vector.multi_reduction <add>, %select_n3A, %reduce_sum3A [1] : vector<2048x8xf32> to vector<2048xf32>
    %broadcast_in_dim3A_7 = vector.shape_cast %reduce_sum3A_6 : vector<2048xf32> to vector<2048x1xf32>
    %get3A_8 = arith.constant 0 : index
    %get3A_9 = arith.constant 0 : index
    %get3A_10 = arith.constant 0 : index
    %get3A_11 = vector.load %arg1[%get3A_8, %get3A_9, %get3A_10] : memref<8x2048x64xf32, #tpu.memory_space<vmem>>, vector<1x2048x64xf32>
    %get3A_12 = vector.shape_cast %get3A_11 : vector<1x2048x64xf32> to vector<2048x64xf32>
    %mul3A = vector.broadcast %broadcast_in_dim3A_7 : vector<2048x1xf32> to vector<2048x64xf32>
    %mul3A_13 = arith.mulf %mul3A, %get3A_12 : vector<2048x64xf32>
    %add3A = arith.addf %broadcast_in_dim3A_0, %mul3A_13 : vector<2048x64xf32>
    %eq3A_14 = arith.constant 1 : i32
    %eq3A_15 = vector.broadcast %eq3A_14 : i32 to vector<2048x8xi32>
    %eq3A_16 = arith.cmpi eq, %iota3A, %eq3A_15 : vector<2048x8xi32>
    %get3A_17 = arith.constant 0 : index
    %get3A_18 = arith.constant 0 : index
    %get3A_19 = vector.load %arg0[%get3A_17, %get3A_18] : memref<2048x8xf32, #tpu.memory_space<vmem>>, vector<2048x8xf32>
    %jit3A_20 = arith.constant 0.000000e+00 : f32
    %broadcast_in_dim3A_21 = vector.broadcast %jit3A_20 : f32 to vector<2048x8xf32>
    %select_n3A_22 = arith.select %eq3A_16, %get3A_19, %broadcast_in_dim3A_21 : vector<2048x8xi1>, vector<2048x8xf32>
    %reduce_sum3A_23 = arith.constant dense<0.000000e+00> : vector<2048xf32>
    %reduce_sum3A_24 = vector.multi_reduction <add>, %select_n3A_22, %reduce_sum3A_23 [1] : vector<2048x8xf32> to vector<2048xf32>
    %broadcast_in_dim3A_25 = vector.shape_cast %reduce_sum3A_24 : vector<2048xf32> to vector<2048x1xf32>
    %get3A_26 = arith.constant 1 : index
    %get3A_27 = arith.constant 0 : index
    %get3A_28 = arith.constant 0 : index
    %get3A_29 = vector.load %arg1[%get3A_26, %get3A_27, %get3A_28] : memref<8x2048x64xf32, #tpu.memory_space<vmem>>, vector<1x2048x64xf32>
    %get3A_30 = vector.shape_cast %get3A_29 : vector<1x2048x64xf32> to vector<2048x64xf32>
    %mul3A_31 = vector.broadcast %broadcast_in_dim3A_25 : vector<2048x1xf32> to vector<2048x64xf32>
    %mul3A_32 = arith.mulf %mul3A_31, %get3A_30 : vector<2048x64xf32>
    %add3A_33 = arith.addf %add3A, %mul3A_32 : vector<2048x64xf32>
    %eq3A_34 = arith.constant 2 : i32
    %eq3A_35 = vector.broadcast %eq3A_34 : i32 to vector<2048x8xi32>
    %eq3A_36 = arith.cmpi eq, %iota3A, %eq3A_35 : vector<2048x8xi32>
    %get3A_37 = arith.constant 0 : index
    %get3A_38 = arith.constant 0 : index
    %get3A_39 = vector.load %arg0[%get3A_37, %get3A_38] : memref<2048x8xf32, #tpu.memory_space<vmem>>, vector<2048x8xf32>
    %jit3A_40 = arith.constant 0.000000e+00 : f32
    %broadcast_in_dim3A_41 = vector.broadcast %jit3A_40 : f32 to vector<2048x8xf32>
    %select_n3A_42 = arith.select %eq3A_36, %get3A_39, %broadcast_in_dim3A_41 : vector<2048x8xi1>, vector<2048x8xf32>
    %reduce_sum3A_43 = arith.constant dense<0.000000e+00> : vector<2048xf32>
    %reduce_sum3A_44 = vector.multi_reduction <add>, %select_n3A_42, %reduce_sum3A_43 [1] : vector<2048x8xf32> to vector<2048xf32>
    %broadcast_in_dim3A_45 = vector.shape_cast %reduce_sum3A_44 : vector<2048xf32> to vector<2048x1xf32>
    %get3A_46 = arith.constant 2 : index
    %get3A_47 = arith.constant 0 : index
    %get3A_48 = arith.constant 0 : index
    %get3A_49 = vector.load %arg1[%get3A_46, %get3A_47, %get3A_48] : memref<8x2048x64xf32, #tpu.memory_space<vmem>>, vector<1x2048x64xf32>
    %get3A_50 = vector.shape_cast %get3A_49 : vector<1x2048x64xf32> to vector<2048x64xf32>
    %mul3A_51 = vector.broadcast %broadcast_in_dim3A_45 : vector<2048x1xf32> to vector<2048x64xf32>
    %mul3A_52 = arith.mulf %mul3A_51, %get3A_50 : vector<2048x64xf32>
    %add3A_53 = arith.addf %add3A_33, %mul3A_52 : vector<2048x64xf32>
    %eq3A_54 = arith.constant 3 : i32
    %eq3A_55 = vector.broadcast %eq3A_54 : i32 to vector<2048x8xi32>
    %eq3A_56 = arith.cmpi eq, %iota3A, %eq3A_55 : vector<2048x8xi32>
    %get3A_57 = arith.constant 0 : index
    %get3A_58 = arith.constant 0 : index
    %get3A_59 = vector.load %arg0[%get3A_57, %get3A_58] : memref<2048x8xf32, #tpu.memory_space<vmem>>, vector<2048x8xf32>
    %jit3A_60 = arith.constant 0.000000e+00 : f32
    %broadcast_in_dim3A_61 = vector.broadcast %jit3A_60 : f32 to vector<2048x8xf32>
    %select_n3A_62 = arith.select %eq3A_56, %get3A_59, %broadcast_in_dim3A_61 : vector<2048x8xi1>, vector<2048x8xf32>
    %reduce_sum3A_63 = arith.constant dense<0.000000e+00> : vector<2048xf32>
    %reduce_sum3A_64 = vector.multi_reduction <add>, %select_n3A_62, %reduce_sum3A_63 [1] : vector<2048x8xf32> to vector<2048xf32>
    %broadcast_in_dim3A_65 = vector.shape_cast %reduce_sum3A_64 : vector<2048xf32> to vector<2048x1xf32>
    %get3A_66 = arith.constant 3 : index
    %get3A_67 = arith.constant 0 : index
    %get3A_68 = arith.constant 0 : index
    %get3A_69 = vector.load %arg1[%get3A_66, %get3A_67, %get3A_68] : memref<8x2048x64xf32, #tpu.memory_space<vmem>>, vector<1x2048x64xf32>
    %get3A_70 = vector.shape_cast %get3A_69 : vector<1x2048x64xf32> to vector<2048x64xf32>
    %mul3A_71 = vector.broadcast %broadcast_in_dim3A_65 : vector<2048x1xf32> to vector<2048x64xf32>
    %mul3A_72 = arith.mulf %mul3A_71, %get3A_70 : vector<2048x64xf32>
    %add3A_73 = arith.addf %add3A_53, %mul3A_72 : vector<2048x64xf32>
    %eq3A_74 = arith.constant 4 : i32
    %eq3A_75 = vector.broadcast %eq3A_74 : i32 to vector<2048x8xi32>
    %eq3A_76 = arith.cmpi eq, %iota3A, %eq3A_75 : vector<2048x8xi32>
    %get3A_77 = arith.constant 0 : index
    %get3A_78 = arith.constant 0 : index
    %get3A_79 = vector.load %arg0[%get3A_77, %get3A_78] : memref<2048x8xf32, #tpu.memory_space<vmem>>, vector<2048x8xf32>
    %jit3A_80 = arith.constant 0.000000e+00 : f32
    %broadcast_in_dim3A_81 = vector.broadcast %jit3A_80 : f32 to vector<2048x8xf32>
    %select_n3A_82 = arith.select %eq3A_76, %get3A_79, %broadcast_in_dim3A_81 : vector<2048x8xi1>, vector<2048x8xf32>
    %reduce_sum3A_83 = arith.constant dense<0.000000e+00> : vector<2048xf32>
    %reduce_sum3A_84 = vector.multi_reduction <add>, %select_n3A_82, %reduce_sum3A_83 [1] : vector<2048x8xf32> to vector<2048xf32>
    %broadcast_in_dim3A_85 = vector.shape_cast %reduce_sum3A_84 : vector<2048xf32> to vector<2048x1xf32>
    %get3A_86 = arith.constant 4 : index
    %get3A_87 = arith.constant 0 : index
    %get3A_88 = arith.constant 0 : index
    %get3A_89 = vector.load %arg1[%get3A_86, %get3A_87, %get3A_88] : memref<8x2048x64xf32, #tpu.memory_space<vmem>>, vector<1x2048x64xf32>
    %get3A_90 = vector.shape_cast %get3A_89 : vector<1x2048x64xf32> to vector<2048x64xf32>
    %mul3A_91 = vector.broadcast %broadcast_in_dim3A_85 : vector<2048x1xf32> to vector<2048x64xf32>
    %mul3A_92 = arith.mulf %mul3A_91, %get3A_90 : vector<2048x64xf32>
    %add3A_93 = arith.addf %add3A_73, %mul3A_92 : vector<2048x64xf32>
    %eq3A_94 = arith.constant 5 : i32
    %eq3A_95 = vector.broadcast %eq3A_94 : i32 to vector<2048x8xi32>
    %eq3A_96 = arith.cmpi eq, %iota3A, %eq3A_95 : vector<2048x8xi32>
    %get3A_97 = arith.constant 0 : index
    %get3A_98 = arith.constant 0 : index
    %get3A_99 = vector.load %arg0[%get3A_97, %get3A_98] : memref<2048x8xf32, #tpu.memory_space<vmem>>, vector<2048x8xf32>
    %jit3A_100 = arith.constant 0.000000e+00 : f32
    %broadcast_in_dim3A_101 = vector.broadcast %jit3A_100 : f32 to vector<2048x8xf32>
    %select_n3A_102 = arith.select %eq3A_96, %get3A_99, %broadcast_in_dim3A_101 : vector<2048x8xi1>, vector<2048x8xf32>
    %reduce_sum3A_103 = arith.constant dense<0.000000e+00> : vector<2048xf32>
    %reduce_sum3A_104 = vector.multi_reduction <add>, %select_n3A_102, %reduce_sum3A_103 [1] : vector<2048x8xf32> to vector<2048xf32>
    %broadcast_in_dim3A_105 = vector.shape_cast %reduce_sum3A_104 : vector<2048xf32> to vector<2048x1xf32>
    %get3A_106 = arith.constant 5 : index
    %get3A_107 = arith.constant 0 : index
    %get3A_108 = arith.constant 0 : index
    %get3A_109 = vector.load %arg1[%get3A_106, %get3A_107, %get3A_108] : memref<8x2048x64xf32, #tpu.memory_space<vmem>>, vector<1x2048x64xf32>
    %get3A_110 = vector.shape_cast %get3A_109 : vector<1x2048x64xf32> to vector<2048x64xf32>
    %mul3A_111 = vector.broadcast %broadcast_in_dim3A_105 : vector<2048x1xf32> to vector<2048x64xf32>
    %mul3A_112 = arith.mulf %mul3A_111, %get3A_110 : vector<2048x64xf32>
    %add3A_113 = arith.addf %add3A_93, %mul3A_112 : vector<2048x64xf32>
    %eq3A_114 = arith.constant 6 : i32
    %eq3A_115 = vector.broadcast %eq3A_114 : i32 to vector<2048x8xi32>
    %eq3A_116 = arith.cmpi eq, %iota3A, %eq3A_115 : vector<2048x8xi32>
    %get3A_117 = arith.constant 0 : index
    %get3A_118 = arith.constant 0 : index
    %get3A_119 = vector.load %arg0[%get3A_117, %get3A_118] : memref<2048x8xf32, #tpu.memory_space<vmem>>, vector<2048x8xf32>
    %jit3A_120 = arith.constant 0.000000e+00 : f32
    %broadcast_in_dim3A_121 = vector.broadcast %jit3A_120 : f32 to vector<2048x8xf32>
    %select_n3A_122 = arith.select %eq3A_116, %get3A_119, %broadcast_in_dim3A_121 : vector<2048x8xi1>, vector<2048x8xf32>
    %reduce_sum3A_123 = arith.constant dense<0.000000e+00> : vector<2048xf32>
    %reduce_sum3A_124 = vector.multi_reduction <add>, %select_n3A_122, %reduce_sum3A_123 [1] : vector<2048x8xf32> to vector<2048xf32>
    %broadcast_in_dim3A_125 = vector.shape_cast %reduce_sum3A_124 : vector<2048xf32> to vector<2048x1xf32>
    %get3A_126 = arith.constant 6 : index
    %get3A_127 = arith.constant 0 : index
    %get3A_128 = arith.constant 0 : index
    %get3A_129 = vector.load %arg1[%get3A_126, %get3A_127, %get3A_128] : memref<8x2048x64xf32, #tpu.memory_space<vmem>>, vector<1x2048x64xf32>
    %get3A_130 = vector.shape_cast %get3A_129 : vector<1x2048x64xf32> to vector<2048x64xf32>
    %mul3A_131 = vector.broadcast %broadcast_in_dim3A_125 : vector<2048x1xf32> to vector<2048x64xf32>
    %mul3A_132 = arith.mulf %mul3A_131, %get3A_130 : vector<2048x64xf32>
    %add3A_133 = arith.addf %add3A_113, %mul3A_132 : vector<2048x64xf32>
    %eq3A_134 = arith.constant 7 : i32
    %eq3A_135 = vector.broadcast %eq3A_134 : i32 to vector<2048x8xi32>
    %eq3A_136 = arith.cmpi eq, %iota3A, %eq3A_135 : vector<2048x8xi32>
    %get3A_137 = arith.constant 0 : index
    %get3A_138 = arith.constant 0 : index
    %get3A_139 = vector.load %arg0[%get3A_137, %get3A_138] : memref<2048x8xf32, #tpu.memory_space<vmem>>, vector<2048x8xf32>
    %jit3A_140 = arith.constant 0.000000e+00 : f32
    %broadcast_in_dim3A_141 = vector.broadcast %jit3A_140 : f32 to vector<2048x8xf32>
    %select_n3A_142 = arith.select %eq3A_136, %get3A_139, %broadcast_in_dim3A_141 : vector<2048x8xi1>, vector<2048x8xf32>
    %reduce_sum3A_143 = arith.constant dense<0.000000e+00> : vector<2048xf32>
    %reduce_sum3A_144 = vector.multi_reduction <add>, %select_n3A_142, %reduce_sum3A_143 [1] : vector<2048x8xf32> to vector<2048xf32>
    %broadcast_in_dim3A_145 = vector.shape_cast %reduce_sum3A_144 : vector<2048xf32> to vector<2048x1xf32>
    %get3A_146 = arith.constant 7 : index
    %get3A_147 = arith.constant 0 : index
    %get3A_148 = arith.constant 0 : index
    %get3A_149 = vector.load %arg1[%get3A_146, %get3A_147, %get3A_148] : memref<8x2048x64xf32, #tpu.memory_space<vmem>>, vector<1x2048x64xf32>
    %get3A_150 = vector.shape_cast %get3A_149 : vector<1x2048x64xf32> to vector<2048x64xf32>
    %mul3A_151 = vector.broadcast %broadcast_in_dim3A_145 : vector<2048x1xf32> to vector<2048x64xf32>
    %mul3A_152 = arith.mulf %mul3A_151, %get3A_150 : vector<2048x64xf32>
    %add3A_153 = arith.addf %add3A_133, %mul3A_152 : vector<2048x64xf32>
    %logistic3A = arith.negf %add3A_153 : vector<2048x64xf32>
    %logistic3A_154 = math.exp %logistic3A : vector<2048x64xf32>
    %logistic3A_155 = arith.constant 1.000000e+00 : f32
    %logistic3A_156 = vector.broadcast %logistic3A_155 : f32 to vector<2048x64xf32>
    %logistic3A_157 = arith.addf %logistic3A_156, %logistic3A_154 : vector<2048x64xf32>
    %logistic3A_158 = arith.divf %logistic3A_156, %logistic3A_157 : vector<2048x64xf32>
    %swap3A = arith.constant 0 : index
    %swap3A_159 = arith.constant 0 : index
    %swap3A_160 = vector.load %arg2[%swap3A, %swap3A_159] : memref<2048x64xf32, #tpu.memory_space<vmem>>, vector<2048x64xf32>
    tpu.vector_store %arg2[%swap3A, %swap3A_159], %logistic3A_158 {strides = array<i32>} : memref<2048x64xf32, #tpu.memory_space<vmem>>, vector<2048x64xf32>,
    return
  }
}

</mosaic_0001>

<sc_bundles>
// kernel: kernel.6.cloned.1.call-start
scs
__scs_entry_jumppad:
0x0: {  	(pc) =	sbr.rel $0x88, $3  }
0x1: {  	(tag) =	ssettag $0x0;
	lr =	simm.s32 $0x1  }
0x2: {  	[smem:$0x3F97] =	sst lr;
	_ =	strace $0xD0000000  }
0x3: {  	_ = 	snop  }
0x4: {  	_ = 	snop  }
0x5: {  	_ = 	snop  }
0x6: {  	_ = 	snop  }
0x7: {  	_ = 	snop  }
__scs_overlays_trampoline_lowered:
0x8: {  	[smem:$0x3FA6] =	sst s0  }
0x9: {  	[smem:$0x3FA7] =	sst s1  }
0xa: {  	[smem:$0x3FA8] =	sst s2  }
0xb: {  	[smem:$0x3FA9] =	sst s3  }
0xc: {  	[smem:$0x3FAA] =	sst s4  }
0xd: {  	[smem:$0x3FAB] =	sst s5  }
0xe: {  	[smem:$0x3FAC] =	sst s6  }
0xf: {  	[smem:$0x3FAD] =	sst s7  }
0x10: {  	[smem:$0x3FAE] =	sst s8  }
0x11: {  	[smem:$0x3FAF] =	sst s9;
	s0 =	simm.s32 @!p0 $0x0  }
0x12: {  	s1 =	sld [smem:$0x3F95];
	s0 =	simm.s32 @p0 $0x1  }
0x13: {  	[smem:$0x3FB0] =	sst s0;
	s0 =	simm.s32 @!p1 $0x0  }
0x14: {  	s2 =	sld [smem:$0x3F94];
	s0 =	simm.s32 @p1 $0x1  }
0x15: {  	[smem:$0x3FB1] =	sst s0;
	s0 =	simm.s32 @!p2 $0x0  }
0x16: {  	s3 =	sld [smem:$0x3FDB];
	s0 =	simm.s32 @p2 $0x1  }
0x17: {  	s4 =	simm.s32 $0x1BF5;
	[smem:$0x3FB3] =	sst s0  }
0x18: {  	s0 =	sld [smem:$0x3F96];
	_ =	swait.ge [sflag:s4], $0x0  }
0x19: {  	s7 =	sld [smem:$0x3F97]  }
0x1a: {  	s8 =	sadd.s32 $0xFFFFE003, lr  }
0x1b: {  	s9 =	sadd.s32 $0xFFFFFEF7, lr;
	s5 =	simm.s32 $0xFFFFFFFF;
	p2 =	slt.u32 s8, $0xFFFFF086  }
0x1c: {  	p1 =	slt.u32 s9, $0xF7A;
	s5 =	simm.s32 @!p2 $0x0  }
0x1d: {  	s5 =	simm.s32 @p1 $0x1;
	p0 =	seq.s32 s7, s2  }
0x1e: {  	s7 =	smul.u32 @!p0 $0xF7A, s2;
	p2 =	seq.s32 @!p0 s5, $0x0  }
0x1f: {  	s9 =	smul.u32 $0xF7A, s1;
	s8 =	simm.s32 @!p0 $0x1BF5;
	p2 =	por !p2, p0  }
0x20: {  	[sflag:s8] =	ssyncset.s32 @!p0 $0xFFFFF086;
	s6 =	sadd.s32 @!p0 s3, s7;
	s7 =	simm.s32 @!p0 $0x108  }
0x21: {  	s3 =	sadd.s32 s3, s9;
	s6 =	sadd.s32 @!p0 $0x88, s6;
	s7 =	simm.s32 @p2 $0x1082  }
0x22: {  	[simem:s7], [sflag:s8] =	dma.local @!p0 [hbm:s6], $0xF7A  }
0x23: {  	s9 =	sor.u32 $0xD0000000, s2;
	s6 =	simm.s32 $0x108;
	_ =	swait.ge @!p0 [sflag:s8], $0x0  }
0x24: {  	s3 =	sadd.s32 $0x88, s3;
	s6 =	simm.s32 @!p1 $0x1082;
	[sflag:s4] =	ssyncset.s32 $0xFFFFF086  }
0x25: {  	[simem:s6], [sflag:s4] =	dma.local [hbm:s3], $0xF7A  }
0x26: {  	[smem:$0x3F97] =	sst s1;
	(tag) =	ssettag s2;
	_ =	strace s9  }
0x27: {  	s1 =	sld [smem:$0x3FA7]  }
0x28: {  	s2 =	sld [smem:$0x3FA8]  }
0x29: {  	s4 =	sld [smem:$0x3FAA]  }
0x2a: {  	p0 =	seq.s32 s5, $0x0;
	s5 =	sld [smem:$0x3FAB]  }
0x2b: {  	s6 =	sld [smem:$0x3FAC]  }
0x2c: {  	s7 =	sld [smem:$0x3FAD]  }
0x2d: {  	s3 =	simm.s32 $0x108;
	s8 =	sld [smem:$0x3FAE]  }
0x2e: {  	s3 =	simm.s32 @!p0 $0x1082;
	s9 =	sld [smem:$0x3FAF]  }
0x2f: {  	lr =	sadd.s32 s0, s3;
	s0 =	sld [smem:$0x3FA6]  }
0x30: {  	s3 =	sld [smem:$0x3FA9]  }
0x31: {  	[smem:$0x3FB2] =	sst s10  }
0x32: {  	s10 =	sld [smem:$0x3FB0];
	_ =	sdelay $0x3  }
0x33: {  	p0 =	seq.s32 s10, $0x1;
	s10 =	sld [smem:$0x3FB2];
	_ =	sdelay $0x3  }
0x34: {  	[smem:$0x3FB2] =	sst s10  }
0x35: {  	s10 =	sld [smem:$0x3FB1];
	_ =	sdelay $0x3  }
0x36: {  	p1 =	seq.s32 s10, $0x1;
	s10 =	sld [smem:$0x3FB2];
	_ =	sdelay $0x3  }
0x37: {  	[smem:$0x3FB2] =	sst s10  }
0x38: {  	s10 =	sld [smem:$0x3FB3]  }
0x39: {  	_ = 	snop;
	(pc) =	sbr.ind lr, $3  }
0x3a: {  	_ = 	snop  }
0x3b: {  	_ = 	snop  }
0x3c: {  	p2 =	seq.s32 s10, $0x1;
	s10 =	sld [smem:$0x3FB2]  }
0x3d: {  	_ =	shalt  }
0x3e: {  	_ =	shalt  }
0x3f: {  	_ =	shalt  }
0x40: {  	_ =	shalt  }
0x41: {  	_ =	shalt  }
0x42: {  	_ =	shalt  }
0x43: {  	_ =	shalt  }
0x44: {  	_ =	shalt  }
0x45: {  	_ =	shalt  }
0x46: {  	_ =	shalt  }
0x47: {  	_ =	shalt  }
0x48: {  	_ =	shalt  }
0x49: {  	_ =	shalt  }
0x4a: {  	_ =	shalt  }
0x4b: {  	_ =	shalt  }
0x4c: {  	_ =	shalt  }
0x4d: {  	_ =	shalt  }
0x4e: {  	_ =	shalt  }
0x4f: {  	_ =	shalt  }
0x50: {  	_ =	shalt  }
0x51: {  	_ =	shalt  }
0x52: {  	_ =	shalt  }
0x53: {  	_ =	shalt  }
0x54: {  	_ =	shalt  }
0x55: {  	_ =	shalt  }
0x56: {  	_ =	shalt  }
0x57: {  	_ =	shalt  }
0x58: {  	_ =	shalt  }
0x59: {  	_ =	shalt  }
0x5a: {  	_ =	shalt  }
0x5b: {  	_ =	shalt  }
0x5c: {  	_ =	shalt  }
0x5d: {  	_ =	shalt  }
0x5e: {  	_ =	shalt  }
0x5f: {  	_ =	shalt  }
0x60: {  	_ =	shalt  }
0x61: {  	_ =	shalt  }
0x62: {  	_ =	shalt  }
0x63: {  	_ =	shalt  }
0x64: {  	_ =	shalt  }
0x65: {  	_ =	shalt  }
0x66: {  	_ =	shalt  }
0x67: {  	_ =	shalt  }
0x68: {  	_ =	shalt  }
0x69: {  	_ =	shalt  }
0x6a: {  	_ =	shalt  }
0x6b: {  	_ =	shalt  }
0x6c: {  	_ =	shalt  }
0x6d: {  	_ =	shalt  }
0x6e: {  	_ =	shalt  }
0x6f: {  	_ =	shalt  }
0x70: {  	_ =	shalt  }
0x71: {  	_ =	shalt  }
0x72: {  	_ =	shalt  }
0x73: {  	_ =	shalt  }
0x74: {  	_ =	shalt  }
0x75: {  	_ =	shalt  }
0x76: {  	_ =	shalt  }
0x77: {  	_ =	shalt  }
0x78: {  	_ =	shalt  }
0x79: {  	_ =	shalt  }
0x7a: {  	_ =	shalt  }
0x7b: {  	_ =	shalt  }
0x7c: {  	_ =	shalt  }
0x7d: {  	_ =	shalt  }
0x7e: {  	_ =	shalt  }
0x7f: {  	_ =	shalt  }
0x80: {  	_ =	shalt  }
0x81: {  	_ =	shalt  }
0x82: {  	_ =	shalt  }
0x83: {  	_ =	shalt  }
0x84: {  	_ =	shalt  }
0x85: {  	_ =	shalt  }
0x86: {  	_ =	shalt  }
0x87: {  	_ =	shalt  }
.Lfunc_end0:
.L_simem_size_0:
called_computation_lowered:
.L_overlay_start_0:
0x88: {  	s2 =	sld [smem:$0x3FD9]  }
0x89: {  	s3 =	sld [smem:$0x3FFE];
	_ =	sdelay $0x1  }
0x8a: {  	s1 =	srdreg.scid  }
0x8b: {  	s0 =	sand.u32 $0x1, s1  }
0x8c: {  	s17 =	sshll.u32 s0, $0xA;
	s2 =	sadd.s32 s3, s2  }
0x8d: {  	s2 =	sadd.s32 s2, s17  }
0x8e: {  	[smem:$0x3FBE] =	sst s2  }
0x8f: {  	_ = 	snop  }
0x90: {  	s2 =	sld [smem:$0x3FD0];
	(tm) =	ssettm $0x1  }
0x91: {  	s18 =	sld [smem:$0x3FFB];
	_ =	sdelay $0x3  }
0x92: {  	_ =	strace s18  }
0x93: {  	s3 =	sld [smem:$0x3FFC];
	_ =	sdelay $0x3  }
0x94: {  	_ =	strace s3  }
0x95: {  	s3 =	sld [smem:$0x3FFD];
	_ =	sdelay $0x3  }
0x96: {  	_ =	strace s3  }
0x97: {  	_ =	strace $0x8FFFFFFF  }
0x98: {  	s19 =	sld [smem:$0x3FDB];
	_ =	sdelay $0x1  }
0x99: {  	s4 =	simm.s32 $_scs_section_size  }
0x9a: {  	s5 =	simm.s32 $_size__tile_overlayer_lowered;
	s6 =	simm.s32 $_tile_overlayer_lowered  }
0x9b: {  	s22 =	simm.s32 $0x1BFF;
	s21 =	sshll.u32 s6, $0x1;
	s3 =	sadd.s32 s4, s19  }
0x9c: {  	s7 =	simm.s32 $0x0;
	s20 =	sshll.u32 s5, $0x1;
	s5 =	sadd.s32 s21, s3  }
0x9d: {  	[timem:s7], [sflag:s22] =	dma.local [hbm:s5], s20  }
0x9e: {  	_ =	swait.ge [sflag:s22], s20  }
0x9f: {  	s4 =	ssub.s32 $0x0, s20;
	[sflag:s22] =	ssyncset.done $0x0  }
0xa0: {  	[sflag:s22] =	ssyncadd.s32 s4;
	_ =	sdelay $0x1  }
0xa1: {  	s23 =	simm.s32 $0x1B8B  }
0xa2: {  	_ =	swait.ge [sflag:s23], $0x1  }
0xa3: {  	[sflag:s23] =	ssyncset.done $0x0  }
0xa4: {  	s25 =	simm.s32 $0x1B8E;
	s24 =	sld [smem:$0x3FFE];
	[sflag:s23] =	ssyncadd.s32 $0xFFFFFFFF  }
0xa5: {  	s26 =	simm.s32 $execute0_lowered;
	[smem:$0x3FD2] =	sst s25  }
0xa6: {  	s5 =	sshll.u32 s26, $0x1;
	_ =	strace $0x80000046;
	[dreg:$0x1] =	wrdreg $0xFFFFFFFF  }
0xa7: {  	s28 =	simm.s32 $_size_execute0_lowered;
	s3 =	sadd.s32 s3, s5;
	[dreg:$0x0] =	wrdreg $0x0  }
0xa8: {  	s5 =	sshll.u32 s28, $0x1;
	[dreg:$0x2] =	wrdreg s3  }
0xa9: {  	[dreg:$0x3] =	wrdreg s5  }
0xaa: {  	[dreg:$0x4] =	wrdreg $0xC0  }
0xab: {  	_ =	task [dreg:s7], $0x5FFFF  }
0xac: {  	[dreg:$0x1] =	wrdreg $0xFFFFFFFF  }
0xad: {  	[dreg:$0x0] =	wrdreg $0x60  }
0xae: {  	[dreg:$0x2] =	wrdreg s2  }
0xaf: {  	[dreg:$0x3] =	wrdreg s24  }
0xb0: {  	[dreg:$0x4] =	wrdreg $0x9  }
0xb1: {  	_ =	task.clear_ibuf [dreg:s7], $0x5FFFF;
	_ =	strace $0x90000046  }
0xb2: {  	s29 =	simm.s32 $0x9;
	_ =	strace $0x80000048  }
0xb3: {  	_ =	swait.ge [sflag:s29], $0x1  }
0xb4: {  	[sflag:s29] =	ssyncadd.s32 $0xFFFFFFFF  }
0xb5: {  	_ =	strace $0x90000048  }
0xb6: {  	_ =	sfence  }
0xb7: {  	s30 =	sld [smem:$0x0];
	_ =	sdelay $0x2  }
0xb8: {  	s31 =	sshll.u32 s1, $0xD;
	s1 =	sshrl.u32 s1, $0x2  }
0xb9: {  	s3 =	sand.u32 $0x4000, s31;
	s1 =	sadd.s32 s1, s30  }
0xba: {  	s0 =	sor.u32 s3, s0;
	s1 =	sshll.u32 s1, $0x11  }
0xbb: {  	s0 =	sor.u32 s1, s0  }
0xbc: {  	s0 =	sadd.s32 $0x8F2B, s0  }
0xbd: {  	[sflag:s0] =	ssyncadd.remote.s32 $0x1  }
0xbe: {  	_ =	sfence.sel $0xFFFF  }
0xbf: {  	[dreg:$0x0] =	wrdreg $0xFFFFFFFF;
	(pc) =	sbr.abs _section_cstart, $3  }
0xc0: {  	[dreg:$0x1] =	wrdreg $0xFFFFFFFF  }
0xc1: {  	_ =	task.clear_ibuf [dreg:s7], $0x2FFFF;
	_ =	strace $0x9FFFFFFF  }
0xc2: {  	(tm) =	ssettm $0x7FFFFFFF  }
0xc3: {  	_ =	shalt  }
tec
execute0_lowered:
.L_overlay_start_1:
0x0: {  	(tag) =	ssettag $0x1  }
0x1: {  	v0 =	vimm.s32 $0xEFCDAB89;
	v1 =	vimm.s32 $0x67452301;
	v2 =	vimm.s32 $0xDCFE98BA  }
0x2: {  	v3 =	vimm.s32 $0x54761032;
	v4 =	vimm.s32 $0xBA98FEDC;
	v5 =	vimm.s32 $0x32107654  }
0x3: {  	s3 =	rddreg [dreg:$0x0];
	v0 =	vunpack.c.l.s4.s8 v0;
	v1 =	vunpack.c.l.s4.s8 v1;
	v2 =	vunpack.c.l.s4.s8 v2  }
0x4: {  	s4 =	rddreg [dreg:$0x1];
	s2 =	srdreg.scid;
	v3 =	vunpack.c.l.s4.s8 v3;
	v4 =	vunpack.c.l.s4.s8 v4;
	v5 =	vunpack.c.l.s4.s8 v5  }
0x5: {  	s0 =	rddreg [dreg:$0x2];
	s1 =	stileid.u32;
	s5 =	sand.u32 $0x1, s2;
	v0 =	vunpack.c.0.s8.s32 v0;
	v1 =	vunpack.c.0.s8.s32 v1;
	v2 =	vunpack.c.0.s8.s32 v2  }
0x6: {  	s2 =	simm.s32 $0x0;
	s6 =	sshll.u32 s1, $0x7;
	s7 =	sshll.u32 s5, $0x6;
	v3 =	vunpack.c.0.s8.s32 v3;
	v4 =	vunpack.c.0.s8.s32 v4;
	v5 =	vunpack.c.0.s8.s32 v5  }
0x7: {  	[smem:$0x7FF] =	sst s2;
	s5 =	ssub.s32 $0x2, s5;
	s6 =	sor.u32 s7, s6;
	v0 =	vcombine.low v1, v0  }
0x8: {  	_ =	strace $0x80000047;
	s31 =	sshrl.u32 s5, $0x1;
	s7 =	simm.s32 $0x200;
	v1 =	vcombine.low v3, v2;
	v2 =	vcombine.low v5, v4;
	v3 =	vlaneseq.u32  }
0x9: {  	s4 =	sadd.s32 s6, s4;
	s5 =	ssub.s32 s5, s31;
	s3 =	sadd.s32 s3, s6;
	v60 =	vand.u32 $0x7, v3  }
0xa: {  	s6 =	simm.s32 $0x1;
	s4 =	sadd.s32 $0x1200, s4;
	s5 =	smax.u32 s5, $0x1;
	v0 =	vand.u32 $0xF, v0;
	v1 =	vand.u32 $0xF, v1;
	v2 =	vand.u32 $0xF, v2  }
.LBB2_1:
0xb: {  	[tilespmem:s2], [sflag:$0x1] =	stream.linear.gather [hbm4b:s3+s2], $0x200, $0x38;
	[tilespmem:$0x400] =	vst v63  }
0xc: {  	_ =	swait.ge [sflag:s6], $0x200  }
0xd: {  	[sflag:s6] =	ssyncset.done $0x0  }
0xe: {  	[sflag:s6] =	ssyncadd.s32 $0xFFFFFE00  }
0xf: {  	v4 =	vld [tilespmem:$0x0];
	_ =	sdelay $0x4  }
0x10: {  	v5 =	vperm.xlane v4, v0;
	_ =	sdelay $0x1  }
0x11: {  	v5 =	vmax.f32 v4, v5  }
0x12: {  	v6 =	vperm.xlane v5, v1;
	_ =	sdelay $0x1  }
0x13: {  	v5 =	vmax.f32 v5, v6  }
0x14: {  	v6 =	vperm.xlane v5, v2;
	_ =	sdelay $0x1  }
0x15: {  	v5 =	vmax.f32 v5, v6  }
0x16: {  	v4 =	vsub.f32 v4, v5;
	_ =	sdelay $0x1  }
0x17: {  	v4 =	vmul.f32 $1.442695020e+00, v4;
	_ =	sdelay $0x1  }
0x18: {  	(erf) = vpow2.f32 v4;
	_ =	sdelay $0x8  }
0x19: {  	v4 =	vpop (erf)  }
0x1a: {  	v22 =	vperm.xlane v4, v0;
	_ =	sdelay $0x1  }
0x1b: {  	v5 =	vadd.f32 v4, v22;
	_ =	sdelay $0x1  }
0x1c: {  	v23 =	vperm.xlane v5, v1;
	_ =	sdelay $0x1  }
0x1d: {  	v5 =	vadd.f32 v5, v23;
	_ =	sdelay $0x1  }
0x1e: {  	v6 =	vperm.xlane v5, v2;
	_ =	sdelay $0x1  }
0x1f: {  	v5 =	vadd.f32 v5, v6;
	_ =	sdelay $0x1  }
0x20: {  	(erf) = vrcp.f32 v5;
	_ =	sdelay $0x8  }
0x21: {  	v5 =	vpop (erf)  }
0x22: {  	v4 =	vmul.f32 v5, v4;
	_ =	sdelay $0x1  }
0x23: {  	v5 =	vperm.xlane v4, v0;
	_ =	sdelay $0x1  }
0x24: {  	v5 =	vmax.f32 v4, v5  }
0x25: {  	v24 =	vperm.xlane v5, v1;
	_ =	sdelay $0x1  }
0x26: {  	v5 =	vmax.f32 v5, v24  }
0x27: {  	v6 =	vperm.xlane v5, v2;
	_ =	sdelay $0x1  }
0x28: {  	v14 =	vmax.f32 v5, v6  }
0x29: {  	vm0 =	vge.f32 v4, v14  }
0x2a: {  	v25 =	vnsel vm0, $0x8, v60  }
0x2b: {  	v26 =	vperm.xlane v25, v0;
	_ =	sdelay $0x1  }
0x2c: {  	vm0 =	vlt.s32 v25, v26  }
0x2d: {  	v5 =	vsel vm0, v25, v26  }
0x2e: {  	v6 =	vperm.xlane v5, v1;
	_ =	sdelay $0x1  }
0x2f: {  	vm0 =	vlt.s32 v5, v6  }
0x30: {  	v5 =	vsel vm0, v5, v6  }
0x31: {  	v6 =	vperm.xlane v5, v2;
	_ =	sdelay $0x1  }
0x32: {  	v7 =	vld [tilespmem:$0x10];
	vm0 =	vlt.s32 v5, v6  }
0x33: {  	v5 =	vsel vm0, v5, v6  }
0x34: {  	vm2 =	veq.s32 v5, v60  }
0x35: {  	v10 =	vsel vm2, $0xBF800000, v4  }
0x36: {  	v4 =	vperm.xlane v10, v0  }
0x37: {  	v27 =	vperm.xlane v7, v0  }
0x38: {  	v4 =	vmax.f32 v10, v4  }
0x39: {  	v5 =	vmax.f32 v7, v27;
	v28 =	vperm.xlane v4, v1  }
0x3a: {  	v8 =	vperm.xlane v5, v1  }
0x3b: {  	v4 =	vmax.f32 v4, v28  }
0x3c: {  	v5 =	vmax.f32 v5, v8;
	v6 =	vperm.xlane v4, v2  }
0x3d: {  	v8 =	vperm.xlane v5, v2  }
0x3e: {  	v15 =	vmax.f32 v4, v6  }
0x3f: {  	v5 =	vmax.f32 v5, v8;
	v4 =	vadd.f32 v15, v14  }
0x40: {  	v5 =	vsub.f32 v7, v5  }
0x41: {  	v4 =	vadd.f32 $9.999999970e-07, v4  }
0x42: {  	v5 =	vmul.f32 $1.442695020e+00, v5  }
0x43: {  	(erf) = vrcp.f32 v4  }
0x44: {  	(erf) = vpow2.f32 v5;
	_ =	sdelay $0x7  }
0x45: {  	v3 =	vpop (erf)  }
0x46: {  	v29 =	vpop (erf)  }
0x47: {  	v30 =	vperm.xlane v29, v0;
	_ =	sdelay $0x1  }
0x48: {  	v5 =	vadd.f32 v29, v30;
	_ =	sdelay $0x1  }
0x49: {  	v31 =	vperm.xlane v5, v1;
	_ =	sdelay $0x1  }
0x4a: {  	v5 =	vadd.f32 v5, v31;
	_ =	sdelay $0x1  }
0x4b: {  	v6 =	vperm.xlane v5, v2;
	_ =	sdelay $0x1  }
0x4c: {  	v5 =	vadd.f32 v5, v6;
	_ =	sdelay $0x1  }
0x4d: {  	(erf) = vrcp.f32 v5;
	_ =	sdelay $0x8  }
0x4e: {  	v5 =	vpop (erf)  }
0x4f: {  	v4 =	vmul.f32 v5, v29;
	_ =	sdelay $0x1  }
0x50: {  	v5 =	vperm.xlane v4, v0;
	_ =	sdelay $0x1  }
0x51: {  	v5 =	vmax.f32 v4, v5  }
0x52: {  	v32 =	vperm.xlane v5, v1;
	_ =	sdelay $0x1  }
0x53: {  	v5 =	vmax.f32 v5, v32  }
0x54: {  	v6 =	vperm.xlane v5, v2;
	_ =	sdelay $0x1  }
0x55: {  	v24 =	vmax.f32 v5, v6  }
0x56: {  	vm14 =	vge.f32 v4, v24  }
0x57: {  	v33 =	vnsel vm14, $0x8, v60  }
0x58: {  	v34 =	vperm.xlane v33, v0;
	_ =	sdelay $0x1  }
0x59: {  	vm0 =	vlt.s32 v33, v34  }
0x5a: {  	v5 =	vsel vm0, v33, v34  }
0x5b: {  	v6 =	vperm.xlane v5, v1;
	_ =	sdelay $0x1  }
0x5c: {  	vm0 =	vlt.s32 v5, v6  }
0x5d: {  	v5 =	vsel vm0, v5, v6  }
0x5e: {  	v6 =	vperm.xlane v5, v2;
	_ =	sdelay $0x1  }
0x5f: {  	v35 =	vld [tilespmem:$0x20];
	vm0 =	vlt.s32 v5, v6  }
0x60: {  	v5 =	vsel vm0, v5, v6  }
0x61: {  	vm3 =	veq.s32 v5, v60  }
0x62: {  	v13 =	vsel vm3, $0xBF800000, v4  }
0x63: {  	v4 =	vperm.xlane v13, v0  }
0x64: {  	v36 =	vperm.xlane v35, v0  }
0x65: {  	v4 =	vmax.f32 v13, v4  }
0x66: {  	v5 =	vmax.f32 v35, v36;
	v37 =	vperm.xlane v4, v1  }
0x67: {  	v38 =	vperm.xlane v5, v1  }
0x68: {  	v4 =	vmax.f32 v4, v37  }
0x69: {  	v5 =	vmax.f32 v5, v38;
	v6 =	vperm.xlane v4, v2  }
0x6a: {  	v8 =	vperm.xlane v5, v2  }
0x6b: {  	v31 =	vmax.f32 v4, v6  }
0x6c: {  	v5 =	vmax.f32 v5, v8;
	v4 =	vadd.f32 v31, v24  }
0x6d: {  	v5 =	vsub.f32 v35, v5  }
0x6e: {  	v4 =	vadd.f32 $9.999999970e-07, v4  }
0x6f: {  	v5 =	vmul.f32 $1.442695020e+00, v5  }
0x70: {  	(erf) = vrcp.f32 v4  }
0x71: {  	(erf) = vpow2.f32 v5;
	_ =	sdelay $0x7  }
0x72: {  	[tilespmem:$0x1FC80] =	vst v3;
	v3 =	vpop (erf)  }
0x73: {  	v39 =	vpop (erf)  }
0x74: {  	v40 =	vperm.xlane v39, v0;
	_ =	sdelay $0x1  }
0x75: {  	v5 =	vadd.f32 v39, v40;
	_ =	sdelay $0x1  }
0x76: {  	v41 =	vperm.xlane v5, v1;
	_ =	sdelay $0x1  }
0x77: {  	v5 =	vadd.f32 v5, v41;
	_ =	sdelay $0x1  }
0x78: {  	v6 =	vperm.xlane v5, v2;
	_ =	sdelay $0x1  }
0x79: {  	v5 =	vadd.f32 v5, v6;
	_ =	sdelay $0x1  }
0x7a: {  	(erf) = vrcp.f32 v5;
	_ =	sdelay $0x8  }
0x7b: {  	v5 =	vpop (erf)  }
0x7c: {  	v4 =	vmul.f32 v5, v39;
	_ =	sdelay $0x1  }
0x7d: {  	v5 =	vperm.xlane v4, v0;
	_ =	sdelay $0x1  }
0x7e: {  	v5 =	vmax.f32 v4, v5  }
0x7f: {  	v42 =	vperm.xlane v5, v1;
	_ =	sdelay $0x1  }
0x80: {  	v5 =	vmax.f32 v5, v42  }
0x81: {  	v6 =	vperm.xlane v5, v2;
	_ =	sdelay $0x1  }
0x82: {  	v47 =	vmax.f32 v5, v6  }
0x83: {  	vm15 =	vge.f32 v4, v47  }
0x84: {  	v43 =	vnsel vm15, $0x8, v60  }
0x85: {  	v44 =	vperm.xlane v43, v0;
	_ =	sdelay $0x1  }
0x86: {  	vm0 =	vlt.s32 v43, v44  }
0x87: {  	v5 =	vsel vm0, v43, v44  }
0x88: {  	v6 =	vperm.xlane v5, v1;
	_ =	sdelay $0x1  }
0x89: {  	vm0 =	vlt.s32 v5, v6  }
0x8a: {  	v5 =	vsel vm0, v5, v6  }
0x8b: {  	v6 =	vperm.xlane v5, v2;
	_ =	sdelay $0x1  }
0x8c: {  	v45 =	vld [tilespmem:$0x30];
	vm0 =	vlt.s32 v5, v6  }
0x8d: {  	v5 =	vsel vm0, v5, v6  }
0x8e: {  	vm0 =	veq.s32 v5, v60  }
0x8f: {  	v63 =	vsel vm0, $0xBF800000, v4  }
0x90: {  	v4 =	vperm.xlane v63, v0  }
0x91: {  	v46 =	vperm.xlane v45, v0  }
0x92: {  	v4 =	vmax.f32 v63, v4  }
0x93: {  	v5 =	vmax.f32 v45, v46;
	v48 =	vperm.xlane v4, v1  }
0x94: {  	v49 =	vperm.xlane v5, v1  }
0x95: {  	v4 =	vmax.f32 v4, v48  }
0x96: {  	v5 =	vmax.f32 v5, v49;
	v6 =	vperm.xlane v4, v2  }
0x97: {  	v8 =	vperm.xlane v5, v2  }
0x98: {  	v41 =	vmax.f32 v4, v6  }
0x99: {  	v5 =	vmax.f32 v5, v8;
	v4 =	vadd.f32 v41, v47  }
0x9a: {  	v5 =	vsub.f32 v45, v5  }
0x9b: {  	v4 =	vadd.f32 $9.999999970e-07, v4  }
0x9c: {  	v5 =	vmul.f32 $1.442695020e+00, v5  }
0x9d: {  	(erf) = vrcp.f32 v4  }
0x9e: {  	(erf) = vpow2.f32 v5;
	_ =	sdelay $0x3  }
0x9f: {  	[tilespmem:$0x1FC90] =	vst v3;
	v3 =	vimm.s32 $0x0  }
0xa0: {  	v3 =	vsel vm0, $0xFFFFFFFF, v3;
	_ =	sdelay $0x2  }
0xa1: {  	[tilespmem:$0x1F990] =	vst v3;
	v3 =	vpop (erf)  }
0xa2: {  	v50 =	vpop (erf)  }
0xa3: {  	v51 =	vperm.xlane v50, v0;
	_ =	sdelay $0x1  }
0xa4: {  	v5 =	vadd.f32 v50, v51;
	_ =	sdelay $0x1  }
0xa5: {  	v52 =	vperm.xlane v5, v1;
	_ =	sdelay $0x1  }
0xa6: {  	v5 =	vadd.f32 v5, v52;
	_ =	sdelay $0x1  }
0xa7: {  	v6 =	vperm.xlane v5, v2;
	_ =	sdelay $0x1  }
0xa8: {  	v5 =	vadd.f32 v5, v6;
	_ =	sdelay $0x1  }
0xa9: {  	(erf) = vrcp.f32 v5;
	_ =	sdelay $0x8  }
0xaa: {  	v5 =	vpop (erf)  }
0xab: {  	v4 =	vmul.f32 v5, v50;
	_ =	sdelay $0x1  }
0xac: {  	v5 =	vperm.xlane v4, v0;
	_ =	sdelay $0x1  }
0xad: {  	v5 =	vmax.f32 v4, v5  }
0xae: {  	v53 =	vperm.xlane v5, v1;
	_ =	sdelay $0x1  }
0xaf: {  	v5 =	vmax.f32 v5, v53  }
0xb0: {  	v6 =	vperm.xlane v5, v2;
	_ =	sdelay $0x1  }
0xb1: {  	v12 =	vmax.f32 v5, v6  }
0xb2: {  	vm4 =	vge.f32 v4, v12  }
0xb3: {  	v54 =	vnsel vm4, $0x8, v60  }
0xb4: {  	v55 =	vperm.xlane v54, v0;
	_ =	sdelay $0x1  }
0xb5: {  	vm0 =	vlt.s32 v54, v55  }
0xb6: {  	v5 =	vsel vm0, v54, v55  }
0xb7: {  	v6 =	vperm.xlane v5, v1;
	_ =	sdelay $0x1  }
0xb8: {  	vm0 =	vlt.s32 v5, v6  }
0xb9: {  	v5 =	vsel vm0, v5, v6  }
0xba: {  	v6 =	vperm.xlane v5, v2;
	_ =	sdelay $0x1  }
0xbb: {  	v56 =	vld [tilespmem:$0x40];
	vm0 =	vlt.s32 v5, v6  }
0xbc: {  	v5 =	vsel vm0, v5, v6  }
0xbd: {  	vm0 =	veq.s32 v5, v60  }
0xbe: {  	v62 =	vsel vm0, $0xBF800000, v4  }
0xbf: {  	v4 =	vperm.xlane v62, v0  }
0xc0: {  	v57 =	vperm.xlane v56, v0  }
0xc1: {  	v4 =	vmax.f32 v62, v4  }
0xc2: {  	v5 =	vmax.f32 v56, v57;
	v58 =	vperm.xlane v4, v1  }
0xc3: {  	v59 =	vperm.xlane v5, v1  }
0xc4: {  	v4 =	vmax.f32 v4, v58  }
0xc5: {  	v5 =	vmax.f32 v5, v59;
	v6 =	vperm.xlane v4, v2  }
0xc6: {  	v8 =	vperm.xlane v5, v2  }
0xc7: {  	v40 =	vmax.f32 v4, v6  }
0xc8: {  	v5 =	vmax.f32 v5, v8;
	v4 =	vadd.f32 v40, v12  }
0xc9: {  	v5 =	vsub.f32 v56, v5  }
0xca: {  	v4 =	vadd.f32 $9.999999970e-07, v4  }
0xcb: {  	v5 =	vmul.f32 $1.442695020e+00, v5  }
0xcc: {  	(erf) = vrcp.f32 v4  }
0xcd: {  	(erf) = vpow2.f32 v5;
	_ =	sdelay $0x3  }
0xce: {  	[tilespmem:$0x1FCA0] =	vst v3;
	v3 =	vimm.s32 $0x0  }
0xcf: {  	v3 =	vsel vm0, $0xFFFFFFFF, v3;
	_ =	sdelay $0x2  }
0xd0: {  	[tilespmem:$0x1F9B0] =	vst v3;
	v3 =	vpop (erf)  }
0xd1: {  	v61 =	vpop (erf)  }
0xd2: {  	v8 =	vperm.xlane v61, v0;
	_ =	sdelay $0x1  }
0xd3: {  	v5 =	vadd.f32 v61, v8;
	_ =	sdelay $0x1  }
0xd4: {  	v9 =	vperm.xlane v5, v1;
	_ =	sdelay $0x1  }
0xd5: {  	v5 =	vadd.f32 v5, v9;
	_ =	sdelay $0x1  }
0xd6: {  	v6 =	vperm.xlane v5, v2;
	_ =	sdelay $0x1  }
0xd7: {  	v5 =	vadd.f32 v5, v6;
	_ =	sdelay $0x1  }
0xd8: {  	(erf) = vrcp.f32 v5;
	_ =	sdelay $0x8  }
0xd9: {  	v5 =	vpop (erf)  }
0xda: {  	v4 =	vmul.f32 v5, v61;
	_ =	sdelay $0x1  }
0xdb: {  	v5 =	vperm.xlane v4, v0;
	_ =	sdelay $0x1  }
0xdc: {  	v5 =	vmax.f32 v4, v5  }
0xdd: {  	v11 =	vperm.xlane v5, v1;
	_ =	sdelay $0x1  }
0xde: {  	v5 =	vmax.f32 v5, v11  }
0xdf: {  	v6 =	vperm.xlane v5, v2;
	_ =	sdelay $0x1  }
0xe0: {  	v44 =	vmax.f32 v5, v6  }
0xe1: {  	vm5 =	vge.f32 v4, v44  }
0xe2: {  	v16 =	vnsel vm5, $0x8, v60  }
0xe3: {  	v17 =	vperm.xlane v16, v0;
	_ =	sdelay $0x1  }
0xe4: {  	vm0 =	vlt.s32 v16, v17  }
0xe5: {  	v5 =	vsel vm0, v16, v17  }
0xe6: {  	v6 =	vperm.xlane v5, v1;
	_ =	sdelay $0x1  }
0xe7: {  	vm0 =	vlt.s32 v5, v6  }
0xe8: {  	v5 =	vsel vm0, v5, v6  }
0xe9: {  	v6 =	vperm.xlane v5, v2;
	_ =	sdelay $0x1  }
0xea: {  	v18 =	vld [tilespmem:$0x50];
	vm0 =	vlt.s32 v5, v6  }
0xeb: {  	v5 =	vsel vm0, v5, v6  }
0xec: {  	vm0 =	veq.s32 v5, v60  }
0xed: {  	v52 =	vsel vm0, $0xBF800000, v4  }
0xee: {  	v4 =	vperm.xlane v52, v0  }
0xef: {  	v19 =	vperm.xlane v18, v0  }
0xf0: {  	v4 =	vmax.f32 v52, v4  }
0xf1: {  	v5 =	vmax.f32 v18, v19;
	v20 =	vperm.xlane v4, v1  }
0xf2: {  	v21 =	vperm.xlane v5, v1  }
0xf3: {  	v4 =	vmax.f32 v4, v20  }
0xf4: {  	v5 =	vmax.f32 v5, v21;
	v6 =	vperm.xlane v4, v2  }
0xf5: {  	v8 =	vperm.xlane v5, v2  }
0xf6: {  	v45 =	vmax.f32 v4, v6  }
0xf7: {  	v5 =	vmax.f32 v5, v8;
	v4 =	vadd.f32 v45, v44  }
0xf8: {  	v5 =	vsub.f32 v18, v5  }
0xf9: {  	v4 =	vadd.f32 $9.999999970e-07, v4  }
0xfa: {  	v5 =	vmul.f32 $1.442695020e+00, v5  }
0xfb: {  	(erf) = vrcp.f32 v4  }
0xfc: {  	(erf) = vpow2.f32 v5;
	_ =	sdelay $0x3  }
0xfd: {  	[tilespmem:$0x1FD00] =	vst v3;
	v3 =	vimm.s32 $0x0  }
0xfe: {  	v3 =	vsel vm0, $0xFFFFFFFF, v3;
	_ =	sdelay $0x2  }
0xff: {  	[tilespmem:$0x1F9C0] =	vst v3;
	v3 =	vpop (erf)  }
0x100: {  	v22 =	vpop (erf)  }
0x101: {  	v23 =	vperm.xlane v22, v0;
	_ =	sdelay $0x1  }
0x102: {  	v5 =	vadd.f32 v22, v23;
	_ =	sdelay $0x1  }
0x103: {  	v25 =	vperm.xlane v5, v1;
	_ =	sdelay $0x1  }
0x104: {  	v5 =	vadd.f32 v5, v25;
	_ =	sdelay $0x1  }
0x105: {  	v6 =	vperm.xlane v5, v2;
	_ =	sdelay $0x1  }
0x106: {  	v5 =	vadd.f32 v5, v6;
	_ =	sdelay $0x1  }
0x107: {  	(erf) = vrcp.f32 v5;
	_ =	sdelay $0x8  }
0x108: {  	v5 =	vpop (erf)  }
0x109: {  	v4 =	vmul.f32 v5, v22;
	_ =	sdelay $0x1  }
0x10a: {  	v5 =	vperm.xlane v4, v0;
	_ =	sdelay $0x1  }
0x10b: {  	v5 =	vmax.f32 v4, v5  }
0x10c: {  	v26 =	vperm.xlane v5, v1;
	_ =	sdelay $0x1  }
0x10d: {  	v5 =	vmax.f32 v5, v26  }
0x10e: {  	v6 =	vperm.xlane v5, v2;
	_ =	sdelay $0x1  }
0x10f: {  	v46 =	vmax.f32 v5, v6  }
0x110: {  	vm6 =	vge.f32 v4, v46  }
0x111: {  	v27 =	vnsel vm6, $0x8, v60  }
0x112: {  	v28 =	vperm.xlane v27, v0;
	_ =	sdelay $0x1  }
0x113: {  	vm0 =	vlt.s32 v27, v28  }
0x114: {  	v5 =	vsel vm0, v27, v28  }
0x115: {  	v6 =	vperm.xlane v5, v1;
	_ =	sdelay $0x1  }
0x116: {  	vm0 =	vlt.s32 v5, v6  }
0x117: {  	v5 =	vsel vm0, v5, v6  }
0x118: {  	v6 =	vperm.xlane v5, v2;
	_ =	sdelay $0x1  }
0x119: {  	vm0 =	vlt.s32 v5, v6  }
0x11a: {  	v29 =	vld [tilespmem:$0x60];
	v5 =	vsel vm0, v5, v6  }
0x11b: {  	[tilespmem:$0x1FD10] =	vst v3;
	v3 =	vimm.s32 $0x0;
	vm0 =	veq.s32 v5, v60  }
0x11c: {  	v3 =	vsel vm0, $0xFFFFFFFF, v3  }
0x11d: {  	[tilespmem:$0x1F9D0] =	vst v3;
	v3 =	vsel vm0, $0xBF800000, v4  }
0x11e: {  	v4 =	vperm.xlane v3, v0  }
0x11f: {  	v30 =	vperm.xlane v29, v0  }
0x120: {  	v4 =	vmax.f32 v3, v4  }
0x121: {  	v5 =	vmax.f32 v29, v30;
	v32 =	vperm.xlane v4, v1  }
0x122: {  	v33 =	vperm.xlane v5, v1  }
0x123: {  	v4 =	vmax.f32 v4, v32  }
0x124: {  	v5 =	vmax.f32 v5, v33;
	v6 =	vperm.xlane v4, v2  }
0x125: {  	v8 =	vperm.xlane v5, v2  }
0x126: {  	v36 =	vmax.f32 v4, v6  }
0x127: {  	v5 =	vmax.f32 v5, v8;
	v4 =	vadd.f32 v36, v46  }
0x128: {  	v5 =	vsub.f32 v29, v5  }
0x129: {  	v4 =	vadd.f32 $9.999999970e-07, v4  }
0x12a: {  	v5 =	vmul.f32 $1.442695020e+00, v5  }
0x12b: {  	(erf) = vrcp.f32 v4  }
0x12c: {  	(erf) = vpow2.f32 v5;
	_ =	sdelay $0x7  }
0x12d: {  	[tilespmem:$0x1F9A0] =	vst v3;
	v3 =	vpop (erf)  }
0x12e: {  	v34 =	vpop (erf)  }
0x12f: {  	v35 =	vperm.xlane v34, v0;
	_ =	sdelay $0x1  }
0x130: {  	v5 =	vadd.f32 v34, v35;
	_ =	sdelay $0x1  }
0x131: {  	v37 =	vperm.xlane v5, v1;
	_ =	sdelay $0x1  }
0x132: {  	v5 =	vadd.f32 v5, v37;
	_ =	sdelay $0x1  }
0x133: {  	v6 =	vperm.xlane v5, v2;
	_ =	sdelay $0x1  }
0x134: {  	v5 =	vadd.f32 v5, v6;
	_ =	sdelay $0x1  }
0x135: {  	(erf) = vrcp.f32 v5;
	_ =	sdelay $0x8  }
0x136: {  	v5 =	vpop (erf)  }
0x137: {  	v4 =	vmul.f32 v5, v34;
	_ =	sdelay $0x1  }
0x138: {  	v5 =	vperm.xlane v4, v0;
	_ =	sdelay $0x1  }
0x139: {  	v5 =	vmax.f32 v4, v5  }
0x13a: {  	v38 =	vperm.xlane v5, v1;
	_ =	sdelay $0x1  }
0x13b: {  	v5 =	vmax.f32 v5, v38  }
0x13c: {  	v6 =	vperm.xlane v5, v2;
	_ =	sdelay $0x1  }
0x13d: {  	[tilespmem:$0x1FD20] =	vst v3;
	v3 =	vmax.f32 v5, v6  }
0x13e: {  	vm7 =	vge.f32 v4, v3  }
0x13f: {  	v39 =	vnsel vm7, $0x8, v60  }
0x140: {  	v42 =	vperm.xlane v39, v0;
	_ =	sdelay $0x1  }
0x141: {  	vm0 =	vlt.s32 v39, v42  }
0x142: {  	v5 =	vsel vm0, v39, v42  }
0x143: {  	v6 =	vperm.xlane v5, v1;
	_ =	sdelay $0x1  }
0x144: {  	vm0 =	vlt.s32 v5, v6  }
0x145: {  	v5 =	vsel vm0, v5, v6  }
0x146: {  	v6 =	vperm.xlane v5, v2;
	_ =	sdelay $0x1  }
0x147: {  	v43 =	vld [tilespmem:$0x70];
	vm0 =	vlt.s32 v5, v6  }
0x148: {  	v5 =	vsel vm0, v5, v6  }
0x149: {  	v51 =	vimm.s32 $0x0;
	vm0 =	veq.s32 v5, v60  }
0x14a: {  	v5 =	vsel vm0, $0xFFFFFFFF, v51;
	v51 =	vsel vm0, $0xBF800000, v4  }
0x14b: {  	v4 =	vperm.xlane v51, v0  }
0x14c: {  	v53 =	vperm.xlane v43, v0  }
0x14d: {  	v4 =	vmax.f32 v51, v4  }
0x14e: {  	[tilespmem:$0x1FA40] =	vst v5;
	v5 =	vmax.f32 v43, v53;
	v54 =	vperm.xlane v4, v1  }
0x14f: {  	v55 =	vperm.xlane v5, v1  }
0x150: {  	v4 =	vmax.f32 v4, v54  }
0x151: {  	v5 =	vmax.f32 v5, v55;
	v6 =	vperm.xlane v4, v2  }
0x152: {  	v8 =	vperm.xlane v5, v2  }
0x153: {  	v28 =	vmax.f32 v4, v6  }
0x154: {  	v5 =	vmax.f32 v5, v8;
	v4 =	vadd.f32 v28, v3  }
0x155: {  	v5 =	vsub.f32 v43, v5  }
0x156: {  	v4 =	vadd.f32 $9.999999970e-07, v4  }
0x157: {  	v5 =	vmul.f32 $1.442695020e+00, v5  }
0x158: {  	(erf) = vrcp.f32 v4  }
0x159: {  	(erf) = vpow2.f32 v5;
	_ =	sdelay $0x7  }
0x15a: {  	[tilespmem:$0x1FA50] =	vst v3;
	v3 =	vpop (erf)  }
0x15b: {  	v56 =	vpop (erf)  }
0x15c: {  	v57 =	vperm.xlane v56, v0;
	_ =	sdelay $0x1  }
0x15d: {  	v5 =	vadd.f32 v56, v57;
	_ =	sdelay $0x1  }
0x15e: {  	v58 =	vperm.xlane v5, v1;
	_ =	sdelay $0x1  }
0x15f: {  	v5 =	vadd.f32 v5, v58;
	_ =	sdelay $0x1  }
0x160: {  	v6 =	vperm.xlane v5, v2;
	_ =	sdelay $0x1  }
0x161: {  	v5 =	vadd.f32 v5, v6;
	_ =	sdelay $0x1  }
0x162: {  	(erf) = vrcp.f32 v5;
	_ =	sdelay $0x8  }
0x163: {  	v5 =	vpop (erf)  }
0x164: {  	v4 =	vmul.f32 v5, v56;
	_ =	sdelay $0x1  }
0x165: {  	v5 =	vperm.xlane v4, v0;
	_ =	sdelay $0x1  }
0x166: {  	v5 =	vmax.f32 v4, v5  }
0x167: {  	v59 =	vperm.xlane v5, v1;
	_ =	sdelay $0x1  }
0x168: {  	v5 =	vmax.f32 v5, v59  }
0x169: {  	v6 =	vperm.xlane v5, v2;
	_ =	sdelay $0x1  }
0x16a: {  	v9 =	vmax.f32 v5, v6  }
0x16b: {  	vm8 =	vge.f32 v4, v9  }
0x16c: {  	v61 =	vnsel vm8, $0x8, v60  }
0x16d: {  	v11 =	vperm.xlane v61, v0;
	_ =	sdelay $0x1  }
0x16e: {  	vm0 =	vlt.s32 v61, v11  }
0x16f: {  	v5 =	vsel vm0, v61, v11  }
0x170: {  	v6 =	vperm.xlane v5, v1;
	_ =	sdelay $0x1  }
0x171: {  	vm0 =	vlt.s32 v5, v6  }
0x172: {  	v5 =	vsel vm0, v5, v6  }
0x173: {  	v6 =	vperm.xlane v5, v2;
	_ =	sdelay $0x1  }
0x174: {  	vm0 =	vlt.s32 v5, v6  }
0x175: {  	v16 =	vld [tilespmem:$0x80];
	v5 =	vsel vm0, v5, v6  }
0x176: {  	[tilespmem:$0x1FD30] =	vst v3;
	v3 =	vimm.s32 $0x0;
	vm0 =	veq.s32 v5, v60  }
0x177: {  	v3 =	vsel vm0, $0xFFFFFFFF, v3  }
0x178: {  	[tilespmem:$0x1FA90] =	vst v3;
	v3 =	vsel vm0, $0xBF800000, v4  }
0x179: {  	v4 =	vperm.xlane v3, v0  }
0x17a: {  	v17 =	vperm.xlane v16, v0  }
0x17b: {  	v4 =	vmax.f32 v3, v4  }
0x17c: {  	v5 =	vmax.f32 v16, v17;
	v18 =	vperm.xlane v4, v1  }
0x17d: {  	v19 =	vperm.xlane v5, v1  }
0x17e: {  	v4 =	vmax.f32 v4, v18  }
0x17f: {  	v5 =	vmax.f32 v5, v19;
	v6 =	vperm.xlane v4, v2  }
0x180: {  	v8 =	vperm.xlane v5, v2  }
0x181: {  	v29 =	vmax.f32 v4, v6  }
0x182: {  	v5 =	vmax.f32 v5, v8;
	v4 =	vadd.f32 v29, v9  }
0x183: {  	v5 =	vsub.f32 v16, v5  }
0x184: {  	v4 =	vadd.f32 $9.999999970e-07, v4  }
0x185: {  	v5 =	vmul.f32 $1.442695020e+00, v5  }
0x186: {  	(erf) = vrcp.f32 v4  }
0x187: {  	(erf) = vpow2.f32 v5;
	_ =	sdelay $0x7  }
0x188: {  	v4 =	vpop (erf)  }
0x189: {  	v20 =	vpop (erf)  }
0x18a: {  	v21 =	vperm.xlane v20, v0;
	_ =	sdelay $0x1  }
0x18b: {  	v5 =	vadd.f32 v20, v21;
	_ =	sdelay $0x1  }
0x18c: {  	v22 =	vperm.xlane v5, v1;
	_ =	sdelay $0x1  }
0x18d: {  	v5 =	vadd.f32 v5, v22;
	_ =	sdelay $0x1  }
0x18e: {  	v6 =	vperm.xlane v5, v2;
	_ =	sdelay $0x1  }
0x18f: {  	v5 =	vadd.f32 v5, v6;
	_ =	sdelay $0x1  }
0x190: {  	(erf) = vrcp.f32 v5;
	_ =	sdelay $0x8  }
0x191: {  	v5 =	vpop (erf)  }
0x192: {  	[tilespmem:$0x1FD40] =	vst v4;
	v4 =	vmul.f32 v5, v20;
	_ =	sdelay $0x1  }
0x193: {  	v5 =	vperm.xlane v4, v0;
	_ =	sdelay $0x1  }
0x194: {  	v5 =	vmax.f32 v4, v5  }
0x195: {  	v23 =	vperm.xlane v5, v1;
	_ =	sdelay $0x1  }
0x196: {  	v5 =	vmax.f32 v5, v23  }
0x197: {  	v6 =	vperm.xlane v5, v2;
	_ =	sdelay $0x1  }
0x198: {  	v25 =	vmax.f32 v5, v6  }
0x199: {  	vm9 =	vge.f32 v4, v25  }
0x19a: {  	v26 =	vnsel vm9, $0x8, v60  }
0x19b: {  	v27 =	vperm.xlane v26, v0;
	_ =	sdelay $0x1  }
0x19c: {  	vm0 =	vlt.s32 v26, v27  }
0x19d: {  	v5 =	vsel vm0, v26, v27  }
0x19e: {  	v6 =	vperm.xlane v5, v1;
	_ =	sdelay $0x1  }
0x19f: {  	vm0 =	vlt.s32 v5, v6  }
0x1a0: {  	v5 =	vsel vm0, v5, v6  }
0x1a1: {  	v6 =	vperm.xlane v5, v2;
	_ =	sdelay $0x1  }
0x1a2: {  	v30 =	vld [tilespmem:$0x90];
	vm0 =	vlt.s32 v5, v6  }
0x1a3: {  	v5 =	vsel vm0, v5, v6  }
0x1a4: {  	vm0 =	veq.s32 v5, v60  }
0x1a5: {  	v58 =	vsel vm0, $0xBF800000, v4  }
0x1a6: {  	v4 =	vperm.xlane v58, v0  }
0x1a7: {  	v35 =	vimm.s32 $0x0;
	v37 =	vperm.xlane v30, v0  }
0x1a8: {  	v5 =	vsel vm0, $0xFFFFFFFF, v35;
	v4 =	vmax.f32 v58, v4  }
0x1a9: {  	[tilespmem:$0x1FAC0] =	vst v5;
	v5 =	vmax.f32 v30, v37;
	v38 =	vperm.xlane v4, v1  }
0x1aa: {  	v39 =	vperm.xlane v5, v1  }
0x1ab: {  	v4 =	vmax.f32 v4, v38  }
0x1ac: {  	v5 =	vmax.f32 v5, v39;
	v6 =	vperm.xlane v4, v2  }
0x1ad: {  	v8 =	vperm.xlane v5, v2  }
0x1ae: {  	v33 =	vmax.f32 v4, v6  }
0x1af: {  	v5 =	vmax.f32 v5, v8;
	v4 =	vadd.f32 v33, v25  }
0x1b0: {  	v5 =	vsub.f32 v30, v5  }
0x1b1: {  	v4 =	vadd.f32 $9.999999970e-07, v4  }
0x1b2: {  	v5 =	vmul.f32 $1.442695020e+00, v5  }
0x1b3: {  	(erf) = vrcp.f32 v4  }
0x1b4: {  	(erf) = vpow2.f32 v5;
	_ =	sdelay $0x7  }
0x1b5: {  	v4 =	vpop (erf)  }
0x1b6: {  	v42 =	vpop (erf)  }
0x1b7: {  	v43 =	vperm.xlane v42, v0;
	_ =	sdelay $0x1  }
0x1b8: {  	v5 =	vadd.f32 v42, v43;
	_ =	sdelay $0x1  }
0x1b9: {  	v48 =	vperm.xlane v5, v1;
	_ =	sdelay $0x1  }
0x1ba: {  	v5 =	vadd.f32 v5, v48;
	_ =	sdelay $0x1  }
0x1bb: {  	v6 =	vperm.xlane v5, v2;
	_ =	sdelay $0x1  }
0x1bc: {  	v5 =	vadd.f32 v5, v6;
	_ =	sdelay $0x1  }
0x1bd: {  	(erf) = vrcp.f32 v5;
	_ =	sdelay $0x8  }
0x1be: {  	v5 =	vpop (erf)  }
0x1bf: {  	[tilespmem:$0x1FD50] =	vst v4;
	v4 =	vmul.f32 v5, v42;
	_ =	sdelay $0x1  }
0x1c0: {  	v5 =	vperm.xlane v4, v0;
	_ =	sdelay $0x1  }
0x1c1: {  	v5 =	vmax.f32 v4, v5  }
0x1c2: {  	v49 =	vperm.xlane v5, v1;
	_ =	sdelay $0x1  }
0x1c3: {  	v5 =	vmax.f32 v5, v49  }
0x1c4: {  	v6 =	vperm.xlane v5, v2;
	_ =	sdelay $0x1  }
0x1c5: {  	v50 =	vmax.f32 v5, v6  }
0x1c6: {  	vm10 =	vge.f32 v4, v50  }
0x1c7: {  	v53 =	vnsel vm10, $0x8, v60  }
0x1c8: {  	v54 =	vperm.xlane v53, v0;
	_ =	sdelay $0x1  }
0x1c9: {  	vm0 =	vlt.s32 v53, v54  }
0x1ca: {  	v5 =	vsel vm0, v53, v54  }
0x1cb: {  	v6 =	vperm.xlane v5, v1;
	_ =	sdelay $0x1  }
0x1cc: {  	vm0 =	vlt.s32 v5, v6  }
0x1cd: {  	v5 =	vsel vm0, v5, v6  }
0x1ce: {  	v6 =	vperm.xlane v5, v2;
	_ =	sdelay $0x1  }
0x1cf: {  	v55 =	vld [tilespmem:$0xA0];
	vm0 =	vlt.s32 v5, v6  }
0x1d0: {  	v5 =	vsel vm0, v5, v6  }
0x1d1: {  	vm0 =	veq.s32 v5, v60  }
0x1d2: {  	v30 =	vsel vm0, $0xBF800000, v4  }
0x1d3: {  	v4 =	vperm.xlane v30, v0  }
0x1d4: {  	v57 =	vperm.xlane v55, v0;
	v56 =	vimm.s32 $0x0  }
0x1d5: {  	v5 =	vsel vm0, $0xFFFFFFFF, v56;
	v4 =	vmax.f32 v30, v4  }
0x1d6: {  	[tilespmem:$0x1FB00] =	vst v5;
	v5 =	vmax.f32 v55, v57;
	v59 =	vperm.xlane v4, v1  }
0x1d7: {  	v61 =	vperm.xlane v5, v1  }
0x1d8: {  	v4 =	vmax.f32 v4, v59  }
0x1d9: {  	v5 =	vmax.f32 v5, v61;
	v6 =	vperm.xlane v4, v2  }
0x1da: {  	v8 =	vperm.xlane v5, v2  }
0x1db: {  	v38 =	vmax.f32 v4, v6  }
0x1dc: {  	v5 =	vmax.f32 v5, v8;
	v4 =	vadd.f32 v38, v50  }
0x1dd: {  	v5 =	vsub.f32 v55, v5  }
0x1de: {  	v4 =	vadd.f32 $9.999999970e-07, v4  }
0x1df: {  	v5 =	vmul.f32 $1.442695020e+00, v5  }
0x1e0: {  	(erf) = vrcp.f32 v4  }
0x1e1: {  	(erf) = vpow2.f32 v5;
	_ =	sdelay $0x7  }
0x1e2: {  	v4 =	vpop (erf)  }
0x1e3: {  	v16 =	vpop (erf)  }
0x1e4: {  	v17 =	vperm.xlane v16, v0;
	_ =	sdelay $0x1  }
0x1e5: {  	v5 =	vadd.f32 v16, v17;
	_ =	sdelay $0x1  }
0x1e6: {  	v18 =	vperm.xlane v5, v1;
	_ =	sdelay $0x1  }
0x1e7: {  	v5 =	vadd.f32 v5, v18;
	_ =	sdelay $0x1  }
0x1e8: {  	v6 =	vperm.xlane v5, v2;
	_ =	sdelay $0x1  }
0x1e9: {  	v5 =	vadd.f32 v5, v6;
	_ =	sdelay $0x1  }
0x1ea: {  	(erf) = vrcp.f32 v5;
	_ =	sdelay $0x8  }
0x1eb: {  	v5 =	vpop (erf)  }
0x1ec: {  	[tilespmem:$0x1FD60] =	vst v4;
	v4 =	vmul.f32 v5, v16;
	_ =	sdelay $0x1  }
0x1ed: {  	v5 =	vperm.xlane v4, v0;
	_ =	sdelay $0x1  }
0x1ee: {  	v5 =	vmax.f32 v4, v5  }
0x1ef: {  	v19 =	vperm.xlane v5, v1;
	_ =	sdelay $0x1  }
0x1f0: {  	v5 =	vmax.f32 v5, v19  }
0x1f1: {  	v6 =	vperm.xlane v5, v2;
	_ =	sdelay $0x1  }
0x1f2: {  	v20 =	vmax.f32 v5, v6  }
0x1f3: {  	vm11 =	vge.f32 v4, v20  }
0x1f4: {  	v21 =	vnsel vm11, $0x8, v60  }
0x1f5: {  	v22 =	vperm.xlane v21, v0;
	_ =	sdelay $0x1  }
0x1f6: {  	vm0 =	vlt.s32 v21, v22  }
0x1f7: {  	v5 =	vsel vm0, v21, v22  }
0x1f8: {  	v6 =	vperm.xlane v5, v1;
	_ =	sdelay $0x1  }
0x1f9: {  	vm0 =	vlt.s32 v5, v6  }
0x1fa: {  	v5 =	vsel vm0, v5, v6  }
0x1fb: {  	v6 =	vperm.xlane v5, v2;
	_ =	sdelay $0x1  }
0x1fc: {  	v23 =	vld [tilespmem:$0xB0];
	vm0 =	vlt.s32 v5, v6  }
0x1fd: {  	v5 =	vsel vm0, v5, v6  }
0x1fe: {  	vm0 =	veq.s32 v5, v60  }
0x1ff: {  	v53 =	vsel vm0, $0xBF800000, v4  }
0x200: {  	v4 =	vperm.xlane v53, v0  }
0x201: {  	[tilespmem:$0x1FAD0] =	vst v25;
	v26 =	vperm.xlane v23, v0;
	v25 =	vimm.s32 $0x0  }
0x202: {  	v5 =	vsel vm0, $0xFFFFFFFF, v25;
	v4 =	vmax.f32 v53, v4  }
0x203: {  	[tilespmem:$0x1FB40] =	vst v5;
	v5 =	vmax.f32 v23, v26;
	v27 =	vperm.xlane v4, v1  }
0x204: {  	v32 =	vperm.xlane v5, v1  }
0x205: {  	v4 =	vmax.f32 v4, v27  }
0x206: {  	v5 =	vmax.f32 v5, v32;
	v6 =	vperm.xlane v4, v2  }
0x207: {  	v8 =	vperm.xlane v5, v2  }
0x208: {  	v43 =	vmax.f32 v4, v6  }
0x209: {  	v5 =	vmax.f32 v5, v8;
	v4 =	vadd.f32 v43, v20  }
0x20a: {  	v5 =	vsub.f32 v23, v5  }
0x20b: {  	v4 =	vadd.f32 $9.999999970e-07, v4  }
0x20c: {  	v5 =	vmul.f32 $1.442695020e+00, v5  }
0x20d: {  	(erf) = vrcp.f32 v4  }
0x20e: {  	(erf) = vpow2.f32 v5;
	_ =	sdelay $0x7  }
0x20f: {  	v4 =	vpop (erf)  }
0x210: {  	v34 =	vpop (erf)  }
0x211: {  	v35 =	vperm.xlane v34, v0;
	_ =	sdelay $0x1  }
0x212: {  	v5 =	vadd.f32 v34, v35;
	_ =	sdelay $0x1  }
0x213: {  	v37 =	vperm.xlane v5, v1;
	_ =	sdelay $0x1  }
0x214: {  	v5 =	vadd.f32 v5, v37;
	_ =	sdelay $0x1  }
0x215: {  	v6 =	vperm.xlane v5, v2;
	_ =	sdelay $0x1  }
0x216: {  	v5 =	vadd.f32 v5, v6;
	_ =	sdelay $0x1  }
0x217: {  	(erf) = vrcp.f32 v5;
	_ =	sdelay $0x8  }
0x218: {  	v5 =	vpop (erf)  }
0x219: {  	[tilespmem:$0x1FD70] =	vst v4;
	v4 =	vmul.f32 v5, v34;
	_ =	sdelay $0x1  }
0x21a: {  	v5 =	vperm.xlane v4, v0;
	_ =	sdelay $0x1  }
0x21b: {  	v5 =	vmax.f32 v4, v5  }
0x21c: {  	v39 =	vperm.xlane v5, v1;
	_ =	sdelay $0x1  }
0x21d: {  	v5 =	vmax.f32 v5, v39  }
0x21e: {  	v6 =	vperm.xlane v5, v2;
	_ =	sdelay $0x1  }
0x21f: {  	v42 =	vmax.f32 v5, v6  }
0x220: {  	vm12 =	vge.f32 v4, v42  }
0x221: {  	[tilespmem:$0x1FB10] =	vst v50;
	v50 =	vnsel vm12, $0x8, v60  }
0x222: {  	v54 =	vperm.xlane v50, v0;
	_ =	sdelay $0x1  }
0x223: {  	vm0 =	vlt.s32 v50, v54  }
0x224: {  	v5 =	vsel vm0, v50, v54  }
0x225: {  	v6 =	vperm.xlane v5, v1;
	_ =	sdelay $0x1  }
0x226: {  	vm0 =	vlt.s32 v5, v6  }
0x227: {  	v5 =	vsel vm0, v5, v6  }
0x228: {  	v6 =	vperm.xlane v5, v2;
	_ =	sdelay $0x1  }
0x229: {  	v55 =	vld [tilespmem:$0xC0];
	vm0 =	vlt.s32 v5, v6  }
0x22a: {  	v5 =	vsel vm0, v5, v6  }
0x22b: {  	vm0 =	veq.s32 v5, v60  }
0x22c: {  	v50 =	vsel vm0, $0xBF800000, v4  }
0x22d: {  	v4 =	vperm.xlane v50, v0  }
0x22e: {  	v56 =	vimm.s32 $0x0;
	v57 =	vperm.xlane v55, v0  }
0x22f: {  	v5 =	vsel vm0, $0xFFFFFFFF, v56;
	v4 =	vmax.f32 v50, v4  }
0x230: {  	[tilespmem:$0x1FB60] =	vst v5;
	v5 =	vmax.f32 v55, v57;
	v59 =	vperm.xlane v4, v1  }
0x231: {  	v61 =	vperm.xlane v5, v1  }
0x232: {  	v4 =	vmax.f32 v4, v59  }
0x233: {  	v5 =	vmax.f32 v5, v61;
	v6 =	vperm.xlane v4, v2  }
0x234: {  	v8 =	vperm.xlane v5, v2  }
0x235: {  	v57 =	vmax.f32 v4, v6  }
0x236: {  	v5 =	vmax.f32 v5, v8;
	v4 =	vadd.f32 v57, v42  }
0x237: {  	v5 =	vsub.f32 v55, v5  }
0x238: {  	v4 =	vadd.f32 $9.999999970e-07, v4  }
0x239: {  	v5 =	vmul.f32 $1.442695020e+00, v5  }
0x23a: {  	(erf) = vrcp.f32 v4  }
0x23b: {  	(erf) = vpow2.f32 v5;
	_ =	sdelay $0x7  }
0x23c: {  	v4 =	vpop (erf)  }
0x23d: {  	[tilespmem:$0x1FAA0] =	vst v9;
	v9 =	vpop (erf)  }
0x23e: {  	v11 =	vperm.xlane v9, v0;
	_ =	sdelay $0x1  }
0x23f: {  	v5 =	vadd.f32 v9, v11;
	_ =	sdelay $0x1  }
0x240: {  	v16 =	vperm.xlane v5, v1;
	_ =	sdelay $0x1  }
0x241: {  	v5 =	vadd.f32 v5, v16;
	_ =	sdelay $0x1  }
0x242: {  	v6 =	vperm.xlane v5, v2;
	_ =	sdelay $0x1  }
0x243: {  	v5 =	vadd.f32 v5, v6;
	_ =	sdelay $0x1  }
0x244: {  	(erf) = vrcp.f32 v5;
	_ =	sdelay $0x8  }
0x245: {  	v5 =	vpop (erf)  }
0x246: {  	[tilespmem:$0x1FD80] =	vst v4;
	v4 =	vmul.f32 v5, v9;
	_ =	sdelay $0x1  }
0x247: {  	v5 =	vperm.xlane v4, v0;
	_ =	sdelay $0x1  }
0x248: {  	v5 =	vmax.f32 v4, v5  }
0x249: {  	v17 =	vperm.xlane v5, v1;
	_ =	sdelay $0x1  }
0x24a: {  	v5 =	vmax.f32 v5, v17  }
0x24b: {  	v6 =	vperm.xlane v5, v2;
	_ =	sdelay $0x1  }
0x24c: {  	v18 =	vmax.f32 v5, v6  }
0x24d: {  	vm13 =	vge.f32 v4, v18  }
0x24e: {  	v19 =	vnsel vm13, $0x8, v60  }
0x24f: {  	[tilespmem:$0x1FB50] =	vst v20;
	v20 =	vperm.xlane v19, v0;
	_ =	sdelay $0x1  }
0x250: {  	vm0 =	vlt.s32 v19, v20  }
0x251: {  	v5 =	vsel vm0, v19, v20  }
0x252: {  	v6 =	vperm.xlane v5, v1;
	_ =	sdelay $0x1  }
0x253: {  	vm0 =	vlt.s32 v5, v6  }
0x254: {  	v5 =	vsel vm0, v5, v6  }
0x255: {  	v6 =	vperm.xlane v5, v2;
	_ =	sdelay $0x1  }
0x256: {  	v21 =	vld [tilespmem:$0xD0];
	vm0 =	vlt.s32 v5, v6  }
0x257: {  	v5 =	vsel vm0, v5, v6  }
0x258: {  	vm0 =	veq.s32 v5, v60  }
0x259: {  	v48 =	vsel vm0, $0xBF800000, v4  }
0x25a: {  	v4 =	vperm.xlane v48, v0  }
0x25b: {  	v22 =	vimm.s32 $0x0;
	v23 =	vperm.xlane v21, v0  }
0x25c: {  	v5 =	vsel vm0, $0xFFFFFFFF, v22;
	v4 =	vmax.f32 v48, v4  }
0x25d: {  	[tilespmem:$0x1FB90] =	vst v5;
	v5 =	vmax.f32 v21, v23;
	v25 =	vperm.xlane v4, v1  }
0x25e: {  	v26 =	vperm.xlane v5, v1  }
0x25f: {  	v4 =	vmax.f32 v4, v25  }
0x260: {  	v5 =	vmax.f32 v5, v26;
	v6 =	vperm.xlane v4, v2  }
0x261: {  	v8 =	vperm.xlane v5, v2  }
0x262: {  	v59 =	vmax.f32 v4, v6  }
0x263: {  	v5 =	vmax.f32 v5, v8;
	v4 =	vadd.f32 v59, v18  }
0x264: {  	v5 =	vsub.f32 v21, v5  }
0x265: {  	v4 =	vadd.f32 $9.999999970e-07, v4  }
0x266: {  	v5 =	vmul.f32 $1.442695020e+00, v5  }
0x267: {  	(erf) = vrcp.f32 v4  }
0x268: {  	(erf) = vpow2.f32 v5;
	_ =	sdelay $0x7  }
0x269: {  	v4 =	vpop (erf)  }
0x26a: {  	v27 =	vpop (erf)  }
0x26b: {  	v32 =	vperm.xlane v27, v0;
	_ =	sdelay $0x1  }
0x26c: {  	v5 =	vadd.f32 v27, v32;
	_ =	sdelay $0x1  }
0x26d: {  	v34 =	vperm.xlane v5, v1;
	_ =	sdelay $0x1  }
0x26e: {  	v5 =	vadd.f32 v5, v34;
	_ =	sdelay $0x1  }
0x26f: {  	v6 =	vperm.xlane v5, v2;
	_ =	sdelay $0x1  }
0x270: {  	v5 =	vadd.f32 v5, v6;
	_ =	sdelay $0x1  }
0x271: {  	(erf) = vrcp.f32 v5;
	_ =	sdelay $0x8  }
0x272: {  	v5 =	vpop (erf)  }
0x273: {  	[tilespmem:$0x1FEA0] =	vst v4;
	v4 =	vmul.f32 v5, v27;
	_ =	sdelay $0x1  }
0x274: {  	v5 =	vperm.xlane v4, v0;
	_ =	sdelay $0x1  }
0x275: {  	v5 =	vmax.f32 v4, v5  }
0x276: {  	v35 =	vperm.xlane v5, v1;
	_ =	sdelay $0x1  }
0x277: {  	v5 =	vmax.f32 v5, v35  }
0x278: {  	v6 =	vperm.xlane v5, v2;
	_ =	sdelay $0x1  }
0x279: {  	v37 =	vmax.f32 v5, v6  }
0x27a: {  	vm14 =	vge.f32 v4, v37  }
0x27b: {  	v39 =	vnsel vm14, $0x8, v60  }
0x27c: {  	[tilespmem:$0x1FB70] =	vst v42;
	v42 =	vperm.xlane v39, v0;
	_ =	sdelay $0x1  }
0x27d: {  	vm0 =	vlt.s32 v39, v42  }
0x27e: {  	v5 =	vsel vm0, v39, v42  }
0x27f: {  	v6 =	vperm.xlane v5, v1;
	_ =	sdelay $0x1  }
0x280: {  	vm0 =	vlt.s32 v5, v6  }
0x281: {  	v5 =	vsel vm0, v5, v6  }
0x282: {  	v6 =	vperm.xlane v5, v2;
	_ =	sdelay $0x1  }
0x283: {  	v49 =	vld [tilespmem:$0xE0];
	vm0 =	vlt.s32 v5, v6  }
0x284: {  	v5 =	vsel vm0, v5, v6  }
0x285: {  	vm0 =	veq.s32 v5, v60  }
0x286: {  	v34 =	vsel vm0, $0xBF800000, v4  }
0x287: {  	v4 =	vperm.xlane v34, v0  }
0x288: {  	v54 =	vimm.s32 $0x0;
	v55 =	vperm.xlane v49, v0  }
0x289: {  	v5 =	vsel vm0, $0xFFFFFFFF, v54;
	v4 =	vmax.f32 v34, v4  }
0x28a: {  	[tilespmem:$0x1FBB0] =	vst v5;
	v5 =	vmax.f32 v49, v55;
	v56 =	vperm.xlane v4, v1  }
0x28b: {  	v61 =	vperm.xlane v5, v1  }
0x28c: {  	v4 =	vmax.f32 v4, v56  }
0x28d: {  	v5 =	vmax.f32 v5, v61;
	v6 =	vperm.xlane v4, v2  }
0x28e: {  	v8 =	vperm.xlane v5, v2  }
0x28f: {  	v56 =	vmax.f32 v4, v6  }
0x290: {  	v5 =	vmax.f32 v5, v8;
	v4 =	vadd.f32 v56, v37  }
0x291: {  	v5 =	vsub.f32 v49, v5  }
0x292: {  	v4 =	vadd.f32 $9.999999970e-07, v4  }
0x293: {  	v5 =	vmul.f32 $1.442695020e+00, v5  }
0x294: {  	(erf) = vrcp.f32 v4  }
0x295: {  	(erf) = vpow2.f32 v5;
	_ =	sdelay $0x7  }
0x296: {  	v4 =	vpop (erf)  }
0x297: {  	v11 =	vpop (erf)  }
0x298: {  	v16 =	vperm.xlane v11, v0;
	_ =	sdelay $0x1  }
0x299: {  	v5 =	vadd.f32 v11, v16;
	_ =	sdelay $0x1  }
0x29a: {  	v17 =	vperm.xlane v5, v1;
	_ =	sdelay $0x1  }
0x29b: {  	v5 =	vadd.f32 v5, v17;
	_ =	sdelay $0x1  }
0x29c: {  	v6 =	vperm.xlane v5, v2;
	_ =	sdelay $0x1  }
0x29d: {  	v5 =	vadd.f32 v5, v6;
	_ =	sdelay $0x1  }
0x29e: {  	(erf) = vrcp.f32 v5;
	_ =	sdelay $0x8  }
0x29f: {  	v5 =	vpop (erf)  }
0x2a0: {  	[tilespmem:$0x1FEB0] =	vst v4;
	v4 =	vmul.f32 v5, v11;
	_ =	sdelay $0x1  }
0x2a1: {  	v5 =	vperm.xlane v4, v0;
	_ =	sdelay $0x1  }
0x2a2: {  	v5 =	vmax.f32 v4, v5  }
0x2a3: {  	[tilespmem:$0x1FBA0] =	vst v18;
	v18 =	vperm.xlane v5, v1;
	_ =	sdelay $0x1  }
0x2a4: {  	v5 =	vmax.f32 v5, v18  }
0x2a5: {  	v6 =	vperm.xlane v5, v2;
	_ =	sdelay $0x1  }
0x2a6: {  	v19 =	vmax.f32 v5, v6  }
0x2a7: {  	vm15 =	vge.f32 v4, v19  }
0x2a8: {  	v20 =	vnsel vm15, $0x8, v60  }
0x2a9: {  	v21 =	vperm.xlane v20, v0;
	_ =	sdelay $0x1  }
0x2aa: {  	vm0 =	vlt.s32 v20, v21  }
0x2ab: {  	v5 =	vsel vm0, v20, v21  }
0x2ac: {  	v6 =	vperm.xlane v5, v1;
	_ =	sdelay $0x1  }
0x2ad: {  	vm0 =	vlt.s32 v5, v6  }
0x2ae: {  	v5 =	vsel vm0, v5, v6  }
0x2af: {  	v6 =	vperm.xlane v5, v2;
	_ =	sdelay $0x1  }
0x2b0: {  	v22 =	vld [tilespmem:$0xF0];
	vm0 =	vlt.s32 v5, v6  }
0x2b1: {  	v5 =	vsel vm0, v5, v6  }
0x2b2: {  	vm0 =	veq.s32 v5, v60  }
0x2b3: {  	v61 =	vsel vm0, $0xBF800000, v4  }
0x2b4: {  	v4 =	vperm.xlane v61, v0  }
0x2b5: {  	v23 =	vimm.s32 $0x0;
	v25 =	vperm.xlane v22, v0  }
0x2b6: {  	v5 =	vsel vm0, $0xFFFFFFFF, v23;
	v4 =	vmax.f32 v61, v4  }
0x2b7: {  	[tilespmem:$0x1FBE0] =	vst v5;
	v5 =	vmax.f32 v22, v25;
	v26 =	vperm.xlane v4, v1  }
0x2b8: {  	v27 =	vperm.xlane v5, v1  }
0x2b9: {  	v4 =	vmax.f32 v4, v26  }
0x2ba: {  	v5 =	vmax.f32 v5, v27;
	v6 =	vperm.xlane v4, v2  }
0x2bb: {  	v8 =	vperm.xlane v5, v2  }
0x2bc: {  	v4 =	vmax.f32 v4, v6  }
0x2bd: {  	v5 =	vmax.f32 v5, v8;
	[tilespmem:$0x1F9E0] =	vst v4;
	v4 =	vadd.f32 v4, v19  }
0x2be: {  	v5 =	vsub.f32 v22, v5  }
0x2bf: {  	v4 =	vadd.f32 $9.999999970e-07, v4  }
0x2c0: {  	v5 =	vmul.f32 $1.442695020e+00, v5  }
0x2c1: {  	(erf) = vrcp.f32 v4  }
0x2c2: {  	(erf) = vpow2.f32 v5;
	_ =	sdelay $0x7  }
0x2c3: {  	v4 =	vpop (erf)  }
0x2c4: {  	v32 =	vpop (erf)  }
0x2c5: {  	v35 =	vperm.xlane v32, v0;
	_ =	sdelay $0x1  }
0x2c6: {  	v5 =	vadd.f32 v32, v35;
	_ =	sdelay $0x1  }
0x2c7: {  	[tilespmem:$0x1FBC0] =	vst v37;
	v37 =	vperm.xlane v5, v1;
	_ =	sdelay $0x1  }
0x2c8: {  	v5 =	vadd.f32 v5, v37;
	_ =	sdelay $0x1  }
0x2c9: {  	v6 =	vperm.xlane v5, v2;
	_ =	sdelay $0x1  }
0x2ca: {  	v5 =	vadd.f32 v5, v6;
	_ =	sdelay $0x1  }
0x2cb: {  	(erf) = vrcp.f32 v5;
	_ =	sdelay $0x8  }
0x2cc: {  	v5 =	vpop (erf)  }
0x2cd: {  	[tilespmem:$0x1FEC0] =	vst v4;
	v4 =	vmul.f32 v5, v32;
	_ =	sdelay $0x1  }
0x2ce: {  	v5 =	vperm.xlane v4, v0;
	_ =	sdelay $0x1  }
0x2cf: {  	v5 =	vmax.f32 v4, v5  }
0x2d0: {  	v39 =	vperm.xlane v5, v1;
	_ =	sdelay $0x1  }
0x2d1: {  	v5 =	vmax.f32 v5, v39  }
0x2d2: {  	v6 =	vperm.xlane v5, v2;
	_ =	sdelay $0x1  }
0x2d3: {  	v42 =	vmax.f32 v5, v6  }
0x2d4: {  	vm4 =	vge.f32 v4, v42  }
0x2d5: {  	v49 =	vnsel vm4, $0x8, v60  }
0x2d6: {  	v54 =	vperm.xlane v49, v0;
	_ =	sdelay $0x1  }
0x2d7: {  	vm0 =	vlt.s32 v49, v54  }
0x2d8: {  	v5 =	vsel vm0, v49, v54  }
0x2d9: {  	v6 =	vperm.xlane v5, v1;
	_ =	sdelay $0x1  }
0x2da: {  	vm0 =	vlt.s32 v5, v6  }
0x2db: {  	v5 =	vsel vm0, v5, v6  }
0x2dc: {  	v6 =	vperm.xlane v5, v2;
	_ =	sdelay $0x1  }
0x2dd: {  	v55 =	vld [tilespmem:$0x100];
	vm0 =	vlt.s32 v5, v6  }
0x2de: {  	v5 =	vsel vm0, v5, v6  }
0x2df: {  	vm0 =	veq.s32 v5, v60  }
0x2e0: {  	v35 =	vsel vm0, $0xBF800000, v4  }
0x2e1: {  	v4 =	vperm.xlane v35, v0  }
0x2e2: {  	v11 =	vperm.xlane v55, v0;
	v8 =	vimm.s32 $0x0  }
0x2e3: {  	v5 =	vsel vm0, $0xFFFFFFFF, v8;
	v4 =	vmax.f32 v35, v4  }
0x2e4: {  	[tilespmem:$0x1FC00] =	vst v5;
	v5 =	vmax.f32 v55, v11;
	v16 =	vperm.xlane v4, v1  }
0x2e5: {  	v17 =	vperm.xlane v5, v1  }
0x2e6: {  	v4 =	vmax.f32 v4, v16  }
0x2e7: {  	v5 =	vmax.f32 v5, v17;
	v6 =	vperm.xlane v4, v2  }
0x2e8: {  	v8 =	vperm.xlane v5, v2  }
0x2e9: {  	v6 =	vmax.f32 v4, v6  }
0x2ea: {  	[tilespmem:$0x1FBF0] =	vst v19;
	v18 =	vmax.f32 v5, v8;
	v19 =	vadd.f32 v6, v42  }
0x2eb: {  	v4 =	vsub.f32 v55, v18  }
0x2ec: {  	v5 =	vadd.f32 $9.999999970e-07, v19  }
0x2ed: {  	v4 =	vmul.f32 $1.442695020e+00, v4  }
0x2ee: {  	(erf) = vrcp.f32 v5  }
0x2ef: {  	(erf) = vpow2.f32 v4;
	_ =	sdelay $0x7  }
0x2f0: {  	v20 =	vpop (erf)  }
0x2f1: {  	v21 =	vpop (erf)  }
0x2f2: {  	v22 =	vperm.xlane v21, v0;
	_ =	sdelay $0x1  }
0x2f3: {  	v5 =	vadd.f32 v21, v22;
	_ =	sdelay $0x1  }
0x2f4: {  	v23 =	vperm.xlane v5, v1;
	_ =	sdelay $0x1  }
0x2f5: {  	v5 =	vadd.f32 v5, v23;
	_ =	sdelay $0x1  }
0x2f6: {  	[tilespmem:$0x1F9F0] =	vst v6;
	v6 =	vperm.xlane v5, v2;
	_ =	sdelay $0x1  }
0x2f7: {  	v5 =	vadd.f32 v5, v6;
	_ =	sdelay $0x1  }
0x2f8: {  	(erf) = vrcp.f32 v5;
	_ =	sdelay $0x8  }
0x2f9: {  	v5 =	vpop (erf)  }
0x2fa: {  	v4 =	vmul.f32 v5, v21;
	_ =	sdelay $0x1  }
0x2fb: {  	v5 =	vperm.xlane v4, v0;
	_ =	sdelay $0x1  }
0x2fc: {  	v5 =	vmax.f32 v4, v5  }
0x2fd: {  	v25 =	vperm.xlane v5, v1;
	_ =	sdelay $0x1  }
0x2fe: {  	v5 =	vmax.f32 v5, v25  }
0x2ff: {  	v6 =	vperm.xlane v5, v2;
	_ =	sdelay $0x1  }
0x300: {  	v11 =	vmax.f32 v5, v6  }
0x301: {  	vm5 =	vge.f32 v4, v11  }
0x302: {  	v26 =	vnsel vm5, $0x8, v60  }
0x303: {  	v27 =	vperm.xlane v26, v0;
	_ =	sdelay $0x1  }
0x304: {  	vm0 =	vlt.s32 v26, v27  }
0x305: {  	v5 =	vsel vm0, v26, v27  }
0x306: {  	v6 =	vperm.xlane v5, v1;
	_ =	sdelay $0x1  }
0x307: {  	vm0 =	vlt.s32 v5, v6  }
0x308: {  	v5 =	vsel vm0, v5, v6  }
0x309: {  	v6 =	vperm.xlane v5, v2;
	_ =	sdelay $0x1  }
0x30a: {  	v32 =	vld [tilespmem:$0x110];
	vm0 =	vlt.s32 v5, v6  }
0x30b: {  	v5 =	vsel vm0, v5, v6  }
0x30c: {  	vm0 =	veq.s32 v5, v60  }
0x30d: {  	v54 =	vsel vm0, $0xBF800000, v4  }
0x30e: {  	v4 =	vperm.xlane v54, v0  }
0x30f: {  	v37 =	vimm.s32 $0x0;
	v39 =	vperm.xlane v32, v0  }
0x310: {  	[tilespmem:$0x1FC10] =	vst v42;
	v5 =	vsel vm0, $0xFFFFFFFF, v37;
	v4 =	vmax.f32 v54, v4  }
0x311: {  	[tilespmem:$0x1FD90] =	vst v5;
	v5 =	vmax.f32 v32, v39;
	v42 =	vperm.xlane v4, v1  }
0x312: {  	v49 =	vperm.xlane v5, v1  }
0x313: {  	v4 =	vmax.f32 v4, v42  }
0x314: {  	v5 =	vmax.f32 v5, v49;
	v8 =	vperm.xlane v4, v2  }
0x315: {  	v9 =	vperm.xlane v5, v2  }
0x316: {  	v55 =	vmax.f32 v4, v8  }
0x317: {  	v16 =	vmax.f32 v5, v9;
	v17 =	vadd.f32 v55, v11  }
0x318: {  	v4 =	vsub.f32 v32, v16  }
0x319: {  	v5 =	vadd.f32 $9.999999970e-07, v17  }
0x31a: {  	v4 =	vmul.f32 $1.442695020e+00, v4  }
0x31b: {  	(erf) = vrcp.f32 v5  }
0x31c: {  	(erf) = vpow2.f32 v4;
	_ =	sdelay $0x7  }
0x31d: {  	v18 =	vpop (erf)  }
0x31e: {  	v19 =	vpop (erf)  }
0x31f: {  	[tilespmem:$0x1FED0] =	vst v20;
	v20 =	vperm.xlane v19, v0;
	_ =	sdelay $0x1  }
0x320: {  	v5 =	vadd.f32 v19, v20;
	_ =	sdelay $0x1  }
0x321: {  	v21 =	vperm.xlane v5, v1;
	_ =	sdelay $0x1  }
0x322: {  	v5 =	vadd.f32 v5, v21;
	_ =	sdelay $0x1  }
0x323: {  	v7 =	vperm.xlane v5, v2;
	_ =	sdelay $0x1  }
0x324: {  	v5 =	vadd.f32 v5, v7;
	_ =	sdelay $0x1  }
0x325: {  	(erf) = vrcp.f32 v5;
	_ =	sdelay $0x8  }
0x326: {  	v5 =	vpop (erf)  }
0x327: {  	v4 =	vmul.f32 v5, v19;
	_ =	sdelay $0x1  }
0x328: {  	v5 =	vperm.xlane v4, v0;
	_ =	sdelay $0x1  }
0x329: {  	v5 =	vmax.f32 v4, v5  }
0x32a: {  	v22 =	vperm.xlane v5, v1;
	_ =	sdelay $0x1  }
0x32b: {  	v5 =	vmax.f32 v5, v22  }
0x32c: {  	v7 =	vperm.xlane v5, v2;
	_ =	sdelay $0x1  }
0x32d: {  	v23 =	vmax.f32 v5, v7  }
0x32e: {  	vm6 =	vge.f32 v4, v23  }
0x32f: {  	v25 =	vnsel vm6, $0x8, v60  }
0x330: {  	v26 =	vperm.xlane v25, v0;
	_ =	sdelay $0x1  }
0x331: {  	vm0 =	vlt.s32 v25, v26  }
0x332: {  	v5 =	vsel vm0, v25, v26  }
0x333: {  	v7 =	vperm.xlane v5, v1;
	_ =	sdelay $0x1  }
0x334: {  	vm0 =	vlt.s32 v5, v7  }
0x335: {  	v5 =	vsel vm0, v5, v7  }
0x336: {  	v7 =	vperm.xlane v5, v2;
	_ =	sdelay $0x1  }
0x337: {  	v27 =	vld [tilespmem:$0x120];
	vm0 =	vlt.s32 v5, v7  }
0x338: {  	v5 =	vsel vm0, v5, v7  }
0x339: {  	vm0 =	veq.s32 v5, v60  }
0x33a: {  	v32 =	vsel vm0, $0xBF800000, v4  }
0x33b: {  	v4 =	vperm.xlane v32, v0  }
0x33c: {  	v37 =	vimm.s32 $0x0;
	v39 =	vperm.xlane v27, v0  }
0x33d: {  	v5 =	vsel vm0, $0xFFFFFFFF, v37;
	v4 =	vmax.f32 v32, v4  }
0x33e: {  	[tilespmem:$0x1FDD0] =	vst v5;
	v5 =	vmax.f32 v27, v39;
	v42 =	vperm.xlane v4, v1  }
0x33f: {  	v49 =	vperm.xlane v5, v1  }
0x340: {  	v4 =	vmax.f32 v4, v42  }
0x341: {  	v5 =	vmax.f32 v5, v49;
	v7 =	vperm.xlane v4, v2  }
0x342: {  	v9 =	vperm.xlane v5, v2  }
0x343: {  	v7 =	vmax.f32 v4, v7  }
0x344: {  	[tilespmem:$0x1FA00] =	vst v55;
	v55 =	vmax.f32 v5, v9;
	v9 =	vadd.f32 v7, v23  }
0x345: {  	v4 =	vsub.f32 v27, v55  }
0x346: {  	v5 =	vadd.f32 $9.999999970e-07, v9  }
0x347: {  	v4 =	vmul.f32 $1.442695020e+00, v4  }
0x348: {  	(erf) = vrcp.f32 v5  }
0x349: {  	(erf) = vpow2.f32 v4;
	_ =	sdelay $0x7  }
0x34a: {  	[tilespmem:$0x1FDA0] =	vst v11;
	v11 =	vpop (erf)  }
0x34b: {  	v16 =	vpop (erf)  }
0x34c: {  	v17 =	vperm.xlane v16, v0;
	_ =	sdelay $0x1  }
0x34d: {  	v5 =	vadd.f32 v16, v17;
	_ =	sdelay $0x1  }
0x34e: {  	[tilespmem:$0x1FEE0] =	vst v18;
	v18 =	vperm.xlane v5, v1;
	_ =	sdelay $0x1  }
0x34f: {  	v5 =	vadd.f32 v5, v18;
	_ =	sdelay $0x1  }
0x350: {  	[tilespmem:$0x1FA10] =	vst v7;
	v7 =	vperm.xlane v5, v2;
	_ =	sdelay $0x1  }
0x351: {  	v5 =	vadd.f32 v5, v7;
	_ =	sdelay $0x1  }
0x352: {  	(erf) = vrcp.f32 v5;
	_ =	sdelay $0x8  }
0x353: {  	v5 =	vpop (erf)  }
0x354: {  	v4 =	vmul.f32 v5, v16;
	_ =	sdelay $0x1  }
0x355: {  	v5 =	vperm.xlane v4, v0;
	_ =	sdelay $0x1  }
0x356: {  	v5 =	vmax.f32 v4, v5  }
0x357: {  	v19 =	vperm.xlane v5, v1;
	_ =	sdelay $0x1  }
0x358: {  	v5 =	vmax.f32 v5, v19  }
0x359: {  	v7 =	vperm.xlane v5, v2;
	_ =	sdelay $0x1  }
0x35a: {  	v20 =	vmax.f32 v5, v7  }
0x35b: {  	vm7 =	vge.f32 v4, v20  }
0x35c: {  	v21 =	vnsel vm7, $0x8, v60  }
0x35d: {  	v22 =	vperm.xlane v21, v0;
	_ =	sdelay $0x1  }
0x35e: {  	vm0 =	vlt.s32 v21, v22  }
0x35f: {  	v5 =	vsel vm0, v21, v22  }
0x360: {  	v7 =	vperm.xlane v5, v1;
	_ =	sdelay $0x1  }
0x361: {  	vm0 =	vlt.s32 v5, v7  }
0x362: {  	v5 =	vsel vm0, v5, v7  }
0x363: {  	v7 =	vperm.xlane v5, v2;
	_ =	sdelay $0x1  }
0x364: {  	[tilespmem:$0x1FDE0] =	vst v23;
	v23 =	vld [tilespmem:$0x130];
	vm0 =	vlt.s32 v5, v7  }
0x365: {  	v5 =	vsel vm0, v5, v7  }
0x366: {  	vm15 =	veq.s32 v5, v60  }
0x367: {  	v26 =	vsel vm15, $0xBF800000, v4  }
0x368: {  	v4 =	vperm.xlane v26, v0  }
0x369: {  	v25 =	vperm.xlane v23, v0  }
0x36a: {  	v4 =	vmax.f32 v26, v4  }
0x36b: {  	v5 =	vmax.f32 v23, v25;
	v27 =	vperm.xlane v4, v1  }
0x36c: {  	v37 =	vperm.xlane v5, v1  }
0x36d: {  	v4 =	vmax.f32 v4, v27  }
0x36e: {  	v5 =	vmax.f32 v5, v37;
	v7 =	vperm.xlane v4, v2  }
0x36f: {  	v9 =	vperm.xlane v5, v2  }
0x370: {  	v7 =	vmax.f32 v4, v7  }
0x371: {  	v39 =	vmax.f32 v5, v9;
	v42 =	vadd.f32 v7, v20  }
0x372: {  	v4 =	vsub.f32 v23, v39  }
0x373: {  	v5 =	vadd.f32 $9.999999970e-07, v42  }
0x374: {  	v4 =	vmul.f32 $1.442695020e+00, v4  }
0x375: {  	(erf) = vrcp.f32 v5  }
0x376: {  	(erf) = vpow2.f32 v4;
	_ =	sdelay $0x7  }
0x377: {  	v49 =	vpop (erf)  }
0x378: {  	v55 =	vpop (erf)  }
0x379: {  	v8 =	vperm.xlane v55, v0;
	_ =	sdelay $0x1  }
0x37a: {  	v5 =	vadd.f32 v55, v8;
	_ =	sdelay $0x1  }
0x37b: {  	v9 =	vperm.xlane v5, v1;
	_ =	sdelay $0x1  }
0x37c: {  	v5 =	vadd.f32 v5, v9;
	_ =	sdelay $0x1  }
0x37d: {  	[tilespmem:$0x1FA20] =	vst v7;
	v7 =	vperm.xlane v5, v2;
	_ =	sdelay $0x1  }
0x37e: {  	v5 =	vadd.f32 v5, v7;
	_ =	sdelay $0x1  }
0x37f: {  	(erf) = vrcp.f32 v5;
	_ =	sdelay $0x8  }
0x380: {  	v5 =	vpop (erf)  }
0x381: {  	v4 =	vmul.f32 v5, v55;
	_ =	sdelay $0x1  }
0x382: {  	v5 =	vperm.xlane v4, v0;
	_ =	sdelay $0x1  }
0x383: {  	v5 =	vmax.f32 v4, v5  }
0x384: {  	[tilespmem:$0x1FEF0] =	vst v11;
	v11 =	vperm.xlane v5, v1;
	_ =	sdelay $0x1  }
0x385: {  	v5 =	vmax.f32 v5, v11  }
0x386: {  	v7 =	vperm.xlane v5, v2;
	_ =	sdelay $0x1  }
0x387: {  	v16 =	vmax.f32 v5, v7  }
0x388: {  	vm8 =	vge.f32 v4, v16  }
0x389: {  	v17 =	vnsel vm8, $0x8, v60  }
0x38a: {  	v18 =	vperm.xlane v17, v0;
	_ =	sdelay $0x1  }
0x38b: {  	vm0 =	vlt.s32 v17, v18  }
0x38c: {  	v5 =	vsel vm0, v17, v18  }
0x38d: {  	v7 =	vperm.xlane v5, v1;
	_ =	sdelay $0x1  }
0x38e: {  	vm0 =	vlt.s32 v5, v7  }
0x38f: {  	v5 =	vsel vm0, v5, v7  }
0x390: {  	v7 =	vperm.xlane v5, v2;
	_ =	sdelay $0x1  }
0x391: {  	v19 =	vld [tilespmem:$0x140];
	vm0 =	vlt.s32 v5, v7  }
0x392: {  	v5 =	vsel vm0, v5, v7  }
0x393: {  	vm14 =	veq.s32 v5, v60  }
0x394: {  	v21 =	vsel vm14, $0xBF800000, v4  }
0x395: {  	v4 =	vperm.xlane v21, v0  }
0x396: {  	v25 =	vperm.xlane v19, v0  }
0x397: {  	v4 =	vmax.f32 v21, v4  }
0x398: {  	v5 =	vmax.f32 v19, v25;
	v27 =	vperm.xlane v4, v1  }
0x399: {  	v37 =	vperm.xlane v5, v1  }
0x39a: {  	v4 =	vmax.f32 v4, v27  }
0x39b: {  	v5 =	vmax.f32 v5, v37;
	v7 =	vperm.xlane v4, v2  }
0x39c: {  	v9 =	vperm.xlane v5, v2  }
0x39d: {  	v27 =	vmax.f32 v4, v7  }
0x39e: {  	v39 =	vmax.f32 v5, v9;
	v42 =	vadd.f32 v27, v16  }
0x39f: {  	v4 =	vsub.f32 v19, v39  }
0x3a0: {  	v5 =	vadd.f32 $9.999999970e-07, v42  }
0x3a1: {  	v4 =	vmul.f32 $1.442695020e+00, v4  }
0x3a2: {  	(erf) = vrcp.f32 v5  }
0x3a3: {  	(erf) = vpow2.f32 v4;
	_ =	sdelay $0x7  }
0x3a4: {  	[tilespmem:$0x1FF00] =	vst v49;
	v49 =	vpop (erf)  }
0x3a5: {  	v55 =	vpop (erf)  }
0x3a6: {  	v9 =	vperm.xlane v55, v0;
	_ =	sdelay $0x1  }
0x3a7: {  	v5 =	vadd.f32 v55, v9;
	_ =	sdelay $0x1  }
0x3a8: {  	v11 =	vperm.xlane v5, v1;
	_ =	sdelay $0x1  }
0x3a9: {  	v5 =	vadd.f32 v5, v11;
	_ =	sdelay $0x1  }
0x3aa: {  	v7 =	vperm.xlane v5, v2;
	_ =	sdelay $0x1  }
0x3ab: {  	v5 =	vadd.f32 v5, v7;
	_ =	sdelay $0x1  }
0x3ac: {  	(erf) = vrcp.f32 v5;
	_ =	sdelay $0x8  }
0x3ad: {  	v5 =	vpop (erf)  }
0x3ae: {  	v4 =	vmul.f32 v5, v55;
	_ =	sdelay $0x1  }
0x3af: {  	v5 =	vperm.xlane v4, v0;
	_ =	sdelay $0x1  }
0x3b0: {  	v5 =	vmax.f32 v4, v5  }
0x3b1: {  	[tilespmem:$0x1FE00] =	vst v16;
	v16 =	vperm.xlane v5, v1;
	_ =	sdelay $0x1  }
0x3b2: {  	v5 =	vmax.f32 v5, v16  }
0x3b3: {  	v7 =	vperm.xlane v5, v2;
	_ =	sdelay $0x1  }
0x3b4: {  	v17 =	vmax.f32 v5, v7  }
0x3b5: {  	vm9 =	vge.f32 v4, v17  }
0x3b6: {  	v25 =	vnsel vm9, $0x8, v60  }
0x3b7: {  	v37 =	vperm.xlane v25, v0;
	_ =	sdelay $0x1  }
0x3b8: {  	vm0 =	vlt.s32 v25, v37  }
0x3b9: {  	v5 =	vsel vm0, v25, v37  }
0x3ba: {  	v7 =	vperm.xlane v5, v1;
	_ =	sdelay $0x1  }
0x3bb: {  	vm0 =	vlt.s32 v5, v7  }
0x3bc: {  	v5 =	vsel vm0, v5, v7  }
0x3bd: {  	v7 =	vperm.xlane v5, v2;
	_ =	sdelay $0x1  }
0x3be: {  	v39 =	vld [tilespmem:$0x150];
	vm0 =	vlt.s32 v5, v7  }
0x3bf: {  	v5 =	vsel vm0, v5, v7  }
0x3c0: {  	vm13 =	veq.s32 v5, v60  }
0x3c1: {  	[tilespmem:$0x1FDF0] =	vst v20;
	v20 =	vsel vm13, $0xBF800000, v4  }
0x3c2: {  	v4 =	vperm.xlane v20, v0  }
0x3c3: {  	v42 =	vperm.xlane v39, v0  }
0x3c4: {  	v4 =	vmax.f32 v20, v4  }
0x3c5: {  	[tilespmem:$0x1FF10] =	vst v49;
	v5 =	vmax.f32 v39, v42;
	v49 =	vperm.xlane v4, v1  }
0x3c6: {  	v55 =	vperm.xlane v5, v1  }
0x3c7: {  	v4 =	vmax.f32 v4, v49  }
0x3c8: {  	v5 =	vmax.f32 v5, v55;
	v7 =	vperm.xlane v4, v2  }
0x3c9: {  	v9 =	vperm.xlane v5, v2  }
0x3ca: {  	v55 =	vmax.f32 v4, v7  }
0x3cb: {  	[tilespmem:$0x1FE20] =	vst v17;
	v16 =	vmax.f32 v5, v9;
	v17 =	vadd.f32 v55, v17  }
0x3cc: {  	v4 =	vsub.f32 v39, v16  }
0x3cd: {  	v5 =	vadd.f32 $9.999999970e-07, v17  }
0x3ce: {  	v4 =	vmul.f32 $1.442695020e+00, v4  }
0x3cf: {  	(erf) = vrcp.f32 v5  }
0x3d0: {  	(erf) = vpow2.f32 v4;
	_ =	sdelay $0x7  }
0x3d1: {  	v18 =	vpop (erf)  }
0x3d2: {  	v19 =	vpop (erf)  }
0x3d3: {  	v22 =	vperm.xlane v19, v0;
	_ =	sdelay $0x1  }
0x3d4: {  	v5 =	vadd.f32 v19, v22;
	_ =	sdelay $0x1  }
0x3d5: {  	v23 =	vperm.xlane v5, v1;
	_ =	sdelay $0x1  }
0x3d6: {  	v5 =	vadd.f32 v5, v23;
	_ =	sdelay $0x1  }
0x3d7: {  	v7 =	vperm.xlane v5, v2;
	_ =	sdelay $0x1  }
0x3d8: {  	v5 =	vadd.f32 v5, v7;
	_ =	sdelay $0x1  }
0x3d9: {  	(erf) = vrcp.f32 v5;
	_ =	sdelay $0x8  }
0x3da: {  	v5 =	vpop (erf)  }
0x3db: {  	v4 =	vmul.f32 v5, v19;
	_ =	sdelay $0x1  }
0x3dc: {  	v5 =	vperm.xlane v4, v0;
	_ =	sdelay $0x1  }
0x3dd: {  	v5 =	vmax.f32 v4, v5  }
0x3de: {  	v25 =	vperm.xlane v5, v1;
	_ =	sdelay $0x1  }
0x3df: {  	v5 =	vmax.f32 v5, v25  }
0x3e0: {  	v7 =	vperm.xlane v5, v2;
	_ =	sdelay $0x1  }
0x3e1: {  	v37 =	vmax.f32 v5, v7  }
0x3e2: {  	vm10 =	vge.f32 v4, v37  }
0x3e3: {  	v39 =	vnsel vm10, $0x8, v60  }
0x3e4: {  	v42 =	vperm.xlane v39, v0;
	_ =	sdelay $0x1  }
0x3e5: {  	vm0 =	vlt.s32 v39, v42  }
0x3e6: {  	v5 =	vsel vm0, v39, v42  }
0x3e7: {  	v7 =	vperm.xlane v5, v1;
	_ =	sdelay $0x1  }
0x3e8: {  	vm0 =	vlt.s32 v5, v7  }
0x3e9: {  	v5 =	vsel vm0, v5, v7  }
0x3ea: {  	v7 =	vperm.xlane v5, v2;
	_ =	sdelay $0x1  }
0x3eb: {  	v49 =	vld [tilespmem:$0x160];
	vm0 =	vlt.s32 v5, v7  }
0x3ec: {  	v5 =	vsel vm0, v5, v7  }
0x3ed: {  	vm12 =	veq.s32 v5, v60  }
0x3ee: {  	v19 =	vsel vm12, $0xBF800000, v4  }
0x3ef: {  	v4 =	vperm.xlane v19, v0  }
0x3f0: {  	v11 =	vperm.xlane v49, v0  }
0x3f1: {  	v4 =	vmax.f32 v19, v4  }
0x3f2: {  	v5 =	vmax.f32 v49, v11;
	v16 =	vperm.xlane v4, v1  }
0x3f3: {  	v17 =	vperm.xlane v5, v1  }
0x3f4: {  	v4 =	vmax.f32 v4, v16  }
0x3f5: {  	v5 =	vmax.f32 v5, v17;
	v7 =	vperm.xlane v4, v2  }
0x3f6: {  	v9 =	vperm.xlane v5, v2  }
0x3f7: {  	v7 =	vmax.f32 v4, v7  }
0x3f8: {  	[tilespmem:$0x1FF20] =	vst v18;
	v18 =	vmax.f32 v5, v9;
	v22 =	vadd.f32 v7, v37  }
0x3f9: {  	v4 =	vsub.f32 v49, v18  }
0x3fa: {  	v5 =	vadd.f32 $9.999999970e-07, v22  }
0x3fb: {  	v4 =	vmul.f32 $1.442695020e+00, v4  }
0x3fc: {  	(erf) = vrcp.f32 v5  }
0x3fd: {  	(erf) = vpow2.f32 v4;
	_ =	sdelay $0x7  }
0x3fe: {  	v23 =	vpop (erf)  }
0x3ff: {  	v25 =	vpop (erf)  }
0x400: {  	[tilespmem:$0x1FE30] =	vst v37;
	v37 =	vperm.xlane v25, v0;
	_ =	sdelay $0x1  }
0x401: {  	v5 =	vadd.f32 v25, v37;
	_ =	sdelay $0x1  }
0x402: {  	v39 =	vperm.xlane v5, v1;
	_ =	sdelay $0x1  }
0x403: {  	v5 =	vadd.f32 v5, v39;
	_ =	sdelay $0x1  }
0x404: {  	[tilespmem:$0x1FA30] =	vst v7;
	v7 =	vperm.xlane v5, v2;
	_ =	sdelay $0x1  }
0x405: {  	v5 =	vadd.f32 v5, v7;
	_ =	sdelay $0x1  }
0x406: {  	(erf) = vrcp.f32 v5;
	_ =	sdelay $0x8  }
0x407: {  	v5 =	vpop (erf)  }
0x408: {  	v4 =	vmul.f32 v5, v25;
	_ =	sdelay $0x1  }
0x409: {  	v5 =	vperm.xlane v4, v0;
	_ =	sdelay $0x1  }
0x40a: {  	v5 =	vmax.f32 v4, v5  }
0x40b: {  	v42 =	vperm.xlane v5, v1;
	_ =	sdelay $0x1  }
0x40c: {  	v5 =	vmax.f32 v5, v42  }
0x40d: {  	v7 =	vperm.xlane v5, v2;
	_ =	sdelay $0x1  }
0x40e: {  	v49 =	vmax.f32 v5, v7  }
0x40f: {  	vm11 =	vge.f32 v4, v49  }
0x410: {  	v9 =	vnsel vm11, $0x8, v60  }
0x411: {  	v11 =	vperm.xlane v9, v0;
	_ =	sdelay $0x1  }
0x412: {  	vm0 =	vlt.s32 v9, v11  }
0x413: {  	v5 =	vsel vm0, v9, v11  }
0x414: {  	v7 =	vperm.xlane v5, v1;
	_ =	sdelay $0x1  }
0x415: {  	vm0 =	vlt.s32 v5, v7  }
0x416: {  	v5 =	vsel vm0, v5, v7  }
0x417: {  	v7 =	vperm.xlane v5, v2;
	_ =	sdelay $0x1  }
0x418: {  	v16 =	vld [tilespmem:$0x170];
	vm0 =	vlt.s32 v5, v7  }
0x419: {  	v5 =	vsel vm0, v5, v7  }
0x41a: {  	vm11 =	veq.s32 v5, v60  }
0x41b: {  	v42 =	vsel vm11, $0xBF800000, v4  }
0x41c: {  	v4 =	vperm.xlane v42, v0  }
0x41d: {  	v17 =	vperm.xlane v16, v0  }
0x41e: {  	v4 =	vmax.f32 v42, v4  }
0x41f: {  	v5 =	vmax.f32 v16, v17;
	v18 =	vperm.xlane v4, v1  }
0x420: {  	v22 =	vperm.xlane v5, v1  }
0x421: {  	v4 =	vmax.f32 v4, v18  }
0x422: {  	v5 =	vmax.f32 v5, v22;
	v7 =	vperm.xlane v4, v2  }
0x423: {  	v9 =	vperm.xlane v5, v2  }
0x424: {  	v39 =	vmax.f32 v4, v7  }
0x425: {  	[tilespmem:$0x1FF30] =	vst v23;
	v23 =	vmax.f32 v5, v9;
	v25 =	vadd.f32 v39, v49  }
0x426: {  	v4 =	vsub.f32 v16, v23  }
0x427: {  	v5 =	vadd.f32 $9.999999970e-07, v25  }
0x428: {  	v4 =	vmul.f32 $1.442695020e+00, v4  }
0x429: {  	(erf) = vrcp.f32 v5  }
0x42a: {  	(erf) = vpow2.f32 v4;
	_ =	sdelay $0x7  }
0x42b: {  	v37 =	vpop (erf)  }
0x42c: {  	[tilespmem:$0x1FE40] =	vst v49;
	v49 =	vpop (erf)  }
0x42d: {  	v8 =	vperm.xlane v49, v0;
	_ =	sdelay $0x1  }
0x42e: {  	v5 =	vadd.f32 v49, v8;
	_ =	sdelay $0x1  }
0x42f: {  	v9 =	vperm.xlane v5, v1;
	_ =	sdelay $0x1  }
0x430: {  	v5 =	vadd.f32 v5, v9;
	_ =	sdelay $0x1  }
0x431: {  	v7 =	vperm.xlane v5, v2;
	_ =	sdelay $0x1  }
0x432: {  	v5 =	vadd.f32 v5, v7;
	_ =	sdelay $0x1  }
0x433: {  	(erf) = vrcp.f32 v5;
	_ =	sdelay $0x8  }
0x434: {  	v5 =	vpop (erf)  }
0x435: {  	v4 =	vmul.f32 v5, v49;
	_ =	sdelay $0x1  }
0x436: {  	v5 =	vperm.xlane v4, v0;
	_ =	sdelay $0x1  }
0x437: {  	v5 =	vmax.f32 v4, v5  }
0x438: {  	v11 =	vperm.xlane v5, v1;
	_ =	sdelay $0x1  }
0x439: {  	v5 =	vmax.f32 v5, v11  }
0x43a: {  	v7 =	vperm.xlane v5, v2;
	_ =	sdelay $0x1  }
0x43b: {  	v6 =	vmax.f32 v5, v7  }
0x43c: {  	vm4 =	vge.f32 v4, v6  }
0x43d: {  	v16 =	vnsel vm4, $0x8, v60  }
0x43e: {  	v17 =	vperm.xlane v16, v0;
	_ =	sdelay $0x1  }
0x43f: {  	vm0 =	vlt.s32 v16, v17  }
0x440: {  	v5 =	vsel vm0, v16, v17  }
0x441: {  	v7 =	vperm.xlane v5, v1;
	_ =	sdelay $0x1  }
0x442: {  	vm0 =	vlt.s32 v5, v7  }
0x443: {  	v5 =	vsel vm0, v5, v7  }
0x444: {  	v7 =	vperm.xlane v5, v2;
	_ =	sdelay $0x1  }
0x445: {  	v18 =	vld [tilespmem:$0x180];
	vm0 =	vlt.s32 v5, v7  }
0x446: {  	v5 =	vsel vm0, v5, v7  }
0x447: {  	vm10 =	veq.s32 v5, v60  }
0x448: {  	v23 =	vsel vm10, $0xBF800000, v4  }
0x449: {  	v4 =	vperm.xlane v23, v0  }
0x44a: {  	v22 =	vperm.xlane v18, v0  }
0x44b: {  	v4 =	vmax.f32 v23, v4  }
0x44c: {  	v5 =	vmax.f32 v18, v22;
	v25 =	vperm.xlane v4, v1  }
0x44d: {  	[tilespmem:$0x1FF40] =	vst v37;
	v37 =	vperm.xlane v5, v1  }
0x44e: {  	v4 =	vmax.f32 v4, v25  }
0x44f: {  	v5 =	vmax.f32 v5, v37;
	v7 =	vperm.xlane v4, v2  }
0x450: {  	v9 =	vperm.xlane v5, v2  }
0x451: {  	v7 =	vmax.f32 v4, v7  }
0x452: {  	v49 =	vmax.f32 v5, v9;
	v9 =	vadd.f32 v7, v6  }
0x453: {  	v4 =	vsub.f32 v18, v49  }
0x454: {  	v5 =	vadd.f32 $9.999999970e-07, v9  }
0x455: {  	v4 =	vmul.f32 $1.442695020e+00, v4  }
0x456: {  	(erf) = vrcp.f32 v5  }
0x457: {  	(erf) = vpow2.f32 v4;
	_ =	sdelay $0x7  }
0x458: {  	v11 =	vpop (erf)  }
0x459: {  	v16 =	vpop (erf)  }
0x45a: {  	v17 =	vperm.xlane v16, v0;
	_ =	sdelay $0x1  }
0x45b: {  	v5 =	vadd.f32 v16, v17;
	_ =	sdelay $0x1  }
0x45c: {  	v18 =	vperm.xlane v5, v1;
	_ =	sdelay $0x1  }
0x45d: {  	v5 =	vadd.f32 v5, v18;
	_ =	sdelay $0x1  }
0x45e: {  	[tilespmem:$0x1FA60] =	vst v7;
	v7 =	vperm.xlane v5, v2;
	_ =	sdelay $0x1  }
0x45f: {  	v5 =	vadd.f32 v5, v7;
	_ =	sdelay $0x1  }
0x460: {  	(erf) = vrcp.f32 v5;
	_ =	sdelay $0x8  }
0x461: {  	v5 =	vpop (erf)  }
0x462: {  	v4 =	vmul.f32 v5, v16;
	_ =	sdelay $0x1  }
0x463: {  	v5 =	vperm.xlane v4, v0;
	_ =	sdelay $0x1  }
0x464: {  	v5 =	vmax.f32 v4, v5  }
0x465: {  	v22 =	vperm.xlane v5, v1;
	_ =	sdelay $0x1  }
0x466: {  	v5 =	vmax.f32 v5, v22  }
0x467: {  	v7 =	vperm.xlane v5, v2;
	_ =	sdelay $0x1  }
0x468: {  	[tilespmem:$0x1FE50] =	vst v6;
	v6 =	vmax.f32 v5, v7  }
0x469: {  	vm5 =	vge.f32 v4, v6  }
0x46a: {  	v25 =	vnsel vm5, $0x8, v60  }
0x46b: {  	v37 =	vperm.xlane v25, v0;
	_ =	sdelay $0x1  }
0x46c: {  	vm0 =	vlt.s32 v25, v37  }
0x46d: {  	v5 =	vsel vm0, v25, v37  }
0x46e: {  	v7 =	vperm.xlane v5, v1;
	_ =	sdelay $0x1  }
0x46f: {  	vm0 =	vlt.s32 v5, v7  }
0x470: {  	v5 =	vsel vm0, v5, v7  }
0x471: {  	v7 =	vperm.xlane v5, v2;
	_ =	sdelay $0x1  }
0x472: {  	v49 =	vld [tilespmem:$0x190];
	vm0 =	vlt.s32 v5, v7  }
0x473: {  	v5 =	vsel vm0, v5, v7  }
0x474: {  	vm9 =	veq.s32 v5, v60  }
0x475: {  	v18 =	vsel vm9, $0xBF800000, v4  }
0x476: {  	v4 =	vperm.xlane v18, v0  }
0x477: {  	[tilespmem:$0x1FF50] =	vst v11;
	v11 =	vperm.xlane v49, v0  }
0x478: {  	v4 =	vmax.f32 v18, v4  }
0x479: {  	v5 =	vmax.f32 v49, v11;
	v16 =	vperm.xlane v4, v1  }
0x47a: {  	v17 =	vperm.xlane v5, v1  }
0x47b: {  	v4 =	vmax.f32 v4, v16  }
0x47c: {  	v5 =	vmax.f32 v5, v17;
	v7 =	vperm.xlane v4, v2  }
0x47d: {  	v9 =	vperm.xlane v5, v2  }
0x47e: {  	v7 =	vmax.f32 v4, v7  }
0x47f: {  	v22 =	vmax.f32 v5, v9;
	v25 =	vadd.f32 v7, v6  }
0x480: {  	v4 =	vsub.f32 v49, v22  }
0x481: {  	v5 =	vadd.f32 $9.999999970e-07, v25  }
0x482: {  	v4 =	vmul.f32 $1.442695020e+00, v4  }
0x483: {  	(erf) = vrcp.f32 v5  }
0x484: {  	(erf) = vpow2.f32 v4;
	_ =	sdelay $0x7  }
0x485: {  	v37 =	vpop (erf)  }
0x486: {  	v49 =	vpop (erf)  }
0x487: {  	v8 =	vperm.xlane v49, v0;
	_ =	sdelay $0x1  }
0x488: {  	v5 =	vadd.f32 v49, v8;
	_ =	sdelay $0x1  }
0x489: {  	v9 =	vperm.xlane v5, v1;
	_ =	sdelay $0x1  }
0x48a: {  	v5 =	vadd.f32 v5, v9;
	_ =	sdelay $0x1  }
0x48b: {  	[tilespmem:$0x1FA70] =	vst v7;
	v7 =	vperm.xlane v5, v2;
	_ =	sdelay $0x1  }
0x48c: {  	v5 =	vadd.f32 v5, v7;
	_ =	sdelay $0x1  }
0x48d: {  	(erf) = vrcp.f32 v5;
	_ =	sdelay $0x8  }
0x48e: {  	v5 =	vpop (erf)  }
0x48f: {  	v4 =	vmul.f32 v5, v49;
	_ =	sdelay $0x1  }
0x490: {  	v5 =	vperm.xlane v4, v0;
	_ =	sdelay $0x1  }
0x491: {  	v5 =	vmax.f32 v4, v5  }
0x492: {  	v11 =	vperm.xlane v5, v1;
	_ =	sdelay $0x1  }
0x493: {  	v5 =	vmax.f32 v5, v11  }
0x494: {  	v7 =	vperm.xlane v5, v2;
	_ =	sdelay $0x1  }
0x495: {  	[tilespmem:$0x1FE60] =	vst v6;
	v6 =	vmax.f32 v5, v7  }
0x496: {  	vm6 =	vge.f32 v4, v6  }
0x497: {  	v16 =	vnsel vm6, $0x8, v60  }
0x498: {  	v17 =	vperm.xlane v16, v0;
	_ =	sdelay $0x1  }
0x499: {  	vm0 =	vlt.s32 v16, v17  }
0x49a: {  	v5 =	vsel vm0, v16, v17  }
0x49b: {  	v7 =	vperm.xlane v5, v1;
	_ =	sdelay $0x1  }
0x49c: {  	vm0 =	vlt.s32 v5, v7  }
0x49d: {  	v5 =	vsel vm0, v5, v7  }
0x49e: {  	v7 =	vperm.xlane v5, v2;
	_ =	sdelay $0x1  }
0x49f: {  	v22 =	vld [tilespmem:$0x1A0];
	vm0 =	vlt.s32 v5, v7  }
0x4a0: {  	v5 =	vsel vm0, v5, v7  }
0x4a1: {  	vm8 =	veq.s32 v5, v60  }
0x4a2: {  	v17 =	vsel vm8, $0xBF800000, v4  }
0x4a3: {  	v4 =	vperm.xlane v17, v0  }
0x4a4: {  	v25 =	vperm.xlane v22, v0  }
0x4a5: {  	v4 =	vmax.f32 v17, v4  }
0x4a6: {  	[tilespmem:$0x1FF70] =	vst v37;
	v5 =	vmax.f32 v22, v25;
	v37 =	vperm.xlane v4, v1  }
0x4a7: {  	v49 =	vperm.xlane v5, v1  }
0x4a8: {  	v4 =	vmax.f32 v4, v37  }
0x4a9: {  	v5 =	vmax.f32 v5, v49;
	v7 =	vperm.xlane v4, v2  }
0x4aa: {  	v9 =	vperm.xlane v5, v2  }
0x4ab: {  	v7 =	vmax.f32 v4, v7  }
0x4ac: {  	v9 =	vmax.f32 v5, v9;
	v11 =	vadd.f32 v7, v6  }
0x4ad: {  	v4 =	vsub.f32 v22, v9  }
0x4ae: {  	v5 =	vadd.f32 $9.999999970e-07, v11  }
0x4af: {  	v4 =	vmul.f32 $1.442695020e+00, v4  }
0x4b0: {  	(erf) = vrcp.f32 v5  }
0x4b1: {  	(erf) = vpow2.f32 v4;
	_ =	sdelay $0x7  }
0x4b2: {  	v16 =	vpop (erf)  }
0x4b3: {  	v22 =	vpop (erf)  }
0x4b4: {  	v25 =	vperm.xlane v22, v0;
	_ =	sdelay $0x1  }
0x4b5: {  	v5 =	vadd.f32 v22, v25;
	_ =	sdelay $0x1  }
0x4b6: {  	v37 =	vperm.xlane v5, v1;
	_ =	sdelay $0x1  }
0x4b7: {  	v5 =	vadd.f32 v5, v37;
	_ =	sdelay $0x1  }
0x4b8: {  	[tilespmem:$0x1FA80] =	vst v7;
	v7 =	vperm.xlane v5, v2;
	_ =	sdelay $0x1  }
0x4b9: {  	v5 =	vadd.f32 v5, v7;
	_ =	sdelay $0x1  }
0x4ba: {  	(erf) = vrcp.f32 v5;
	_ =	sdelay $0x8  }
0x4bb: {  	v5 =	vpop (erf)  }
0x4bc: {  	v4 =	vmul.f32 v5, v22;
	_ =	sdelay $0x1  }
0x4bd: {  	v5 =	vperm.xlane v4, v0;
	_ =	sdelay $0x1  }
0x4be: {  	v5 =	vmax.f32 v4, v5  }
0x4bf: {  	v49 =	vperm.xlane v5, v1;
	_ =	sdelay $0x1  }
0x4c0: {  	v5 =	vmax.f32 v5, v49  }
0x4c1: {  	v7 =	vperm.xlane v5, v2;
	_ =	sdelay $0x1  }
0x4c2: {  	[tilespmem:$0x1FE70] =	vst v6;
	v6 =	vmax.f32 v5, v7  }
0x4c3: {  	vm7 =	vge.f32 v4, v6  }
0x4c4: {  	v9 =	vnsel vm7, $0x8, v60  }
0x4c5: {  	v11 =	vperm.xlane v9, v0;
	_ =	sdelay $0x1  }
0x4c6: {  	vm0 =	vlt.s32 v9, v11  }
0x4c7: {  	v5 =	vsel vm0, v9, v11  }
0x4c8: {  	v7 =	vperm.xlane v5, v1;
	_ =	sdelay $0x1  }
0x4c9: {  	vm0 =	vlt.s32 v5, v7  }
0x4ca: {  	v5 =	vsel vm0, v5, v7  }
0x4cb: {  	v7 =	vperm.xlane v5, v2;
	_ =	sdelay $0x1  }
0x4cc: {  	[tilespmem:$0x1FF80] =	vst v16;
	v16 =	vld [tilespmem:$0x1B0];
	vm0 =	vlt.s32 v5, v7  }
0x4cd: {  	v5 =	vsel vm0, v5, v7  }
0x4ce: {  	vm7 =	veq.s32 v5, v60  }
0x4cf: {  	v37 =	vsel vm7, $0xBF800000, v4  }
0x4d0: {  	v4 =	vperm.xlane v37, v0  }
0x4d1: {  	v22 =	vperm.xlane v16, v0  }
0x4d2: {  	v4 =	vmax.f32 v37, v4  }
0x4d3: {  	v5 =	vmax.f32 v16, v22;
	v25 =	vperm.xlane v4, v1  }
0x4d4: {  	v49 =	vperm.xlane v5, v1  }
0x4d5: {  	v4 =	vmax.f32 v4, v25  }
0x4d6: {  	v5 =	vmax.f32 v5, v49;
	v7 =	vperm.xlane v4, v2  }
0x4d7: {  	v9 =	vperm.xlane v5, v2  }
0x4d8: {  	v7 =	vmax.f32 v4, v7  }
0x4d9: {  	v9 =	vmax.f32 v5, v9;
	v11 =	vadd.f32 v7, v6  }
0x4da: {  	v4 =	vsub.f32 v16, v9  }
0x4db: {  	v5 =	vadd.f32 $9.999999970e-07, v11  }
0x4dc: {  	v4 =	vmul.f32 $1.442695020e+00, v4  }
0x4dd: {  	(erf) = vrcp.f32 v5  }
0x4de: {  	(erf) = vpow2.f32 v4;
	_ =	sdelay $0x7  }
0x4df: {  	v16 =	vpop (erf)  }
0x4e0: {  	v22 =	vpop (erf)  }
0x4e1: {  	v25 =	vperm.xlane v22, v0;
	_ =	sdelay $0x1  }
0x4e2: {  	v5 =	vadd.f32 v22, v25;
	_ =	sdelay $0x1  }
0x4e3: {  	v49 =	vperm.xlane v5, v1;
	_ =	sdelay $0x1  }
0x4e4: {  	v5 =	vadd.f32 v5, v49;
	_ =	sdelay $0x1  }
0x4e5: {  	[tilespmem:$0x1FAB0] =	vst v7;
	v7 =	vperm.xlane v5, v2;
	_ =	sdelay $0x1  }
0x4e6: {  	v5 =	vadd.f32 v5, v7;
	_ =	sdelay $0x1  }
0x4e7: {  	(erf) = vrcp.f32 v5;
	_ =	sdelay $0x8  }
0x4e8: {  	v5 =	vpop (erf)  }
0x4e9: {  	v4 =	vmul.f32 v5, v22;
	_ =	sdelay $0x1  }
0x4ea: {  	v5 =	vperm.xlane v4, v0;
	_ =	sdelay $0x1  }
0x4eb: {  	v5 =	vmax.f32 v4, v5  }
0x4ec: {  	v9 =	vperm.xlane v5, v1;
	_ =	sdelay $0x1  }
0x4ed: {  	v5 =	vmax.f32 v5, v9  }
0x4ee: {  	v7 =	vperm.xlane v5, v2;
	_ =	sdelay $0x1  }
0x4ef: {  	[tilespmem:$0x1FE80] =	vst v6;
	v6 =	vmax.f32 v5, v7  }
0x4f0: {  	vm4 =	vge.f32 v4, v6  }
0x4f1: {  	v11 =	vnsel vm4, $0x8, v60  }
0x4f2: {  	[tilespmem:$0x1FFA0] =	vst v16;
	v16 =	vperm.xlane v11, v0;
	_ =	sdelay $0x1  }
0x4f3: {  	vm0 =	vlt.s32 v11, v16  }
0x4f4: {  	v5 =	vsel vm0, v11, v16  }
0x4f5: {  	v7 =	vperm.xlane v5, v1;
	_ =	sdelay $0x1  }
0x4f6: {  	vm0 =	vlt.s32 v5, v7  }
0x4f7: {  	v5 =	vsel vm0, v5, v7  }
0x4f8: {  	v7 =	vperm.xlane v5, v2;
	_ =	sdelay $0x1  }
0x4f9: {  	v8 =	vld [tilespmem:$0x1C0];
	vm0 =	vlt.s32 v5, v7  }
0x4fa: {  	v5 =	vsel vm0, v5, v7  }
0x4fb: {  	vm6 =	veq.s32 v5, v60  }
0x4fc: {  	v25 =	vsel vm6, $0xBF800000, v4  }
0x4fd: {  	v4 =	vperm.xlane v25, v0  }
0x4fe: {  	v22 =	vperm.xlane v8, v0  }
0x4ff: {  	v4 =	vmax.f32 v25, v4  }
0x500: {  	v5 =	vmax.f32 v8, v22;
	v49 =	vperm.xlane v4, v1  }
0x501: {  	v16 =	vperm.xlane v5, v1  }
0x502: {  	v4 =	vmax.f32 v4, v49  }
0x503: {  	v5 =	vmax.f32 v5, v16;
	v7 =	vperm.xlane v4, v2  }
0x504: {  	v9 =	vperm.xlane v5, v2  }
0x505: {  	v7 =	vmax.f32 v4, v7  }
0x506: {  	v22 =	vmax.f32 v5, v9;
	v49 =	vadd.f32 v7, v6  }
0x507: {  	v4 =	vsub.f32 v8, v22  }
0x508: {  	v5 =	vadd.f32 $9.999999970e-07, v49  }
0x509: {  	v4 =	vmul.f32 $1.442695020e+00, v4  }
0x50a: {  	(erf) = vrcp.f32 v5  }
0x50b: {  	(erf) = vpow2.f32 v4;
	_ =	sdelay $0x7  }
0x50c: {  	v8 =	vpop (erf)  }
0x50d: {  	v9 =	vpop (erf)  }
0x50e: {  	v11 =	vperm.xlane v9, v0;
	_ =	sdelay $0x1  }
0x50f: {  	v5 =	vadd.f32 v9, v11;
	_ =	sdelay $0x1  }
0x510: {  	v16 =	vperm.xlane v5, v1;
	_ =	sdelay $0x1  }
0x511: {  	v5 =	vadd.f32 v5, v16;
	_ =	sdelay $0x1  }
0x512: {  	[tilespmem:$0x1FAE0] =	vst v7;
	v7 =	vperm.xlane v5, v2;
	_ =	sdelay $0x1  }
0x513: {  	v5 =	vadd.f32 v5, v7;
	_ =	sdelay $0x1  }
0x514: {  	(erf) = vrcp.f32 v5;
	_ =	sdelay $0x8  }
0x515: {  	v5 =	vpop (erf)  }
0x516: {  	v4 =	vmul.f32 v5, v9;
	_ =	sdelay $0x1  }
0x517: {  	v5 =	vperm.xlane v4, v0;
	_ =	sdelay $0x1  }
0x518: {  	v5 =	vmax.f32 v4, v5  }
0x519: {  	v22 =	vperm.xlane v5, v1;
	_ =	sdelay $0x1  }
0x51a: {  	v5 =	vmax.f32 v5, v22  }
0x51b: {  	v7 =	vperm.xlane v5, v2;
	_ =	sdelay $0x1  }
0x51c: {  	[tilespmem:$0x1FE90] =	vst v6;
	v6 =	vmax.f32 v5, v7  }
0x51d: {  	vm5 =	vge.f32 v4, v6  }
0x51e: {  	v49 =	vnsel vm5, $0x8, v60  }
0x51f: {  	v9 =	vperm.xlane v49, v0;
	_ =	sdelay $0x1  }
0x520: {  	vm0 =	vlt.s32 v49, v9  }
0x521: {  	v5 =	vsel vm0, v49, v9  }
0x522: {  	v7 =	vperm.xlane v5, v1;
	_ =	sdelay $0x1  }
0x523: {  	vm0 =	vlt.s32 v5, v7  }
0x524: {  	v5 =	vsel vm0, v5, v7  }
0x525: {  	v7 =	vperm.xlane v5, v2;
	_ =	sdelay $0x1  }
0x526: {  	[tilespmem:$0x1FFB0] =	vst v8;
	v8 =	vld [tilespmem:$0x1D0];
	vm0 =	vlt.s32 v5, v7  }
0x527: {  	v5 =	vsel vm0, v5, v7  }
0x528: {  	vm5 =	veq.s32 v5, v60  }
0x529: {  	v22 =	vsel vm5, $0xBF800000, v4  }
0x52a: {  	v4 =	vperm.xlane v22, v0  }
0x52b: {  	v11 =	vperm.xlane v8, v0  }
0x52c: {  	v4 =	vmax.f32 v22, v4  }
0x52d: {  	v5 =	vmax.f32 v8, v11;
	v16 =	vperm.xlane v4, v1  }
0x52e: {  	v49 =	vperm.xlane v5, v1  }
0x52f: {  	v4 =	vmax.f32 v4, v16  }
0x530: {  	v5 =	vmax.f32 v5, v49;
	v7 =	vperm.xlane v4, v2  }
0x531: {  	v9 =	vperm.xlane v5, v2  }
0x532: {  	v7 =	vmax.f32 v4, v7  }
0x533: {  	v9 =	vmax.f32 v5, v9;
	v11 =	vadd.f32 v7, v6  }
0x534: {  	v4 =	vsub.f32 v8, v9  }
0x535: {  	v5 =	vadd.f32 $9.999999970e-07, v11  }
0x536: {  	v4 =	vmul.f32 $1.442695020e+00, v4  }
0x537: {  	(erf) = vrcp.f32 v5  }
0x538: {  	(erf) = vpow2.f32 v4;
	_ =	sdelay $0x7  }
0x539: {  	v16 =	vpop (erf)  }
0x53a: {  	v49 =	vpop (erf)  }
0x53b: {  	v9 =	vperm.xlane v49, v0;
	_ =	sdelay $0x1  }
0x53c: {  	v5 =	vadd.f32 v49, v9;
	_ =	sdelay $0x1  }
0x53d: {  	v11 =	vperm.xlane v5, v1;
	_ =	sdelay $0x1  }
0x53e: {  	v5 =	vadd.f32 v5, v11;
	_ =	sdelay $0x1  }
0x53f: {  	[tilespmem:$0x1FAF0] =	vst v7;
	v7 =	vperm.xlane v5, v2;
	_ =	sdelay $0x1  }
0x540: {  	v5 =	vadd.f32 v5, v7;
	_ =	sdelay $0x1  }
0x541: {  	(erf) = vrcp.f32 v5;
	_ =	sdelay $0x8  }
0x542: {  	v5 =	vpop (erf)  }
0x543: {  	v4 =	vmul.f32 v5, v49;
	_ =	sdelay $0x1  }
0x544: {  	v5 =	vperm.xlane v4, v0;
	_ =	sdelay $0x1  }
0x545: {  	v5 =	vmax.f32 v4, v5  }
0x546: {  	[tilespmem:$0x1FFC0] =	vst v16;
	v16 =	vperm.xlane v5, v1;
	_ =	sdelay $0x1  }
0x547: {  	v5 =	vmax.f32 v5, v16  }
0x548: {  	v7 =	vperm.xlane v5, v2;
	_ =	sdelay $0x1  }
0x549: {  	[tilespmem:$0x1FF60] =	vst v6;
	v6 =	vmax.f32 v5, v7  }
0x54a: {  	vm4 =	vge.f32 v4, v6  }
0x54b: {  	v49 =	vnsel vm4, $0x8, v60  }
0x54c: {  	v9 =	vperm.xlane v49, v0;
	_ =	sdelay $0x1  }
0x54d: {  	vm0 =	vlt.s32 v49, v9  }
0x54e: {  	v5 =	vsel vm0, v49, v9  }
0x54f: {  	v7 =	vperm.xlane v5, v1;
	_ =	sdelay $0x1  }
0x550: {  	vm0 =	vlt.s32 v5, v7  }
0x551: {  	v5 =	vsel vm0, v5, v7  }
0x552: {  	v7 =	vperm.xlane v5, v2;
	_ =	sdelay $0x1  }
0x553: {  	v8 =	vld [tilespmem:$0x1E0];
	vm0 =	vlt.s32 v5, v7  }
0x554: {  	v5 =	vsel vm0, v5, v7  }
0x555: {  	vm4 =	veq.s32 v5, v60  }
0x556: {  	v49 =	vsel vm4, $0xBF800000, v4  }
0x557: {  	v4 =	vperm.xlane v49, v0  }
0x558: {  	v11 =	vperm.xlane v8, v0  }
0x559: {  	v4 =	vmax.f32 v49, v4  }
0x55a: {  	vm0 =	vge.f32 v10, v15;
	v5 =	vmax.f32 v8, v11;
	v7 =	vperm.xlane v4, v1  }
0x55b: {  	v9 =	vnsel vm0, $0x8, v60;
	v16 =	vperm.xlane v5, v1  }
0x55c: {  	v4 =	vmax.f32 v4, v7;
	v7 =	vperm.xlane v9, v0  }
0x55d: {  	vm1 =	vge.f32 v13, v31;
	v5 =	vmax.f32 v5, v16  }
0x55e: {  	v11 =	vperm.xlane v5, v2;
	v16 =	vperm.xlane v4, v2;
	vm0 =	vlt.s32 v9, v7  }
0x55f: {  	v7 =	vsel vm0, v9, v7;
	v9 =	vnsel vm1, $0x8, v60  }
0x560: {  	vm0 =	vge.f32 v63, v41;
	v16 =	vmax.f32 v4, v16;
	v4 =	vmax.f32 v5, v11  }
0x561: {  	v13 =	vnsel vm0, $0x8, v60;
	v5 =	vperm.xlane v7, v1;
	v63 =	vadd.f32 v16, v6  }
0x562: {  	[tilespmem:$0x1FB30] =	vst v16;
	v10 =	vperm.xlane v9, v0;
	v16 =	vperm.xlane v13, v0  }
0x563: {  	v4 =	vsub.f32 v8, v4;
	v11 =	vadd.f32 $9.999999970e-07, v63;
	vm0 =	vlt.s32 v7, v5  }
0x564: {  	vm1 =	vlt.s32 v9, v10;
	v5 =	vsel vm0, v7, v5;
	vm0 =	vlt.s32 v13, v16  }
0x565: {  	v4 =	vmul.f32 $1.442695020e+00, v4;
	v7 =	vsel vm1, v9, v10;
	v8 =	vsel vm0, v13, v16  }
0x566: {  	(erf) = vrcp.f32 v11;
	v63 =	vperm.xlane v5, v2;
	vm0 =	vge.f32 v62, v40  }
0x567: {  	v10 =	vperm.xlane v7, v1;
	v11 =	vnsel vm0, $0x8, v60;
	(erf) = vpow2.f32 v4  }
0x568: {  	v16 =	vperm.xlane v8, v1;
	v62 =	vperm.xlane v11, v0;
	vm0 =	vlt.s32 v5, v63  }
0x569: {  	vm1 =	vlt.s32 v7, v10;
	v5 =	vsel vm0, v5, v63  }
0x56a: {  	v7 =	vsel vm1, v7, v10;
	vm0 =	vlt.s32 v8, v16;
	vm1 =	vlt.s32 v11, v62  }
0x56b: {  	v4 =	vsel vm0, v8, v16;
	v16 =	vsel vm1, v11, v62  }
0x56c: {  	v14 =	vnsel vm2, $0x0, v14;
	v62 =	vperm.xlane v16, v1  }
0x56d: {  	[tilespmem:$0x1FC20] =	vst v14;
	vm0 =	veq.s32 v5, v60;
	v14 =	vperm.xlane v4, v2  }
0x56e: {  	v63 =	vperm.xlane v7, v2;
	v5 =	vnsel vm0, $0x0, v15;
	vm0 =	vlt.s32 v16, v62  }
0x56f: {  	v8 =	vsel vm0, v16, v62;
	v16 =	vpop (erf);
	vm0 =	vlt.s32 v4, v14  }
0x570: {  	vm1 =	vlt.s32 v7, v63;
	v4 =	vsel vm0, v4, v14;
	v11 =	vpop (erf);
	v14 =	vld [tilespmem:$0x1F990]  }
0x571: {  	v63 =	vsel vm1, v7, v63;
	vm1 =	vge.f32 v52, v45;
	v62 =	vperm.xlane v11, v0  }
0x572: {  	v15 =	vnsel vm3, $0x0, v24;
	v9 =	vnsel vm1, $0x8, v60  }
0x573: {  	v52 =	vperm.xlane v9, v0;
	[tilespmem:$0x1FFE0] =	vst v16;
	vm0 =	veq.s32 v63, v60;
	v16 =	vadd.f32 v11, v62;
	v62 =	vld [tilespmem:$0x1F9A0]  }
0x574: {  	v24 =	vperm.xlane v8, v2;
	vm1 =	veq.s32 v4, v60;
	v63 =	vnsel vm0, $0x0, v31;
	v31 =	vld [tilespmem:$0x1F9B0]  }
0x575: {  	[tilespmem:$0x1FC40] =	vst v15;
	v15 =	vnsel vm1, $0x0, v41;
	vm0 =	vnez.u8 v14  }
0x576: {  	vm1 =	vlt.s32 v9, v52;
	v4 =	vnsel vm0, $0x0, v47;
	vm0 =	vlt.s32 v8, v24  }
0x577: {  	v52 =	vsel vm1, v9, v52;
	v47 =	vsel vm0, v8, v24;
	v24 =	vperm.xlane v16, v1  }
0x578: {  	[tilespmem:$0x1FC50] =	vst v63;
	vm1 =	vge.f32 v51, v28;
	v9 =	vperm.xlane v52, v1;
	vm0 =	vge.f32 v62, v36  }
0x579: {  	[tilespmem:$0x1FC60] =	vst v4;
	v63 =	vnsel vm0, $0x8, v60;
	vm0 =	vnez.u8 v31;
	v4 =	vadd.f32 v16, v24  }
0x57a: {  	[tilespmem:$0x1FF90] =	vst v6;
	v6 =	vnsel vm0, $0x0, v12;
	v41 =	vperm.xlane v63, v0;
	vm0 =	veq.s32 v47, v60  }
0x57b: {  	[tilespmem:$0x1FC30] =	vst v5;
	v5 =	vnsel vm0, $0x0, v40;
	vm0 =	vlt.s32 v52, v9;
	v62 =	vperm.xlane v4, v2  }
0x57c: {  	v47 =	vsel vm0, v52, v9;
	vm0 =	vlt.s32 v63, v41;
	v52 =	vnsel vm1, $0x8, v60  }
0x57d: {  	v51 =	vsel vm0, v63, v41;
	v63 =	vperm.xlane v47, v2;
	vm0 =	vge.f32 v3, v29  }
0x57e: {  	v16 =	vmovc v28;
	v28 =	vperm.xlane v52, v0;
	v4 =	vadd.f32 v4, v62;
	v3 =	vld [tilespmem:$0x1F9C0];
	v31 =	vnsel vm0, $0x8, v60  }
0x57f: {  	v40 =	vperm.xlane v51, v1;
	v41 =	vperm.xlane v31, v0  }
0x580: {  	vm0 =	vlt.s32 v47, v63;
	vm1 =	vlt.s32 v52, v28;
	(erf) = vrcp.f32 v4  }
0x581: {  	[tilespmem:$0x1FCC0] =	vst v5;
	v5 =	vsel vm0, v47, v63;
	v8 =	vsel vm1, v52, v28;
	vm0 =	vlt.s32 v51, v40  }
0x582: {  	v47 =	vperm.xlane v8, v1;
	vm1 =	vlt.s32 v31, v41;
	v7 =	vsel vm0, v51, v40  }
0x583: {  	vm2 =	vnez.u8 v3;
	v51 =	vsel vm1, v31, v41;
	v52 =	vperm.xlane v7, v2  }
0x584: {  	vm1 =	vge.f32 v58, v33;
	v3 =	vnsel vm2, $0x0, v44;
	vm0 =	vlt.s32 v8, v47  }
0x585: {  	v58 =	vnsel vm1, $0x8, v60;
	v62 =	vperm.xlane v51, v1;
	vm2 =	vge.f32 v30, v38  }
0x586: {  	v4 =	vsel vm0, v8, v47;
	v63 =	vperm.xlane v58, v0;
	vm0 =	veq.s32 v5, v60  }
0x587: {  	[tilespmem:$0x1FCD0] =	vst v3;
	vm1 =	vlt.s32 v7, v52;
	v3 =	vnsel vm0, $0x0, v45;
	vm0 =	vlt.s32 v51, v62  }
0x588: {  	v28 =	vnsel vm2, $0x8, v60;
	v24 =	vperm.xlane v4, v2;
	[tilespmem:$0x1FCE0] =	vst v3;
	v9 =	vsel vm0, v51, v62;
	v3 =	vld [tilespmem:$0x1F9D0]  }
0x589: {  	[tilespmem:$0x1FC70] =	vst v15;
	v15 =	vsel vm1, v7, v52;
	vm1 =	vlt.s32 v58, v63;
	v13 =	vperm.xlane v9, v2  }
0x58a: {  	v30 =	vperm.xlane v28, v0;
	v8 =	vsel vm1, v58, v63;
	vm0 =	vlt.s32 v4, v24;
	v31 =	vpop (erf)  }
0x58b: {  	[tilespmem:$0x1FCB0] =	vst v6;
	v6 =	vsel vm0, v4, v24;
	v11 =	vmul.f32 v31, v11;
	vm0 =	vlt.s32 v9, v13  }
0x58c: {  	v14 =	vperm.xlane v8, v1;
	v13 =	vsel vm0, v9, v13;
	vm0 =	vlt.s32 v28, v30  }
0x58d: {  	v12 =	vmovc v38;
	vm1 =	vnez.u8 v3;
	v4 =	vsel vm0, v28, v30;
	v38 =	vperm.xlane v11, v0  }
0x58e: {  	vm0 =	vge.f32 v53, v43;
	v3 =	vnsel vm1, $0x0, v46;
	vm1 =	vlt.s32 v8, v14  }
0x58f: {  	v40 =	vnsel vm0, $0x8, v60;
	v8 =	vsel vm1, v8, v14;
	v9 =	vmax.f32 v11, v38  }
0x590: {  	vm0 =	vge.f32 v50, v57;
	[tilespmem:$0x1FCF0] =	vst v3;
	v14 =	vperm.xlane v8, v2;
	v3 =	vperm.xlane v9, v1  }
0x591: {  	v44 =	vperm.xlane v4, v1;
	v41 =	vnsel vm0, $0x8, v60;
	v45 =	vperm.xlane v40, v0  }
0x592: {  	v46 =	vperm.xlane v41, v0;
	vm0 =	vlt.s32 v8, v14;
	v3 =	vmax.f32 v9, v3  }
0x593: {  	v50 =	vsel vm0, v8, v14;
	vm0 =	vlt.s32 v4, v44;
	v53 =	vperm.xlane v3, v2  }
0x594: {  	vm1 =	vge.f32 v34, v56;
	v4 =	vsel vm0, v4, v44;
	vm0 =	vlt.s32 v40, v45  }
0x595: {  	v47 =	vsel vm0, v40, v45;
	vm0 =	vlt.s32 v41, v46;
	v28 =	vmax.f32 v3, v53  }
0x596: {  	v3 =	vperm.xlane v4, v2;
	v8 =	vsel vm0, v41, v46;
	vm0 =	vge.f32 v48, v59  }
0x597: {  	v58 =	vmovc v57;
	v57 =	vmovc v56;
	v62 =	vperm.xlane v47, v1;
	v46 =	vld [tilespmem:$0x1F9E0];
	v56 =	vnsel vm0, $0x8, v60;
	vm0 =	vge.f32 v11, v28  }
0x598: {  	v41 =	vmovc v59;
	v59 =	vnsel vm1, $0x8, v60;
	v30 =	vperm.xlane v8, v1;
	v63 =	vnsel vm0, $0x8, v60  }
0x599: {  	v34 =	vperm.xlane v56, v0;
	vm0 =	vlt.s32 v4, v3;
	vm1 =	vlt.s32 v47, v62  }
0x59a: {  	v38 =	vperm.xlane v59, v0;
	v3 =	vsel vm0, v4, v3;
	v40 =	vsel vm1, v47, v62  }
0x59b: {  	v52 =	vperm.xlane v63, v0;
	vm0 =	vlt.s32 v8, v30;
	vm1 =	vlt.s32 v56, v34  }
0x59c: {  	v8 =	vsel vm0, v8, v30;
	v56 =	vsel vm1, v56, v34;
	vm0 =	vge.f32 v61, v46  }
0x59d: {  	vm2 =	vlt.s32 v59, v38;
	v62 =	vnsel vm0, $0x8, v60;
	v48 =	vperm.xlane v56, v1  }
0x59e: {  	v5 =	vsel vm2, v59, v38;
	vm1 =	vlt.s32 v63, v52;
	v38 =	vperm.xlane v62, v0  }
0x59f: {  	v59 =	vperm.xlane v40, v2;
	v9 =	vsel vm1, v63, v52;
	vm1 =	vlt.s32 v56, v48  }
0x5a0: {  	[tilespmem:$0x1FB20] =	vst v3;
	v3 =	vperm.xlane v9, v1;
	v44 =	vsel vm1, v56, v48;
	vm1 =	vlt.s32 v62, v38  }
0x5a1: {  	v63 =	vperm.xlane v8, v2;
	v45 =	vsel vm1, v62, v38;
	v38 =	vld [tilespmem:$0x1F9F0]  }
0x5a2: {  	v34 =	vperm.xlane v5, v1;
	vm0 =	vlt.s32 v40, v59;
	vm2 =	vlt.s32 v9, v3  }
0x5a3: {  	v53 =	vsel vm0, v40, v59;
	vm0 =	vlt.s32 v8, v63;
	v3 =	vsel vm2, v9, v3  }
0x5a4: {  	v40 =	vsel vm0, v8, v63;
	vm0 =	vlt.s32 v5, v34;
	v9 =	vperm.xlane v3, v2  }
0x5a5: {  	v48 =	vld [tilespmem:$0x1F0];
	v4 =	vsel vm0, v5, v34;
	v10 =	vperm.xlane v44, v2  }
0x5a6: {  	v47 =	vperm.xlane v4, v2;
	vm1 =	vlt.s32 v3, v9;
	vm0 =	vge.f32 v35, v38  }
0x5a7: {  	v56 =	vperm.xlane v45, v1;
	v3 =	vsel vm1, v3, v9;
	v52 =	vnsel vm0, $0x8, v60  }
0x5a8: {  	vm1 =	vlt.s32 v4, v47;
	vm3 =	veq.s32 v3, v60;
	v59 =	vperm.xlane v52, v0  }
0x5a9: {  	v4 =	vsel vm1, v4, v47;
	vm0 =	vlt.s32 v44, v10;
	v7 =	vsel vm3, $0xBF800000, v11  }
0x5aa: {  	[tilespmem:$0x1FBD0] =	vst v4;
	v4 =	vperm.xlane v48, v0;
	v61 =	vsel vm0, v44, v10;
	vm2 =	vlt.s32 v52, v59  }
0x5ab: {  	vm0 =	vlt.s32 v45, v56;
	v63 =	vperm.xlane v7, v0;
	v62 =	vsel vm2, v52, v59;
	v52 =	vld [tilespmem:$0x1FA00]  }
0x5ac: {  	v3 =	vsel vm0, v45, v56;
	v56 =	vld [tilespmem:$0x1FA10]  }
0x5ad: {  	v9 =	vmax.f32 v48, v4;
	v8 =	vmax.f32 v7, v63  }
0x5ae: {  	v51 =	vperm.xlane v8, v1;
	v59 =	vperm.xlane v9, v1  }
0x5af: {  	v44 =	vperm.xlane v62, v1  }
0x5b0: {  	v8 =	vmax.f32 v8, v51;
	v9 =	vmax.f32 v9, v59;
	vm0 =	vge.f32 v54, v52  }
0x5b1: {  	v51 =	vld [tilespmem:$0x1FA20];
	vm2 =	vge.f32 v32, v56;
	v63 =	vperm.xlane v9, v2;
	v24 =	vnsel vm0, $0x8, v60  }
0x5b2: {  	[tilespmem:$0x1FB80] =	vst v40;
	v40 =	vnsel vm2, $0x8, v60;
	vm2 =	vge.f32 v21, v27;
	v45 =	vperm.xlane v24, v0  }
0x5b3: {  	v47 =	vperm.xlane v40, v0;
	v4 =	vnsel vm2, $0x8, v60;
	vm0 =	vlt.s32 v62, v44  }
0x5b4: {  	v21 =	vmax.f32 v9, v63;
	v5 =	vsel vm0, v62, v44;
	vm0 =	vlt.s32 v24, v45  }
0x5b5: {  	v62 =	vperm.xlane v8, v2;
	v10 =	vsel vm0, v24, v45;
	vm0 =	vlt.s32 v40, v47  }
0x5b6: {  	v45 =	vperm.xlane v3, v2;
	v11 =	vsel vm0, v40, v47;
	vm0 =	vge.f32 v26, v51  }
0x5b7: {  	v47 =	vmax.f32 v8, v62;
	v24 =	vperm.xlane v10, v1;
	v8 =	vsub.f32 v48, v21  }
0x5b8: {  	[tilespmem:$0x1FE10] =	vst v27;
	v40 =	vperm.xlane v4, v0;
	v26 =	vnsel vm0, $0x8, v60;
	v27 =	vperm.xlane v11, v1  }
0x5b9: {  	v35 =	vadd.f32 v47, v28;
	v34 =	vperm.xlane v26, v0;
	vm0 =	vlt.s32 v10, v24  }
0x5ba: {  	v8 =	vmul.f32 $1.442695020e+00, v8;
	vm2 =	vlt.s32 v11, v27;
	v10 =	vsel vm0, v10, v24  }
0x5bb: {  	[tilespmem:$0x1FFD0] =	vst v28;
	v44 =	vadd.f32 $9.999999970e-07, v35;
	vm0 =	vlt.s32 v26, v34;
	v28 =	vperm.xlane v10, v2  }
0x5bc: {  	v14 =	vsel vm2, v11, v27;
	vm2 =	vlt.s32 v4, v40;
	v31 =	vsel vm0, v26, v34  }
0x5bd: {  	v32 =	vsel vm2, v4, v40;
	(erf) = vrcp.f32 v44;
	vm2 =	vlt.s32 v10, v28  }
0x5be: {  	vm0 =	vge.f32 v20, v55;
	(erf) = vpow2.f32 v8;
	v40 =	vsel vm2, v10, v28;
	v28 =	vld [tilespmem:$0x1FA30]  }
0x5bf: {  	v59 =	vperm.xlane v5, v2;
	v48 =	vnsel vm0, $0x8, v60;
	vm0 =	vlt.s32 v3, v45  }
0x5c0: {  	v30 =	vperm.xlane v14, v2;
	v34 =	vperm.xlane v31, v1;
	v26 =	vsel vm0, v3, v45  }
0x5c1: {  	v3 =	vperm.xlane v32, v1;
	v35 =	vperm.xlane v48, v0;
	vm0 =	vlt.s32 v5, v59  }
0x5c2: {  	vm1 =	vlt.s32 v14, v30;
	v11 =	vsel vm0, v5, v59;
	vm0 =	vlt.s32 v31, v34  }
0x5c3: {  	v44 =	vsel vm1, v14, v30;
	v45 =	vsel vm0, v31, v34;
	vm0 =	vge.f32 v19, v28  }
0x5c4: {  	vm1 =	vlt.s32 v32, v3;
	vm2 =	vlt.s32 v48, v35;
	v20 =	vnsel vm0, $0x8, v60  }
0x5c5: {  	v3 =	vsel vm1, v32, v3;
	vm1 =	vge.f32 v42, v39;
	v30 =	vperm.xlane v20, v0  }
0x5c6: {  	v8 =	vsel vm2, v48, v35;
	v59 =	vperm.xlane v45, v2;
	v21 =	vnsel vm1, $0x8, v60;
	v24 =	vpop (erf)  }
0x5c7: {  	v27 =	vperm.xlane v8, v1;
	v31 =	vperm.xlane v21, v0;
	v62 =	vpop (erf);
	vm1 =	vlt.s32 v20, v30  }
0x5c8: {  	vm0 =	vlt.s32 v45, v59;
	v35 =	vperm.xlane v62, v0;
	v14 =	vsel vm1, v20, v30;
	v20 =	vld [tilespmem:$0x1FA40]  }
0x5c9: {  	v34 =	vperm.xlane v3, v2;
	v63 =	vsel vm0, v45, v59  }
0x5ca: {  	vm0 =	vlt.s32 v8, v27;
	vm2 =	vlt.s32 v21, v31;
	v42 =	vadd.f32 v62, v35  }
0x5cb: {  	[tilespmem:$0x1FDB0] =	vst v40;
	v8 =	vsel vm0, v8, v27;
	v40 =	vsel vm2, v21, v31;
	vm0 =	vlt.s32 v3, v34  }
0x5cc: {  	v21 =	vld [tilespmem:$0x1FA50];
	v32 =	vsel vm0, v3, v34;
	vm0 =	veq.s32 v15, v60;
	v19 =	vperm.xlane v42, v1  }
0x5cd: {  	v30 =	vnsel vm0, $0x0, v36;
	vm0 =	vnez.u8 v20;
	v20 =	vld [tilespmem:$0x1FA60]  }
0x5ce: {  	v35 =	vld [tilespmem:$0x1FA70];
	v4 =	vadd.f32 v42, v19  }
0x5cf: {  	[tilespmem:$0x1FDC0] =	vst v44;
	v44 =	vperm.xlane v8, v2;
	v3 =	vperm.xlane v14, v1;
	v42 =	vld [tilespmem:$0x1FA80]  }
0x5d0: {  	v45 =	vperm.xlane v40, v1;
	v31 =	vperm.xlane v4, v2  }
0x5d1: {  	vm1 =	vlt.s32 v8, v44;
	v27 =	vnsel vm0, $0x0, v21;
	vm0 =	vlt.s32 v14, v3  }
0x5d2: {  	v3 =	vsel vm0, v14, v3;
	v4 =	vadd.f32 v4, v31;
	v31 =	vld [tilespmem:$0x1FA90];
	vm0 =	vge.f32 v23, v20  }
0x5d3: {  	[tilespmem:$0x1FFF0] =	vst v24;
	v59 =	vsel vm1, v8, v44;
	v24 =	vnsel vm0, $0x8, v60;
	vm0 =	vge.f32 v18, v35  }
0x5d4: {  	v34 =	vld [tilespmem:$0x1FAA0];
	vm1 =	vlt.s32 v40, v45;
	v18 =	vnsel vm0, $0x8, v60;
	vm0 =	vge.f32 v17, v42  }
0x5d5: {  	v5 =	vsel vm1, v40, v45;
	v36 =	vperm.xlane v24, v0;
	v17 =	vnsel vm0, $0x8, v60  }
0x5d6: {  	v45 =	vperm.xlane v18, v0;
	vm0 =	veq.s32 v6, v60;
	v9 =	vperm.xlane v17, v0  }
0x5d7: {  	vm1 =	vlt.s32 v24, v36;
	v19 =	vnsel vm0, $0x0, v16;
	vm2 =	vnez.u8 v31  }
0x5d8: {  	v10 =	vsel vm1, v24, v36;
	v24 =	vperm.xlane v3, v2;
	vm0 =	vlt.s32 v18, v45  }
0x5d9: {  	v23 =	vnsel vm2, $0x0, v34;
	v34 =	vld [tilespmem:$0x1FAB0];
	vm1 =	vlt.s32 v17, v9;
	v40 =	vperm.xlane v10, v1  }
0x5da: {  	(erf) = vrcp.f32 v4;
	v15 =	vsel vm0, v18, v45;
	v17 =	vsel vm1, v17, v9  }
0x5db: {  	vm0 =	vlt.s32 v3, v24;
	v8 =	vperm.xlane v15, v1;
	vm2 =	vlt.s32 v10, v40  }
0x5dc: {  	v31 =	vsel vm0, v3, v24;
	vm0 =	veq.s32 v13, v60;
	v9 =	vsel vm2, v10, v40  }
0x5dd: {  	v18 =	vnsel vm0, $0x0, v29;
	vm0 =	vlt.s32 v15, v8;
	v48 =	vperm.xlane v9, v2  }
0x5de: {  	v36 =	vperm.xlane v5, v2;
	v40 =	vld [tilespmem:$0x1FAC0];
	v4 =	vsel vm0, v15, v8;
	vm0 =	vge.f32 v37, v34  }
0x5df: {  	v3 =	vperm.xlane v17, v1;
	v10 =	vnsel vm0, $0x8, v60;
	vm0 =	vlt.s32 v9, v48  }
0x5e0: {  	vm1 =	vlt.s32 v5, v36;
	v44 =	vsel vm0, v9, v48;
	v9 =	vld [tilespmem:$0x1FAD0]  }
0x5e1: {  	v45 =	vsel vm1, v5, v36;
	vm1 =	vlt.s32 v17, v3  }
0x5e2: {  	v3 =	vsel vm1, v17, v3;
	v17 =	vld [tilespmem:$0x1FAE0]  }
0x5e3: {  	v24 =	vperm.xlane v4, v2;
	v36 =	vperm.xlane v10, v0;
	vm0 =	vnez.u8 v40;
	v40 =	vld [tilespmem:$0x1FAF0]  }
0x5e4: {  	v29 =	vperm.xlane v3, v2  }
0x5e5: {  	vm1 =	vlt.s32 v10, v36;
	v16 =	vnsel vm0, $0x0, v9;
	vm0 =	vlt.s32 v4, v24  }
0x5e6: {  	v10 =	vsel vm1, v10, v36;
	v21 =	vsel vm0, v4, v24;
	vm0 =	vlt.s32 v3, v29  }
0x5e7: {  	v37 =	vpop (erf);
	v15 =	vperm.xlane v10, v1;
	v24 =	vsel vm0, v3, v29;
	vm0 =	vge.f32 v25, v17  }
0x5e8: {  	v54 =	vmul.f32 v37, v62;
	vm1 =	vge.f32 v22, v40;
	v3 =	vld [tilespmem:$0x1FB00];
	v36 =	vnsel vm0, $0x8, v60  }
0x5e9: {  	v37 =	vnsel vm1, $0x8, v60;
	vm0 =	vlt.s32 v10, v15;
	v8 =	vperm.xlane v36, v0  }
0x5ea: {  	v4 =	vsel vm0, v10, v15;
	v10 =	vperm.xlane v37, v0;
	vm0 =	veq.s32 v50, v60  }
0x5eb: {  	v50 =	vnsel vm0, $0x0, v33;
	vm0 =	vlt.s32 v36, v8  }
0x5ec: {  	v22 =	vsel vm0, v36, v8;
	vm0 =	vlt.s32 v37, v10  }
0x5ed: {  	v15 =	vsel vm0, v37, v10;
	vm0 =	vnez.u8 v3;
	v3 =	vld [tilespmem:$0x1FB10];
	_ =	sdelay $0x3  }
0x5ee: {  	v29 =	vperm.xlane v54, v0  }
0x5ef: {  	v13 =	vnsel vm0, $0x0, v3;
	v3 =	vld [tilespmem:$0x1FB20]  }
0x5f0: {  	v5 =	vmax.f32 v54, v29  }
0x5f1: {  	v9 =	vperm.xlane v5, v1;
	v33 =	vperm.xlane v4, v2  }
0x5f2: {  	v36 =	vperm.xlane v22, v1  }
0x5f3: {  	v5 =	vmax.f32 v5, v9;
	v37 =	vperm.xlane v15, v1;
	vm0 =	vlt.s32 v4, v33  }
0x5f4: {  	vm1 =	vlt.s32 v22, v36;
	v25 =	vsel vm0, v4, v33;
	vm0 =	veq.s32 v3, v60;
	v3 =	vld [tilespmem:$0x1FB40]  }
0x5f5: {  	v29 =	vperm.xlane v5, v2;
	v4 =	vsel vm1, v22, v36;
	vm1 =	vlt.s32 v15, v37  }
0x5f6: {  	v15 =	vsel vm1, v15, v37;
	v37 =	vld [tilespmem:$0x1FB30]  }
0x5f7: {  	v14 =	vmax.f32 v5, v29  }
0x5f8: {  	vm2 =	vge.f32 v54, v14  }
0x5f9: {  	v22 =	vnsel vm2, $0x8, v60;
	vm1 =	vnez.u8 v3;
	v3 =	vld [tilespmem:$0x1FB50]  }
0x5fa: {  	v6 =	vperm.xlane v22, v0  }
0x5fb: {  	v29 =	vnsel vm0, $0x0, v12;
	vm0 =	vge.f32 v49, v37  }
0x5fc: {  	v33 =	vperm.xlane v4, v2;
	v12 =	vnsel vm0, $0x8, v60;
	vm0 =	vlt.s32 v22, v6  }
0x5fd: {  	v10 =	vld [tilespmem:$0x1FB60];
	v22 =	vsel vm0, v22, v6;
	v36 =	vperm.xlane v12, v0;
	vm0 =	veq.s32 v53, v60  }
0x5fe: {  	v53 =	vnsel vm0, $0x0, v43;
	v43 =	vld [tilespmem:$0x1FB80];
	v9 =	vnsel vm1, $0x0, v3;
	vm1 =	vlt.s32 v4, v33  }
0x5ff: {  	v49 =	vperm.xlane v15, v2;
	v3 =	vperm.xlane v22, v1;
	v48 =	vsel vm1, v4, v33;
	v33 =	vld [tilespmem:$0x1FB70]  }
0x600: {  	vm0 =	vlt.s32 v12, v36;
	vm1 =	vge.f32 v7, v47  }
0x601: {  	v7 =	vsel vm0, v12, v36;
	vm0 =	vlt.s32 v15, v49;
	vm2 =	vlt.s32 v22, v3  }
0x602: {  	v12 =	vnsel vm1, $0x8, v60;
	v3 =	vsel vm2, v22, v3;
	v22 =	vperm.xlane v7, v1  }
0x603: {  	vm1 =	vnez.u8 v10;
	v49 =	vsel vm0, v15, v49;
	v62 =	vperm.xlane v12, v0  }
0x604: {  	vm0 =	veq.s32 v43, v60;
	v6 =	vnsel vm1, $0x0, v33;
	vm1 =	vlt.s32 v7, v22  }
0x605: {  	vm2 =	vlt.s32 v12, v62;
	v7 =	vsel vm1, v7, v22;
	v22 =	vnsel vm0, $0x0, v58;
	v58 =	vld [tilespmem:$0x1FB90]  }
0x606: {  	v12 =	vsel vm2, v12, v62;
	v62 =	vld [tilespmem:$0x1FBA0]  }
0x607: {  	v36 =	vperm.xlane v3, v2;
	_ =	sdelay $0x1  }
0x608: {  	v10 =	vld [tilespmem:$0x1FBB0];
	vm1 =	vlt.s32 v3, v36  }
0x609: {  	v3 =	vsel vm1, v3, v36;
	v36 =	vld [tilespmem:$0x1FBC0];
	vm0 =	vnez.u8 v58  }
0x60a: {  	v43 =	vnsel vm0, $0x0, v62;
	vm0 =	veq.s32 v61, v60  }
0x60b: {  	v15 =	vnsel vm0, $0x0, v41;
	v41 =	vld [tilespmem:$0x1FBD0];
	_ =	sdelay $0x1  }
0x60c: {  	vm0 =	vnez.u8 v10;
	v10 =	vld [tilespmem:$0x1FBE0]  }
0x60d: {  	v62 =	vnsel vm0, $0x0, v36;
	v36 =	vld [tilespmem:$0x1FBF0]  }
0x60e: {  	v8 =	vperm.xlane v12, v1  }
0x60f: {  	vm1 =	veq.s32 v41, v60  }
0x610: {  	vm0 =	veq.s32 v3, v60;
	v41 =	vnsel vm1, $0x0, v57;
	vm1 =	vlt.s32 v12, v8  }
0x611: {  	v3 =	vsel vm1, v12, v8;
	v12 =	vperm.xlane v7, v2;
	vm1 =	vnez.u8 v10  }
0x612: {  	v10 =	vnsel vm1, $0x0, v36;
	v57 =	vperm.xlane v3, v2;
	vm1 =	veq.s32 v26, v60  }
0x613: {  	v26 =	vnsel vm1, $0x0, v46;
	vm1 =	vlt.s32 v7, v12  }
0x614: {  	v12 =	vsel vm1, v7, v12;
	vm1 =	vlt.s32 v3, v57  }
0x615: {  	v46 =	vsel vm1, v3, v57;
	v3 =	vld [tilespmem:$0x1FC00];
	_ =	sdelay $0x4  }
0x616: {  	vm1 =	vnez.u8 v3;
	v3 =	vld [tilespmem:$0x1FC10]  }
0x617: {  	v54 =	vsel vm0, $0xBF800000, v54  }
0x618: {  	v58 =	vperm.xlane v54, v0;
	_ =	sdelay $0x1  }
0x619: {  	v33 =	vmax.f32 v54, v58;
	v58 =	vld [tilespmem:$0x1FC30]  }
0x61a: {  	v61 =	vnsel vm1, $0x0, v3;
	v3 =	vld [tilespmem:$0x1FC20];
	_ =	sdelay $0x1  }
0x61b: {  	v8 =	vld [tilespmem:$0x1FC40]  }
0x61c: {  	v36 =	vld [tilespmem:$0x1FC50]  }
0x61d: {  	v57 =	vld [tilespmem:$0x1FC60]  }
0x61e: {  	v3 =	vadd.f32 v58, v3;
	v58 =	vld [tilespmem:$0x1FC70]  }
0x61f: {  	v7 =	vperm.xlane v33, v1  }
0x620: {  	v13 =	vadd.f32 v29, v13;
	v29 =	vld [tilespmem:$0x1FD70]  }
0x621: {  	v7 =	vmax.f32 v33, v7;
	v33 =	vld [tilespmem:$0x1FC80];
	vm1 =	veq.s32 v11, v60  }
0x622: {  	v4 =	vadd.f32 v36, v8;
	v8 =	vnsel vm1, $0x0, v38;
	v38 =	vld [tilespmem:$0x1FCA0]  }
0x623: {  	v5 =	vadd.f32 v58, v57;
	v57 =	vld [tilespmem:$0x1FCB0]  }
0x624: {  	v58 =	vld [tilespmem:$0x1FCC0]  }
0x625: {  	v9 =	vadd.f32 v53, v9;
	v53 =	vld [tilespmem:$0x1FDC0]  }
0x626: {  	v15 =	vadd.f32 v15, v43;
	v43 =	vld [tilespmem:$0x1FDA0];
	v3 =	vmul.f32 v3, v33;
	v33 =	vperm.xlane v7, v2  }
0x627: {  	v5 =	vmul.f32 v5, v38;
	v38 =	vld [tilespmem:$0x1FCF0]  }
0x628: {  	v36 =	vld [tilespmem:$0x1FC90];
	v7 =	vmax.f32 v7, v33  }
0x629: {  	vm1 =	vge.f32 v54, v7;
	v11 =	vadd.f32 v58, v57;
	v57 =	vld [tilespmem:$0x1FCD0]  }
0x62a: {  	v19 =	vadd.f32 v19, v27;
	v27 =	vnsel vm1, $0x8, v60;
	v58 =	vld [tilespmem:$0x1FCE0]  }
0x62b: {  	v16 =	vadd.f32 v50, v16;
	v8 =	vadd.f32 v8, v61;
	v61 =	vld [tilespmem:$0x1FEC0];
	v50 =	vperm.xlane v27, v0  }
0x62c: {  	v30 =	vadd.f32 v30, v38;
	v38 =	vld [tilespmem:$0x1FD30]  }
0x62d: {  	v54 =	vld [tilespmem:$0x1FD00];
	vm1 =	vlt.s32 v27, v50  }
0x62e: {  	v6 =	vadd.f32 v22, v6;
	v22 =	vsel vm1, v27, v50;
	v50 =	vld [tilespmem:$0x1FDB0]  }
0x62f: {  	v4 =	vmul.f32 v4, v36;
	v36 =	vadd.f32 v58, v57;
	v57 =	vld [tilespmem:$0x1FD10]  }
0x630: {  	v27 =	vadd.f32 v41, v62;
	v62 =	vld [tilespmem:$0x1FE10]  }
0x631: {  	v19 =	vmul.f32 v19, v38;
	v38 =	vld [tilespmem:$0x1FD90]  }
0x632: {  	v11 =	vmul.f32 v11, v54;
	v54 =	vld [tilespmem:$0x1FD40]  }
0x633: {  	v41 =	vld [tilespmem:$0x1FE30]  }
0x634: {  	v33 =	vmul.f32 v36, v57;
	v36 =	vld [tilespmem:$0x1FD20]  }
0x635: {  	v18 =	vadd.f32 v18, v23;
	v58 =	vld [tilespmem:$0x1FD60]  }
0x636: {  	v57 =	vld [tilespmem:$0x1FD50];
	vm1 =	vnez.u8 v38  }
0x637: {  	v18 =	vmul.f32 v18, v54;
	v54 =	vld [tilespmem:$0x1FDD0];
	v23 =	vnsel vm1, $0x0, v43;
	vm1 =	veq.s32 v50, v60  }
0x638: {  	v9 =	vmul.f32 v9, v29;
	v29 =	vnsel vm1, $0x0, v52;
	v52 =	vld [tilespmem:$0x1FE80]  }
0x639: {  	v30 =	vmul.f32 v30, v36;
	v36 =	vld [tilespmem:$0x1FD80]  }
0x63a: {  	v13 =	vmul.f32 v13, v58;
	v58 =	vld [tilespmem:$0x1FDF0]  }
0x63b: {  	[tilespmem:$0x230] =	vst v11;
	v11 =	vnsel vm12, $0x0, v41;
	vm12 =	veq.s32 v25, v60;
	v16 =	vmul.f32 v16, v57;
	v57 =	vld [tilespmem:$0x1FDE0]  }
0x63c: {  	vm2 =	vnez.u8 v54;
	v54 =	vnsel vm12, $0x0, v34;
	v34 =	vld [tilespmem:$0x1FF50]  }
0x63d: {  	v43 =	vld [tilespmem:$0x1FE40];
	vm1 =	veq.s32 v53, v60  }
0x63e: {  	v53 =	vnsel vm7, $0x0, v52;
	v52 =	vld [tilespmem:$0x1FFA0];
	v6 =	vmul.f32 v6, v36;
	v36 =	vnsel vm1, $0x0, v56  }
0x63f: {  	vm1 =	veq.s32 v32, v60;
	v32 =	vnsel vm15, $0x0, v58;
	vm15 =	veq.s32 v59, v60;
	v59 =	vld [tilespmem:$0x1FE00]  }
0x640: {  	v10 =	vadd.f32 v26, v10;
	v38 =	vnsel vm2, $0x0, v57;
	vm2 =	veq.s32 v63, v60;
	v63 =	vld [tilespmem:$0x1FE20]  }
0x641: {  	[tilespmem:$0x2A0] =	vst v9;
	v57 =	vld [tilespmem:$0x1FEA0]  }
0x642: {  	[tilespmem:$0x210] =	vst v4;
	v10 =	vmul.f32 v10, v61;
	vm12 =	veq.s32 v12, v60;
	v58 =	vadd.f32 v29, v23;
	v23 =	vld [tilespmem:$0x1FF00]  }
0x643: {  	[tilespmem:$0x200] =	vst v3;
	v12 =	vnsel vm12, $0x0, v37;
	v25 =	vnsel vm11, $0x0, v43;
	v29 =	vld [tilespmem:$0x1FF20];
	v3 =	vnsel vm2, $0x0, v51  }
0x644: {  	[tilespmem:$0x2E0] =	vst v10;
	vm2 =	veq.s32 v31, v60;
	v4 =	vnsel vm1, $0x0, v62;
	vm1 =	veq.s32 v44, v60;
	v44 =	vld [tilespmem:$0x1FE50]  }
0x645: {  	[tilespmem:$0x240] =	vst v33;
	v62 =	vadd.f32 v36, v38;
	v36 =	vperm.xlane v22, v1;
	v38 =	vld [tilespmem:$0x1FF60];
	v33 =	vnsel vm1, $0x0, v20  }
0x646: {  	[tilespmem:$0x220] =	vst v5;
	v3 =	vadd.f32 v3, v32;
	v20 =	vld [tilespmem:$0x1FEF0];
	v31 =	vnsel vm14, $0x0, v59;
	vm14 =	veq.s32 v45, v60  }
0x647: {  	[tilespmem:$0x260] =	vst v19;
	v5 =	vnsel vm13, $0x0, v63;
	vm13 =	veq.s32 v21, v60;
	v21 =	vnsel vm15, $0x0, v55;
	v45 =	vld [tilespmem:$0x1FE60]  }
0x648: {  	[tilespmem:$0x270] =	vst v18;
	vm15 =	veq.s32 v24, v60;
	v24 =	vnsel vm2, $0x0, v28;
	vm2 =	veq.s32 v48, v60;
	v48 =	vld [tilespmem:$0x1FE70]  }
0x649: {  	[tilespmem:$0x290] =	vst v13;
	vm11 =	vlt.s32 v22, v36;
	v55 =	vld [tilespmem:$0x1FE90];
	v13 =	vmul.f32 v15, v57;
	v3 =	vmul.f32 v3, v23  }
0x64a: {  	[tilespmem:$0x250] =	vst v30;
	v59 =	vld [tilespmem:$0x1FEB0];
	v15 =	vsel vm11, v22, v36;
	v28 =	vnsel vm14, $0x0, v39;
	v30 =	vnsel vm10, $0x0, v44  }
0x64b: {  	[tilespmem:$0x280] =	vst v16;
	v63 =	vld [tilespmem:$0x1FED0];
	v35 =	vnsel vm13, $0x0, v35;
	v51 =	vnsel vm15, $0x0, v42;
	v4 =	vadd.f32 v4, v31  }
0x64c: {  	[tilespmem:$0x2B0] =	vst v6;
	v56 =	vnsel vm2, $0x0, v17;
	v17 =	vld [tilespmem:$0x1FEE0];
	v5 =	vadd.f32 v21, v5;
	v26 =	vadd.f32 v24, v11  }
0x64d: {  	v31 =	vld [tilespmem:$0x1FF30];
	vm10 =	veq.s32 v49, v60;
	vm14 =	veq.s32 v46, v60;
	[tilespmem:$0x2C0] =	vst v13;
	v13 =	vmul.f32 v62, v20  }
0x64e: {  	v32 =	vld [tilespmem:$0x1FF40];
	v30 =	vadd.f32 v33, v30;
	v33 =	vadd.f32 v7, v14;
	[tilespmem:$0x320] =	vst v3;
	v5 =	vmul.f32 v5, v29  }
0x64f: {  	v44 =	vld [tilespmem:$0x1FF80];
	v39 =	vnsel vm10, $0x0, v40;
	[tilespmem:$0x310] =	vst v13;
	v13 =	vnsel vm5, $0x0, v38;
	v9 =	vmul.f32 v27, v59  }
0x650: {  	v40 =	vld [tilespmem:$0x1FF70];
	v11 =	vadd.f32 $9.999999970e-07, v33;
	v19 =	vnsel vm9, $0x0, v45;
	v6 =	vmul.f32 v8, v63;
	[tilespmem:$0x340] =	vst v5  }
0x651: {  	v50 =	vnsel vm8, $0x0, v48;
	v27 =	vadd.f32 v28, v25;
	v28 =	vld [tilespmem:$0x1FF10];
	v8 =	vmul.f32 v58, v17;
	[tilespmem:$0x2D0] =	vst v9  }
0x652: {  	v16 =	vnsel vm6, $0x0, v55;
	v45 =	vadd.f32 v54, v53;
	v53 =	vld [tilespmem:$0x1FFB0];
	[tilespmem:$0x2F0] =	vst v6;
	v6 =	vmul.f32 v26, v31  }
0x653: {  	v3 =	vadd.f32 v51, v50;
	(erf) = vrcp.f32 v11;
	v50 =	vld [tilespmem:$0x1FF90];
	v9 =	vmul.f32 v27, v32;
	[tilespmem:$0x300] =	vst v8  }
0x654: {  	v48 =	vperm.xlane v15, v2;
	v55 =	vld [tilespmem:$0x1FFD0];
	v35 =	vadd.f32 v35, v19;
	v5 =	vmul.f32 v45, v52;
	[tilespmem:$0x350] =	vst v6  }
0x655: {  	v54 =	vld [tilespmem:$0x1FFC0];
	v49 =	vadd.f32 v56, v16;
	v51 =	vadd.f32 v39, v13;
	v8 =	vmul.f32 v30, v34;
	[tilespmem:$0x360] =	vst v9  }
0x656: {  	v59 =	vld [tilespmem:$0x1FFE0];
	v56 =	vnsel vm14, $0x0, v47;
	vm13 =	vlt.s32 v15, v48;
	[tilespmem:$0x3A0] =	vst v5;
	v4 =	vmul.f32 v4, v28  }
0x657: {  	v62 =	vld [tilespmem:$0x1FFF0];
	v58 =	vnsel vm0, $0x0, v14;
	v3 =	vmul.f32 v3, v44;
	v10 =	vsel vm13, v15, v48;
	[tilespmem:$0x370] =	vst v8  }
0x658: {  	vm15 =	veq.s32 v10, v60;
	v11 =	vnsel vm4, $0x0, v50;
	[tilespmem:$0x330] =	vst v4;
	v4 =	vmul.f32 v35, v40  }
0x659: {  	v6 =	vmul.f32 v49, v53;
	v8 =	vnsel vm3, $0x0, v55;
	[tilespmem:$0x390] =	vst v3;
	v3 =	vadd.f32 v12, v11  }
0x65a: {  	v7 =	vnsel vm15, $0x0, v7;
	v57 =	vadd.f32 v56, v8;
	[tilespmem:$0x380] =	vst v4;
	v4 =	vmul.f32 v51, v54  }
0x65b: {  	v61 =	vadd.f32 v7, v58;
	[tilespmem:$0x3B0] =	vst v6;
	v3 =	vmul.f32 v3, v59  }
0x65c: {  	v63 =	vpop (erf);
	[tilespmem:$0x3C0] =	vst v4;
	v4 =	vmul.f32 v57, v62  }
0x65d: {  	[tilespmem:$0x3D0] =	vst v3;
	v3 =	vmul.f32 v61, v63  }
0x65e: {  	p0 =	sne.s32 s5, $0x1;
	[tilespmem:$0x3E0] =	vst v4  }
.Ltmp0:
0x65f: {  	[tilespmem:$0x3F0] =	vst v3;
	(pc) =	sbr.rel @p0 .LBB2_1-.Ltmp0, $4  }
0x660: {  	[hbm4b:s4+s2] =	stream.linear.scatter [tilespmem:s7], [sflag:$0x1], $0x200, $0x38;
	[tilespmem:$0x400] =	vst v63  }
0x661: {  	_ =	swait.ge [sflag:s6], $0x200  }
0x662: {  	[sflag:s6] =	ssyncset.done $0x0  }
0x663: {  	s5 =	sadd.s32 $0xFFFFFFFF, s5;
	[sflag:s6] =	ssyncadd.s32 $0xFFFFFE00  }
0x664: {  	_ =	sfence.sel $0x180000  }
0x665: {  	[bflag:$0x0] =	sbarrier.arrive $0xFFFF  }
0x666: {  	p0 =	sne.s32 s1, $0x0;
	_ =	strace $0x90000047  }
0x667: {  	s0 =	sadd.s32 @!p0 $0x100000, s0;
	[bflag:$0x2] =	sbarrier.arrive $0xFFFF  }
0x668: {  	[sflag:s0] =	ssyncadd.tile.s32 @!p0 $0x1;
	_ =	shalt  }
.Lfunc_end2:
_tile_overlayer_lowered:
.L_overlay_start_2:
0x669: {  	(tag) =	ssettag $0x2  }
0x66a: {  	s0 =	rddreg [dreg:$0x0];
	s2 =	stileid.u32  }
0x66b: {  	s1 =	rddreg [dreg:$0x1];
	p0 =	sne.s32 s2, $0x0  }
0x66c: {  	s3 =	rddreg [dreg:$0x2];
	[bflag:$0x3] =	sbarrier.arrive $0xFFFF;
	s2 =	simm.s32 @!p0 $0x1C01  }
0x66d: {  	[timem:s3], [sflag:s2] =	dma.local @!p0 [hbm:s0], s1  }
0x66e: {  	s0 =	simm.s32 @!p0 $0x1  }
0x66f: {  	_ =	swait.ge @!p0 [sflag:s0], s1  }
0x670: {  	s1 =	ssub.s32 @!p0 $0x0, s1;
	[sflag:s0] =	ssyncset.done @!p0 $0x0  }
0x671: {  	[sflag:s0] =	ssyncadd.s32 @!p0 s1  }
0x672: {  	[bflag:$0x3] =	sbarrier.arrive $0xFFFF  }
0x673: {  	_ =	shalt  }

</sc_bundles>
